<compile_context>
chip_gen: v7x
topology: tpu7x:2x2x1
jax: 0.10.2.dev20260603
libtpu: 0.0.44.dev20260713+nightly
codegen_flags: <defaults>
</compile_context>

<pallas_src>
import functools

import jax
import jax.numpy as jnp
from jax import lax
from jax.experimental import pallas as pl
from jax.experimental.pallas import tpu as pltpu
from jax.experimental.pallas import tpu_sc as plsc

N = 10000
E = 160000
D = 256
HD = 128
EH = 100
AAD = 20
OUTD = 32
KC = 64
CC = 0.25
EPS = 1e-5

NC = 2
NS = 16
CH = 80
EPT = E // NS
NCH = EPT // CH
RSTRIDE = 624
RSPAN = 640

BLK = 1000
NBLK = N // BLK

_SQRT_HALF = 0.7071067811865476


def _gelu(x):
    return 0.5 * x * (1.0 - lax.erf(-x * _SQRT_HALF))


def _ln_rows(x, g, b):
    m = jnp.mean(x, axis=-1, keepdims=True)
    v = jnp.mean((x - m) ** 2, axis=-1, keepdims=True)
    return (x - m) / jnp.sqrt(v + EPS) * g + b


def _dot(a, b):
    return jnp.dot(a, b, preferred_element_type=jnp.float32)




def _stem_body(x_ref, lng, lnb, ilng, ilnb, w1, b1, w2, b2, ha_ref, hb_ref):
    x = _ln_rows(x_ref[...], lng[...], lnb[...])
    h = _ln_rows(x, ilng[...], ilnb[...])
    h = _gelu(_dot(h, w1[...]) + b1[...])
    h = _gelu(_dot(h, w2[...]) + b2[...])
    ha_ref[...] = h[:, :HD]
    hb_ref[...] = h[:, HD:]


def _fixed(shape):
    return pl.BlockSpec(shape, lambda i: (0,) * len(shape))


def _rows(w):
    return pl.BlockSpec((BLK, w), lambda i: (i, 0))


def _stem(x_res, p):
    vec = lambda a: a.reshape(1, -1)
    return pl.pallas_call(
        _stem_body,
        grid=(NBLK,),
        in_specs=[
            _rows(D),
            _fixed((1, D)), _fixed((1, D)), _fixed((1, D)), _fixed((1, D)),
            _fixed((D, 2 * D)), _fixed((1, 2 * D)),
            _fixed((2 * D, D)), _fixed((1, D)),
        ],
        out_specs=[_rows(HD), _rows(HD)],
        out_shape=[
            jax.ShapeDtypeStruct((N, HD), jnp.float32),
            jax.ShapeDtypeStruct((N, HD), jnp.float32),
        ],
    )(x_res, vec(p['ln_g']), vec(p['ln_b']), vec(p['in_ln_g']),
      vec(p['in_ln_b']), p['in_w1'], vec(p['in_b1']), p['in_w2'],
      vec(p['in_b2']))


def _l1_body(ha, hb, ac0, ac1, ab0, ab1, cc_ref, cb_ref,
             wlc, wlb, wrc, wrb, blc, blb, g_ref):
    h = jnp.concatenate([ha[...], hb[...]], axis=1)
    agg_c = jnp.concatenate([ac0[...], ac1[...]], axis=1)
    agg_b = jnp.concatenate([ab0[...], ab1[...]], axis=1)
    aggm_c = agg_c / jnp.maximum(cc_ref[...][:, 0:1], 1.0)
    aggm_b = agg_b / jnp.maximum(cb_ref[...][:, 0:1], 1.0)
    out_c = _dot(aggm_c, wlc[...]) + blc[...] + _dot(h, wrc[...])
    out_b = _dot(aggm_b, wlb[...]) + blb[...] + _dot(h, wrb[...])
    g_ref[...] = _gelu((out_c + out_b) / 2.0)


def _l1(layer, p, ha, hb, ac0, ac1, ab0, ab1, cnt_c, cnt_b):
    vec = lambda a: a.reshape(1, -1)
    return pl.pallas_call(
        _l1_body,
        grid=(NBLK,),
        in_specs=[
            _rows(HD), _rows(HD), _rows(HD), _rows(HD), _rows(HD), _rows(HD),
            _rows(HD), _rows(HD),
            _fixed((D, D)), _fixed((D, D)), _fixed((D, D)), _fixed((D, D)),
            _fixed((1, D)), _fixed((1, D)),
        ],
        out_specs=[_rows(D)],
        out_shape=[jax.ShapeDtypeStruct((N, D), jnp.float32)],
    )(ha, hb, ac0, ac1, ab0, ab1, cnt_c, cnt_b,
      p['conv%d_contact_wl' % layer], p['conv%d_backbone_wl' % layer],
      p['conv%d_contact_wr' % layer], p['conv%d_backbone_wr' % layer],
      vec(p['conv%d_contact_bl' % layer]),
      vec(p['conv%d_backbone_bl' % layer]))[0]


def _gstats_body(g_ref, ms_ref, stats_ref):
    g = g_ref[...]
    mean = jnp.mean(g, axis=0, keepdims=True)
    out = g - mean * ms_ref[...]
    var = jnp.mean(out ** 2, axis=0, keepdims=True)
    stats_ref[...] = jnp.concatenate([mean, var] * 4, axis=0)


def _gstats(layer, p, g):
    vec = lambda a: a.reshape(1, -1)
    return pl.pallas_call(
        _gstats_body,
        out_shape=jax.ShapeDtypeStruct((8, D), jnp.float32),
    )(g, vec(p['gn%d_ms' % layer]))


def _l2_body(g_ref, stats_ref, w, b, ms_ref, ha_ref, hb_ref):
    g = g_ref[...]
    mean = stats_ref[...][0:1, :]
    var = stats_ref[...][1:2, :]
    out = g - mean * ms_ref[...]
    h = w[...] * out / jnp.sqrt(var + EPS) + b[...]
    ha_ref[...] = h[:, :HD]
    hb_ref[...] = h[:, HD:]


def _l2(layer, p, g, stats):
    vec = lambda a: a.reshape(1, -1)
    return pl.pallas_call(
        _l2_body,
        grid=(NBLK,),
        in_specs=[
            _rows(D),
            _fixed((8, D)),
            _fixed((1, D)), _fixed((1, D)), _fixed((1, D)),
        ],
        out_specs=[_rows(HD), _rows(HD)],
        out_shape=[
            jax.ShapeDtypeStruct((N, HD), jnp.float32),
            jax.ShapeDtypeStruct((N, HD), jnp.float32),
        ],
    )(g, stats, vec(p['gn%d_w' % layer]), vec(p['gn%d_b' % layer]),
      vec(p['gn%d_ms' % layer]))


def _head_body(h1a, h1b, h2a, h2b, aa,
               lw1, lb1, lw2, lb2,
               ow1, ob1, ow2, ob2, ow3, ob3,
               cb, cbt, q_ref, loss_ref):
    i = pl.program_id(0)
    x = jnp.concatenate([h1a[...], h1b[...], h2a[...], h2b[...]], axis=1)
    x = _gelu(_dot(x, lw1[...]) + lb1[...])
    x = _gelu(_dot(x, lw2[...]) + lb2[...])
    x = jnp.concatenate([x, aa[...]], axis=1)
    x = _gelu(_dot(x, ow1[...]) + ob1[...])
    x = _gelu(_dot(x, ow2[...]) + ob2[...])
    z = jnp.tanh(_dot(x, ow3[...]) + ob3[...])
    cbsq = jnp.sum(cbt[...] * cbt[...], axis=0, keepdims=True)
    d = (jnp.sum(z * z, axis=1, keepdims=True) + cbsq - 2.0 * _dot(z, cbt[...]))
    dmin = jnp.min(d, axis=1, keepdims=True)
    iota = lax.broadcasted_iota(jnp.int32, (BLK, KC), 1)
    idx = jnp.min(jnp.where(d == dmin, iota, KC), axis=1, keepdims=True)
    onehot = (iota == idx).astype(jnp.float32)
    q = jnp.dot(onehot, cb[...], preferred_element_type=jnp.float32,
                precision=lax.Precision.HIGHEST)
    q_ref[...] = z + (q - z)
    sq = jnp.sum((q - z) ** 2)

    @pl.when(i == 0)
    def _():
        loss_ref[...] = jnp.zeros_like(loss_ref)

    loss_ref[...] += jnp.full((8, 128), sq, jnp.float32)

    @pl.when(i == NBLK - 1)
    def _():
        m = loss_ref[...] * (1.0 / (N * OUTD))
        loss_ref[...] = m + CC * m


def _head(p, saves, x_AA):
    vec = lambda a: a.reshape(1, -1)
    (h1a, h1b), (h2a, h2b) = saves
    cb = p['codebook']
    return pl.pallas_call(
        _head_body,
        grid=(NBLK,),
        in_specs=[
            _rows(HD), _rows(HD), _rows(HD), _rows(HD), _rows(AAD),
            _fixed((2 * D, EH)), _fixed((1, EH)),
            _fixed((EH, EH)), _fixed((1, EH)),
            _fixed((EH + AAD, EH)), _fixed((1, EH)),
            _fixed((EH, EH)), _fixed((1, EH)),
            _fixed((EH, OUTD)), _fixed((1, OUTD)),
            _fixed((KC, OUTD)), _fixed((OUTD, KC)),
        ],
        out_specs=[
            _rows(OUTD),
            pl.BlockSpec((8, 128), lambda i: (0, 0)),
        ],
        out_shape=[
            jax.ShapeDtypeStruct((N, OUTD), jnp.float32),
            jax.ShapeDtypeStruct((8, 128), jnp.float32),
        ],
    )(h1a, h1b, h2a, h2b, x_AA,
      p['lin_w1'], vec(p['lin_b1']), p['lin_w2'], vec(p['lin_b2']),
      p['od_w1'], vec(p['od_b1']), p['od_w2'], vec(p['od_b2']),
      p['od_w3'], vec(p['od_b3']),
      cb, cb.T)




def _counts_body(dsts_hbm, out_hbm, idx_v, ones_v, acc, sem):
    c = lax.axis_index("c")
    s = lax.axis_index("s")

    def fill(val):
        def body(i, _):
            for j in range(HD // 16):
                ones_v[i, pl.ds(j * 16, 16)] = jnp.full((16,), val, jnp.float32)
            return 0
        lax.fori_loop(0, CH, body, 0)

    fill(0.0)
    base = pl.multiple_of(s * RSTRIDE, 8)
    for t in range(RSPAN // CH):
        pltpu.sync_copy(ones_v, acc.at[pl.ds(base + t * CH, CH)])
    fill(1.0)

    plsc.subcore_barrier()

    def chunk(k, _):
        pltpu.sync_copy(dsts_hbm.at[c, s, k], idx_v)
        pltpu.sync_copy(ones_v, acc.at[idx_v], add=True)
        return 0

    lax.fori_loop(0, NCH, chunk, 0)
    plsc.subcore_barrier()

    obase = pl.multiple_of(c * N + base, 8)
    pltpu.sync_copy(acc.at[pl.ds(base, RSPAN)], out_hbm.at[pl.ds(obase, RSPAN)])


def _counts(dsts2):
    mesh = plsc.VectorSubcoreMesh(core_axis_name="c", subcore_axis_name="s")
    kfn = pl.kernel(
        _counts_body,
        out_type=jax.ShapeDtypeStruct((2 * N, HD), jnp.float32),
        mesh=mesh,
        scratch_types=[
            pltpu.VMEM((CH,), jnp.int32),
            pltpu.VMEM((CH, HD), jnp.float32),
            pltpu.VMEM_SHARED((N, HD), jnp.float32),
            pltpu.SemaphoreType.DMA,
        ],
    )
    return kfn(dsts2)


def _seg_body(hs_hbm, src_hbm, dst_hbm, out_hbm, sidx_v, didx_v, rows_v, acc,
              sem):
    c = lax.axis_index("c")
    s = lax.axis_index("s")

    def fillz(i, _):
        for j in range(HD // 16):
            rows_v[i, pl.ds(j * 16, 16)] = jnp.zeros((16,), jnp.float32)
        return 0

    lax.fori_loop(0, CH, fillz, 0)
    base = pl.multiple_of(s * RSTRIDE, 8)
    for t in range(RSPAN // CH):
        pltpu.sync_copy(rows_v, acc.at[pl.ds(base + t * CH, CH)])

    pltpu.sync_copy(src_hbm.at[c, s], sidx_v)
    plsc.subcore_barrier()

    def chunk(k, _):
        pltpu.sync_copy(dst_hbm.at[s, k], didx_v)
        pltpu.async_copy(hs_hbm.at[sidx_v.at[k]], rows_v, sem).wait()
        pltpu.sync_copy(rows_v, acc.at[didx_v], add=True)
        return 0

    lax.fori_loop(0, NCH, chunk, 0)
    plsc.subcore_barrier()

    obase = pl.multiple_of(c * N + base, 8)
    pltpu.sync_copy(acc.at[pl.ds(base, RSPAN)], out_hbm.at[pl.ds(obase, RSPAN)])


def _segsum(hs, srcs2, dst3):
    mesh = plsc.VectorSubcoreMesh(core_axis_name="c", subcore_axis_name="s")
    kfn = pl.kernel(
        _seg_body,
        out_type=jax.ShapeDtypeStruct((2 * N, HD), jnp.float32),
        mesh=mesh,
        scratch_types=[
            pltpu.VMEM((NCH, CH), jnp.int32),
            pltpu.VMEM((CH,), jnp.int32),
            pltpu.VMEM((CH, HD), jnp.float32),
            pltpu.VMEM_SHARED((N, HD), jnp.float32),
            pltpu.SemaphoreType.DMA,
        ],
    )
    return kfn(hs, srcs2, dst3)




def kernel(x_res, x_AA, params, edge_index_contact, edge_index_backbone):
    p = params
    src_c = edge_index_contact[0].reshape(NS, NCH, CH)
    dst_c = edge_index_contact[1].reshape(NS, NCH, CH)
    src_b = edge_index_backbone[0].reshape(NS, NCH, CH)
    dst_b = edge_index_backbone[1].reshape(NS, NCH, CH)
    srcs_c = jnp.stack([src_c, src_c + N])
    srcs_b = jnp.stack([src_b, src_b + N])

    ha, hb = _stem(x_res, p)
    cnts = _counts(jnp.stack([dst_c, dst_b]))
    cnt_c, cnt_b = cnts[:N], cnts[N:]

    tok = cnts[0:1, 0:1]
    saves = []
    for layer in range(2):
        hs = jnp.concatenate([ha, hb], axis=0)
        hs_dep, _ = lax.optimization_barrier((hs, tok))
        agg_c = _segsum(hs_dep, srcs_c, dst_c)
        hs_dep, _ = lax.optimization_barrier((hs, agg_c[0:1, 0:1]))
        agg_b = _segsum(hs_dep, srcs_b, dst_b)
        tok = agg_b[0:1, 0:1]
        g = _l1(layer, p, ha, hb, agg_c[:N], agg_c[N:], agg_b[:N], agg_b[N:],
                cnt_c, cnt_b)
        stats = _gstats(layer, p, g)
        ha, hb = _l2(layer, p, g, stats)
        saves.append((ha, hb))

    qst, lossbuf = _head(p, saves, x_AA)
    return qst, lossbuf[0, 0]

# --- scband reference (transcript-rebuilt; emitter-appended) ---
"""Pipeline reference for scband-mk1-encoder-46566035423746 (READ-ONLY COPY).

The authoritative reference and input builder live on the scoring server;
editing this copy changes nothing except your own understanding.
"""

import jax, jax.numpy as jnp
import numpy as np

N = 10000
E = 160000
D = 256
H = 256
EH = 100
AA = 20
OUT = 32
K = 64
CC = 0.25
EPS = 1e-5


def _ln(x, g, b):
    m = jnp.mean(x, axis=-1, keepdims=True)
    v = jnp.mean((x - m) ** 2, axis=-1, keepdims=True)
    return (x - m) / jnp.sqrt(v + EPS) * g + b


def _graphnorm(x, w, b, ms):
    mean = jnp.mean(x, axis=0, keepdims=True)
    out = x - mean * ms
    var = jnp.mean(out ** 2, axis=0, keepdims=True)
    return w * out / jnp.sqrt(var + EPS) + b


def _sage(h, ei, wl, bl, wr):
    src, dst = ei[0], ei[1]
    msg = h[src]
    agg = jax.ops.segment_sum(msg, dst, num_segments=h.shape[0])
    cnt = jax.ops.segment_sum(jnp.ones((ei.shape[1],), h.dtype), dst, num_segments=h.shape[0])
    agg = agg / jnp.maximum(cnt, 1.0)[:, None]
    return agg @ wl + bl + h @ wr


def _forward(x_res, x_AA, params, eic, eib):
    p = params
    x = _ln(x_res, p['ln_g'], p['ln_b'])
    # dropout is identity at inference
    h = _ln(x, p['in_ln_g'], p['in_ln_b'])
    h = jax.nn.gelu(h @ p['in_w1'] + p['in_b1'], approximate=False)
    h = jax.nn.gelu(h @ p['in_w2'] + p['in_b2'], approximate=False)
    edges = {'contact': eic, 'backbone': eib}
    x_save = []
    for layer in range(2):
        outs = []
        for et in ('contact', 'backbone'):
            outs.append(_sage(h, edges[et], p['conv%d_%s_wl' % (layer, et)], p['conv%d_%s_bl' % (layer, et)], p['conv%d_%s_wr' % (layer, et)]))
        h = (outs[0] + outs[1]) / 2.0
        h = jax.nn.gelu(h, approximate=False)
        h = _graphnorm(h, p['gn%d_w' % layer], p['gn%d_b' % layer], p['gn%d_ms' % layer])
        x_save.append(h)
    x = jnp.concatenate(x_save, axis=1)  # JumpingKnowledge(cat)
    x = jax.nn.gelu(x @ p['lin_w1'] + p['lin_b1'], approximate=False)
    x = jax.nn.gelu(x @ p['lin_w2'] + p['lin_b2'], approximate=False)
    x = jnp.concatenate([x, x_AA], axis=1)
    x = jax.nn.gelu(x @ p['od_w1'] + p['od_b1'], approximate=False)
    x = jax.nn.gelu(x @ p['od_w2'] + p['od_b2'], approximate=False)
    z = jnp.tanh(x @ p['od_w3'] + p['od_b3'])
    # VectorQuantizer
    cb = p['codebook']
    d = jnp.sum(z ** 2, axis=1, keepdims=True) + jnp.sum(cb ** 2, axis=1)[None, :] - 2.0 * (z @ cb.T)
    idx = jnp.argmin(d, axis=1)
    q = cb[idx]
    e_loss = jnp.mean((jax.lax.stop_gradient(q) - z) ** 2)
    q_loss = jnp.mean((q - jax.lax.stop_gradient(z)) ** 2)
    loss = q_loss + CC * e_loss
    q_st = z + jax.lax.stop_gradient(q - z)
    return q_st, loss


def setup_inputs(seed: int = 0):
    key = jax.random.key(seed)
    ks = [jax.random.fold_in(key, i) for i in range(64)]
    x_res = jax.random.normal(ks[0], (N, D), jnp.float32)
    x_AA = jax.random.normal(ks[1], (N, AA), jnp.float32)
    eic = jax.random.randint(ks[2], (2, E), 0, N, jnp.int32)
    eib = jax.random.randint(ks[3], (2, E), 0, N, jnp.int32)

    def w(k, shape):
        return 0.02 * jax.random.normal(k, shape, jnp.float32)

    p = {}
    p['ln_g'] = jnp.ones((D,), jnp.float32)
    p['ln_b'] = jnp.zeros((D,), jnp.float32)
    p['in_ln_g'] = jnp.ones((D,), jnp.float32)
    p['in_ln_b'] = jnp.zeros((D,), jnp.float32)
    p['in_w1'] = w(ks[4], (D, 2 * H))
    p['in_b1'] = jnp.zeros((2 * H,), jnp.float32)
    p['in_w2'] = w(ks[5], (2 * H, H))
    p['in_b2'] = jnp.zeros((H,), jnp.float32)
    ki = 6
    for layer in range(2):
        for et in ('contact', 'backbone'):
            p['conv%d_%s_wl' % (layer, et)] = w(ks[ki], (H, H)); ki += 1
            p['conv%d_%s_bl' % (layer, et)] = jnp.zeros((H,), jnp.float32)
            p['conv%d_%s_wr' % (layer, et)] = w(ks[ki], (H, H)); ki += 1
        p['gn%d_w' % layer] = jnp.ones((H,), jnp.float32)
        p['gn%d_b' % layer] = jnp.zeros((H,), jnp.float32)
        p['gn%d_ms' % layer] = jnp.ones((H,), jnp.float32)
    p['lin_w1'] = w(ks[ki], (2 * H, EH)); ki += 1
    p['lin_b1'] = jnp.zeros((EH,), jnp.float32)
    p['lin_w2'] = w(ks[ki], (EH, EH)); ki += 1
    p['lin_b2'] = jnp.zeros((EH,), jnp.float32)
    p['od_w1'] = w(ks[ki], (EH + AA, EH)); ki += 1
    p['od_b1'] = jnp.zeros((EH,), jnp.float32)
    p['od_w2'] = w(ks[ki], (EH, EH)); ki += 1
    p['od_b2'] = jnp.zeros((EH,), jnp.float32)
    p['od_w3'] = w(ks[ki], (EH, OUT)); ki += 1
    p['od_b3'] = jnp.zeros((OUT,), jnp.float32)
    p['codebook'] = w(ks[ki], (K, OUT)); ki += 1
    return {'x_res': x_res, 'x_AA': x_AA, 'params': p, 'edge_index_contact': eic, 'edge_index_backbone': eib}


def reference(x_res, x_AA, params, edge_index_contact, edge_index_backbone):
    return _forward(x_res, x_AA, params, edge_index_contact, edge_index_backbone)

if __name__ == "__main__":
    import jax
    _d = setup_inputs()
    print(jax.jit(kernel)(*tuple(_d.values())))

</pallas_src>

<mosaic_0001>
#map = affine_map<(d0, d1) -> (0, 0)>
#map1 = affine_map<(d0, d1) -> (0, 0, 0, 0)>
#map2 = affine_map<(d0, d1) -> (0, 0, 0)>
module attributes {stable_mosaic.version = 14 : i64} {
  func.func @_seg_body(%arg0: i32, %arg1: i32, %arg2: memref<20000x128xf32, #tpu.memory_space<hbm>>, %arg3: memref<2x16x125x80xi32, #tpu.memory_space<hbm>>, %arg4: memref<16x125x80xi32, #tpu.memory_space<hbm>>, %arg5: memref<20000x128xf32, #tpu.memory_space<hbm>>, %arg6: memref<125x80xi32, #tpu.memory_space<vmem>>, %arg7: memref<80xi32, #tpu.memory_space<vmem>>, %arg8: memref<80x128xf32, #tpu.memory_space<vmem>>, %arg9: memref<10000x128xf32, #tpu.memory_space<vmem_shared>>, %arg10: memref<!tpu.dma_semaphore, #tpu.memory_space<semaphore_mem>>) attributes {dimension_semantics = [#tpu.dimension_semantics<core_parallel>, #tpu.dimension_semantics<subcore_parallel>], iteration_bounds = array<i64: 2, 16>, scalar_prefetch = 0 : i64, scratch_operands = 5 : i64, tpu.core_type = #tpu.core_type<sc_vector_subcore>, window_params = [{transform_indices = #map}, {transform_indices = #map1}, {transform_indices = #map2}, {transform_indices = #map}]} {
    %scan3A = arith.constant 0 : i32
    %scan3A_0 = arith.constant 0 : i32
    %scan3A_1 = arith.constant 80 : i32
    %scan3A_2 = arith.addi %scan3A_0, %scan3A_1 : i32
    %scan3A_3 = arith.constant 1 : i32
    %scan3A_4 = scf.for %scan3A_34 = %scan3A_0 to %scan3A_2 step %scan3A_3 iter_args(%scan3A_35 = %scan3A) -> (i32)  : i32 {
      %broadcast_in_dim3A = arith.constant 0.000000e+00 : f32
      %broadcast_in_dim3A_36 = vector.broadcast %broadcast_in_dim3A : f32 to vector<16xf32>
      %swap3A = arith.index_cast %scan3A_34 : i32 to index
      %swap3A_37 = arith.constant 0 : index
      %swap3A_38 = tpu.vector_load %arg8[%swap3A, %swap3A_37] {strides = array<i32>} : memref<80x128xf32, #tpu.memory_space<vmem>>, vector<1x16xf32>,
      %swap3A_39 = vector.shape_cast %swap3A_38 : vector<1x16xf32> to vector<16xf32>
      %swap3A_40 = vector.shape_cast %broadcast_in_dim3A_36 : vector<16xf32> to vector<1x16xf32>
      tpu.vector_store %arg8[%swap3A, %swap3A_37], %swap3A_40 {strides = array<i32>} : memref<80x128xf32, #tpu.memory_space<vmem>>, vector<1x16xf32>,
      %broadcast_in_dim3A_41 = arith.constant 0.000000e+00 : f32
      %broadcast_in_dim3A_42 = vector.broadcast %broadcast_in_dim3A_41 : f32 to vector<16xf32>
      %swap3A_43 = arith.index_cast %scan3A_34 : i32 to index
      %swap3A_44 = arith.constant 16 : index
      %swap3A_45 = tpu.vector_load %arg8[%swap3A_43, %swap3A_44] {strides = array<i32>} : memref<80x128xf32, #tpu.memory_space<vmem>>, vector<1x16xf32>,
      %swap3A_46 = vector.shape_cast %swap3A_45 : vector<1x16xf32> to vector<16xf32>
      %swap3A_47 = vector.shape_cast %broadcast_in_dim3A_42 : vector<16xf32> to vector<1x16xf32>
      tpu.vector_store %arg8[%swap3A_43, %swap3A_44], %swap3A_47 {strides = array<i32>} : memref<80x128xf32, #tpu.memory_space<vmem>>, vector<1x16xf32>,
      %broadcast_in_dim3A_48 = arith.constant 0.000000e+00 : f32
      %broadcast_in_dim3A_49 = vector.broadcast %broadcast_in_dim3A_48 : f32 to vector<16xf32>
      %swap3A_50 = arith.index_cast %scan3A_34 : i32 to index
      %swap3A_51 = arith.constant 32 : index
      %swap3A_52 = tpu.vector_load %arg8[%swap3A_50, %swap3A_51] {strides = array<i32>} : memref<80x128xf32, #tpu.memory_space<vmem>>, vector<1x16xf32>,
      %swap3A_53 = vector.shape_cast %swap3A_52 : vector<1x16xf32> to vector<16xf32>
      %swap3A_54 = vector.shape_cast %broadcast_in_dim3A_49 : vector<16xf32> to vector<1x16xf32>
      tpu.vector_store %arg8[%swap3A_50, %swap3A_51], %swap3A_54 {strides = array<i32>} : memref<80x128xf32, #tpu.memory_space<vmem>>, vector<1x16xf32>,
      %broadcast_in_dim3A_55 = arith.constant 0.000000e+00 : f32
      %broadcast_in_dim3A_56 = vector.broadcast %broadcast_in_dim3A_55 : f32 to vector<16xf32>
      %swap3A_57 = arith.index_cast %scan3A_34 : i32 to index
      %swap3A_58 = arith.constant 48 : index
      %swap3A_59 = tpu.vector_load %arg8[%swap3A_57, %swap3A_58] {strides = array<i32>} : memref<80x128xf32, #tpu.memory_space<vmem>>, vector<1x16xf32>,
      %swap3A_60 = vector.shape_cast %swap3A_59 : vector<1x16xf32> to vector<16xf32>
      %swap3A_61 = vector.shape_cast %broadcast_in_dim3A_56 : vector<16xf32> to vector<1x16xf32>
      tpu.vector_store %arg8[%swap3A_57, %swap3A_58], %swap3A_61 {strides = array<i32>} : memref<80x128xf32, #tpu.memory_space<vmem>>, vector<1x16xf32>,
      %broadcast_in_dim3A_62 = arith.constant 0.000000e+00 : f32
      %broadcast_in_dim3A_63 = vector.broadcast %broadcast_in_dim3A_62 : f32 to vector<16xf32>
      %swap3A_64 = arith.index_cast %scan3A_34 : i32 to index
      %swap3A_65 = arith.constant 64 : index
      %swap3A_66 = tpu.vector_load %arg8[%swap3A_64, %swap3A_65] {strides = array<i32>} : memref<80x128xf32, #tpu.memory_space<vmem>>, vector<1x16xf32>,
      %swap3A_67 = vector.shape_cast %swap3A_66 : vector<1x16xf32> to vector<16xf32>
      %swap3A_68 = vector.shape_cast %broadcast_in_dim3A_63 : vector<16xf32> to vector<1x16xf32>
      tpu.vector_store %arg8[%swap3A_64, %swap3A_65], %swap3A_68 {strides = array<i32>} : memref<80x128xf32, #tpu.memory_space<vmem>>, vector<1x16xf32>,
      %broadcast_in_dim3A_69 = arith.constant 0.000000e+00 : f32
      %broadcast_in_dim3A_70 = vector.broadcast %broadcast_in_dim3A_69 : f32 to vector<16xf32>
      %swap3A_71 = arith.index_cast %scan3A_34 : i32 to index
      %swap3A_72 = arith.constant 80 : index
      %swap3A_73 = tpu.vector_load %arg8[%swap3A_71, %swap3A_72] {strides = array<i32>} : memref<80x128xf32, #tpu.memory_space<vmem>>, vector<1x16xf32>,
      %swap3A_74 = vector.shape_cast %swap3A_73 : vector<1x16xf32> to vector<16xf32>
      %swap3A_75 = vector.shape_cast %broadcast_in_dim3A_70 : vector<16xf32> to vector<1x16xf32>
      tpu.vector_store %arg8[%swap3A_71, %swap3A_72], %swap3A_75 {strides = array<i32>} : memref<80x128xf32, #tpu.memory_space<vmem>>, vector<1x16xf32>,
      %broadcast_in_dim3A_76 = arith.constant 0.000000e+00 : f32
      %broadcast_in_dim3A_77 = vector.broadcast %broadcast_in_dim3A_76 : f32 to vector<16xf32>
      %swap3A_78 = arith.index_cast %scan3A_34 : i32 to index
      %swap3A_79 = arith.constant 96 : index
      %swap3A_80 = tpu.vector_load %arg8[%swap3A_78, %swap3A_79] {strides = array<i32>} : memref<80x128xf32, #tpu.memory_space<vmem>>, vector<1x16xf32>,
      %swap3A_81 = vector.shape_cast %swap3A_80 : vector<1x16xf32> to vector<16xf32>
      %swap3A_82 = vector.shape_cast %broadcast_in_dim3A_77 : vector<16xf32> to vector<1x16xf32>
      tpu.vector_store %arg8[%swap3A_78, %swap3A_79], %swap3A_82 {strides = array<i32>} : memref<80x128xf32, #tpu.memory_space<vmem>>, vector<1x16xf32>,
      %broadcast_in_dim3A_83 = arith.constant 0.000000e+00 : f32
      %broadcast_in_dim3A_84 = vector.broadcast %broadcast_in_dim3A_83 : f32 to vector<16xf32>
      %swap3A_85 = arith.index_cast %scan3A_34 : i32 to index
      %swap3A_86 = arith.constant 112 : index
      %swap3A_87 = tpu.vector_load %arg8[%swap3A_85, %swap3A_86] {strides = array<i32>} : memref<80x128xf32, #tpu.memory_space<vmem>>, vector<1x16xf32>,
      %swap3A_88 = vector.shape_cast %swap3A_87 : vector<1x16xf32> to vector<16xf32>
      %swap3A_89 = vector.shape_cast %broadcast_in_dim3A_84 : vector<16xf32> to vector<1x16xf32>
      tpu.vector_store %arg8[%swap3A_85, %swap3A_86], %swap3A_89 {strides = array<i32>} : memref<80x128xf32, #tpu.memory_space<vmem>>, vector<1x16xf32>,
      %scan3A_90 = arith.constant 0 : i32
      scf.yield %scan3A_90 : i32
    }
    %scan3A_5 = arith.constant 80 : i32
    %mul3A = arith.constant 624 : i32
    %mul3A_6 = arith.muli %arg1, %mul3A : i32
    %multiple_of3A = tpu.assume_multiple %mul3A_6, 8 : i32
    %add3A = arith.constant 0 : i32
    %add3A_7 = arith.addi %multiple_of3A, %add3A : i32
    "tpu.region"() ({
      %run_scoped3A = tpu.sem_alloc : memref<!tpu.dma_semaphore, #tpu.memory_space<semaphore_mem>>
      %dma_start3A = arith.constant 0 : i32
      %dma_start3A_34 = tpu.memref_slice %arg9[%add3A_7, %dma_start3A] : memref<10000x128xf32, #tpu.memory_space<vmem_shared>> -> memref<80x128xf32, #tpu.memory_space<vmem_shared>>
      %dma_start3A_35 = arith.constant 0 : i32
      %dma_start3A_36 = tpu.memref_slice %arg9[%add3A_7, %dma_start3A_35] : memref<10000x128xf32, #tpu.memory_space<vmem_shared>> -> memref<80x128xf32, #tpu.memory_space<vmem_shared>>
      tpu.enqueue_dma source(%arg8 : memref<80x128xf32, #tpu.memory_space<vmem>>) target(%dma_start3A_36 : memref<80x128xf32, #tpu.memory_space<vmem_shared>>) target_semaphore(%run_scoped3A : memref<!tpu.dma_semaphore, #tpu.memory_space<semaphore_mem>>)
      %dma_wait3A = arith.constant 0 : i32
      %dma_wait3A_37 = tpu.memref_slice %arg9[%add3A_7, %dma_wait3A] : memref<10000x128xf32, #tpu.memory_space<vmem_shared>> -> memref<80x128xf32, #tpu.memory_space<vmem_shared>>
      %dma_wait3A_38 = arith.constant 0 : i32
      %dma_wait3A_39 = tpu.memref_slice %arg9[%add3A_7, %dma_wait3A_38] : memref<10000x128xf32, #tpu.memory_space<vmem_shared>> -> memref<80x128xf32, #tpu.memory_space<vmem_shared>>
      tpu.wait_dma2 semaphore(%run_scoped3A : memref<!tpu.dma_semaphore, #tpu.memory_space<semaphore_mem>>) src(%arg8 : memref<80x128xf32, #tpu.memory_space<vmem>>) dst(%dma_wait3A_39 : memref<80x128xf32, #tpu.memory_space<vmem_shared>>)
      tpu.yield
    }) : () -> ()
    %add3A_8 = arith.constant 80 : i32
    %add3A_9 = arith.addi %multiple_of3A, %add3A_8 : i32
    "tpu.region"() ({
      %run_scoped3A = tpu.sem_alloc : memref<!tpu.dma_semaphore, #tpu.memory_space<semaphore_mem>>
      %dma_start3A = arith.constant 0 : i32
      %dma_start3A_34 = tpu.memref_slice %arg9[%add3A_9, %dma_start3A] : memref<10000x128xf32, #tpu.memory_space<vmem_shared>> -> memref<80x128xf32, #tpu.memory_space<vmem_shared>>
      %dma_start3A_35 = arith.constant 0 : i32
      %dma_start3A_36 = tpu.memref_slice %arg9[%add3A_9, %dma_start3A_35] : memref<10000x128xf32, #tpu.memory_space<vmem_shared>> -> memref<80x128xf32, #tpu.memory_space<vmem_shared>>
      tpu.enqueue_dma source(%arg8 : memref<80x128xf32, #tpu.memory_space<vmem>>) target(%dma_start3A_36 : memref<80x128xf32, #tpu.memory_space<vmem_shared>>) target_semaphore(%run_scoped3A : memref<!tpu.dma_semaphore, #tpu.memory_space<semaphore_mem>>)
      %dma_wait3A = arith.constant 0 : i32
      %dma_wait3A_37 = tpu.memref_slice %arg9[%add3A_9, %dma_wait3A] : memref<10000x128xf32, #tpu.memory_space<vmem_shared>> -> memref<80x128xf32, #tpu.memory_space<vmem_shared>>
      %dma_wait3A_38 = arith.constant 0 : i32
      %dma_wait3A_39 = tpu.memref_slice %arg9[%add3A_9, %dma_wait3A_38] : memref<10000x128xf32, #tpu.memory_space<vmem_shared>> -> memref<80x128xf32, #tpu.memory_space<vmem_shared>>
      tpu.wait_dma2 semaphore(%run_scoped3A : memref<!tpu.dma_semaphore, #tpu.memory_space<semaphore_mem>>) src(%arg8 : memref<80x128xf32, #tpu.memory_space<vmem>>) dst(%dma_wait3A_39 : memref<80x128xf32, #tpu.memory_space<vmem_shared>>)
      tpu.yield
    }) : () -> ()
    %add3A_10 = arith.constant 160 : i32
    %add3A_11 = arith.addi %multiple_of3A, %add3A_10 : i32
    "tpu.region"() ({
      %run_scoped3A = tpu.sem_alloc : memref<!tpu.dma_semaphore, #tpu.memory_space<semaphore_mem>>
      %dma_start3A = arith.constant 0 : i32
      %dma_start3A_34 = tpu.memref_slice %arg9[%add3A_11, %dma_start3A] : memref<10000x128xf32, #tpu.memory_space<vmem_shared>> -> memref<80x128xf32, #tpu.memory_space<vmem_shared>>
      %dma_start3A_35 = arith.constant 0 : i32
      %dma_start3A_36 = tpu.memref_slice %arg9[%add3A_11, %dma_start3A_35] : memref<10000x128xf32, #tpu.memory_space<vmem_shared>> -> memref<80x128xf32, #tpu.memory_space<vmem_shared>>
      tpu.enqueue_dma source(%arg8 : memref<80x128xf32, #tpu.memory_space<vmem>>) target(%dma_start3A_36 : memref<80x128xf32, #tpu.memory_space<vmem_shared>>) target_semaphore(%run_scoped3A : memref<!tpu.dma_semaphore, #tpu.memory_space<semaphore_mem>>)
      %dma_wait3A = arith.constant 0 : i32
      %dma_wait3A_37 = tpu.memref_slice %arg9[%add3A_11, %dma_wait3A] : memref<10000x128xf32, #tpu.memory_space<vmem_shared>> -> memref<80x128xf32, #tpu.memory_space<vmem_shared>>
      %dma_wait3A_38 = arith.constant 0 : i32
      %dma_wait3A_39 = tpu.memref_slice %arg9[%add3A_11, %dma_wait3A_38] : memref<10000x128xf32, #tpu.memory_space<vmem_shared>> -> memref<80x128xf32, #tpu.memory_space<vmem_shared>>
      tpu.wait_dma2 semaphore(%run_scoped3A : memref<!tpu.dma_semaphore, #tpu.memory_space<semaphore_mem>>) src(%arg8 : memref<80x128xf32, #tpu.memory_space<vmem>>) dst(%dma_wait3A_39 : memref<80x128xf32, #tpu.memory_space<vmem_shared>>)
      tpu.yield
    }) : () -> ()
    %add3A_12 = arith.constant 240 : i32
    %add3A_13 = arith.addi %multiple_of3A, %add3A_12 : i32
    "tpu.region"() ({
      %run_scoped3A = tpu.sem_alloc : memref<!tpu.dma_semaphore, #tpu.memory_space<semaphore_mem>>
      %dma_start3A = arith.constant 0 : i32
      %dma_start3A_34 = tpu.memref_slice %arg9[%add3A_13, %dma_start3A] : memref<10000x128xf32, #tpu.memory_space<vmem_shared>> -> memref<80x128xf32, #tpu.memory_space<vmem_shared>>
      %dma_start3A_35 = arith.constant 0 : i32
      %dma_start3A_36 = tpu.memref_slice %arg9[%add3A_13, %dma_start3A_35] : memref<10000x128xf32, #tpu.memory_space<vmem_shared>> -> memref<80x128xf32, #tpu.memory_space<vmem_shared>>
      tpu.enqueue_dma source(%arg8 : memref<80x128xf32, #tpu.memory_space<vmem>>) target(%dma_start3A_36 : memref<80x128xf32, #tpu.memory_space<vmem_shared>>) target_semaphore(%run_scoped3A : memref<!tpu.dma_semaphore, #tpu.memory_space<semaphore_mem>>)
      %dma_wait3A = arith.constant 0 : i32
      %dma_wait3A_37 = tpu.memref_slice %arg9[%add3A_13, %dma_wait3A] : memref<10000x128xf32, #tpu.memory_space<vmem_shared>> -> memref<80x128xf32, #tpu.memory_space<vmem_shared>>
      %dma_wait3A_38 = arith.constant 0 : i32
      %dma_wait3A_39 = tpu.memref_slice %arg9[%add3A_13, %dma_wait3A_38] : memref<10000x128xf32, #tpu.memory_space<vmem_shared>> -> memref<80x128xf32, #tpu.memory_space<vmem_shared>>
      tpu.wait_dma2 semaphore(%run_scoped3A : memref<!tpu.dma_semaphore, #tpu.memory_space<semaphore_mem>>) src(%arg8 : memref<80x128xf32, #tpu.memory_space<vmem>>) dst(%dma_wait3A_39 : memref<80x128xf32, #tpu.memory_space<vmem_shared>>)
      tpu.yield
    }) : () -> ()
    %add3A_14 = arith.constant 320 : i32
    %add3A_15 = arith.addi %multiple_of3A, %add3A_14 : i32
    "tpu.region"() ({
      %run_scoped3A = tpu.sem_alloc : memref<!tpu.dma_semaphore, #tpu.memory_space<semaphore_mem>>
      %dma_start3A = arith.constant 0 : i32
      %dma_start3A_34 = tpu.memref_slice %arg9[%add3A_15, %dma_start3A] : memref<10000x128xf32, #tpu.memory_space<vmem_shared>> -> memref<80x128xf32, #tpu.memory_space<vmem_shared>>
      %dma_start3A_35 = arith.constant 0 : i32
      %dma_start3A_36 = tpu.memref_slice %arg9[%add3A_15, %dma_start3A_35] : memref<10000x128xf32, #tpu.memory_space<vmem_shared>> -> memref<80x128xf32, #tpu.memory_space<vmem_shared>>
      tpu.enqueue_dma source(%arg8 : memref<80x128xf32, #tpu.memory_space<vmem>>) target(%dma_start3A_36 : memref<80x128xf32, #tpu.memory_space<vmem_shared>>) target_semaphore(%run_scoped3A : memref<!tpu.dma_semaphore, #tpu.memory_space<semaphore_mem>>)
      %dma_wait3A = arith.constant 0 : i32
      %dma_wait3A_37 = tpu.memref_slice %arg9[%add3A_15, %dma_wait3A] : memref<10000x128xf32, #tpu.memory_space<vmem_shared>> -> memref<80x128xf32, #tpu.memory_space<vmem_shared>>
      %dma_wait3A_38 = arith.constant 0 : i32
      %dma_wait3A_39 = tpu.memref_slice %arg9[%add3A_15, %dma_wait3A_38] : memref<10000x128xf32, #tpu.memory_space<vmem_shared>> -> memref<80x128xf32, #tpu.memory_space<vmem_shared>>
      tpu.wait_dma2 semaphore(%run_scoped3A : memref<!tpu.dma_semaphore, #tpu.memory_space<semaphore_mem>>) src(%arg8 : memref<80x128xf32, #tpu.memory_space<vmem>>) dst(%dma_wait3A_39 : memref<80x128xf32, #tpu.memory_space<vmem_shared>>)
      tpu.yield
    }) : () -> ()
    %add3A_16 = arith.constant 400 : i32
    %add3A_17 = arith.addi %multiple_of3A, %add3A_16 : i32
    "tpu.region"() ({
      %run_scoped3A = tpu.sem_alloc : memref<!tpu.dma_semaphore, #tpu.memory_space<semaphore_mem>>
      %dma_start3A = arith.constant 0 : i32
      %dma_start3A_34 = tpu.memref_slice %arg9[%add3A_17, %dma_start3A] : memref<10000x128xf32, #tpu.memory_space<vmem_shared>> -> memref<80x128xf32, #tpu.memory_space<vmem_shared>>
      %dma_start3A_35 = arith.constant 0 : i32
      %dma_start3A_36 = tpu.memref_slice %arg9[%add3A_17, %dma_start3A_35] : memref<10000x128xf32, #tpu.memory_space<vmem_shared>> -> memref<80x128xf32, #tpu.memory_space<vmem_shared>>
      tpu.enqueue_dma source(%arg8 : memref<80x128xf32, #tpu.memory_space<vmem>>) target(%dma_start3A_36 : memref<80x128xf32, #tpu.memory_space<vmem_shared>>) target_semaphore(%run_scoped3A : memref<!tpu.dma_semaphore, #tpu.memory_space<semaphore_mem>>)
      %dma_wait3A = arith.constant 0 : i32
      %dma_wait3A_37 = tpu.memref_slice %arg9[%add3A_17, %dma_wait3A] : memref<10000x128xf32, #tpu.memory_space<vmem_shared>> -> memref<80x128xf32, #tpu.memory_space<vmem_shared>>
      %dma_wait3A_38 = arith.constant 0 : i32
      %dma_wait3A_39 = tpu.memref_slice %arg9[%add3A_17, %dma_wait3A_38] : memref<10000x128xf32, #tpu.memory_space<vmem_shared>> -> memref<80x128xf32, #tpu.memory_space<vmem_shared>>
      tpu.wait_dma2 semaphore(%run_scoped3A : memref<!tpu.dma_semaphore, #tpu.memory_space<semaphore_mem>>) src(%arg8 : memref<80x128xf32, #tpu.memory_space<vmem>>) dst(%dma_wait3A_39 : memref<80x128xf32, #tpu.memory_space<vmem_shared>>)
      tpu.yield
    }) : () -> ()
    %add3A_18 = arith.constant 480 : i32
    %add3A_19 = arith.addi %multiple_of3A, %add3A_18 : i32
    "tpu.region"() ({
      %run_scoped3A = tpu.sem_alloc : memref<!tpu.dma_semaphore, #tpu.memory_space<semaphore_mem>>
      %dma_start3A = arith.constant 0 : i32
      %dma_start3A_34 = tpu.memref_slice %arg9[%add3A_19, %dma_start3A] : memref<10000x128xf32, #tpu.memory_space<vmem_shared>> -> memref<80x128xf32, #tpu.memory_space<vmem_shared>>
      %dma_start3A_35 = arith.constant 0 : i32
      %dma_start3A_36 = tpu.memref_slice %arg9[%add3A_19, %dma_start3A_35] : memref<10000x128xf32, #tpu.memory_space<vmem_shared>> -> memref<80x128xf32, #tpu.memory_space<vmem_shared>>
      tpu.enqueue_dma source(%arg8 : memref<80x128xf32, #tpu.memory_space<vmem>>) target(%dma_start3A_36 : memref<80x128xf32, #tpu.memory_space<vmem_shared>>) target_semaphore(%run_scoped3A : memref<!tpu.dma_semaphore, #tpu.memory_space<semaphore_mem>>)
      %dma_wait3A = arith.constant 0 : i32
      %dma_wait3A_37 = tpu.memref_slice %arg9[%add3A_19, %dma_wait3A] : memref<10000x128xf32, #tpu.memory_space<vmem_shared>> -> memref<80x128xf32, #tpu.memory_space<vmem_shared>>
      %dma_wait3A_38 = arith.constant 0 : i32
      %dma_wait3A_39 = tpu.memref_slice %arg9[%add3A_19, %dma_wait3A_38] : memref<10000x128xf32, #tpu.memory_space<vmem_shared>> -> memref<80x128xf32, #tpu.memory_space<vmem_shared>>
      tpu.wait_dma2 semaphore(%run_scoped3A : memref<!tpu.dma_semaphore, #tpu.memory_space<semaphore_mem>>) src(%arg8 : memref<80x128xf32, #tpu.memory_space<vmem>>) dst(%dma_wait3A_39 : memref<80x128xf32, #tpu.memory_space<vmem_shared>>)
      tpu.yield
    }) : () -> ()
    %add3A_20 = arith.constant 560 : i32
    %add3A_21 = arith.addi %multiple_of3A, %add3A_20 : i32
    "tpu.region"() ({
      %run_scoped3A = tpu.sem_alloc : memref<!tpu.dma_semaphore, #tpu.memory_space<semaphore_mem>>
      %dma_start3A = arith.constant 0 : i32
      %dma_start3A_34 = tpu.memref_slice %arg9[%add3A_21, %dma_start3A] : memref<10000x128xf32, #tpu.memory_space<vmem_shared>> -> memref<80x128xf32, #tpu.memory_space<vmem_shared>>
      %dma_start3A_35 = arith.constant 0 : i32
      %dma_start3A_36 = tpu.memref_slice %arg9[%add3A_21, %dma_start3A_35] : memref<10000x128xf32, #tpu.memory_space<vmem_shared>> -> memref<80x128xf32, #tpu.memory_space<vmem_shared>>
      tpu.enqueue_dma source(%arg8 : memref<80x128xf32, #tpu.memory_space<vmem>>) target(%dma_start3A_36 : memref<80x128xf32, #tpu.memory_space<vmem_shared>>) target_semaphore(%run_scoped3A : memref<!tpu.dma_semaphore, #tpu.memory_space<semaphore_mem>>)
      %dma_wait3A = arith.constant 0 : i32
      %dma_wait3A_37 = tpu.memref_slice %arg9[%add3A_21, %dma_wait3A] : memref<10000x128xf32, #tpu.memory_space<vmem_shared>> -> memref<80x128xf32, #tpu.memory_space<vmem_shared>>
      %dma_wait3A_38 = arith.constant 0 : i32
      %dma_wait3A_39 = tpu.memref_slice %arg9[%add3A_21, %dma_wait3A_38] : memref<10000x128xf32, #tpu.memory_space<vmem_shared>> -> memref<80x128xf32, #tpu.memory_space<vmem_shared>>
      tpu.wait_dma2 semaphore(%run_scoped3A : memref<!tpu.dma_semaphore, #tpu.memory_space<semaphore_mem>>) src(%arg8 : memref<80x128xf32, #tpu.memory_space<vmem>>) dst(%dma_wait3A_39 : memref<80x128xf32, #tpu.memory_space<vmem_shared>>)
      tpu.yield
    }) : () -> ()
    "tpu.region"() ({
      %run_scoped3A = tpu.sem_alloc : memref<!tpu.dma_semaphore, #tpu.memory_space<semaphore_mem>>
      %dma_start3A = arith.constant 0 : i32
      %dma_start3A_34 = arith.constant 0 : i32
      %dma_start3A_35 = tpu.memref_slice %arg3[%arg0, %arg1, %dma_start3A, %dma_start3A_34] : memref<2x16x125x80xi32, #tpu.memory_space<hbm>> -> memref<1x1x125x80xi32, #tpu.memory_space<hbm>>
      %dma_start3A_36 = tpu.memref_squeeze %dma_start3A_35 : memref<1x1x125x80xi32, #tpu.memory_space<hbm>> -> memref<125x80xi32, #tpu.memory_space<hbm>>
      %dma_start3A_37 = arith.constant 0 : i32
      %dma_start3A_38 = arith.constant 0 : i32
      %dma_start3A_39 = tpu.memref_slice %arg3[%arg0, %arg1, %dma_start3A_37, %dma_start3A_38] : memref<2x16x125x80xi32, #tpu.memory_space<hbm>> -> memref<1x1x125x80xi32, #tpu.memory_space<hbm>>
      %dma_start3A_40 = tpu.memref_squeeze %dma_start3A_39 : memref<1x1x125x80xi32, #tpu.memory_space<hbm>> -> memref<125x80xi32, #tpu.memory_space<hbm>>
      tpu.enqueue_dma source(%dma_start3A_40 : memref<125x80xi32, #tpu.memory_space<hbm>>) target(%arg6 : memref<125x80xi32, #tpu.memory_space<vmem>>) target_semaphore(%run_scoped3A : memref<!tpu.dma_semaphore, #tpu.memory_space<semaphore_mem>>)
      %dma_wait3A = arith.constant 0 : i32
      %dma_wait3A_41 = arith.constant 0 : i32
      %dma_wait3A_42 = tpu.memref_slice %arg3[%arg0, %arg1, %dma_wait3A, %dma_wait3A_41] : memref<2x16x125x80xi32, #tpu.memory_space<hbm>> -> memref<1x1x125x80xi32, #tpu.memory_space<hbm>>
      %dma_wait3A_43 = tpu.memref_squeeze %dma_wait3A_42 : memref<1x1x125x80xi32, #tpu.memory_space<hbm>> -> memref<125x80xi32, #tpu.memory_space<hbm>>
      %dma_wait3A_44 = arith.constant 0 : i32
      %dma_wait3A_45 = arith.constant 0 : i32
      %dma_wait3A_46 = tpu.memref_slice %arg3[%arg0, %arg1, %dma_wait3A_44, %dma_wait3A_45] : memref<2x16x125x80xi32, #tpu.memory_space<hbm>> -> memref<1x1x125x80xi32, #tpu.memory_space<hbm>>
      %dma_wait3A_47 = tpu.memref_squeeze %dma_wait3A_46 : memref<1x1x125x80xi32, #tpu.memory_space<hbm>> -> memref<125x80xi32, #tpu.memory_space<hbm>>
      tpu.wait_dma2 semaphore(%run_scoped3A : memref<!tpu.dma_semaphore, #tpu.memory_space<semaphore_mem>>) src(%dma_wait3A_47 : memref<125x80xi32, #tpu.memory_space<hbm>>) dst(%arg6 : memref<125x80xi32, #tpu.memory_space<vmem>>)
      tpu.yield
    }) : () -> ()
    %barrier3A = arith.constant 0 : index
    tpu.barrier barrier_id(%barrier3A)
    %scan3A_22 = arith.constant 0 : i32
    %scan3A_23 = arith.constant 0 : i32
    %scan3A_24 = arith.constant 125 : i32
    %scan3A_25 = arith.addi %scan3A_23, %scan3A_24 : i32
    %scan3A_26 = arith.constant 1 : i32
    %scan3A_27 = scf.for %scan3A_34 = %scan3A_23 to %scan3A_25 step %scan3A_26 iter_args(%scan3A_35 = %scan3A_22) -> (i32)  : i32 {
      "tpu.region"() ({
        %run_scoped3A = tpu.sem_alloc : memref<!tpu.dma_semaphore, #tpu.memory_space<semaphore_mem>>
        %dma_start3A_47 = arith.constant 0 : i32
        %dma_start3A_48 = tpu.memref_slice %arg4[%arg1, %scan3A_34, %dma_start3A_47] : memref<16x125x80xi32, #tpu.memory_space<hbm>> -> memref<1x1x80xi32, #tpu.memory_space<hbm>>
        %dma_start3A_49 = tpu.memref_squeeze %dma_start3A_48 : memref<1x1x80xi32, #tpu.memory_space<hbm>> -> memref<80xi32, #tpu.memory_space<hbm>>
        %dma_start3A_50 = arith.constant 0 : i32
        %dma_start3A_51 = tpu.memref_slice %arg4[%arg1, %scan3A_34, %dma_start3A_50] : memref<16x125x80xi32, #tpu.memory_space<hbm>> -> memref<1x1x80xi32, #tpu.memory_space<hbm>>
        %dma_start3A_52 = tpu.memref_squeeze %dma_start3A_51 : memref<1x1x80xi32, #tpu.memory_space<hbm>> -> memref<80xi32, #tpu.memory_space<hbm>>
        tpu.enqueue_dma source(%dma_start3A_52 : memref<80xi32, #tpu.memory_space<hbm>>) target(%arg7 : memref<80xi32, #tpu.memory_space<vmem>>) target_semaphore(%run_scoped3A : memref<!tpu.dma_semaphore, #tpu.memory_space<semaphore_mem>>)
        %dma_wait3A_53 = arith.constant 0 : i32
        %dma_wait3A_54 = tpu.memref_slice %arg4[%arg1, %scan3A_34, %dma_wait3A_53] : memref<16x125x80xi32, #tpu.memory_space<hbm>> -> memref<1x1x80xi32, #tpu.memory_space<hbm>>
        %dma_wait3A_55 = tpu.memref_squeeze %dma_wait3A_54 : memref<1x1x80xi32, #tpu.memory_space<hbm>> -> memref<80xi32, #tpu.memory_space<hbm>>
        %dma_wait3A_56 = arith.constant 0 : i32
        %dma_wait3A_57 = tpu.memref_slice %arg4[%arg1, %scan3A_34, %dma_wait3A_56] : memref<16x125x80xi32, #tpu.memory_space<hbm>> -> memref<1x1x80xi32, #tpu.memory_space<hbm>>
        %dma_wait3A_58 = tpu.memref_squeeze %dma_wait3A_57 : memref<1x1x80xi32, #tpu.memory_space<hbm>> -> memref<80xi32, #tpu.memory_space<hbm>>
        tpu.wait_dma2 semaphore(%run_scoped3A : memref<!tpu.dma_semaphore, #tpu.memory_space<semaphore_mem>>) src(%dma_wait3A_58 : memref<80xi32, #tpu.memory_space<hbm>>) dst(%arg7 : memref<80xi32, #tpu.memory_space<vmem>>)
        tpu.yield
      }) : () -> ()
      %dma_start3A = arith.constant 0 : i32
      %dma_start3A_36 = tpu.memref_slice %arg6[%scan3A_34, %dma_start3A] : memref<125x80xi32, #tpu.memory_space<vmem>> -> memref<1x80xi32, #tpu.memory_space<vmem>>
      %dma_start3A_37 = tpu.memref_squeeze %dma_start3A_36 : memref<1x80xi32, #tpu.memory_space<vmem>> -> memref<80xi32, #tpu.memory_space<vmem>>
      %dma_start3A_38 = arith.constant 0 : i32
      %dma_start3A_39 = arith.constant 0 : i32
      %dma_start3A_40 = tpu.memref_slice %arg2[%dma_start3A_38, %dma_start3A_39] : memref<20000x128xf32, #tpu.memory_space<hbm>> -> memref<20000x128xf32, #tpu.memory_space<hbm>>
      tpu.enqueue_indirect_dma source(%dma_start3A_40 : memref<20000x128xf32, #tpu.memory_space<hbm>>) target(%arg8 : memref<80x128xf32, #tpu.memory_space<vmem>>) offsets(%dma_start3A_37 : memref<80xi32, #tpu.memory_space<vmem>>) semaphore(%arg10 : memref<!tpu.dma_semaphore, #tpu.memory_space<semaphore_mem>>)
      %dma_wait3A = arith.constant 0 : i32
      %dma_wait3A_41 = tpu.memref_slice %arg6[%scan3A_34, %dma_wait3A] : memref<125x80xi32, #tpu.memory_space<vmem>> -> memref<1x80xi32, #tpu.memory_space<vmem>>
      %dma_wait3A_42 = tpu.memref_squeeze %dma_wait3A_41 : memref<1x80xi32, #tpu.memory_space<vmem>> -> memref<80xi32, #tpu.memory_space<vmem>>
      %dma_wait3A_43 = arith.constant 0 : i32
      %dma_wait3A_44 = arith.constant 0 : i32
      %dma_wait3A_45 = tpu.memref_slice %arg2[%dma_wait3A_43, %dma_wait3A_44] : memref<20000x128xf32, #tpu.memory_space<hbm>> -> memref<20000x128xf32, #tpu.memory_space<hbm>>
      tpu.wait_indirect_dma semaphore(%arg10 : memref<!tpu.dma_semaphore, #tpu.memory_space<semaphore_mem>>) src(%dma_wait3A_45 : memref<20000x128xf32, #tpu.memory_space<hbm>>) dst(%arg8 : memref<80x128xf32, #tpu.memory_space<vmem>>)
      "tpu.region"() ({
        %run_scoped3A = tpu.sem_alloc : memref<!tpu.dma_semaphore, #tpu.memory_space<semaphore_mem>>
        %dma_start3A_47 = arith.constant 0 : i32
        %dma_start3A_48 = arith.constant 0 : i32
        %dma_start3A_49 = tpu.memref_slice %arg9[%dma_start3A_47, %dma_start3A_48] : memref<10000x128xf32, #tpu.memory_space<vmem_shared>> -> memref<10000x128xf32, #tpu.memory_space<vmem_shared>>
        tpu.enqueue_indirect_dma source(%arg8 : memref<80x128xf32, #tpu.memory_space<vmem>>) target(%dma_start3A_49 : memref<10000x128xf32, #tpu.memory_space<vmem_shared>>) offsets(%arg7 : memref<80xi32, #tpu.memory_space<vmem>>) semaphore(%run_scoped3A : memref<!tpu.dma_semaphore, #tpu.memory_space<semaphore_mem>>) {add = true}
        %dma_wait3A_50 = arith.constant 0 : i32
        %dma_wait3A_51 = arith.constant 0 : i32
        %dma_wait3A_52 = tpu.memref_slice %arg9[%dma_wait3A_50, %dma_wait3A_51] : memref<10000x128xf32, #tpu.memory_space<vmem_shared>> -> memref<10000x128xf32, #tpu.memory_space<vmem_shared>>
        tpu.wait_indirect_dma semaphore(%run_scoped3A : memref<!tpu.dma_semaphore, #tpu.memory_space<semaphore_mem>>) src(%arg8 : memref<80x128xf32, #tpu.memory_space<vmem>>) dst(%dma_wait3A_52 : memref<10000x128xf32, #tpu.memory_space<vmem_shared>>)
        tpu.yield
      }) : () -> ()
      %scan3A_46 = arith.constant 0 : i32
      scf.yield %scan3A_46 : i32
    }
    %scan3A_28 = arith.constant 125 : i32
    %barrier3A_29 = arith.constant 0 : index
    tpu.barrier barrier_id(%barrier3A_29)
    %mul3A_30 = arith.constant 10000 : i32
    %mul3A_31 = arith.muli %arg0, %mul3A_30 : i32
    %add3A_32 = arith.addi %mul3A_31, %multiple_of3A : i32
    %multiple_of3A_33 = tpu.assume_multiple %add3A_32, 8 : i32
    "tpu.region"() ({
      %run_scoped3A = tpu.sem_alloc : memref<!tpu.dma_semaphore, #tpu.memory_space<semaphore_mem>>
      %dma_start3A = arith.constant 0 : i32
      %dma_start3A_34 = tpu.memref_slice %arg5[%multiple_of3A_33, %dma_start3A] : memref<20000x128xf32, #tpu.memory_space<hbm>> -> memref<640x128xf32, #tpu.memory_space<hbm>>
      %dma_start3A_35 = arith.constant 0 : i32
      %dma_start3A_36 = tpu.memref_slice %arg9[%multiple_of3A, %dma_start3A_35] : memref<10000x128xf32, #tpu.memory_space<vmem_shared>> -> memref<640x128xf32, #tpu.memory_space<vmem_shared>>
      tpu.enqueue_dma source(%dma_start3A_36 : memref<640x128xf32, #tpu.memory_space<vmem_shared>>) target(%dma_start3A_34 : memref<640x128xf32, #tpu.memory_space<hbm>>) target_semaphore(%run_scoped3A : memref<!tpu.dma_semaphore, #tpu.memory_space<semaphore_mem>>)
      %dma_wait3A = arith.constant 0 : i32
      %dma_wait3A_37 = tpu.memref_slice %arg5[%multiple_of3A_33, %dma_wait3A] : memref<20000x128xf32, #tpu.memory_space<hbm>> -> memref<640x128xf32, #tpu.memory_space<hbm>>
      %dma_wait3A_38 = arith.constant 0 : i32
      %dma_wait3A_39 = tpu.memref_slice %arg9[%multiple_of3A, %dma_wait3A_38] : memref<10000x128xf32, #tpu.memory_space<vmem_shared>> -> memref<640x128xf32, #tpu.memory_space<vmem_shared>>
      tpu.wait_dma2 semaphore(%run_scoped3A : memref<!tpu.dma_semaphore, #tpu.memory_space<semaphore_mem>>) src(%dma_wait3A_39 : memref<640x128xf32, #tpu.memory_space<vmem_shared>>) dst(%dma_wait3A_37 : memref<640x128xf32, #tpu.memory_space<hbm>>)
      tpu.yield
    }) : () -> ()
    return
  }
}

#map = affine_map<(d0, d1) -> (0, 0)>
#map1 = affine_map<(d0, d1) -> (0, 0, 0, 0)>
#map2 = affine_map<(d0, d1) -> (0, 0, 0)>
module attributes {stable_mosaic.version = 14 : i64} {
  func.func @_seg_body(%arg0: i32, %arg1: i32, %arg2: memref<20000x128xf32, #tpu.memory_space<hbm>>, %arg3: memref<2x16x125x80xi32, #tpu.memory_space<hbm>>, %arg4: memref<16x125x80xi32, #tpu.memory_space<hbm>>, %arg5: memref<20000x128xf32, #tpu.memory_space<hbm>>, %arg6: memref<125x80xi32, #tpu.memory_space<vmem>>, %arg7: memref<80xi32, #tpu.memory_space<vmem>>, %arg8: memref<80x128xf32, #tpu.memory_space<vmem>>, %arg9: memref<10000x128xf32, #tpu.memory_space<vmem_shared>>, %arg10: memref<!tpu.dma_semaphore, #tpu.memory_space<semaphore_mem>>) attributes {dimension_semantics = [#tpu.dimension_semantics<core_parallel>, #tpu.dimension_semantics<subcore_parallel>], iteration_bounds = array<i64: 2, 16>, scalar_prefetch = 0 : i64, scratch_operands = 5 : i64, tpu.core_type = #tpu.core_type<sc_vector_subcore>, window_params = [{transform_indices = #map}, {transform_indices = #map1}, {transform_indices = #map2}, {transform_indices = #map}]} {
    %scan3A = arith.constant 0 : i32
    %scan3A_0 = arith.constant 0 : i32
    %scan3A_1 = arith.constant 80 : i32
    %scan3A_2 = arith.addi %scan3A_0, %scan3A_1 : i32
    %scan3A_3 = arith.constant 1 : i32
    %scan3A_4 = scf.for %scan3A_34 = %scan3A_0 to %scan3A_2 step %scan3A_3 iter_args(%scan3A_35 = %scan3A) -> (i32)  : i32 {
      %broadcast_in_dim3A = arith.constant 0.000000e+00 : f32
      %broadcast_in_dim3A_36 = vector.broadcast %broadcast_in_dim3A : f32 to vector<16xf32>
      %swap3A = arith.index_cast %scan3A_34 : i32 to index
      %swap3A_37 = arith.constant 0 : index
      %swap3A_38 = tpu.vector_load %arg8[%swap3A, %swap3A_37] {strides = array<i32>} : memref<80x128xf32, #tpu.memory_space<vmem>>, vector<1x16xf32>,
      %swap3A_39 = vector.shape_cast %swap3A_38 : vector<1x16xf32> to vector<16xf32>
      %swap3A_40 = vector.shape_cast %broadcast_in_dim3A_36 : vector<16xf32> to vector<1x16xf32>
      tpu.vector_store %arg8[%swap3A, %swap3A_37], %swap3A_40 {strides = array<i32>} : memref<80x128xf32, #tpu.memory_space<vmem>>, vector<1x16xf32>,
      %broadcast_in_dim3A_41 = arith.constant 0.000000e+00 : f32
      %broadcast_in_dim3A_42 = vector.broadcast %broadcast_in_dim3A_41 : f32 to vector<16xf32>
      %swap3A_43 = arith.index_cast %scan3A_34 : i32 to index
      %swap3A_44 = arith.constant 16 : index
      %swap3A_45 = tpu.vector_load %arg8[%swap3A_43, %swap3A_44] {strides = array<i32>} : memref<80x128xf32, #tpu.memory_space<vmem>>, vector<1x16xf32>,
      %swap3A_46 = vector.shape_cast %swap3A_45 : vector<1x16xf32> to vector<16xf32>
      %swap3A_47 = vector.shape_cast %broadcast_in_dim3A_42 : vector<16xf32> to vector<1x16xf32>
      tpu.vector_store %arg8[%swap3A_43, %swap3A_44], %swap3A_47 {strides = array<i32>} : memref<80x128xf32, #tpu.memory_space<vmem>>, vector<1x16xf32>,
      %broadcast_in_dim3A_48 = arith.constant 0.000000e+00 : f32
      %broadcast_in_dim3A_49 = vector.broadcast %broadcast_in_dim3A_48 : f32 to vector<16xf32>
      %swap3A_50 = arith.index_cast %scan3A_34 : i32 to index
      %swap3A_51 = arith.constant 32 : index
      %swap3A_52 = tpu.vector_load %arg8[%swap3A_50, %swap3A_51] {strides = array<i32>} : memref<80x128xf32, #tpu.memory_space<vmem>>, vector<1x16xf32>,
      %swap3A_53 = vector.shape_cast %swap3A_52 : vector<1x16xf32> to vector<16xf32>
      %swap3A_54 = vector.shape_cast %broadcast_in_dim3A_49 : vector<16xf32> to vector<1x16xf32>
      tpu.vector_store %arg8[%swap3A_50, %swap3A_51], %swap3A_54 {strides = array<i32>} : memref<80x128xf32, #tpu.memory_space<vmem>>, vector<1x16xf32>,
      %broadcast_in_dim3A_55 = arith.constant 0.000000e+00 : f32
      %broadcast_in_dim3A_56 = vector.broadcast %broadcast_in_dim3A_55 : f32 to vector<16xf32>
      %swap3A_57 = arith.index_cast %scan3A_34 : i32 to index
      %swap3A_58 = arith.constant 48 : index
      %swap3A_59 = tpu.vector_load %arg8[%swap3A_57, %swap3A_58] {strides = array<i32>} : memref<80x128xf32, #tpu.memory_space<vmem>>, vector<1x16xf32>,
      %swap3A_60 = vector.shape_cast %swap3A_59 : vector<1x16xf32> to vector<16xf32>
      %swap3A_61 = vector.shape_cast %broadcast_in_dim3A_56 : vector<16xf32> to vector<1x16xf32>
      tpu.vector_store %arg8[%swap3A_57, %swap3A_58], %swap3A_61 {strides = array<i32>} : memref<80x128xf32, #tpu.memory_space<vmem>>, vector<1x16xf32>,
      %broadcast_in_dim3A_62 = arith.constant 0.000000e+00 : f32
      %broadcast_in_dim3A_63 = vector.broadcast %broadcast_in_dim3A_62 : f32 to vector<16xf32>
      %swap3A_64 = arith.index_cast %scan3A_34 : i32 to index
      %swap3A_65 = arith.constant 64 : index
      %swap3A_66 = tpu.vector_load %arg8[%swap3A_64, %swap3A_65] {strides = array<i32>} : memref<80x128xf32, #tpu.memory_space<vmem>>, vector<1x16xf32>,
      %swap3A_67 = vector.shape_cast %swap3A_66 : vector<1x16xf32> to vector<16xf32>
      %swap3A_68 = vector.shape_cast %broadcast_in_dim3A_63 : vector<16xf32> to vector<1x16xf32>
      tpu.vector_store %arg8[%swap3A_64, %swap3A_65], %swap3A_68 {strides = array<i32>} : memref<80x128xf32, #tpu.memory_space<vmem>>, vector<1x16xf32>,
      %broadcast_in_dim3A_69 = arith.constant 0.000000e+00 : f32
      %broadcast_in_dim3A_70 = vector.broadcast %broadcast_in_dim3A_69 : f32 to vector<16xf32>
      %swap3A_71 = arith.index_cast %scan3A_34 : i32 to index
      %swap3A_72 = arith.constant 80 : index
      %swap3A_73 = tpu.vector_load %arg8[%swap3A_71, %swap3A_72] {strides = array<i32>} : memref<80x128xf32, #tpu.memory_space<vmem>>, vector<1x16xf32>,
      %swap3A_74 = vector.shape_cast %swap3A_73 : vector<1x16xf32> to vector<16xf32>
      %swap3A_75 = vector.shape_cast %broadcast_in_dim3A_70 : vector<16xf32> to vector<1x16xf32>
      tpu.vector_store %arg8[%swap3A_71, %swap3A_72], %swap3A_75 {strides = array<i32>} : memref<80x128xf32, #tpu.memory_space<vmem>>, vector<1x16xf32>,
      %broadcast_in_dim3A_76 = arith.constant 0.000000e+00 : f32
      %broadcast_in_dim3A_77 = vector.broadcast %broadcast_in_dim3A_76 : f32 to vector<16xf32>
      %swap3A_78 = arith.index_cast %scan3A_34 : i32 to index
      %swap3A_79 = arith.constant 96 : index
      %swap3A_80 = tpu.vector_load %arg8[%swap3A_78, %swap3A_79] {strides = array<i32>} : memref<80x128xf32, #tpu.memory_space<vmem>>, vector<1x16xf32>,
      %swap3A_81 = vector.shape_cast %swap3A_80 : vector<1x16xf32> to vector<16xf32>
      %swap3A_82 = vector.shape_cast %broadcast_in_dim3A_77 : vector<16xf32> to vector<1x16xf32>
      tpu.vector_store %arg8[%swap3A_78, %swap3A_79], %swap3A_82 {strides = array<i32>} : memref<80x128xf32, #tpu.memory_space<vmem>>, vector<1x16xf32>,
      %broadcast_in_dim3A_83 = arith.constant 0.000000e+00 : f32
      %broadcast_in_dim3A_84 = vector.broadcast %broadcast_in_dim3A_83 : f32 to vector<16xf32>
      %swap3A_85 = arith.index_cast %scan3A_34 : i32 to index
      %swap3A_86 = arith.constant 112 : index
      %swap3A_87 = tpu.vector_load %arg8[%swap3A_85, %swap3A_86] {strides = array<i32>} : memref<80x128xf32, #tpu.memory_space<vmem>>, vector<1x16xf32>,
      %swap3A_88 = vector.shape_cast %swap3A_87 : vector<1x16xf32> to vector<16xf32>
      %swap3A_89 = vector.shape_cast %broadcast_in_dim3A_84 : vector<16xf32> to vector<1x16xf32>
      tpu.vector_store %arg8[%swap3A_85, %swap3A_86], %swap3A_89 {strides = array<i32>} : memref<80x128xf32, #tpu.memory_space<vmem>>, vector<1x16xf32>,
      %scan3A_90 = arith.constant 0 : i32
      scf.yield %scan3A_90 : i32
    }
    %scan3A_5 = arith.constant 80 : i32
    %mul3A = arith.constant 624 : i32
    %mul3A_6 = arith.muli %arg1, %mul3A : i32
    %multiple_of3A = tpu.assume_multiple %mul3A_6, 8 : i32
    %add3A = arith.constant 0 : i32
    %add3A_7 = arith.addi %multiple_of3A, %add3A : i32
    "tpu.region"() ({
      %run_scoped3A = tpu.sem_alloc : memref<!tpu.dma_semaphore, #tpu.memory_space<semaphore_mem>>
      %dma_start3A = arith.constant 0 : i32
      %dma_start3A_34 = tpu.memref_slice %arg9[%add3A_7, %dma_start3A] : memref<10000x128xf32, #tpu.memory_space<vmem_shared>> -> memref<80x128xf32, #tpu.memory_space<vmem_shared>>
      %dma_start3A_35 = arith.constant 0 : i32
      %dma_start3A_36 = tpu.memref_slice %arg9[%add3A_7, %dma_start3A_35] : memref<10000x128xf32, #tpu.memory_space<vmem_shared>> -> memref<80x128xf32, #tpu.memory_space<vmem_shared>>
      tpu.enqueue_dma source(%arg8 : memref<80x128xf32, #tpu.memory_space<vmem>>) target(%dma_start3A_36 : memref<80x128xf32, #tpu.memory_space<vmem_shared>>) target_semaphore(%run_scoped3A : memref<!tpu.dma_semaphore, #tpu.memory_space<semaphore_mem>>)
      %dma_wait3A = arith.constant 0 : i32
      %dma_wait3A_37 = tpu.memref_slice %arg9[%add3A_7, %dma_wait3A] : memref<10000x128xf32, #tpu.memory_space<vmem_shared>> -> memref<80x128xf32, #tpu.memory_space<vmem_shared>>
      %dma_wait3A_38 = arith.constant 0 : i32
      %dma_wait3A_39 = tpu.memref_slice %arg9[%add3A_7, %dma_wait3A_38] : memref<10000x128xf32, #tpu.memory_space<vmem_shared>> -> memref<80x128xf32, #tpu.memory_space<vmem_shared>>
      tpu.wait_dma2 semaphore(%run_scoped3A : memref<!tpu.dma_semaphore, #tpu.memory_space<semaphore_mem>>) src(%arg8 : memref<80x128xf32, #tpu.memory_space<vmem>>) dst(%dma_wait3A_39 : memref<80x128xf32, #tpu.memory_space<vmem_shared>>)
      tpu.yield
    }) : () -> ()
    %add3A_8 = arith.constant 80 : i32
    %add3A_9 = arith.addi %multiple_of3A, %add3A_8 : i32
    "tpu.region"() ({
      %run_scoped3A = tpu.sem_alloc : memref<!tpu.dma_semaphore, #tpu.memory_space<semaphore_mem>>
      %dma_start3A = arith.constant 0 : i32
      %dma_start3A_34 = tpu.memref_slice %arg9[%add3A_9, %dma_start3A] : memref<10000x128xf32, #tpu.memory_space<vmem_shared>> -> memref<80x128xf32, #tpu.memory_space<vmem_shared>>
      %dma_start3A_35 = arith.constant 0 : i32
      %dma_start3A_36 = tpu.memref_slice %arg9[%add3A_9, %dma_start3A_35] : memref<10000x128xf32, #tpu.memory_space<vmem_shared>> -> memref<80x128xf32, #tpu.memory_space<vmem_shared>>
      tpu.enqueue_dma source(%arg8 : memref<80x128xf32, #tpu.memory_space<vmem>>) target(%dma_start3A_36 : memref<80x128xf32, #tpu.memory_space<vmem_shared>>) target_semaphore(%run_scoped3A : memref<!tpu.dma_semaphore, #tpu.memory_space<semaphore_mem>>)
      %dma_wait3A = arith.constant 0 : i32
      %dma_wait3A_37 = tpu.memref_slice %arg9[%add3A_9, %dma_wait3A] : memref<10000x128xf32, #tpu.memory_space<vmem_shared>> -> memref<80x128xf32, #tpu.memory_space<vmem_shared>>
      %dma_wait3A_38 = arith.constant 0 : i32
      %dma_wait3A_39 = tpu.memref_slice %arg9[%add3A_9, %dma_wait3A_38] : memref<10000x128xf32, #tpu.memory_space<vmem_shared>> -> memref<80x128xf32, #tpu.memory_space<vmem_shared>>
      tpu.wait_dma2 semaphore(%run_scoped3A : memref<!tpu.dma_semaphore, #tpu.memory_space<semaphore_mem>>) src(%arg8 : memref<80x128xf32, #tpu.memory_space<vmem>>) dst(%dma_wait3A_39 : memref<80x128xf32, #tpu.memory_space<vmem_shared>>)
      tpu.yield
    }) : () -> ()
    %add3A_10 = arith.constant 160 : i32
    %add3A_11 = arith.addi %multiple_of3A, %add3A_10 : i32
    "tpu.region"() ({
      %run_scoped3A = tpu.sem_alloc : memref<!tpu.dma_semaphore, #tpu.memory_space<semaphore_mem>>
      %dma_start3A = arith.constant 0 : i32
      %dma_start3A_34 = tpu.memref_slice %arg9[%add3A_11, %dma_start3A] : memref<10000x128xf32, #tpu.memory_space<vmem_shared>> -> memref<80x128xf32, #tpu.memory_space<vmem_shared>>
      %dma_start3A_35 = arith.constant 0 : i32
      %dma_start3A_36 = tpu.memref_slice %arg9[%add3A_11, %dma_start3A_35] : memref<10000x128xf32, #tpu.memory_space<vmem_shared>> -> memref<80x128xf32, #tpu.memory_space<vmem_shared>>
      tpu.enqueue_dma source(%arg8 : memref<80x128xf32, #tpu.memory_space<vmem>>) target(%dma_start3A_36 : memref<80x128xf32, #tpu.memory_space<vmem_shared>>) target_semaphore(%run_scoped3A : memref<!tpu.dma_semaphore, #tpu.memory_space<semaphore_mem>>)
      %dma_wait3A = arith.constant 0 : i32
      %dma_wait3A_37 = tpu.memref_slice %arg9[%add3A_11, %dma_wait3A] : memref<10000x128xf32, #tpu.memory_space<vmem_shared>> -> memref<80x128xf32, #tpu.memory_space<vmem_shared>>
      %dma_wait3A_38 = arith.constant 0 : i32
      %dma_wait3A_39 = tpu.memref_slice %arg9[%add3A_11, %dma_wait3A_38] : memref<10000x128xf32, #tpu.memory_space<vmem_shared>> -> memref<80x128xf32, #tpu.memory_space<vmem_shared>>
      tpu.wait_dma2 semaphore(%run_scoped3A : memref<!tpu.dma_semaphore, #tpu.memory_space<semaphore_mem>>) src(%arg8 : memref<80x128xf32, #tpu.memory_space<vmem>>) dst(%dma_wait3A_39 : memref<80x128xf32, #tpu.memory_space<vmem_shared>>)
      tpu.yield
    }) : () -> ()
    %add3A_12 = arith.constant 240 : i32
    %add3A_13 = arith.addi %multiple_of3A, %add3A_12 : i32
    "tpu.region"() ({
      %run_scoped3A = tpu.sem_alloc : memref<!tpu.dma_semaphore, #tpu.memory_space<semaphore_mem>>
      %dma_start3A = arith.constant 0 : i32
      %dma_start3A_34 = tpu.memref_slice %arg9[%add3A_13, %dma_start3A] : memref<10000x128xf32, #tpu.memory_space<vmem_shared>> -> memref<80x128xf32, #tpu.memory_space<vmem_shared>>
      %dma_start3A_35 = arith.constant 0 : i32
      %dma_start3A_36 = tpu.memref_slice %arg9[%add3A_13, %dma_start3A_35] : memref<10000x128xf32, #tpu.memory_space<vmem_shared>> -> memref<80x128xf32, #tpu.memory_space<vmem_shared>>
      tpu.enqueue_dma source(%arg8 : memref<80x128xf32, #tpu.memory_space<vmem>>) target(%dma_start3A_36 : memref<80x128xf32, #tpu.memory_space<vmem_shared>>) target_semaphore(%run_scoped3A : memref<!tpu.dma_semaphore, #tpu.memory_space<semaphore_mem>>)
      %dma_wait3A = arith.constant 0 : i32
      %dma_wait3A_37 = tpu.memref_slice %arg9[%add3A_13, %dma_wait3A] : memref<10000x128xf32, #tpu.memory_space<vmem_shared>> -> memref<80x128xf32, #tpu.memory_space<vmem_shared>>
      %dma_wait3A_38 = arith.constant 0 : i32
      %dma_wait3A_39 = tpu.memref_slice %arg9[%add3A_13, %dma_wait3A_38] : memref<10000x128xf32, #tpu.memory_space<vmem_shared>> -> memref<80x128xf32, #tpu.memory_space<vmem_shared>>
      tpu.wait_dma2 semaphore(%run_scoped3A : memref<!tpu.dma_semaphore, #tpu.memory_space<semaphore_mem>>) src(%arg8 : memref<80x128xf32, #tpu.memory_space<vmem>>) dst(%dma_wait3A_39 : memref<80x128xf32, #tpu.memory_space<vmem_shared>>)
      tpu.yield
    }) : () -> ()
    %add3A_14 = arith.constant 320 : i32
    %add3A_15 = arith.addi %multiple_of3A, %add3A_14 : i32
    "tpu.region"() ({
      %run_scoped3A = tpu.sem_alloc : memref<!tpu.dma_semaphore, #tpu.memory_space<semaphore_mem>>
      %dma_start3A = arith.constant 0 : i32
      %dma_start3A_34 = tpu.memref_slice %arg9[%add3A_15, %dma_start3A] : memref<10000x128xf32, #tpu.memory_space<vmem_shared>> -> memref<80x128xf32, #tpu.memory_space<vmem_shared>>
      %dma_start3A_35 = arith.constant 0 : i32
      %dma_start3A_36 = tpu.memref_slice %arg9[%add3A_15, %dma_start3A_35] : memref<10000x128xf32, #tpu.memory_space<vmem_shared>> -> memref<80x128xf32, #tpu.memory_space<vmem_shared>>
      tpu.enqueue_dma source(%arg8 : memref<80x128xf32, #tpu.memory_space<vmem>>) target(%dma_start3A_36 : memref<80x128xf32, #tpu.memory_space<vmem_shared>>) target_semaphore(%run_scoped3A : memref<!tpu.dma_semaphore, #tpu.memory_space<semaphore_mem>>)
      %dma_wait3A = arith.constant 0 : i32
      %dma_wait3A_37 = tpu.memref_slice %arg9[%add3A_15, %dma_wait3A] : memref<10000x128xf32, #tpu.memory_space<vmem_shared>> -> memref<80x128xf32, #tpu.memory_space<vmem_shared>>
      %dma_wait3A_38 = arith.constant 0 : i32
      %dma_wait3A_39 = tpu.memref_slice %arg9[%add3A_15, %dma_wait3A_38] : memref<10000x128xf32, #tpu.memory_space<vmem_shared>> -> memref<80x128xf32, #tpu.memory_space<vmem_shared>>
      tpu.wait_dma2 semaphore(%run_scoped3A : memref<!tpu.dma_semaphore, #tpu.memory_space<semaphore_mem>>) src(%arg8 : memref<80x128xf32, #tpu.memory_space<vmem>>) dst(%dma_wait3A_39 : memref<80x128xf32, #tpu.memory_space<vmem_shared>>)
      tpu.yield
    }) : () -> ()
    %add3A_16 = arith.constant 400 : i32
    %add3A_17 = arith.addi %multiple_of3A, %add3A_16 : i32
    "tpu.region"() ({
      %run_scoped3A = tpu.sem_alloc : memref<!tpu.dma_semaphore, #tpu.memory_space<semaphore_mem>>
      %dma_start3A = arith.constant 0 : i32
      %dma_start3A_34 = tpu.memref_slice %arg9[%add3A_17, %dma_start3A] : memref<10000x128xf32, #tpu.memory_space<vmem_shared>> -> memref<80x128xf32, #tpu.memory_space<vmem_shared>>
      %dma_start3A_35 = arith.constant 0 : i32
      %dma_start3A_36 = tpu.memref_slice %arg9[%add3A_17, %dma_start3A_35] : memref<10000x128xf32, #tpu.memory_space<vmem_shared>> -> memref<80x128xf32, #tpu.memory_space<vmem_shared>>
      tpu.enqueue_dma source(%arg8 : memref<80x128xf32, #tpu.memory_space<vmem>>) target(%dma_start3A_36 : memref<80x128xf32, #tpu.memory_space<vmem_shared>>) target_semaphore(%run_scoped3A : memref<!tpu.dma_semaphore, #tpu.memory_space<semaphore_mem>>)
      %dma_wait3A = arith.constant 0 : i32
      %dma_wait3A_37 = tpu.memref_slice %arg9[%add3A_17, %dma_wait3A] : memref<10000x128xf32, #tpu.memory_space<vmem_shared>> -> memref<80x128xf32, #tpu.memory_space<vmem_shared>>
      %dma_wait3A_38 = arith.constant 0 : i32
      %dma_wait3A_39 = tpu.memref_slice %arg9[%add3A_17, %dma_wait3A_38] : memref<10000x128xf32, #tpu.memory_space<vmem_shared>> -> memref<80x128xf32, #tpu.memory_space<vmem_shared>>
      tpu.wait_dma2 semaphore(%run_scoped3A : memref<!tpu.dma_semaphore, #tpu.memory_space<semaphore_mem>>) src(%arg8 : memref<80x128xf32, #tpu.memory_space<vmem>>) dst(%dma_wait3A_39 : memref<80x128xf32, #tpu.memory_space<vmem_shared>>)
      tpu.yield
    }) : () -> ()
    %add3A_18 = arith.constant 480 : i32
    %add3A_19 = arith.addi %multiple_of3A, %add3A_18 : i32
    "tpu.region"() ({
      %run_scoped3A = tpu.sem_alloc : memref<!tpu.dma_semaphore, #tpu.memory_space<semaphore_mem>>
      %dma_start3A = arith.constant 0 : i32
      %dma_start3A_34 = tpu.memref_slice %arg9[%add3A_19, %dma_start3A] : memref<10000x128xf32, #tpu.memory_space<vmem_shared>> -> memref<80x128xf32, #tpu.memory_space<vmem_shared>>
      %dma_start3A_35 = arith.constant 0 : i32
      %dma_start3A_36 = tpu.memref_slice %arg9[%add3A_19, %dma_start3A_35] : memref<10000x128xf32, #tpu.memory_space<vmem_shared>> -> memref<80x128xf32, #tpu.memory_space<vmem_shared>>
      tpu.enqueue_dma source(%arg8 : memref<80x128xf32, #tpu.memory_space<vmem>>) target(%dma_start3A_36 : memref<80x128xf32, #tpu.memory_space<vmem_shared>>) target_semaphore(%run_scoped3A : memref<!tpu.dma_semaphore, #tpu.memory_space<semaphore_mem>>)
      %dma_wait3A = arith.constant 0 : i32
      %dma_wait3A_37 = tpu.memref_slice %arg9[%add3A_19, %dma_wait3A] : memref<10000x128xf32, #tpu.memory_space<vmem_shared>> -> memref<80x128xf32, #tpu.memory_space<vmem_shared>>
      %dma_wait3A_38 = arith.constant 0 : i32
      %dma_wait3A_39 = tpu.memref_slice %arg9[%add3A_19, %dma_wait3A_38] : memref<10000x128xf32, #tpu.memory_space<vmem_shared>> -> memref<80x128xf32, #tpu.memory_space<vmem_shared>>
      tpu.wait_dma2 semaphore(%run_scoped3A : memref<!tpu.dma_semaphore, #tpu.memory_space<semaphore_mem>>) src(%arg8 : memref<80x128xf32, #tpu.memory_space<vmem>>) dst(%dma_wait3A_39 : memref<80x128xf32, #tpu.memory_space<vmem_shared>>)
      tpu.yield
    }) : () -> ()
    %add3A_20 = arith.constant 560 : i32
    %add3A_21 = arith.addi %multiple_of3A, %add3A_20 : i32
    "tpu.region"() ({
      %run_scoped3A = tpu.sem_alloc : memref<!tpu.dma_semaphore, #tpu.memory_space<semaphore_mem>>
      %dma_start3A = arith.constant 0 : i32
      %dma_start3A_34 = tpu.memref_slice %arg9[%add3A_21, %dma_start3A] : memref<10000x128xf32, #tpu.memory_space<vmem_shared>> -> memref<80x128xf32, #tpu.memory_space<vmem_shared>>
      %dma_start3A_35 = arith.constant 0 : i32
      %dma_start3A_36 = tpu.memref_slice %arg9[%add3A_21, %dma_start3A_35] : memref<10000x128xf32, #tpu.memory_space<vmem_shared>> -> memref<80x128xf32, #tpu.memory_space<vmem_shared>>
      tpu.enqueue_dma source(%arg8 : memref<80x128xf32, #tpu.memory_space<vmem>>) target(%dma_start3A_36 : memref<80x128xf32, #tpu.memory_space<vmem_shared>>) target_semaphore(%run_scoped3A : memref<!tpu.dma_semaphore, #tpu.memory_space<semaphore_mem>>)
      %dma_wait3A = arith.constant 0 : i32
      %dma_wait3A_37 = tpu.memref_slice %arg9[%add3A_21, %dma_wait3A] : memref<10000x128xf32, #tpu.memory_space<vmem_shared>> -> memref<80x128xf32, #tpu.memory_space<vmem_shared>>
      %dma_wait3A_38 = arith.constant 0 : i32
      %dma_wait3A_39 = tpu.memref_slice %arg9[%add3A_21, %dma_wait3A_38] : memref<10000x128xf32, #tpu.memory_space<vmem_shared>> -> memref<80x128xf32, #tpu.memory_space<vmem_shared>>
      tpu.wait_dma2 semaphore(%run_scoped3A : memref<!tpu.dma_semaphore, #tpu.memory_space<semaphore_mem>>) src(%arg8 : memref<80x128xf32, #tpu.memory_space<vmem>>) dst(%dma_wait3A_39 : memref<80x128xf32, #tpu.memory_space<vmem_shared>>)
      tpu.yield
    }) : () -> ()
    "tpu.region"() ({
      %run_scoped3A = tpu.sem_alloc : memref<!tpu.dma_semaphore, #tpu.memory_space<semaphore_mem>>
      %dma_start3A = arith.constant 0 : i32
      %dma_start3A_34 = arith.constant 0 : i32
      %dma_start3A_35 = tpu.memref_slice %arg3[%arg0, %arg1, %dma_start3A, %dma_start3A_34] : memref<2x16x125x80xi32, #tpu.memory_space<hbm>> -> memref<1x1x125x80xi32, #tpu.memory_space<hbm>>
      %dma_start3A_36 = tpu.memref_squeeze %dma_start3A_35 : memref<1x1x125x80xi32, #tpu.memory_space<hbm>> -> memref<125x80xi32, #tpu.memory_space<hbm>>
      %dma_start3A_37 = arith.constant 0 : i32
      %dma_start3A_38 = arith.constant 0 : i32
      %dma_start3A_39 = tpu.memref_slice %arg3[%arg0, %arg1, %dma_start3A_37, %dma_start3A_38] : memref<2x16x125x80xi32, #tpu.memory_space<hbm>> -> memref<1x1x125x80xi32, #tpu.memory_space<hbm>>
      %dma_start3A_40 = tpu.memref_squeeze %dma_start3A_39 : memref<1x1x125x80xi32, #tpu.memory_space<hbm>> -> memref<125x80xi32, #tpu.memory_space<hbm>>
      tpu.enqueue_dma source(%dma_start3A_40 : memref<125x80xi32, #tpu.memory_space<hbm>>) target(%arg6 : memref<125x80xi32, #tpu.memory_space<vmem>>) target_semaphore(%run_scoped3A : memref<!tpu.dma_semaphore, #tpu.memory_space<semaphore_mem>>)
      %dma_wait3A = arith.constant 0 : i32
      %dma_wait3A_41 = arith.constant 0 : i32
      %dma_wait3A_42 = tpu.memref_slice %arg3[%arg0, %arg1, %dma_wait3A, %dma_wait3A_41] : memref<2x16x125x80xi32, #tpu.memory_space<hbm>> -> memref<1x1x125x80xi32, #tpu.memory_space<hbm>>
      %dma_wait3A_43 = tpu.memref_squeeze %dma_wait3A_42 : memref<1x1x125x80xi32, #tpu.memory_space<hbm>> -> memref<125x80xi32, #tpu.memory_space<hbm>>
      %dma_wait3A_44 = arith.constant 0 : i32
      %dma_wait3A_45 = arith.constant 0 : i32
      %dma_wait3A_46 = tpu.memref_slice %arg3[%arg0, %arg1, %dma_wait3A_44, %dma_wait3A_45] : memref<2x16x125x80xi32, #tpu.memory_space<hbm>> -> memref<1x1x125x80xi32, #tpu.memory_space<hbm>>
      %dma_wait3A_47 = tpu.memref_squeeze %dma_wait3A_46 : memref<1x1x125x80xi32, #tpu.memory_space<hbm>> -> memref<125x80xi32, #tpu.memory_space<hbm>>
      tpu.wait_dma2 semaphore(%run_scoped3A : memref<!tpu.dma_semaphore, #tpu.memory_space<semaphore_mem>>) src(%dma_wait3A_47 : memref<125x80xi32, #tpu.memory_space<hbm>>) dst(%arg6 : memref<125x80xi32, #tpu.memory_space<vmem>>)
      tpu.yield
    }) : () -> ()
    %barrier3A = arith.constant 0 : index
    tpu.barrier barrier_id(%barrier3A)
    %scan3A_22 = arith.constant 0 : i32
    %scan3A_23 = arith.constant 0 : i32
    %scan3A_24 = arith.constant 125 : i32
    %scan3A_25 = arith.addi %scan3A_23, %scan3A_24 : i32
    %scan3A_26 = arith.constant 1 : i32
    %scan3A_27 = scf.for %scan3A_34 = %scan3A_23 to %scan3A_25 step %scan3A_26 iter_args(%scan3A_35 = %scan3A_22) -> (i32)  : i32 {
      "tpu.region"() ({
        %run_scoped3A = tpu.sem_alloc : memref<!tpu.dma_semaphore, #tpu.memory_space<semaphore_mem>>
        %dma_start3A_47 = arith.constant 0 : i32
        %dma_start3A_48 = tpu.memref_slice %arg4[%arg1, %scan3A_34, %dma_start3A_47] : memref<16x125x80xi32, #tpu.memory_space<hbm>> -> memref<1x1x80xi32, #tpu.memory_space<hbm>>
        %dma_start3A_49 = tpu.memref_squeeze %dma_start3A_48 : memref<1x1x80xi32, #tpu.memory_space<hbm>> -> memref<80xi32, #tpu.memory_space<hbm>>
        %dma_start3A_50 = arith.constant 0 : i32
        %dma_start3A_51 = tpu.memref_slice %arg4[%arg1, %scan3A_34, %dma_start3A_50] : memref<16x125x80xi32, #tpu.memory_space<hbm>> -> memref<1x1x80xi32, #tpu.memory_space<hbm>>
        %dma_start3A_52 = tpu.memref_squeeze %dma_start3A_51 : memref<1x1x80xi32, #tpu.memory_space<hbm>> -> memref<80xi32, #tpu.memory_space<hbm>>
        tpu.enqueue_dma source(%dma_start3A_52 : memref<80xi32, #tpu.memory_space<hbm>>) target(%arg7 : memref<80xi32, #tpu.memory_space<vmem>>) target_semaphore(%run_scoped3A : memref<!tpu.dma_semaphore, #tpu.memory_space<semaphore_mem>>)
        %dma_wait3A_53 = arith.constant 0 : i32
        %dma_wait3A_54 = tpu.memref_slice %arg4[%arg1, %scan3A_34, %dma_wait3A_53] : memref<16x125x80xi32, #tpu.memory_space<hbm>> -> memref<1x1x80xi32, #tpu.memory_space<hbm>>
        %dma_wait3A_55 = tpu.memref_squeeze %dma_wait3A_54 : memref<1x1x80xi32, #tpu.memory_space<hbm>> -> memref<80xi32, #tpu.memory_space<hbm>>
        %dma_wait3A_56 = arith.constant 0 : i32
        %dma_wait3A_57 = tpu.memref_slice %arg4[%arg1, %scan3A_34, %dma_wait3A_56] : memref<16x125x80xi32, #tpu.memory_space<hbm>> -> memref<1x1x80xi32, #tpu.memory_space<hbm>>
        %dma_wait3A_58 = tpu.memref_squeeze %dma_wait3A_57 : memref<1x1x80xi32, #tpu.memory_space<hbm>> -> memref<80xi32, #tpu.memory_space<hbm>>
        tpu.wait_dma2 semaphore(%run_scoped3A : memref<!tpu.dma_semaphore, #tpu.memory_space<semaphore_mem>>) src(%dma_wait3A_58 : memref<80xi32, #tpu.memory_space<hbm>>) dst(%arg7 : memref<80xi32, #tpu.memory_space<vmem>>)
        tpu.yield
      }) : () -> ()
      %dma_start3A = arith.constant 0 : i32
      %dma_start3A_36 = tpu.memref_slice %arg6[%scan3A_34, %dma_start3A] : memref<125x80xi32, #tpu.memory_space<vmem>> -> memref<1x80xi32, #tpu.memory_space<vmem>>
      %dma_start3A_37 = tpu.memref_squeeze %dma_start3A_36 : memref<1x80xi32, #tpu.memory_space<vmem>> -> memref<80xi32, #tpu.memory_space<vmem>>
      %dma_start3A_38 = arith.constant 0 : i32
      %dma_start3A_39 = arith.constant 0 : i32
      %dma_start3A_40 = tpu.memref_slice %arg2[%dma_start3A_38, %dma_start3A_39] : memref<20000x128xf32, #tpu.memory_space<hbm>> -> memref<20000x128xf32, #tpu.memory_space<hbm>>
      tpu.enqueue_indirect_dma source(%dma_start3A_40 : memref<20000x128xf32, #tpu.memory_space<hbm>>) target(%arg8 : memref<80x128xf32, #tpu.memory_space<vmem>>) offsets(%dma_start3A_37 : memref<80xi32, #tpu.memory_space<vmem>>) semaphore(%arg10 : memref<!tpu.dma_semaphore, #tpu.memory_space<semaphore_mem>>)
      %dma_wait3A = arith.constant 0 : i32
      %dma_wait3A_41 = tpu.memref_slice %arg6[%scan3A_34, %dma_wait3A] : memref<125x80xi32, #tpu.memory_space<vmem>> -> memref<1x80xi32, #tpu.memory_space<vmem>>
      %dma_wait3A_42 = tpu.memref_squeeze %dma_wait3A_41 : memref<1x80xi32, #tpu.memory_space<vmem>> -> memref<80xi32, #tpu.memory_space<vmem>>
      %dma_wait3A_43 = arith.constant 0 : i32
      %dma_wait3A_44 = arith.constant 0 : i32
      %dma_wait3A_45 = tpu.memref_slice %arg2[%dma_wait3A_43, %dma_wait3A_44] : memref<20000x128xf32, #tpu.memory_space<hbm>> -> memref<20000x128xf32, #tpu.memory_space<hbm>>
      tpu.wait_indirect_dma semaphore(%arg10 : memref<!tpu.dma_semaphore, #tpu.memory_space<semaphore_mem>>) src(%dma_wait3A_45 : memref<20000x128xf32, #tpu.memory_space<hbm>>) dst(%arg8 : memref<80x128xf32, #tpu.memory_space<vmem>>)
      "tpu.region"() ({
        %run_scoped3A = tpu.sem_alloc : memref<!tpu.dma_semaphore, #tpu.memory_space<semaphore_mem>>
        %dma_start3A_47 = arith.constant 0 : i32
        %dma_start3A_48 = arith.constant 0 : i32
        %dma_start3A_49 = tpu.memref_slice %arg9[%dma_start3A_47, %dma_start3A_48] : memref<10000x128xf32, #tpu.memory_space<vmem_shared>> -> memref<10000x128xf32, #tpu.memory_space<vmem_shared>>
        tpu.enqueue_indirect_dma source(%arg8 : memref<80x128xf32, #tpu.memory_space<vmem>>) target(%dma_start3A_49 : memref<10000x128xf32, #tpu.memory_space<vmem_shared>>) offsets(%arg7 : memref<80xi32, #tpu.memory_space<vmem>>) semaphore(%run_scoped3A : memref<!tpu.dma_semaphore, #tpu.memory_space<semaphore_mem>>) {add = true}
        %dma_wait3A_50 = arith.constant 0 : i32
        %dma_wait3A_51 = arith.constant 0 : i32
        %dma_wait3A_52 = tpu.memref_slice %arg9[%dma_wait3A_50, %dma_wait3A_51] : memref<10000x128xf32, #tpu.memory_space<vmem_shared>> -> memref<10000x128xf32, #tpu.memory_space<vmem_shared>>
        tpu.wait_indirect_dma semaphore(%run_scoped3A : memref<!tpu.dma_semaphore, #tpu.memory_space<semaphore_mem>>) src(%arg8 : memref<80x128xf32, #tpu.memory_space<vmem>>) dst(%dma_wait3A_52 : memref<10000x128xf32, #tpu.memory_space<vmem_shared>>)
        tpu.yield
      }) : () -> ()
      %scan3A_46 = arith.constant 0 : i32
      scf.yield %scan3A_46 : i32
    }
    %scan3A_28 = arith.constant 125 : i32
    %barrier3A_29 = arith.constant 0 : index
    tpu.barrier barrier_id(%barrier3A_29)
    %mul3A_30 = arith.constant 10000 : i32
    %mul3A_31 = arith.muli %arg0, %mul3A_30 : i32
    %add3A_32 = arith.addi %mul3A_31, %multiple_of3A : i32
    %multiple_of3A_33 = tpu.assume_multiple %add3A_32, 8 : i32
    "tpu.region"() ({
      %run_scoped3A = tpu.sem_alloc : memref<!tpu.dma_semaphore, #tpu.memory_space<semaphore_mem>>
      %dma_start3A = arith.constant 0 : i32
      %dma_start3A_34 = tpu.memref_slice %arg5[%multiple_of3A_33, %dma_start3A] : memref<20000x128xf32, #tpu.memory_space<hbm>> -> memref<640x128xf32, #tpu.memory_space<hbm>>
      %dma_start3A_35 = arith.constant 0 : i32
      %dma_start3A_36 = tpu.memref_slice %arg9[%multiple_of3A, %dma_start3A_35] : memref<10000x128xf32, #tpu.memory_space<vmem_shared>> -> memref<640x128xf32, #tpu.memory_space<vmem_shared>>
      tpu.enqueue_dma source(%dma_start3A_36 : memref<640x128xf32, #tpu.memory_space<vmem_shared>>) target(%dma_start3A_34 : memref<640x128xf32, #tpu.memory_space<hbm>>) target_semaphore(%run_scoped3A : memref<!tpu.dma_semaphore, #tpu.memory_space<semaphore_mem>>)
      %dma_wait3A = arith.constant 0 : i32
      %dma_wait3A_37 = tpu.memref_slice %arg5[%multiple_of3A_33, %dma_wait3A] : memref<20000x128xf32, #tpu.memory_space<hbm>> -> memref<640x128xf32, #tpu.memory_space<hbm>>
      %dma_wait3A_38 = arith.constant 0 : i32
      %dma_wait3A_39 = tpu.memref_slice %arg9[%multiple_of3A, %dma_wait3A_38] : memref<10000x128xf32, #tpu.memory_space<vmem_shared>> -> memref<640x128xf32, #tpu.memory_space<vmem_shared>>
      tpu.wait_dma2 semaphore(%run_scoped3A : memref<!tpu.dma_semaphore, #tpu.memory_space<semaphore_mem>>) src(%dma_wait3A_39 : memref<640x128xf32, #tpu.memory_space<vmem_shared>>) dst(%dma_wait3A_37 : memref<640x128xf32, #tpu.memory_space<hbm>>)
      tpu.yield
    }) : () -> ()
    return
  }
}

#map = affine_map<(d0, d1) -> (0, 0, 0, 0)>
#map1 = affine_map<(d0, d1) -> (0, 0)>
module attributes {stable_mosaic.version = 14 : i64} {
  func.func @_counts_body(%arg0: i32, %arg1: i32, %arg2: memref<2x16x125x80xi32, #tpu.memory_space<hbm>>, %arg3: memref<20000x128xf32, #tpu.memory_space<hbm>>, %arg4: memref<80xi32, #tpu.memory_space<vmem>>, %arg5: memref<80x128xf32, #tpu.memory_space<vmem>>, %arg6: memref<10000x128xf32, #tpu.memory_space<vmem_shared>>, %arg7: memref<!tpu.dma_semaphore, #tpu.memory_space<semaphore_mem>>) attributes {dimension_semantics = [#tpu.dimension_semantics<core_parallel>, #tpu.dimension_semantics<subcore_parallel>], iteration_bounds = array<i64: 2, 16>, scalar_prefetch = 0 : i64, scratch_operands = 4 : i64, tpu.core_type = #tpu.core_type<sc_vector_subcore>, window_params = [{transform_indices = #map}, {transform_indices = #map1}]} {
    %scan3A = arith.constant 0 : i32
    %scan3A_0 = arith.constant 0 : i32
    %scan3A_1 = arith.constant 80 : i32
    %scan3A_2 = arith.addi %scan3A_0, %scan3A_1 : i32
    %scan3A_3 = arith.constant 1 : i32
    %scan3A_4 = scf.for %scan3A_41 = %scan3A_0 to %scan3A_2 step %scan3A_3 iter_args(%scan3A_42 = %scan3A) -> (i32)  : i32 {
      %broadcast_in_dim3A = arith.constant 0.000000e+00 : f32
      %broadcast_in_dim3A_43 = vector.broadcast %broadcast_in_dim3A : f32 to vector<16xf32>
      %swap3A = arith.index_cast %scan3A_41 : i32 to index
      %swap3A_44 = arith.constant 0 : index
      %swap3A_45 = tpu.vector_load %arg5[%swap3A, %swap3A_44] {strides = array<i32>} : memref<80x128xf32, #tpu.memory_space<vmem>>, vector<1x16xf32>,
      %swap3A_46 = vector.shape_cast %swap3A_45 : vector<1x16xf32> to vector<16xf32>
      %swap3A_47 = vector.shape_cast %broadcast_in_dim3A_43 : vector<16xf32> to vector<1x16xf32>
      tpu.vector_store %arg5[%swap3A, %swap3A_44], %swap3A_47 {strides = array<i32>} : memref<80x128xf32, #tpu.memory_space<vmem>>, vector<1x16xf32>,
      %broadcast_in_dim3A_48 = arith.constant 0.000000e+00 : f32
      %broadcast_in_dim3A_49 = vector.broadcast %broadcast_in_dim3A_48 : f32 to vector<16xf32>
      %swap3A_50 = arith.index_cast %scan3A_41 : i32 to index
      %swap3A_51 = arith.constant 16 : index
      %swap3A_52 = tpu.vector_load %arg5[%swap3A_50, %swap3A_51] {strides = array<i32>} : memref<80x128xf32, #tpu.memory_space<vmem>>, vector<1x16xf32>,
      %swap3A_53 = vector.shape_cast %swap3A_52 : vector<1x16xf32> to vector<16xf32>
      %swap3A_54 = vector.shape_cast %broadcast_in_dim3A_49 : vector<16xf32> to vector<1x16xf32>
      tpu.vector_store %arg5[%swap3A_50, %swap3A_51], %swap3A_54 {strides = array<i32>} : memref<80x128xf32, #tpu.memory_space<vmem>>, vector<1x16xf32>,
      %broadcast_in_dim3A_55 = arith.constant 0.000000e+00 : f32
      %broadcast_in_dim3A_56 = vector.broadcast %broadcast_in_dim3A_55 : f32 to vector<16xf32>
      %swap3A_57 = arith.index_cast %scan3A_41 : i32 to index
      %swap3A_58 = arith.constant 32 : index
      %swap3A_59 = tpu.vector_load %arg5[%swap3A_57, %swap3A_58] {strides = array<i32>} : memref<80x128xf32, #tpu.memory_space<vmem>>, vector<1x16xf32>,
      %swap3A_60 = vector.shape_cast %swap3A_59 : vector<1x16xf32> to vector<16xf32>
      %swap3A_61 = vector.shape_cast %broadcast_in_dim3A_56 : vector<16xf32> to vector<1x16xf32>
      tpu.vector_store %arg5[%swap3A_57, %swap3A_58], %swap3A_61 {strides = array<i32>} : memref<80x128xf32, #tpu.memory_space<vmem>>, vector<1x16xf32>,
      %broadcast_in_dim3A_62 = arith.constant 0.000000e+00 : f32
      %broadcast_in_dim3A_63 = vector.broadcast %broadcast_in_dim3A_62 : f32 to vector<16xf32>
      %swap3A_64 = arith.index_cast %scan3A_41 : i32 to index
      %swap3A_65 = arith.constant 48 : index
      %swap3A_66 = tpu.vector_load %arg5[%swap3A_64, %swap3A_65] {strides = array<i32>} : memref<80x128xf32, #tpu.memory_space<vmem>>, vector<1x16xf32>,
      %swap3A_67 = vector.shape_cast %swap3A_66 : vector<1x16xf32> to vector<16xf32>
      %swap3A_68 = vector.shape_cast %broadcast_in_dim3A_63 : vector<16xf32> to vector<1x16xf32>
      tpu.vector_store %arg5[%swap3A_64, %swap3A_65], %swap3A_68 {strides = array<i32>} : memref<80x128xf32, #tpu.memory_space<vmem>>, vector<1x16xf32>,
      %broadcast_in_dim3A_69 = arith.constant 0.000000e+00 : f32
      %broadcast_in_dim3A_70 = vector.broadcast %broadcast_in_dim3A_69 : f32 to vector<16xf32>
      %swap3A_71 = arith.index_cast %scan3A_41 : i32 to index
      %swap3A_72 = arith.constant 64 : index
      %swap3A_73 = tpu.vector_load %arg5[%swap3A_71, %swap3A_72] {strides = array<i32>} : memref<80x128xf32, #tpu.memory_space<vmem>>, vector<1x16xf32>,
      %swap3A_74 = vector.shape_cast %swap3A_73 : vector<1x16xf32> to vector<16xf32>
      %swap3A_75 = vector.shape_cast %broadcast_in_dim3A_70 : vector<16xf32> to vector<1x16xf32>
      tpu.vector_store %arg5[%swap3A_71, %swap3A_72], %swap3A_75 {strides = array<i32>} : memref<80x128xf32, #tpu.memory_space<vmem>>, vector<1x16xf32>,
      %broadcast_in_dim3A_76 = arith.constant 0.000000e+00 : f32
      %broadcast_in_dim3A_77 = vector.broadcast %broadcast_in_dim3A_76 : f32 to vector<16xf32>
      %swap3A_78 = arith.index_cast %scan3A_41 : i32 to index
      %swap3A_79 = arith.constant 80 : index
      %swap3A_80 = tpu.vector_load %arg5[%swap3A_78, %swap3A_79] {strides = array<i32>} : memref<80x128xf32, #tpu.memory_space<vmem>>, vector<1x16xf32>,
      %swap3A_81 = vector.shape_cast %swap3A_80 : vector<1x16xf32> to vector<16xf32>
      %swap3A_82 = vector.shape_cast %broadcast_in_dim3A_77 : vector<16xf32> to vector<1x16xf32>
      tpu.vector_store %arg5[%swap3A_78, %swap3A_79], %swap3A_82 {strides = array<i32>} : memref<80x128xf32, #tpu.memory_space<vmem>>, vector<1x16xf32>,
      %broadcast_in_dim3A_83 = arith.constant 0.000000e+00 : f32
      %broadcast_in_dim3A_84 = vector.broadcast %broadcast_in_dim3A_83 : f32 to vector<16xf32>
      %swap3A_85 = arith.index_cast %scan3A_41 : i32 to index
      %swap3A_86 = arith.constant 96 : index
      %swap3A_87 = tpu.vector_load %arg5[%swap3A_85, %swap3A_86] {strides = array<i32>} : memref<80x128xf32, #tpu.memory_space<vmem>>, vector<1x16xf32>,
      %swap3A_88 = vector.shape_cast %swap3A_87 : vector<1x16xf32> to vector<16xf32>
      %swap3A_89 = vector.shape_cast %broadcast_in_dim3A_84 : vector<16xf32> to vector<1x16xf32>
      tpu.vector_store %arg5[%swap3A_85, %swap3A_86], %swap3A_89 {strides = array<i32>} : memref<80x128xf32, #tpu.memory_space<vmem>>, vector<1x16xf32>,
      %broadcast_in_dim3A_90 = arith.constant 0.000000e+00 : f32
      %broadcast_in_dim3A_91 = vector.broadcast %broadcast_in_dim3A_90 : f32 to vector<16xf32>
      %swap3A_92 = arith.index_cast %scan3A_41 : i32 to index
      %swap3A_93 = arith.constant 112 : index
      %swap3A_94 = tpu.vector_load %arg5[%swap3A_92, %swap3A_93] {strides = array<i32>} : memref<80x128xf32, #tpu.memory_space<vmem>>, vector<1x16xf32>,
      %swap3A_95 = vector.shape_cast %swap3A_94 : vector<1x16xf32> to vector<16xf32>
      %swap3A_96 = vector.shape_cast %broadcast_in_dim3A_91 : vector<16xf32> to vector<1x16xf32>
      tpu.vector_store %arg5[%swap3A_92, %swap3A_93], %swap3A_96 {strides = array<i32>} : memref<80x128xf32, #tpu.memory_space<vmem>>, vector<1x16xf32>,
      %scan3A_97 = arith.constant 0 : i32
      scf.yield %scan3A_97 : i32
    }
    %scan3A_5 = arith.constant 80 : i32
    %mul3A = arith.constant 624 : i32
    %mul3A_6 = arith.muli %arg1, %mul3A : i32
    %multiple_of3A = tpu.assume_multiple %mul3A_6, 8 : i32
    %add3A = arith.constant 0 : i32
    %add3A_7 = arith.addi %multiple_of3A, %add3A : i32
    "tpu.region"() ({
      %run_scoped3A = tpu.sem_alloc : memref<!tpu.dma_semaphore, #tpu.memory_space<semaphore_mem>>
      %dma_start3A = arith.constant 0 : i32
      %dma_start3A_41 = tpu.memref_slice %arg6[%add3A_7, %dma_start3A] : memref<10000x128xf32, #tpu.memory_space<vmem_shared>> -> memref<80x128xf32, #tpu.memory_space<vmem_shared>>
      %dma_start3A_42 = arith.constant 0 : i32
      %dma_start3A_43 = tpu.memref_slice %arg6[%add3A_7, %dma_start3A_42] : memref<10000x128xf32, #tpu.memory_space<vmem_shared>> -> memref<80x128xf32, #tpu.memory_space<vmem_shared>>
      tpu.enqueue_dma source(%arg5 : memref<80x128xf32, #tpu.memory_space<vmem>>) target(%dma_start3A_43 : memref<80x128xf32, #tpu.memory_space<vmem_shared>>) target_semaphore(%run_scoped3A : memref<!tpu.dma_semaphore, #tpu.memory_space<semaphore_mem>>)
      %dma_wait3A = arith.constant 0 : i32
      %dma_wait3A_44 = tpu.memref_slice %arg6[%add3A_7, %dma_wait3A] : memref<10000x128xf32, #tpu.memory_space<vmem_shared>> -> memref<80x128xf32, #tpu.memory_space<vmem_shared>>
      %dma_wait3A_45 = arith.constant 0 : i32
      %dma_wait3A_46 = tpu.memref_slice %arg6[%add3A_7, %dma_wait3A_45] : memref<10000x128xf32, #tpu.memory_space<vmem_shared>> -> memref<80x128xf32, #tpu.memory_space<vmem_shared>>
      tpu.wait_dma2 semaphore(%run_scoped3A : memref<!tpu.dma_semaphore, #tpu.memory_space<semaphore_mem>>) src(%arg5 : memref<80x128xf32, #tpu.memory_space<vmem>>) dst(%dma_wait3A_46 : memref<80x128xf32, #tpu.memory_space<vmem_shared>>)
      tpu.yield
    }) : () -> ()
    %add3A_8 = arith.constant 80 : i32
    %add3A_9 = arith.addi %multiple_of3A, %add3A_8 : i32
    "tpu.region"() ({
      %run_scoped3A = tpu.sem_alloc : memref<!tpu.dma_semaphore, #tpu.memory_space<semaphore_mem>>
      %dma_start3A = arith.constant 0 : i32
      %dma_start3A_41 = tpu.memref_slice %arg6[%add3A_9, %dma_start3A] : memref<10000x128xf32, #tpu.memory_space<vmem_shared>> -> memref<80x128xf32, #tpu.memory_space<vmem_shared>>
      %dma_start3A_42 = arith.constant 0 : i32
      %dma_start3A_43 = tpu.memref_slice %arg6[%add3A_9, %dma_start3A_42] : memref<10000x128xf32, #tpu.memory_space<vmem_shared>> -> memref<80x128xf32, #tpu.memory_space<vmem_shared>>
      tpu.enqueue_dma source(%arg5 : memref<80x128xf32, #tpu.memory_space<vmem>>) target(%dma_start3A_43 : memref<80x128xf32, #tpu.memory_space<vmem_shared>>) target_semaphore(%run_scoped3A : memref<!tpu.dma_semaphore, #tpu.memory_space<semaphore_mem>>)
      %dma_wait3A = arith.constant 0 : i32
      %dma_wait3A_44 = tpu.memref_slice %arg6[%add3A_9, %dma_wait3A] : memref<10000x128xf32, #tpu.memory_space<vmem_shared>> -> memref<80x128xf32, #tpu.memory_space<vmem_shared>>
      %dma_wait3A_45 = arith.constant 0 : i32
      %dma_wait3A_46 = tpu.memref_slice %arg6[%add3A_9, %dma_wait3A_45] : memref<10000x128xf32, #tpu.memory_space<vmem_shared>> -> memref<80x128xf32, #tpu.memory_space<vmem_shared>>
      tpu.wait_dma2 semaphore(%run_scoped3A : memref<!tpu.dma_semaphore, #tpu.memory_space<semaphore_mem>>) src(%arg5 : memref<80x128xf32, #tpu.memory_space<vmem>>) dst(%dma_wait3A_46 : memref<80x128xf32, #tpu.memory_space<vmem_shared>>)
      tpu.yield
    }) : () -> ()
    %add3A_10 = arith.constant 160 : i32
    %add3A_11 = arith.addi %multiple_of3A, %add3A_10 : i32
    "tpu.region"() ({
      %run_scoped3A = tpu.sem_alloc : memref<!tpu.dma_semaphore, #tpu.memory_space<semaphore_mem>>
      %dma_start3A = arith.constant 0 : i32
      %dma_start3A_41 = tpu.memref_slice %arg6[%add3A_11, %dma_start3A] : memref<10000x128xf32, #tpu.memory_space<vmem_shared>> -> memref<80x128xf32, #tpu.memory_space<vmem_shared>>
      %dma_start3A_42 = arith.constant 0 : i32
      %dma_start3A_43 = tpu.memref_slice %arg6[%add3A_11, %dma_start3A_42] : memref<10000x128xf32, #tpu.memory_space<vmem_shared>> -> memref<80x128xf32, #tpu.memory_space<vmem_shared>>
      tpu.enqueue_dma source(%arg5 : memref<80x128xf32, #tpu.memory_space<vmem>>) target(%dma_start3A_43 : memref<80x128xf32, #tpu.memory_space<vmem_shared>>) target_semaphore(%run_scoped3A : memref<!tpu.dma_semaphore, #tpu.memory_space<semaphore_mem>>)
      %dma_wait3A = arith.constant 0 : i32
      %dma_wait3A_44 = tpu.memref_slice %arg6[%add3A_11, %dma_wait3A] : memref<10000x128xf32, #tpu.memory_space<vmem_shared>> -> memref<80x128xf32, #tpu.memory_space<vmem_shared>>
      %dma_wait3A_45 = arith.constant 0 : i32
      %dma_wait3A_46 = tpu.memref_slice %arg6[%add3A_11, %dma_wait3A_45] : memref<10000x128xf32, #tpu.memory_space<vmem_shared>> -> memref<80x128xf32, #tpu.memory_space<vmem_shared>>
      tpu.wait_dma2 semaphore(%run_scoped3A : memref<!tpu.dma_semaphore, #tpu.memory_space<semaphore_mem>>) src(%arg5 : memref<80x128xf32, #tpu.memory_space<vmem>>) dst(%dma_wait3A_46 : memref<80x128xf32, #tpu.memory_space<vmem_shared>>)
      tpu.yield
    }) : () -> ()
    %add3A_12 = arith.constant 240 : i32
    %add3A_13 = arith.addi %multiple_of3A, %add3A_12 : i32
    "tpu.region"() ({
      %run_scoped3A = tpu.sem_alloc : memref<!tpu.dma_semaphore, #tpu.memory_space<semaphore_mem>>
      %dma_start3A = arith.constant 0 : i32
      %dma_start3A_41 = tpu.memref_slice %arg6[%add3A_13, %dma_start3A] : memref<10000x128xf32, #tpu.memory_space<vmem_shared>> -> memref<80x128xf32, #tpu.memory_space<vmem_shared>>
      %dma_start3A_42 = arith.constant 0 : i32
      %dma_start3A_43 = tpu.memref_slice %arg6[%add3A_13, %dma_start3A_42] : memref<10000x128xf32, #tpu.memory_space<vmem_shared>> -> memref<80x128xf32, #tpu.memory_space<vmem_shared>>
      tpu.enqueue_dma source(%arg5 : memref<80x128xf32, #tpu.memory_space<vmem>>) target(%dma_start3A_43 : memref<80x128xf32, #tpu.memory_space<vmem_shared>>) target_semaphore(%run_scoped3A : memref<!tpu.dma_semaphore, #tpu.memory_space<semaphore_mem>>)
      %dma_wait3A = arith.constant 0 : i32
      %dma_wait3A_44 = tpu.memref_slice %arg6[%add3A_13, %dma_wait3A] : memref<10000x128xf32, #tpu.memory_space<vmem_shared>> -> memref<80x128xf32, #tpu.memory_space<vmem_shared>>
      %dma_wait3A_45 = arith.constant 0 : i32
      %dma_wait3A_46 = tpu.memref_slice %arg6[%add3A_13, %dma_wait3A_45] : memref<10000x128xf32, #tpu.memory_space<vmem_shared>> -> memref<80x128xf32, #tpu.memory_space<vmem_shared>>
      tpu.wait_dma2 semaphore(%run_scoped3A : memref<!tpu.dma_semaphore, #tpu.memory_space<semaphore_mem>>) src(%arg5 : memref<80x128xf32, #tpu.memory_space<vmem>>) dst(%dma_wait3A_46 : memref<80x128xf32, #tpu.memory_space<vmem_shared>>)
      tpu.yield
    }) : () -> ()
    %add3A_14 = arith.constant 320 : i32
    %add3A_15 = arith.addi %multiple_of3A, %add3A_14 : i32
    "tpu.region"() ({
      %run_scoped3A = tpu.sem_alloc : memref<!tpu.dma_semaphore, #tpu.memory_space<semaphore_mem>>
      %dma_start3A = arith.constant 0 : i32
      %dma_start3A_41 = tpu.memref_slice %arg6[%add3A_15, %dma_start3A] : memref<10000x128xf32, #tpu.memory_space<vmem_shared>> -> memref<80x128xf32, #tpu.memory_space<vmem_shared>>
      %dma_start3A_42 = arith.constant 0 : i32
      %dma_start3A_43 = tpu.memref_slice %arg6[%add3A_15, %dma_start3A_42] : memref<10000x128xf32, #tpu.memory_space<vmem_shared>> -> memref<80x128xf32, #tpu.memory_space<vmem_shared>>
      tpu.enqueue_dma source(%arg5 : memref<80x128xf32, #tpu.memory_space<vmem>>) target(%dma_start3A_43 : memref<80x128xf32, #tpu.memory_space<vmem_shared>>) target_semaphore(%run_scoped3A : memref<!tpu.dma_semaphore, #tpu.memory_space<semaphore_mem>>)
      %dma_wait3A = arith.constant 0 : i32
      %dma_wait3A_44 = tpu.memref_slice %arg6[%add3A_15, %dma_wait3A] : memref<10000x128xf32, #tpu.memory_space<vmem_shared>> -> memref<80x128xf32, #tpu.memory_space<vmem_shared>>
      %dma_wait3A_45 = arith.constant 0 : i32
      %dma_wait3A_46 = tpu.memref_slice %arg6[%add3A_15, %dma_wait3A_45] : memref<10000x128xf32, #tpu.memory_space<vmem_shared>> -> memref<80x128xf32, #tpu.memory_space<vmem_shared>>
      tpu.wait_dma2 semaphore(%run_scoped3A : memref<!tpu.dma_semaphore, #tpu.memory_space<semaphore_mem>>) src(%arg5 : memref<80x128xf32, #tpu.memory_space<vmem>>) dst(%dma_wait3A_46 : memref<80x128xf32, #tpu.memory_space<vmem_shared>>)
      tpu.yield
    }) : () -> ()
    %add3A_16 = arith.constant 400 : i32
    %add3A_17 = arith.addi %multiple_of3A, %add3A_16 : i32
    "tpu.region"() ({
      %run_scoped3A = tpu.sem_alloc : memref<!tpu.dma_semaphore, #tpu.memory_space<semaphore_mem>>
      %dma_start3A = arith.constant 0 : i32
      %dma_start3A_41 = tpu.memref_slice %arg6[%add3A_17, %dma_start3A] : memref<10000x128xf32, #tpu.memory_space<vmem_shared>> -> memref<80x128xf32, #tpu.memory_space<vmem_shared>>
      %dma_start3A_42 = arith.constant 0 : i32
      %dma_start3A_43 = tpu.memref_slice %arg6[%add3A_17, %dma_start3A_42] : memref<10000x128xf32, #tpu.memory_space<vmem_shared>> -> memref<80x128xf32, #tpu.memory_space<vmem_shared>>
      tpu.enqueue_dma source(%arg5 : memref<80x128xf32, #tpu.memory_space<vmem>>) target(%dma_start3A_43 : memref<80x128xf32, #tpu.memory_space<vmem_shared>>) target_semaphore(%run_scoped3A : memref<!tpu.dma_semaphore, #tpu.memory_space<semaphore_mem>>)
      %dma_wait3A = arith.constant 0 : i32
      %dma_wait3A_44 = tpu.memref_slice %arg6[%add3A_17, %dma_wait3A] : memref<10000x128xf32, #tpu.memory_space<vmem_shared>> -> memref<80x128xf32, #tpu.memory_space<vmem_shared>>
      %dma_wait3A_45 = arith.constant 0 : i32
      %dma_wait3A_46 = tpu.memref_slice %arg6[%add3A_17, %dma_wait3A_45] : memref<10000x128xf32, #tpu.memory_space<vmem_shared>> -> memref<80x128xf32, #tpu.memory_space<vmem_shared>>
      tpu.wait_dma2 semaphore(%run_scoped3A : memref<!tpu.dma_semaphore, #tpu.memory_space<semaphore_mem>>) src(%arg5 : memref<80x128xf32, #tpu.memory_space<vmem>>) dst(%dma_wait3A_46 : memref<80x128xf32, #tpu.memory_space<vmem_shared>>)
      tpu.yield
    }) : () -> ()
    %add3A_18 = arith.constant 480 : i32
    %add3A_19 = arith.addi %multiple_of3A, %add3A_18 : i32
    "tpu.region"() ({
      %run_scoped3A = tpu.sem_alloc : memref<!tpu.dma_semaphore, #tpu.memory_space<semaphore_mem>>
      %dma_start3A = arith.constant 0 : i32
      %dma_start3A_41 = tpu.memref_slice %arg6[%add3A_19, %dma_start3A] : memref<10000x128xf32, #tpu.memory_space<vmem_shared>> -> memref<80x128xf32, #tpu.memory_space<vmem_shared>>
      %dma_start3A_42 = arith.constant 0 : i32
      %dma_start3A_43 = tpu.memref_slice %arg6[%add3A_19, %dma_start3A_42] : memref<10000x128xf32, #tpu.memory_space<vmem_shared>> -> memref<80x128xf32, #tpu.memory_space<vmem_shared>>
      tpu.enqueue_dma source(%arg5 : memref<80x128xf32, #tpu.memory_space<vmem>>) target(%dma_start3A_43 : memref<80x128xf32, #tpu.memory_space<vmem_shared>>) target_semaphore(%run_scoped3A : memref<!tpu.dma_semaphore, #tpu.memory_space<semaphore_mem>>)
      %dma_wait3A = arith.constant 0 : i32
      %dma_wait3A_44 = tpu.memref_slice %arg6[%add3A_19, %dma_wait3A] : memref<10000x128xf32, #tpu.memory_space<vmem_shared>> -> memref<80x128xf32, #tpu.memory_space<vmem_shared>>
      %dma_wait3A_45 = arith.constant 0 : i32
      %dma_wait3A_46 = tpu.memref_slice %arg6[%add3A_19, %dma_wait3A_45] : memref<10000x128xf32, #tpu.memory_space<vmem_shared>> -> memref<80x128xf32, #tpu.memory_space<vmem_shared>>
      tpu.wait_dma2 semaphore(%run_scoped3A : memref<!tpu.dma_semaphore, #tpu.memory_space<semaphore_mem>>) src(%arg5 : memref<80x128xf32, #tpu.memory_space<vmem>>) dst(%dma_wait3A_46 : memref<80x128xf32, #tpu.memory_space<vmem_shared>>)
      tpu.yield
    }) : () -> ()
    %add3A_20 = arith.constant 560 : i32
    %add3A_21 = arith.addi %multiple_of3A, %add3A_20 : i32
    "tpu.region"() ({
      %run_scoped3A = tpu.sem_alloc : memref<!tpu.dma_semaphore, #tpu.memory_space<semaphore_mem>>
      %dma_start3A = arith.constant 0 : i32
      %dma_start3A_41 = tpu.memref_slice %arg6[%add3A_21, %dma_start3A] : memref<10000x128xf32, #tpu.memory_space<vmem_shared>> -> memref<80x128xf32, #tpu.memory_space<vmem_shared>>
      %dma_start3A_42 = arith.constant 0 : i32
      %dma_start3A_43 = tpu.memref_slice %arg6[%add3A_21, %dma_start3A_42] : memref<10000x128xf32, #tpu.memory_space<vmem_shared>> -> memref<80x128xf32, #tpu.memory_space<vmem_shared>>
      tpu.enqueue_dma source(%arg5 : memref<80x128xf32, #tpu.memory_space<vmem>>) target(%dma_start3A_43 : memref<80x128xf32, #tpu.memory_space<vmem_shared>>) target_semaphore(%run_scoped3A : memref<!tpu.dma_semaphore, #tpu.memory_space<semaphore_mem>>)
      %dma_wait3A = arith.constant 0 : i32
      %dma_wait3A_44 = tpu.memref_slice %arg6[%add3A_21, %dma_wait3A] : memref<10000x128xf32, #tpu.memory_space<vmem_shared>> -> memref<80x128xf32, #tpu.memory_space<vmem_shared>>
      %dma_wait3A_45 = arith.constant 0 : i32
      %dma_wait3A_46 = tpu.memref_slice %arg6[%add3A_21, %dma_wait3A_45] : memref<10000x128xf32, #tpu.memory_space<vmem_shared>> -> memref<80x128xf32, #tpu.memory_space<vmem_shared>>
      tpu.wait_dma2 semaphore(%run_scoped3A : memref<!tpu.dma_semaphore, #tpu.memory_space<semaphore_mem>>) src(%arg5 : memref<80x128xf32, #tpu.memory_space<vmem>>) dst(%dma_wait3A_46 : memref<80x128xf32, #tpu.memory_space<vmem_shared>>)
      tpu.yield
    }) : () -> ()
    %scan3A_22 = arith.constant 0 : i32
    %scan3A_23 = arith.constant 0 : i32
    %scan3A_24 = arith.constant 80 : i32
    %scan3A_25 = arith.addi %scan3A_23, %scan3A_24 : i32
    %scan3A_26 = arith.constant 1 : i32
    %scan3A_27 = scf.for %scan3A_41 = %scan3A_23 to %scan3A_25 step %scan3A_26 iter_args(%scan3A_42 = %scan3A_22) -> (i32)  : i32 {
      %broadcast_in_dim3A = arith.constant 1.000000e+00 : f32
      %broadcast_in_dim3A_43 = vector.broadcast %broadcast_in_dim3A : f32 to vector<16xf32>
      %swap3A = arith.index_cast %scan3A_41 : i32 to index
      %swap3A_44 = arith.constant 0 : index
      %swap3A_45 = tpu.vector_load %arg5[%swap3A, %swap3A_44] {strides = array<i32>} : memref<80x128xf32, #tpu.memory_space<vmem>>, vector<1x16xf32>,
      %swap3A_46 = vector.shape_cast %swap3A_45 : vector<1x16xf32> to vector<16xf32>
      %swap3A_47 = vector.shape_cast %broadcast_in_dim3A_43 : vector<16xf32> to vector<1x16xf32>
      tpu.vector_store %arg5[%swap3A, %swap3A_44], %swap3A_47 {strides = array<i32>} : memref<80x128xf32, #tpu.memory_space<vmem>>, vector<1x16xf32>,
      %broadcast_in_dim3A_48 = arith.constant 1.000000e+00 : f32
      %broadcast_in_dim3A_49 = vector.broadcast %broadcast_in_dim3A_48 : f32 to vector<16xf32>
      %swap3A_50 = arith.index_cast %scan3A_41 : i32 to index
      %swap3A_51 = arith.constant 16 : index
      %swap3A_52 = tpu.vector_load %arg5[%swap3A_50, %swap3A_51] {strides = array<i32>} : memref<80x128xf32, #tpu.memory_space<vmem>>, vector<1x16xf32>,
      %swap3A_53 = vector.shape_cast %swap3A_52 : vector<1x16xf32> to vector<16xf32>
      %swap3A_54 = vector.shape_cast %broadcast_in_dim3A_49 : vector<16xf32> to vector<1x16xf32>
      tpu.vector_store %arg5[%swap3A_50, %swap3A_51], %swap3A_54 {strides = array<i32>} : memref<80x128xf32, #tpu.memory_space<vmem>>, vector<1x16xf32>,
      %broadcast_in_dim3A_55 = arith.constant 1.000000e+00 : f32
      %broadcast_in_dim3A_56 = vector.broadcast %broadcast_in_dim3A_55 : f32 to vector<16xf32>
      %swap3A_57 = arith.index_cast %scan3A_41 : i32 to index
      %swap3A_58 = arith.constant 32 : index
      %swap3A_59 = tpu.vector_load %arg5[%swap3A_57, %swap3A_58] {strides = array<i32>} : memref<80x128xf32, #tpu.memory_space<vmem>>, vector<1x16xf32>,
      %swap3A_60 = vector.shape_cast %swap3A_59 : vector<1x16xf32> to vector<16xf32>
      %swap3A_61 = vector.shape_cast %broadcast_in_dim3A_56 : vector<16xf32> to vector<1x16xf32>
      tpu.vector_store %arg5[%swap3A_57, %swap3A_58], %swap3A_61 {strides = array<i32>} : memref<80x128xf32, #tpu.memory_space<vmem>>, vector<1x16xf32>,
      %broadcast_in_dim3A_62 = arith.constant 1.000000e+00 : f32
      %broadcast_in_dim3A_63 = vector.broadcast %broadcast_in_dim3A_62 : f32 to vector<16xf32>
      %swap3A_64 = arith.index_cast %scan3A_41 : i32 to index
      %swap3A_65 = arith.constant 48 : index
      %swap3A_66 = tpu.vector_load %arg5[%swap3A_64, %swap3A_65] {strides = array<i32>} : memref<80x128xf32, #tpu.memory_space<vmem>>, vector<1x16xf32>,
      %swap3A_67 = vector.shape_cast %swap3A_66 : vector<1x16xf32> to vector<16xf32>
      %swap3A_68 = vector.shape_cast %broadcast_in_dim3A_63 : vector<16xf32> to vector<1x16xf32>
      tpu.vector_store %arg5[%swap3A_64, %swap3A_65], %swap3A_68 {strides = array<i32>} : memref<80x128xf32, #tpu.memory_space<vmem>>, vector<1x16xf32>,
      %broadcast_in_dim3A_69 = arith.constant 1.000000e+00 : f32
      %broadcast_in_dim3A_70 = vector.broadcast %broadcast_in_dim3A_69 : f32 to vector<16xf32>
      %swap3A_71 = arith.index_cast %scan3A_41 : i32 to index
      %swap3A_72 = arith.constant 64 : index
      %swap3A_73 = tpu.vector_load %arg5[%swap3A_71, %swap3A_72] {strides = array<i32>} : memref<80x128xf32, #tpu.memory_space<vmem>>, vector<1x16xf32>,
      %swap3A_74 = vector.shape_cast %swap3A_73 : vector<1x16xf32> to vector<16xf32>
      %swap3A_75 = vector.shape_cast %broadcast_in_dim3A_70 : vector<16xf32> to vector<1x16xf32>
      tpu.vector_store %arg5[%swap3A_71, %swap3A_72], %swap3A_75 {strides = array<i32>} : memref<80x128xf32, #tpu.memory_space<vmem>>, vector<1x16xf32>,
      %broadcast_in_dim3A_76 = arith.constant 1.000000e+00 : f32
      %broadcast_in_dim3A_77 = vector.broadcast %broadcast_in_dim3A_76 : f32 to vector<16xf32>
      %swap3A_78 = arith.index_cast %scan3A_41 : i32 to index
      %swap3A_79 = arith.constant 80 : index
      %swap3A_80 = tpu.vector_load %arg5[%swap3A_78, %swap3A_79] {strides = array<i32>} : memref<80x128xf32, #tpu.memory_space<vmem>>, vector<1x16xf32>,
      %swap3A_81 = vector.shape_cast %swap3A_80 : vector<1x16xf32> to vector<16xf32>
      %swap3A_82 = vector.shape_cast %broadcast_in_dim3A_77 : vector<16xf32> to vector<1x16xf32>
      tpu.vector_store %arg5[%swap3A_78, %swap3A_79], %swap3A_82 {strides = array<i32>} : memref<80x128xf32, #tpu.memory_space<vmem>>, vector<1x16xf32>,
      %broadcast_in_dim3A_83 = arith.constant 1.000000e+00 : f32
      %broadcast_in_dim3A_84 = vector.broadcast %broadcast_in_dim3A_83 : f32 to vector<16xf32>
      %swap3A_85 = arith.index_cast %scan3A_41 : i32 to index
      %swap3A_86 = arith.constant 96 : index
      %swap3A_87 = tpu.vector_load %arg5[%swap3A_85, %swap3A_86] {strides = array<i32>} : memref<80x128xf32, #tpu.memory_space<vmem>>, vector<1x16xf32>,
      %swap3A_88 = vector.shape_cast %swap3A_87 : vector<1x16xf32> to vector<16xf32>
      %swap3A_89 = vector.shape_cast %broadcast_in_dim3A_84 : vector<16xf32> to vector<1x16xf32>
      tpu.vector_store %arg5[%swap3A_85, %swap3A_86], %swap3A_89 {strides = array<i32>} : memref<80x128xf32, #tpu.memory_space<vmem>>, vector<1x16xf32>,
      %broadcast_in_dim3A_90 = arith.constant 1.000000e+00 : f32
      %broadcast_in_dim3A_91 = vector.broadcast %broadcast_in_dim3A_90 : f32 to vector<16xf32>
      %swap3A_92 = arith.index_cast %scan3A_41 : i32 to index
      %swap3A_93 = arith.constant 112 : index
      %swap3A_94 = tpu.vector_load %arg5[%swap3A_92, %swap3A_93] {strides = array<i32>} : memref<80x128xf32, #tpu.memory_space<vmem>>, vector<1x16xf32>,
      %swap3A_95 = vector.shape_cast %swap3A_94 : vector<1x16xf32> to vector<16xf32>
      %swap3A_96 = vector.shape_cast %broadcast_in_dim3A_91 : vector<16xf32> to vector<1x16xf32>
      tpu.vector_store %arg5[%swap3A_92, %swap3A_93], %swap3A_96 {strides = array<i32>} : memref<80x128xf32, #tpu.memory_space<vmem>>, vector<1x16xf32>,
      %scan3A_97 = arith.constant 0 : i32
      scf.yield %scan3A_97 : i32
    }
    %scan3A_28 = arith.constant 80 : i32
    %barrier3A = arith.constant 0 : index
    tpu.barrier barrier_id(%barrier3A)
    %scan3A_29 = arith.constant 0 : i32
    %scan3A_30 = arith.constant 0 : i32
    %scan3A_31 = arith.constant 125 : i32
    %scan3A_32 = arith.addi %scan3A_30, %scan3A_31 : i32
    %scan3A_33 = arith.constant 1 : i32
    %scan3A_34 = scf.for %scan3A_41 = %scan3A_30 to %scan3A_32 step %scan3A_33 iter_args(%scan3A_42 = %scan3A_29) -> (i32)  : i32 {
      "tpu.region"() ({
        %run_scoped3A = tpu.sem_alloc : memref<!tpu.dma_semaphore, #tpu.memory_space<semaphore_mem>>
        %dma_start3A = arith.constant 0 : i32
        %dma_start3A_44 = tpu.memref_slice %arg2[%arg0, %arg1, %scan3A_41, %dma_start3A] : memref<2x16x125x80xi32, #tpu.memory_space<hbm>> -> memref<1x1x1x80xi32, #tpu.memory_space<hbm>>
        %dma_start3A_45 = tpu.memref_squeeze %dma_start3A_44 : memref<1x1x1x80xi32, #tpu.memory_space<hbm>> -> memref<80xi32, #tpu.memory_space<hbm>>
        %dma_start3A_46 = arith.constant 0 : i32
        %dma_start3A_47 = tpu.memref_slice %arg2[%arg0, %arg1, %scan3A_41, %dma_start3A_46] : memref<2x16x125x80xi32, #tpu.memory_space<hbm>> -> memref<1x1x1x80xi32, #tpu.memory_space<hbm>>
        %dma_start3A_48 = tpu.memref_squeeze %dma_start3A_47 : memref<1x1x1x80xi32, #tpu.memory_space<hbm>> -> memref<80xi32, #tpu.memory_space<hbm>>
        tpu.enqueue_dma source(%dma_start3A_48 : memref<80xi32, #tpu.memory_space<hbm>>) target(%arg4 : memref<80xi32, #tpu.memory_space<vmem>>) target_semaphore(%run_scoped3A : memref<!tpu.dma_semaphore, #tpu.memory_space<semaphore_mem>>)
        %dma_wait3A = arith.constant 0 : i32
        %dma_wait3A_49 = tpu.memref_slice %arg2[%arg0, %arg1, %scan3A_41, %dma_wait3A] : memref<2x16x125x80xi32, #tpu.memory_space<hbm>> -> memref<1x1x1x80xi32, #tpu.memory_space<hbm>>
        %dma_wait3A_50 = tpu.memref_squeeze %dma_wait3A_49 : memref<1x1x1x80xi32, #tpu.memory_space<hbm>> -> memref<80xi32, #tpu.memory_space<hbm>>
        %dma_wait3A_51 = arith.constant 0 : i32
        %dma_wait3A_52 = tpu.memref_slice %arg2[%arg0, %arg1, %scan3A_41, %dma_wait3A_51] : memref<2x16x125x80xi32, #tpu.memory_space<hbm>> -> memref<1x1x1x80xi32, #tpu.memory_space<hbm>>
        %dma_wait3A_53 = tpu.memref_squeeze %dma_wait3A_52 : memref<1x1x1x80xi32, #tpu.memory_space<hbm>> -> memref<80xi32, #tpu.memory_space<hbm>>
        tpu.wait_dma2 semaphore(%run_scoped3A : memref<!tpu.dma_semaphore, #tpu.memory_space<semaphore_mem>>) src(%dma_wait3A_53 : memref<80xi32, #tpu.memory_space<hbm>>) dst(%arg4 : memref<80xi32, #tpu.memory_space<vmem>>)
        tpu.yield
      }) : () -> ()
      "tpu.region"() ({
        %run_scoped3A = tpu.sem_alloc : memref<!tpu.dma_semaphore, #tpu.memory_space<semaphore_mem>>
        %dma_start3A = arith.constant 0 : i32
        %dma_start3A_44 = arith.constant 0 : i32
        %dma_start3A_45 = tpu.memref_slice %arg6[%dma_start3A, %dma_start3A_44] : memref<10000x128xf32, #tpu.memory_space<vmem_shared>> -> memref<10000x128xf32, #tpu.memory_space<vmem_shared>>
        tpu.enqueue_indirect_dma source(%arg5 : memref<80x128xf32, #tpu.memory_space<vmem>>) target(%dma_start3A_45 : memref<10000x128xf32, #tpu.memory_space<vmem_shared>>) offsets(%arg4 : memref<80xi32, #tpu.memory_space<vmem>>) semaphore(%run_scoped3A : memref<!tpu.dma_semaphore, #tpu.memory_space<semaphore_mem>>) {add = true}
        %dma_wait3A = arith.constant 0 : i32
        %dma_wait3A_46 = arith.constant 0 : i32
        %dma_wait3A_47 = tpu.memref_slice %arg6[%dma_wait3A, %dma_wait3A_46] : memref<10000x128xf32, #tpu.memory_space<vmem_shared>> -> memref<10000x128xf32, #tpu.memory_space<vmem_shared>>
        tpu.wait_indirect_dma semaphore(%run_scoped3A : memref<!tpu.dma_semaphore, #tpu.memory_space<semaphore_mem>>) src(%arg5 : memref<80x128xf32, #tpu.memory_space<vmem>>) dst(%dma_wait3A_47 : memref<10000x128xf32, #tpu.memory_space<vmem_shared>>)
        tpu.yield
      }) : () -> ()
      %scan3A_43 = arith.constant 0 : i32
      scf.yield %scan3A_43 : i32
    }
    %scan3A_35 = arith.constant 125 : i32
    %barrier3A_36 = arith.constant 0 : index
    tpu.barrier barrier_id(%barrier3A_36)
    %mul3A_37 = arith.constant 10000 : i32
    %mul3A_38 = arith.muli %arg0, %mul3A_37 : i32
    %add3A_39 = arith.addi %mul3A_38, %multiple_of3A : i32
    %multiple_of3A_40 = tpu.assume_multiple %add3A_39, 8 : i32
    "tpu.region"() ({
      %run_scoped3A = tpu.sem_alloc : memref<!tpu.dma_semaphore, #tpu.memory_space<semaphore_mem>>
      %dma_start3A = arith.constant 0 : i32
      %dma_start3A_41 = tpu.memref_slice %arg3[%multiple_of3A_40, %dma_start3A] : memref<20000x128xf32, #tpu.memory_space<hbm>> -> memref<640x128xf32, #tpu.memory_space<hbm>>
      %dma_start3A_42 = arith.constant 0 : i32
      %dma_start3A_43 = tpu.memref_slice %arg6[%multiple_of3A, %dma_start3A_42] : memref<10000x128xf32, #tpu.memory_space<vmem_shared>> -> memref<640x128xf32, #tpu.memory_space<vmem_shared>>
      tpu.enqueue_dma source(%dma_start3A_43 : memref<640x128xf32, #tpu.memory_space<vmem_shared>>) target(%dma_start3A_41 : memref<640x128xf32, #tpu.memory_space<hbm>>) target_semaphore(%run_scoped3A : memref<!tpu.dma_semaphore, #tpu.memory_space<semaphore_mem>>)
      %dma_wait3A = arith.constant 0 : i32
      %dma_wait3A_44 = tpu.memref_slice %arg3[%multiple_of3A_40, %dma_wait3A] : memref<20000x128xf32, #tpu.memory_space<hbm>> -> memref<640x128xf32, #tpu.memory_space<hbm>>
      %dma_wait3A_45 = arith.constant 0 : i32
      %dma_wait3A_46 = tpu.memref_slice %arg6[%multiple_of3A, %dma_wait3A_45] : memref<10000x128xf32, #tpu.memory_space<vmem_shared>> -> memref<640x128xf32, #tpu.memory_space<vmem_shared>>
      tpu.wait_dma2 semaphore(%run_scoped3A : memref<!tpu.dma_semaphore, #tpu.memory_space<semaphore_mem>>) src(%dma_wait3A_46 : memref<640x128xf32, #tpu.memory_space<vmem_shared>>) dst(%dma_wait3A_44 : memref<640x128xf32, #tpu.memory_space<hbm>>)
      tpu.yield
    }) : () -> ()
    return
  }
}

#map = affine_map<(d0, d1) -> (0, 0)>
#map1 = affine_map<(d0, d1) -> (0, 0, 0, 0)>
#map2 = affine_map<(d0, d1) -> (0, 0, 0)>
module attributes {stable_mosaic.version = 14 : i64} {
  func.func @_seg_body(%arg0: i32, %arg1: i32, %arg2: memref<20000x128xf32, #tpu.memory_space<hbm>>, %arg3: memref<2x16x125x80xi32, #tpu.memory_space<hbm>>, %arg4: memref<16x125x80xi32, #tpu.memory_space<hbm>>, %arg5: memref<20000x128xf32, #tpu.memory_space<hbm>>, %arg6: memref<125x80xi32, #tpu.memory_space<vmem>>, %arg7: memref<80xi32, #tpu.memory_space<vmem>>, %arg8: memref<80x128xf32, #tpu.memory_space<vmem>>, %arg9: memref<10000x128xf32, #tpu.memory_space<vmem_shared>>, %arg10: memref<!tpu.dma_semaphore, #tpu.memory_space<semaphore_mem>>) attributes {dimension_semantics = [#tpu.dimension_semantics<core_parallel>, #tpu.dimension_semantics<subcore_parallel>], iteration_bounds = array<i64: 2, 16>, scalar_prefetch = 0 : i64, scratch_operands = 5 : i64, tpu.core_type = #tpu.core_type<sc_vector_subcore>, window_params = [{transform_indices = #map}, {transform_indices = #map1}, {transform_indices = #map2}, {transform_indices = #map}]} {
    %scan3A = arith.constant 0 : i32
    %scan3A_0 = arith.constant 0 : i32
    %scan3A_1 = arith.constant 80 : i32
    %scan3A_2 = arith.addi %scan3A_0, %scan3A_1 : i32
    %scan3A_3 = arith.constant 1 : i32
    %scan3A_4 = scf.for %scan3A_34 = %scan3A_0 to %scan3A_2 step %scan3A_3 iter_args(%scan3A_35 = %scan3A) -> (i32)  : i32 {
      %broadcast_in_dim3A = arith.constant 0.000000e+00 : f32
      %broadcast_in_dim3A_36 = vector.broadcast %broadcast_in_dim3A : f32 to vector<16xf32>
      %swap3A = arith.index_cast %scan3A_34 : i32 to index
      %swap3A_37 = arith.constant 0 : index
      %swap3A_38 = tpu.vector_load %arg8[%swap3A, %swap3A_37] {strides = array<i32>} : memref<80x128xf32, #tpu.memory_space<vmem>>, vector<1x16xf32>,
      %swap3A_39 = vector.shape_cast %swap3A_38 : vector<1x16xf32> to vector<16xf32>
      %swap3A_40 = vector.shape_cast %broadcast_in_dim3A_36 : vector<16xf32> to vector<1x16xf32>
      tpu.vector_store %arg8[%swap3A, %swap3A_37], %swap3A_40 {strides = array<i32>} : memref<80x128xf32, #tpu.memory_space<vmem>>, vector<1x16xf32>,
      %broadcast_in_dim3A_41 = arith.constant 0.000000e+00 : f32
      %broadcast_in_dim3A_42 = vector.broadcast %broadcast_in_dim3A_41 : f32 to vector<16xf32>
      %swap3A_43 = arith.index_cast %scan3A_34 : i32 to index
      %swap3A_44 = arith.constant 16 : index
      %swap3A_45 = tpu.vector_load %arg8[%swap3A_43, %swap3A_44] {strides = array<i32>} : memref<80x128xf32, #tpu.memory_space<vmem>>, vector<1x16xf32>,
      %swap3A_46 = vector.shape_cast %swap3A_45 : vector<1x16xf32> to vector<16xf32>
      %swap3A_47 = vector.shape_cast %broadcast_in_dim3A_42 : vector<16xf32> to vector<1x16xf32>
      tpu.vector_store %arg8[%swap3A_43, %swap3A_44], %swap3A_47 {strides = array<i32>} : memref<80x128xf32, #tpu.memory_space<vmem>>, vector<1x16xf32>,
      %broadcast_in_dim3A_48 = arith.constant 0.000000e+00 : f32
      %broadcast_in_dim3A_49 = vector.broadcast %broadcast_in_dim3A_48 : f32 to vector<16xf32>
      %swap3A_50 = arith.index_cast %scan3A_34 : i32 to index
      %swap3A_51 = arith.constant 32 : index
      %swap3A_52 = tpu.vector_load %arg8[%swap3A_50, %swap3A_51] {strides = array<i32>} : memref<80x128xf32, #tpu.memory_space<vmem>>, vector<1x16xf32>,
      %swap3A_53 = vector.shape_cast %swap3A_52 : vector<1x16xf32> to vector<16xf32>
      %swap3A_54 = vector.shape_cast %broadcast_in_dim3A_49 : vector<16xf32> to vector<1x16xf32>
      tpu.vector_store %arg8[%swap3A_50, %swap3A_51], %swap3A_54 {strides = array<i32>} : memref<80x128xf32, #tpu.memory_space<vmem>>, vector<1x16xf32>,
      %broadcast_in_dim3A_55 = arith.constant 0.000000e+00 : f32
      %broadcast_in_dim3A_56 = vector.broadcast %broadcast_in_dim3A_55 : f32 to vector<16xf32>
      %swap3A_57 = arith.index_cast %scan3A_34 : i32 to index
      %swap3A_58 = arith.constant 48 : index
      %swap3A_59 = tpu.vector_load %arg8[%swap3A_57, %swap3A_58] {strides = array<i32>} : memref<80x128xf32, #tpu.memory_space<vmem>>, vector<1x16xf32>,
      %swap3A_60 = vector.shape_cast %swap3A_59 : vector<1x16xf32> to vector<16xf32>
      %swap3A_61 = vector.shape_cast %broadcast_in_dim3A_56 : vector<16xf32> to vector<1x16xf32>
      tpu.vector_store %arg8[%swap3A_57, %swap3A_58], %swap3A_61 {strides = array<i32>} : memref<80x128xf32, #tpu.memory_space<vmem>>, vector<1x16xf32>,
      %broadcast_in_dim3A_62 = arith.constant 0.000000e+00 : f32
      %broadcast_in_dim3A_63 = vector.broadcast %broadcast_in_dim3A_62 : f32 to vector<16xf32>
      %swap3A_64 = arith.index_cast %scan3A_34 : i32 to index
      %swap3A_65 = arith.constant 64 : index
      %swap3A_66 = tpu.vector_load %arg8[%swap3A_64, %swap3A_65] {strides = array<i32>} : memref<80x128xf32, #tpu.memory_space<vmem>>, vector<1x16xf32>,
      %swap3A_67 = vector.shape_cast %swap3A_66 : vector<1x16xf32> to vector<16xf32>
      %swap3A_68 = vector.shape_cast %broadcast_in_dim3A_63 : vector<16xf32> to vector<1x16xf32>
      tpu.vector_store %arg8[%swap3A_64, %swap3A_65], %swap3A_68 {strides = array<i32>} : memref<80x128xf32, #tpu.memory_space<vmem>>, vector<1x16xf32>,
      %broadcast_in_dim3A_69 = arith.constant 0.000000e+00 : f32
      %broadcast_in_dim3A_70 = vector.broadcast %broadcast_in_dim3A_69 : f32 to vector<16xf32>
      %swap3A_71 = arith.index_cast %scan3A_34 : i32 to index
      %swap3A_72 = arith.constant 80 : index
      %swap3A_73 = tpu.vector_load %arg8[%swap3A_71, %swap3A_72] {strides = array<i32>} : memref<80x128xf32, #tpu.memory_space<vmem>>, vector<1x16xf32>,
      %swap3A_74 = vector.shape_cast %swap3A_73 : vector<1x16xf32> to vector<16xf32>
      %swap3A_75 = vector.shape_cast %broadcast_in_dim3A_70 : vector<16xf32> to vector<1x16xf32>
      tpu.vector_store %arg8[%swap3A_71, %swap3A_72], %swap3A_75 {strides = array<i32>} : memref<80x128xf32, #tpu.memory_space<vmem>>, vector<1x16xf32>,
      %broadcast_in_dim3A_76 = arith.constant 0.000000e+00 : f32
      %broadcast_in_dim3A_77 = vector.broadcast %broadcast_in_dim3A_76 : f32 to vector<16xf32>
      %swap3A_78 = arith.index_cast %scan3A_34 : i32 to index
      %swap3A_79 = arith.constant 96 : index
      %swap3A_80 = tpu.vector_load %arg8[%swap3A_78, %swap3A_79] {strides = array<i32>} : memref<80x128xf32, #tpu.memory_space<vmem>>, vector<1x16xf32>,
      %swap3A_81 = vector.shape_cast %swap3A_80 : vector<1x16xf32> to vector<16xf32>
      %swap3A_82 = vector.shape_cast %broadcast_in_dim3A_77 : vector<16xf32> to vector<1x16xf32>
      tpu.vector_store %arg8[%swap3A_78, %swap3A_79], %swap3A_82 {strides = array<i32>} : memref<80x128xf32, #tpu.memory_space<vmem>>, vector<1x16xf32>,
      %broadcast_in_dim3A_83 = arith.constant 0.000000e+00 : f32
      %broadcast_in_dim3A_84 = vector.broadcast %broadcast_in_dim3A_83 : f32 to vector<16xf32>
      %swap3A_85 = arith.index_cast %scan3A_34 : i32 to index
      %swap3A_86 = arith.constant 112 : index
      %swap3A_87 = tpu.vector_load %arg8[%swap3A_85, %swap3A_86] {strides = array<i32>} : memref<80x128xf32, #tpu.memory_space<vmem>>, vector<1x16xf32>,
      %swap3A_88 = vector.shape_cast %swap3A_87 : vector<1x16xf32> to vector<16xf32>
      %swap3A_89 = vector.shape_cast %broadcast_in_dim3A_84 : vector<16xf32> to vector<1x16xf32>
      tpu.vector_store %arg8[%swap3A_85, %swap3A_86], %swap3A_89 {strides = array<i32>} : memref<80x128xf32, #tpu.memory_space<vmem>>, vector<1x16xf32>,
      %scan3A_90 = arith.constant 0 : i32
      scf.yield %scan3A_90 : i32
    }
    %scan3A_5 = arith.constant 80 : i32
    %mul3A = arith.constant 624 : i32
    %mul3A_6 = arith.muli %arg1, %mul3A : i32
    %multiple_of3A = tpu.assume_multiple %mul3A_6, 8 : i32
    %add3A = arith.constant 0 : i32
    %add3A_7 = arith.addi %multiple_of3A, %add3A : i32
    "tpu.region"() ({
      %run_scoped3A = tpu.sem_alloc : memref<!tpu.dma_semaphore, #tpu.memory_space<semaphore_mem>>
      %dma_start3A = arith.constant 0 : i32
      %dma_start3A_34 = tpu.memref_slice %arg9[%add3A_7, %dma_start3A] : memref<10000x128xf32, #tpu.memory_space<vmem_shared>> -> memref<80x128xf32, #tpu.memory_space<vmem_shared>>
      %dma_start3A_35 = arith.constant 0 : i32
      %dma_start3A_36 = tpu.memref_slice %arg9[%add3A_7, %dma_start3A_35] : memref<10000x128xf32, #tpu.memory_space<vmem_shared>> -> memref<80x128xf32, #tpu.memory_space<vmem_shared>>
      tpu.enqueue_dma source(%arg8 : memref<80x128xf32, #tpu.memory_space<vmem>>) target(%dma_start3A_36 : memref<80x128xf32, #tpu.memory_space<vmem_shared>>) target_semaphore(%run_scoped3A : memref<!tpu.dma_semaphore, #tpu.memory_space<semaphore_mem>>)
      %dma_wait3A = arith.constant 0 : i32
      %dma_wait3A_37 = tpu.memref_slice %arg9[%add3A_7, %dma_wait3A] : memref<10000x128xf32, #tpu.memory_space<vmem_shared>> -> memref<80x128xf32, #tpu.memory_space<vmem_shared>>
      %dma_wait3A_38 = arith.constant 0 : i32
      %dma_wait3A_39 = tpu.memref_slice %arg9[%add3A_7, %dma_wait3A_38] : memref<10000x128xf32, #tpu.memory_space<vmem_shared>> -> memref<80x128xf32, #tpu.memory_space<vmem_shared>>
      tpu.wait_dma2 semaphore(%run_scoped3A : memref<!tpu.dma_semaphore, #tpu.memory_space<semaphore_mem>>) src(%arg8 : memref<80x128xf32, #tpu.memory_space<vmem>>) dst(%dma_wait3A_39 : memref<80x128xf32, #tpu.memory_space<vmem_shared>>)
      tpu.yield
    }) : () -> ()
    %add3A_8 = arith.constant 80 : i32
    %add3A_9 = arith.addi %multiple_of3A, %add3A_8 : i32
    "tpu.region"() ({
      %run_scoped3A = tpu.sem_alloc : memref<!tpu.dma_semaphore, #tpu.memory_space<semaphore_mem>>
      %dma_start3A = arith.constant 0 : i32
      %dma_start3A_34 = tpu.memref_slice %arg9[%add3A_9, %dma_start3A] : memref<10000x128xf32, #tpu.memory_space<vmem_shared>> -> memref<80x128xf32, #tpu.memory_space<vmem_shared>>
      %dma_start3A_35 = arith.constant 0 : i32
      %dma_start3A_36 = tpu.memref_slice %arg9[%add3A_9, %dma_start3A_35] : memref<10000x128xf32, #tpu.memory_space<vmem_shared>> -> memref<80x128xf32, #tpu.memory_space<vmem_shared>>
      tpu.enqueue_dma source(%arg8 : memref<80x128xf32, #tpu.memory_space<vmem>>) target(%dma_start3A_36 : memref<80x128xf32, #tpu.memory_space<vmem_shared>>) target_semaphore(%run_scoped3A : memref<!tpu.dma_semaphore, #tpu.memory_space<semaphore_mem>>)
      %dma_wait3A = arith.constant 0 : i32
      %dma_wait3A_37 = tpu.memref_slice %arg9[%add3A_9, %dma_wait3A] : memref<10000x128xf32, #tpu.memory_space<vmem_shared>> -> memref<80x128xf32, #tpu.memory_space<vmem_shared>>
      %dma_wait3A_38 = arith.constant 0 : i32
      %dma_wait3A_39 = tpu.memref_slice %arg9[%add3A_9, %dma_wait3A_38] : memref<10000x128xf32, #tpu.memory_space<vmem_shared>> -> memref<80x128xf32, #tpu.memory_space<vmem_shared>>
      tpu.wait_dma2 semaphore(%run_scoped3A : memref<!tpu.dma_semaphore, #tpu.memory_space<semaphore_mem>>) src(%arg8 : memref<80x128xf32, #tpu.memory_space<vmem>>) dst(%dma_wait3A_39 : memref<80x128xf32, #tpu.memory_space<vmem_shared>>)
      tpu.yield
    }) : () -> ()
    %add3A_10 = arith.constant 160 : i32
    %add3A_11 = arith.addi %multiple_of3A, %add3A_10 : i32
    "tpu.region"() ({
      %run_scoped3A = tpu.sem_alloc : memref<!tpu.dma_semaphore, #tpu.memory_space<semaphore_mem>>
      %dma_start3A = arith.constant 0 : i32
      %dma_start3A_34 = tpu.memref_slice %arg9[%add3A_11, %dma_start3A] : memref<10000x128xf32, #tpu.memory_space<vmem_shared>> -> memref<80x128xf32, #tpu.memory_space<vmem_shared>>
      %dma_start3A_35 = arith.constant 0 : i32
      %dma_start3A_36 = tpu.memref_slice %arg9[%add3A_11, %dma_start3A_35] : memref<10000x128xf32, #tpu.memory_space<vmem_shared>> -> memref<80x128xf32, #tpu.memory_space<vmem_shared>>
      tpu.enqueue_dma source(%arg8 : memref<80x128xf32, #tpu.memory_space<vmem>>) target(%dma_start3A_36 : memref<80x128xf32, #tpu.memory_space<vmem_shared>>) target_semaphore(%run_scoped3A : memref<!tpu.dma_semaphore, #tpu.memory_space<semaphore_mem>>)
      %dma_wait3A = arith.constant 0 : i32
      %dma_wait3A_37 = tpu.memref_slice %arg9[%add3A_11, %dma_wait3A] : memref<10000x128xf32, #tpu.memory_space<vmem_shared>> -> memref<80x128xf32, #tpu.memory_space<vmem_shared>>
      %dma_wait3A_38 = arith.constant 0 : i32
      %dma_wait3A_39 = tpu.memref_slice %arg9[%add3A_11, %dma_wait3A_38] : memref<10000x128xf32, #tpu.memory_space<vmem_shared>> -> memref<80x128xf32, #tpu.memory_space<vmem_shared>>
      tpu.wait_dma2 semaphore(%run_scoped3A : memref<!tpu.dma_semaphore, #tpu.memory_space<semaphore_mem>>) src(%arg8 : memref<80x128xf32, #tpu.memory_space<vmem>>) dst(%dma_wait3A_39 : memref<80x128xf32, #tpu.memory_space<vmem_shared>>)
      tpu.yield
    }) : () -> ()
    %add3A_12 = arith.constant 240 : i32
    %add3A_13 = arith.addi %multiple_of3A, %add3A_12 : i32
    "tpu.region"() ({
      %run_scoped3A = tpu.sem_alloc : memref<!tpu.dma_semaphore, #tpu.memory_space<semaphore_mem>>
      %dma_start3A = arith.constant 0 : i32
      %dma_start3A_34 = tpu.memref_slice %arg9[%add3A_13, %dma_start3A] : memref<10000x128xf32, #tpu.memory_space<vmem_shared>> -> memref<80x128xf32, #tpu.memory_space<vmem_shared>>
      %dma_start3A_35 = arith.constant 0 : i32
      %dma_start3A_36 = tpu.memref_slice %arg9[%add3A_13, %dma_start3A_35] : memref<10000x128xf32, #tpu.memory_space<vmem_shared>> -> memref<80x128xf32, #tpu.memory_space<vmem_shared>>
      tpu.enqueue_dma source(%arg8 : memref<80x128xf32, #tpu.memory_space<vmem>>) target(%dma_start3A_36 : memref<80x128xf32, #tpu.memory_space<vmem_shared>>) target_semaphore(%run_scoped3A : memref<!tpu.dma_semaphore, #tpu.memory_space<semaphore_mem>>)
      %dma_wait3A = arith.constant 0 : i32
      %dma_wait3A_37 = tpu.memref_slice %arg9[%add3A_13, %dma_wait3A] : memref<10000x128xf32, #tpu.memory_space<vmem_shared>> -> memref<80x128xf32, #tpu.memory_space<vmem_shared>>
      %dma_wait3A_38 = arith.constant 0 : i32
      %dma_wait3A_39 = tpu.memref_slice %arg9[%add3A_13, %dma_wait3A_38] : memref<10000x128xf32, #tpu.memory_space<vmem_shared>> -> memref<80x128xf32, #tpu.memory_space<vmem_shared>>
      tpu.wait_dma2 semaphore(%run_scoped3A : memref<!tpu.dma_semaphore, #tpu.memory_space<semaphore_mem>>) src(%arg8 : memref<80x128xf32, #tpu.memory_space<vmem>>) dst(%dma_wait3A_39 : memref<80x128xf32, #tpu.memory_space<vmem_shared>>)
      tpu.yield
    }) : () -> ()
    %add3A_14 = arith.constant 320 : i32
    %add3A_15 = arith.addi %multiple_of3A, %add3A_14 : i32
    "tpu.region"() ({
      %run_scoped3A = tpu.sem_alloc : memref<!tpu.dma_semaphore, #tpu.memory_space<semaphore_mem>>
      %dma_start3A = arith.constant 0 : i32
      %dma_start3A_34 = tpu.memref_slice %arg9[%add3A_15, %dma_start3A] : memref<10000x128xf32, #tpu.memory_space<vmem_shared>> -> memref<80x128xf32, #tpu.memory_space<vmem_shared>>
      %dma_start3A_35 = arith.constant 0 : i32
      %dma_start3A_36 = tpu.memref_slice %arg9[%add3A_15, %dma_start3A_35] : memref<10000x128xf32, #tpu.memory_space<vmem_shared>> -> memref<80x128xf32, #tpu.memory_space<vmem_shared>>
      tpu.enqueue_dma source(%arg8 : memref<80x128xf32, #tpu.memory_space<vmem>>) target(%dma_start3A_36 : memref<80x128xf32, #tpu.memory_space<vmem_shared>>) target_semaphore(%run_scoped3A : memref<!tpu.dma_semaphore, #tpu.memory_space<semaphore_mem>>)
      %dma_wait3A = arith.constant 0 : i32
      %dma_wait3A_37 = tpu.memref_slice %arg9[%add3A_15, %dma_wait3A] : memref<10000x128xf32, #tpu.memory_space<vmem_shared>> -> memref<80x128xf32, #tpu.memory_space<vmem_shared>>
      %dma_wait3A_38 = arith.constant 0 : i32
      %dma_wait3A_39 = tpu.memref_slice %arg9[%add3A_15, %dma_wait3A_38] : memref<10000x128xf32, #tpu.memory_space<vmem_shared>> -> memref<80x128xf32, #tpu.memory_space<vmem_shared>>
      tpu.wait_dma2 semaphore(%run_scoped3A : memref<!tpu.dma_semaphore, #tpu.memory_space<semaphore_mem>>) src(%arg8 : memref<80x128xf32, #tpu.memory_space<vmem>>) dst(%dma_wait3A_39 : memref<80x128xf32, #tpu.memory_space<vmem_shared>>)
      tpu.yield
    }) : () -> ()
    %add3A_16 = arith.constant 400 : i32
    %add3A_17 = arith.addi %multiple_of3A, %add3A_16 : i32
    "tpu.region"() ({
      %run_scoped3A = tpu.sem_alloc : memref<!tpu.dma_semaphore, #tpu.memory_space<semaphore_mem>>
      %dma_start3A = arith.constant 0 : i32
      %dma_start3A_34 = tpu.memref_slice %arg9[%add3A_17, %dma_start3A] : memref<10000x128xf32, #tpu.memory_space<vmem_shared>> -> memref<80x128xf32, #tpu.memory_space<vmem_shared>>
      %dma_start3A_35 = arith.constant 0 : i32
      %dma_start3A_36 = tpu.memref_slice %arg9[%add3A_17, %dma_start3A_35] : memref<10000x128xf32, #tpu.memory_space<vmem_shared>> -> memref<80x128xf32, #tpu.memory_space<vmem_shared>>
      tpu.enqueue_dma source(%arg8 : memref<80x128xf32, #tpu.memory_space<vmem>>) target(%dma_start3A_36 : memref<80x128xf32, #tpu.memory_space<vmem_shared>>) target_semaphore(%run_scoped3A : memref<!tpu.dma_semaphore, #tpu.memory_space<semaphore_mem>>)
      %dma_wait3A = arith.constant 0 : i32
      %dma_wait3A_37 = tpu.memref_slice %arg9[%add3A_17, %dma_wait3A] : memref<10000x128xf32, #tpu.memory_space<vmem_shared>> -> memref<80x128xf32, #tpu.memory_space<vmem_shared>>
      %dma_wait3A_38 = arith.constant 0 : i32
      %dma_wait3A_39 = tpu.memref_slice %arg9[%add3A_17, %dma_wait3A_38] : memref<10000x128xf32, #tpu.memory_space<vmem_shared>> -> memref<80x128xf32, #tpu.memory_space<vmem_shared>>
      tpu.wait_dma2 semaphore(%run_scoped3A : memref<!tpu.dma_semaphore, #tpu.memory_space<semaphore_mem>>) src(%arg8 : memref<80x128xf32, #tpu.memory_space<vmem>>) dst(%dma_wait3A_39 : memref<80x128xf32, #tpu.memory_space<vmem_shared>>)
      tpu.yield
    }) : () -> ()
    %add3A_18 = arith.constant 480 : i32
    %add3A_19 = arith.addi %multiple_of3A, %add3A_18 : i32
    "tpu.region"() ({
      %run_scoped3A = tpu.sem_alloc : memref<!tpu.dma_semaphore, #tpu.memory_space<semaphore_mem>>
      %dma_start3A = arith.constant 0 : i32
      %dma_start3A_34 = tpu.memref_slice %arg9[%add3A_19, %dma_start3A] : memref<10000x128xf32, #tpu.memory_space<vmem_shared>> -> memref<80x128xf32, #tpu.memory_space<vmem_shared>>
      %dma_start3A_35 = arith.constant 0 : i32
      %dma_start3A_36 = tpu.memref_slice %arg9[%add3A_19, %dma_start3A_35] : memref<10000x128xf32, #tpu.memory_space<vmem_shared>> -> memref<80x128xf32, #tpu.memory_space<vmem_shared>>
      tpu.enqueue_dma source(%arg8 : memref<80x128xf32, #tpu.memory_space<vmem>>) target(%dma_start3A_36 : memref<80x128xf32, #tpu.memory_space<vmem_shared>>) target_semaphore(%run_scoped3A : memref<!tpu.dma_semaphore, #tpu.memory_space<semaphore_mem>>)
      %dma_wait3A = arith.constant 0 : i32
      %dma_wait3A_37 = tpu.memref_slice %arg9[%add3A_19, %dma_wait3A] : memref<10000x128xf32, #tpu.memory_space<vmem_shared>> -> memref<80x128xf32, #tpu.memory_space<vmem_shared>>
      %dma_wait3A_38 = arith.constant 0 : i32
      %dma_wait3A_39 = tpu.memref_slice %arg9[%add3A_19, %dma_wait3A_38] : memref<10000x128xf32, #tpu.memory_space<vmem_shared>> -> memref<80x128xf32, #tpu.memory_space<vmem_shared>>
      tpu.wait_dma2 semaphore(%run_scoped3A : memref<!tpu.dma_semaphore, #tpu.memory_space<semaphore_mem>>) src(%arg8 : memref<80x128xf32, #tpu.memory_space<vmem>>) dst(%dma_wait3A_39 : memref<80x128xf32, #tpu.memory_space<vmem_shared>>)
      tpu.yield
    }) : () -> ()
    %add3A_20 = arith.constant 560 : i32
    %add3A_21 = arith.addi %multiple_of3A, %add3A_20 : i32
    "tpu.region"() ({
      %run_scoped3A = tpu.sem_alloc : memref<!tpu.dma_semaphore, #tpu.memory_space<semaphore_mem>>
      %dma_start3A = arith.constant 0 : i32
      %dma_start3A_34 = tpu.memref_slice %arg9[%add3A_21, %dma_start3A] : memref<10000x128xf32, #tpu.memory_space<vmem_shared>> -> memref<80x128xf32, #tpu.memory_space<vmem_shared>>
      %dma_start3A_35 = arith.constant 0 : i32
      %dma_start3A_36 = tpu.memref_slice %arg9[%add3A_21, %dma_start3A_35] : memref<10000x128xf32, #tpu.memory_space<vmem_shared>> -> memref<80x128xf32, #tpu.memory_space<vmem_shared>>
      tpu.enqueue_dma source(%arg8 : memref<80x128xf32, #tpu.memory_space<vmem>>) target(%dma_start3A_36 : memref<80x128xf32, #tpu.memory_space<vmem_shared>>) target_semaphore(%run_scoped3A : memref<!tpu.dma_semaphore, #tpu.memory_space<semaphore_mem>>)
      %dma_wait3A = arith.constant 0 : i32
      %dma_wait3A_37 = tpu.memref_slice %arg9[%add3A_21, %dma_wait3A] : memref<10000x128xf32, #tpu.memory_space<vmem_shared>> -> memref<80x128xf32, #tpu.memory_space<vmem_shared>>
      %dma_wait3A_38 = arith.constant 0 : i32
      %dma_wait3A_39 = tpu.memref_slice %arg9[%add3A_21, %dma_wait3A_38] : memref<10000x128xf32, #tpu.memory_space<vmem_shared>> -> memref<80x128xf32, #tpu.memory_space<vmem_shared>>
      tpu.wait_dma2 semaphore(%run_scoped3A : memref<!tpu.dma_semaphore, #tpu.memory_space<semaphore_mem>>) src(%arg8 : memref<80x128xf32, #tpu.memory_space<vmem>>) dst(%dma_wait3A_39 : memref<80x128xf32, #tpu.memory_space<vmem_shared>>)
      tpu.yield
    }) : () -> ()
    "tpu.region"() ({
      %run_scoped3A = tpu.sem_alloc : memref<!tpu.dma_semaphore, #tpu.memory_space<semaphore_mem>>
      %dma_start3A = arith.constant 0 : i32
      %dma_start3A_34 = arith.constant 0 : i32
      %dma_start3A_35 = tpu.memref_slice %arg3[%arg0, %arg1, %dma_start3A, %dma_start3A_34] : memref<2x16x125x80xi32, #tpu.memory_space<hbm>> -> memref<1x1x125x80xi32, #tpu.memory_space<hbm>>
      %dma_start3A_36 = tpu.memref_squeeze %dma_start3A_35 : memref<1x1x125x80xi32, #tpu.memory_space<hbm>> -> memref<125x80xi32, #tpu.memory_space<hbm>>
      %dma_start3A_37 = arith.constant 0 : i32
      %dma_start3A_38 = arith.constant 0 : i32
      %dma_start3A_39 = tpu.memref_slice %arg3[%arg0, %arg1, %dma_start3A_37, %dma_start3A_38] : memref<2x16x125x80xi32, #tpu.memory_space<hbm>> -> memref<1x1x125x80xi32, #tpu.memory_space<hbm>>
      %dma_start3A_40 = tpu.memref_squeeze %dma_start3A_39 : memref<1x1x125x80xi32, #tpu.memory_space<hbm>> -> memref<125x80xi32, #tpu.memory_space<hbm>>
      tpu.enqueue_dma source(%dma_start3A_40 : memref<125x80xi32, #tpu.memory_space<hbm>>) target(%arg6 : memref<125x80xi32, #tpu.memory_space<vmem>>) target_semaphore(%run_scoped3A : memref<!tpu.dma_semaphore, #tpu.memory_space<semaphore_mem>>)
      %dma_wait3A = arith.constant 0 : i32
      %dma_wait3A_41 = arith.constant 0 : i32
      %dma_wait3A_42 = tpu.memref_slice %arg3[%arg0, %arg1, %dma_wait3A, %dma_wait3A_41] : memref<2x16x125x80xi32, #tpu.memory_space<hbm>> -> memref<1x1x125x80xi32, #tpu.memory_space<hbm>>
      %dma_wait3A_43 = tpu.memref_squeeze %dma_wait3A_42 : memref<1x1x125x80xi32, #tpu.memory_space<hbm>> -> memref<125x80xi32, #tpu.memory_space<hbm>>
      %dma_wait3A_44 = arith.constant 0 : i32
      %dma_wait3A_45 = arith.constant 0 : i32
      %dma_wait3A_46 = tpu.memref_slice %arg3[%arg0, %arg1, %dma_wait3A_44, %dma_wait3A_45] : memref<2x16x125x80xi32, #tpu.memory_space<hbm>> -> memref<1x1x125x80xi32, #tpu.memory_space<hbm>>
      %dma_wait3A_47 = tpu.memref_squeeze %dma_wait3A_46 : memref<1x1x125x80xi32, #tpu.memory_space<hbm>> -> memref<125x80xi32, #tpu.memory_space<hbm>>
      tpu.wait_dma2 semaphore(%run_scoped3A : memref<!tpu.dma_semaphore, #tpu.memory_space<semaphore_mem>>) src(%dma_wait3A_47 : memref<125x80xi32, #tpu.memory_space<hbm>>) dst(%arg6 : memref<125x80xi32, #tpu.memory_space<vmem>>)
      tpu.yield
    }) : () -> ()
    %barrier3A = arith.constant 0 : index
    tpu.barrier barrier_id(%barrier3A)
    %scan3A_22 = arith.constant 0 : i32
    %scan3A_23 = arith.constant 0 : i32
    %scan3A_24 = arith.constant 125 : i32
    %scan3A_25 = arith.addi %scan3A_23, %scan3A_24 : i32
    %scan3A_26 = arith.constant 1 : i32
    %scan3A_27 = scf.for %scan3A_34 = %scan3A_23 to %scan3A_25 step %scan3A_26 iter_args(%scan3A_35 = %scan3A_22) -> (i32)  : i32 {
      "tpu.region"() ({
        %run_scoped3A = tpu.sem_alloc : memref<!tpu.dma_semaphore, #tpu.memory_space<semaphore_mem>>
        %dma_start3A_47 = arith.constant 0 : i32
        %dma_start3A_48 = tpu.memref_slice %arg4[%arg1, %scan3A_34, %dma_start3A_47] : memref<16x125x80xi32, #tpu.memory_space<hbm>> -> memref<1x1x80xi32, #tpu.memory_space<hbm>>
        %dma_start3A_49 = tpu.memref_squeeze %dma_start3A_48 : memref<1x1x80xi32, #tpu.memory_space<hbm>> -> memref<80xi32, #tpu.memory_space<hbm>>
        %dma_start3A_50 = arith.constant 0 : i32
        %dma_start3A_51 = tpu.memref_slice %arg4[%arg1, %scan3A_34, %dma_start3A_50] : memref<16x125x80xi32, #tpu.memory_space<hbm>> -> memref<1x1x80xi32, #tpu.memory_space<hbm>>
        %dma_start3A_52 = tpu.memref_squeeze %dma_start3A_51 : memref<1x1x80xi32, #tpu.memory_space<hbm>> -> memref<80xi32, #tpu.memory_space<hbm>>
        tpu.enqueue_dma source(%dma_start3A_52 : memref<80xi32, #tpu.memory_space<hbm>>) target(%arg7 : memref<80xi32, #tpu.memory_space<vmem>>) target_semaphore(%run_scoped3A : memref<!tpu.dma_semaphore, #tpu.memory_space<semaphore_mem>>)
        %dma_wait3A_53 = arith.constant 0 : i32
        %dma_wait3A_54 = tpu.memref_slice %arg4[%arg1, %scan3A_34, %dma_wait3A_53] : memref<16x125x80xi32, #tpu.memory_space<hbm>> -> memref<1x1x80xi32, #tpu.memory_space<hbm>>
        %dma_wait3A_55 = tpu.memref_squeeze %dma_wait3A_54 : memref<1x1x80xi32, #tpu.memory_space<hbm>> -> memref<80xi32, #tpu.memory_space<hbm>>
        %dma_wait3A_56 = arith.constant 0 : i32
        %dma_wait3A_57 = tpu.memref_slice %arg4[%arg1, %scan3A_34, %dma_wait3A_56] : memref<16x125x80xi32, #tpu.memory_space<hbm>> -> memref<1x1x80xi32, #tpu.memory_space<hbm>>
        %dma_wait3A_58 = tpu.memref_squeeze %dma_wait3A_57 : memref<1x1x80xi32, #tpu.memory_space<hbm>> -> memref<80xi32, #tpu.memory_space<hbm>>
        tpu.wait_dma2 semaphore(%run_scoped3A : memref<!tpu.dma_semaphore, #tpu.memory_space<semaphore_mem>>) src(%dma_wait3A_58 : memref<80xi32, #tpu.memory_space<hbm>>) dst(%arg7 : memref<80xi32, #tpu.memory_space<vmem>>)
        tpu.yield
      }) : () -> ()
      %dma_start3A = arith.constant 0 : i32
      %dma_start3A_36 = tpu.memref_slice %arg6[%scan3A_34, %dma_start3A] : memref<125x80xi32, #tpu.memory_space<vmem>> -> memref<1x80xi32, #tpu.memory_space<vmem>>
      %dma_start3A_37 = tpu.memref_squeeze %dma_start3A_36 : memref<1x80xi32, #tpu.memory_space<vmem>> -> memref<80xi32, #tpu.memory_space<vmem>>
      %dma_start3A_38 = arith.constant 0 : i32
      %dma_start3A_39 = arith.constant 0 : i32
      %dma_start3A_40 = tpu.memref_slice %arg2[%dma_start3A_38, %dma_start3A_39] : memref<20000x128xf32, #tpu.memory_space<hbm>> -> memref<20000x128xf32, #tpu.memory_space<hbm>>
      tpu.enqueue_indirect_dma source(%dma_start3A_40 : memref<20000x128xf32, #tpu.memory_space<hbm>>) target(%arg8 : memref<80x128xf32, #tpu.memory_space<vmem>>) offsets(%dma_start3A_37 : memref<80xi32, #tpu.memory_space<vmem>>) semaphore(%arg10 : memref<!tpu.dma_semaphore, #tpu.memory_space<semaphore_mem>>)
      %dma_wait3A = arith.constant 0 : i32
      %dma_wait3A_41 = tpu.memref_slice %arg6[%scan3A_34, %dma_wait3A] : memref<125x80xi32, #tpu.memory_space<vmem>> -> memref<1x80xi32, #tpu.memory_space<vmem>>
      %dma_wait3A_42 = tpu.memref_squeeze %dma_wait3A_41 : memref<1x80xi32, #tpu.memory_space<vmem>> -> memref<80xi32, #tpu.memory_space<vmem>>
      %dma_wait3A_43 = arith.constant 0 : i32
      %dma_wait3A_44 = arith.constant 0 : i32
      %dma_wait3A_45 = tpu.memref_slice %arg2[%dma_wait3A_43, %dma_wait3A_44] : memref<20000x128xf32, #tpu.memory_space<hbm>> -> memref<20000x128xf32, #tpu.memory_space<hbm>>
      tpu.wait_indirect_dma semaphore(%arg10 : memref<!tpu.dma_semaphore, #tpu.memory_space<semaphore_mem>>) src(%dma_wait3A_45 : memref<20000x128xf32, #tpu.memory_space<hbm>>) dst(%arg8 : memref<80x128xf32, #tpu.memory_space<vmem>>)
      "tpu.region"() ({
        %run_scoped3A = tpu.sem_alloc : memref<!tpu.dma_semaphore, #tpu.memory_space<semaphore_mem>>
        %dma_start3A_47 = arith.constant 0 : i32
        %dma_start3A_48 = arith.constant 0 : i32
        %dma_start3A_49 = tpu.memref_slice %arg9[%dma_start3A_47, %dma_start3A_48] : memref<10000x128xf32, #tpu.memory_space<vmem_shared>> -> memref<10000x128xf32, #tpu.memory_space<vmem_shared>>
        tpu.enqueue_indirect_dma source(%arg8 : memref<80x128xf32, #tpu.memory_space<vmem>>) target(%dma_start3A_49 : memref<10000x128xf32, #tpu.memory_space<vmem_shared>>) offsets(%arg7 : memref<80xi32, #tpu.memory_space<vmem>>) semaphore(%run_scoped3A : memref<!tpu.dma_semaphore, #tpu.memory_space<semaphore_mem>>) {add = true}
        %dma_wait3A_50 = arith.constant 0 : i32
        %dma_wait3A_51 = arith.constant 0 : i32
        %dma_wait3A_52 = tpu.memref_slice %arg9[%dma_wait3A_50, %dma_wait3A_51] : memref<10000x128xf32, #tpu.memory_space<vmem_shared>> -> memref<10000x128xf32, #tpu.memory_space<vmem_shared>>
        tpu.wait_indirect_dma semaphore(%run_scoped3A : memref<!tpu.dma_semaphore, #tpu.memory_space<semaphore_mem>>) src(%arg8 : memref<80x128xf32, #tpu.memory_space<vmem>>) dst(%dma_wait3A_52 : memref<10000x128xf32, #tpu.memory_space<vmem_shared>>)
        tpu.yield
      }) : () -> ()
      %scan3A_46 = arith.constant 0 : i32
      scf.yield %scan3A_46 : i32
    }
    %scan3A_28 = arith.constant 125 : i32
    %barrier3A_29 = arith.constant 0 : index
    tpu.barrier barrier_id(%barrier3A_29)
    %mul3A_30 = arith.constant 10000 : i32
    %mul3A_31 = arith.muli %arg0, %mul3A_30 : i32
    %add3A_32 = arith.addi %mul3A_31, %multiple_of3A : i32
    %multiple_of3A_33 = tpu.assume_multiple %add3A_32, 8 : i32
    "tpu.region"() ({
      %run_scoped3A = tpu.sem_alloc : memref<!tpu.dma_semaphore, #tpu.memory_space<semaphore_mem>>
      %dma_start3A = arith.constant 0 : i32
      %dma_start3A_34 = tpu.memref_slice %arg5[%multiple_of3A_33, %dma_start3A] : memref<20000x128xf32, #tpu.memory_space<hbm>> -> memref<640x128xf32, #tpu.memory_space<hbm>>
      %dma_start3A_35 = arith.constant 0 : i32
      %dma_start3A_36 = tpu.memref_slice %arg9[%multiple_of3A, %dma_start3A_35] : memref<10000x128xf32, #tpu.memory_space<vmem_shared>> -> memref<640x128xf32, #tpu.memory_space<vmem_shared>>
      tpu.enqueue_dma source(%dma_start3A_36 : memref<640x128xf32, #tpu.memory_space<vmem_shared>>) target(%dma_start3A_34 : memref<640x128xf32, #tpu.memory_space<hbm>>) target_semaphore(%run_scoped3A : memref<!tpu.dma_semaphore, #tpu.memory_space<semaphore_mem>>)
      %dma_wait3A = arith.constant 0 : i32
      %dma_wait3A_37 = tpu.memref_slice %arg5[%multiple_of3A_33, %dma_wait3A] : memref<20000x128xf32, #tpu.memory_space<hbm>> -> memref<640x128xf32, #tpu.memory_space<hbm>>
      %dma_wait3A_38 = arith.constant 0 : i32
      %dma_wait3A_39 = tpu.memref_slice %arg9[%multiple_of3A, %dma_wait3A_38] : memref<10000x128xf32, #tpu.memory_space<vmem_shared>> -> memref<640x128xf32, #tpu.memory_space<vmem_shared>>
      tpu.wait_dma2 semaphore(%run_scoped3A : memref<!tpu.dma_semaphore, #tpu.memory_space<semaphore_mem>>) src(%dma_wait3A_39 : memref<640x128xf32, #tpu.memory_space<vmem_shared>>) dst(%dma_wait3A_37 : memref<640x128xf32, #tpu.memory_space<hbm>>)
      tpu.yield
    }) : () -> ()
    return
  }
}

#map = affine_map<(d0, d1) -> (0, 0)>
#map1 = affine_map<(d0, d1) -> (0, 0, 0, 0)>
#map2 = affine_map<(d0, d1) -> (0, 0, 0)>
module attributes {stable_mosaic.version = 14 : i64} {
  func.func @_seg_body(%arg0: i32, %arg1: i32, %arg2: memref<20000x128xf32, #tpu.memory_space<hbm>>, %arg3: memref<2x16x125x80xi32, #tpu.memory_space<hbm>>, %arg4: memref<16x125x80xi32, #tpu.memory_space<hbm>>, %arg5: memref<20000x128xf32, #tpu.memory_space<hbm>>, %arg6: memref<125x80xi32, #tpu.memory_space<vmem>>, %arg7: memref<80xi32, #tpu.memory_space<vmem>>, %arg8: memref<80x128xf32, #tpu.memory_space<vmem>>, %arg9: memref<10000x128xf32, #tpu.memory_space<vmem_shared>>, %arg10: memref<!tpu.dma_semaphore, #tpu.memory_space<semaphore_mem>>) attributes {dimension_semantics = [#tpu.dimension_semantics<core_parallel>, #tpu.dimension_semantics<subcore_parallel>], iteration_bounds = array<i64: 2, 16>, scalar_prefetch = 0 : i64, scratch_operands = 5 : i64, tpu.core_type = #tpu.core_type<sc_vector_subcore>, window_params = [{transform_indices = #map}, {transform_indices = #map1}, {transform_indices = #map2}, {transform_indices = #map}]} {
    %scan3A = arith.constant 0 : i32
    %scan3A_0 = arith.constant 0 : i32
    %scan3A_1 = arith.constant 80 : i32
    %scan3A_2 = arith.addi %scan3A_0, %scan3A_1 : i32
    %scan3A_3 = arith.constant 1 : i32
    %scan3A_4 = scf.for %scan3A_34 = %scan3A_0 to %scan3A_2 step %scan3A_3 iter_args(%scan3A_35 = %scan3A) -> (i32)  : i32 {
      %broadcast_in_dim3A = arith.constant 0.000000e+00 : f32
      %broadcast_in_dim3A_36 = vector.broadcast %broadcast_in_dim3A : f32 to vector<16xf32>
      %swap3A = arith.index_cast %scan3A_34 : i32 to index
      %swap3A_37 = arith.constant 0 : index
      %swap3A_38 = tpu.vector_load %arg8[%swap3A, %swap3A_37] {strides = array<i32>} : memref<80x128xf32, #tpu.memory_space<vmem>>, vector<1x16xf32>,
      %swap3A_39 = vector.shape_cast %swap3A_38 : vector<1x16xf32> to vector<16xf32>
      %swap3A_40 = vector.shape_cast %broadcast_in_dim3A_36 : vector<16xf32> to vector<1x16xf32>
      tpu.vector_store %arg8[%swap3A, %swap3A_37], %swap3A_40 {strides = array<i32>} : memref<80x128xf32, #tpu.memory_space<vmem>>, vector<1x16xf32>,
      %broadcast_in_dim3A_41 = arith.constant 0.000000e+00 : f32
      %broadcast_in_dim3A_42 = vector.broadcast %broadcast_in_dim3A_41 : f32 to vector<16xf32>
      %swap3A_43 = arith.index_cast %scan3A_34 : i32 to index
      %swap3A_44 = arith.constant 16 : index
      %swap3A_45 = tpu.vector_load %arg8[%swap3A_43, %swap3A_44] {strides = array<i32>} : memref<80x128xf32, #tpu.memory_space<vmem>>, vector<1x16xf32>,
      %swap3A_46 = vector.shape_cast %swap3A_45 : vector<1x16xf32> to vector<16xf32>
      %swap3A_47 = vector.shape_cast %broadcast_in_dim3A_42 : vector<16xf32> to vector<1x16xf32>
      tpu.vector_store %arg8[%swap3A_43, %swap3A_44], %swap3A_47 {strides = array<i32>} : memref<80x128xf32, #tpu.memory_space<vmem>>, vector<1x16xf32>,
      %broadcast_in_dim3A_48 = arith.constant 0.000000e+00 : f32
      %broadcast_in_dim3A_49 = vector.broadcast %broadcast_in_dim3A_48 : f32 to vector<16xf32>
      %swap3A_50 = arith.index_cast %scan3A_34 : i32 to index
      %swap3A_51 = arith.constant 32 : index
      %swap3A_52 = tpu.vector_load %arg8[%swap3A_50, %swap3A_51] {strides = array<i32>} : memref<80x128xf32, #tpu.memory_space<vmem>>, vector<1x16xf32>,
      %swap3A_53 = vector.shape_cast %swap3A_52 : vector<1x16xf32> to vector<16xf32>
      %swap3A_54 = vector.shape_cast %broadcast_in_dim3A_49 : vector<16xf32> to vector<1x16xf32>
      tpu.vector_store %arg8[%swap3A_50, %swap3A_51], %swap3A_54 {strides = array<i32>} : memref<80x128xf32, #tpu.memory_space<vmem>>, vector<1x16xf32>,
      %broadcast_in_dim3A_55 = arith.constant 0.000000e+00 : f32
      %broadcast_in_dim3A_56 = vector.broadcast %broadcast_in_dim3A_55 : f32 to vector<16xf32>
      %swap3A_57 = arith.index_cast %scan3A_34 : i32 to index
      %swap3A_58 = arith.constant 48 : index
      %swap3A_59 = tpu.vector_load %arg8[%swap3A_57, %swap3A_58] {strides = array<i32>} : memref<80x128xf32, #tpu.memory_space<vmem>>, vector<1x16xf32>,
      %swap3A_60 = vector.shape_cast %swap3A_59 : vector<1x16xf32> to vector<16xf32>
      %swap3A_61 = vector.shape_cast %broadcast_in_dim3A_56 : vector<16xf32> to vector<1x16xf32>
      tpu.vector_store %arg8[%swap3A_57, %swap3A_58], %swap3A_61 {strides = array<i32>} : memref<80x128xf32, #tpu.memory_space<vmem>>, vector<1x16xf32>,
      %broadcast_in_dim3A_62 = arith.constant 0.000000e+00 : f32
      %broadcast_in_dim3A_63 = vector.broadcast %broadcast_in_dim3A_62 : f32 to vector<16xf32>
      %swap3A_64 = arith.index_cast %scan3A_34 : i32 to index
      %swap3A_65 = arith.constant 64 : index
      %swap3A_66 = tpu.vector_load %arg8[%swap3A_64, %swap3A_65] {strides = array<i32>} : memref<80x128xf32, #tpu.memory_space<vmem>>, vector<1x16xf32>,
      %swap3A_67 = vector.shape_cast %swap3A_66 : vector<1x16xf32> to vector<16xf32>
      %swap3A_68 = vector.shape_cast %broadcast_in_dim3A_63 : vector<16xf32> to vector<1x16xf32>
      tpu.vector_store %arg8[%swap3A_64, %swap3A_65], %swap3A_68 {strides = array<i32>} : memref<80x128xf32, #tpu.memory_space<vmem>>, vector<1x16xf32>,
      %broadcast_in_dim3A_69 = arith.constant 0.000000e+00 : f32
      %broadcast_in_dim3A_70 = vector.broadcast %broadcast_in_dim3A_69 : f32 to vector<16xf32>
      %swap3A_71 = arith.index_cast %scan3A_34 : i32 to index
      %swap3A_72 = arith.constant 80 : index
      %swap3A_73 = tpu.vector_load %arg8[%swap3A_71, %swap3A_72] {strides = array<i32>} : memref<80x128xf32, #tpu.memory_space<vmem>>, vector<1x16xf32>,
      %swap3A_74 = vector.shape_cast %swap3A_73 : vector<1x16xf32> to vector<16xf32>
      %swap3A_75 = vector.shape_cast %broadcast_in_dim3A_70 : vector<16xf32> to vector<1x16xf32>
      tpu.vector_store %arg8[%swap3A_71, %swap3A_72], %swap3A_75 {strides = array<i32>} : memref<80x128xf32, #tpu.memory_space<vmem>>, vector<1x16xf32>,
      %broadcast_in_dim3A_76 = arith.constant 0.000000e+00 : f32
      %broadcast_in_dim3A_77 = vector.broadcast %broadcast_in_dim3A_76 : f32 to vector<16xf32>
      %swap3A_78 = arith.index_cast %scan3A_34 : i32 to index
      %swap3A_79 = arith.constant 96 : index
      %swap3A_80 = tpu.vector_load %arg8[%swap3A_78, %swap3A_79] {strides = array<i32>} : memref<80x128xf32, #tpu.memory_space<vmem>>, vector<1x16xf32>,
      %swap3A_81 = vector.shape_cast %swap3A_80 : vector<1x16xf32> to vector<16xf32>
      %swap3A_82 = vector.shape_cast %broadcast_in_dim3A_77 : vector<16xf32> to vector<1x16xf32>
      tpu.vector_store %arg8[%swap3A_78, %swap3A_79], %swap3A_82 {strides = array<i32>} : memref<80x128xf32, #tpu.memory_space<vmem>>, vector<1x16xf32>,
      %broadcast_in_dim3A_83 = arith.constant 0.000000e+00 : f32
      %broadcast_in_dim3A_84 = vector.broadcast %broadcast_in_dim3A_83 : f32 to vector<16xf32>
      %swap3A_85 = arith.index_cast %scan3A_34 : i32 to index
      %swap3A_86 = arith.constant 112 : index
      %swap3A_87 = tpu.vector_load %arg8[%swap3A_85, %swap3A_86] {strides = array<i32>} : memref<80x128xf32, #tpu.memory_space<vmem>>, vector<1x16xf32>,
      %swap3A_88 = vector.shape_cast %swap3A_87 : vector<1x16xf32> to vector<16xf32>
      %swap3A_89 = vector.shape_cast %broadcast_in_dim3A_84 : vector<16xf32> to vector<1x16xf32>
      tpu.vector_store %arg8[%swap3A_85, %swap3A_86], %swap3A_89 {strides = array<i32>} : memref<80x128xf32, #tpu.memory_space<vmem>>, vector<1x16xf32>,
      %scan3A_90 = arith.constant 0 : i32
      scf.yield %scan3A_90 : i32
    }
    %scan3A_5 = arith.constant 80 : i32
    %mul3A = arith.constant 624 : i32
    %mul3A_6 = arith.muli %arg1, %mul3A : i32
    %multiple_of3A = tpu.assume_multiple %mul3A_6, 8 : i32
    %add3A = arith.constant 0 : i32
    %add3A_7 = arith.addi %multiple_of3A, %add3A : i32
    "tpu.region"() ({
      %run_scoped3A = tpu.sem_alloc : memref<!tpu.dma_semaphore, #tpu.memory_space<semaphore_mem>>
      %dma_start3A = arith.constant 0 : i32
      %dma_start3A_34 = tpu.memref_slice %arg9[%add3A_7, %dma_start3A] : memref<10000x128xf32, #tpu.memory_space<vmem_shared>> -> memref<80x128xf32, #tpu.memory_space<vmem_shared>>
      %dma_start3A_35 = arith.constant 0 : i32
      %dma_start3A_36 = tpu.memref_slice %arg9[%add3A_7, %dma_start3A_35] : memref<10000x128xf32, #tpu.memory_space<vmem_shared>> -> memref<80x128xf32, #tpu.memory_space<vmem_shared>>
      tpu.enqueue_dma source(%arg8 : memref<80x128xf32, #tpu.memory_space<vmem>>) target(%dma_start3A_36 : memref<80x128xf32, #tpu.memory_space<vmem_shared>>) target_semaphore(%run_scoped3A : memref<!tpu.dma_semaphore, #tpu.memory_space<semaphore_mem>>)
      %dma_wait3A = arith.constant 0 : i32
      %dma_wait3A_37 = tpu.memref_slice %arg9[%add3A_7, %dma_wait3A] : memref<10000x128xf32, #tpu.memory_space<vmem_shared>> -> memref<80x128xf32, #tpu.memory_space<vmem_shared>>
      %dma_wait3A_38 = arith.constant 0 : i32
      %dma_wait3A_39 = tpu.memref_slice %arg9[%add3A_7, %dma_wait3A_38] : memref<10000x128xf32, #tpu.memory_space<vmem_shared>> -> memref<80x128xf32, #tpu.memory_space<vmem_shared>>
      tpu.wait_dma2 semaphore(%run_scoped3A : memref<!tpu.dma_semaphore, #tpu.memory_space<semaphore_mem>>) src(%arg8 : memref<80x128xf32, #tpu.memory_space<vmem>>) dst(%dma_wait3A_39 : memref<80x128xf32, #tpu.memory_space<vmem_shared>>)
      tpu.yield
    }) : () -> ()
    %add3A_8 = arith.constant 80 : i32
    %add3A_9 = arith.addi %multiple_of3A, %add3A_8 : i32
    "tpu.region"() ({
      %run_scoped3A = tpu.sem_alloc : memref<!tpu.dma_semaphore, #tpu.memory_space<semaphore_mem>>
      %dma_start3A = arith.constant 0 : i32
      %dma_start3A_34 = tpu.memref_slice %arg9[%add3A_9, %dma_start3A] : memref<10000x128xf32, #tpu.memory_space<vmem_shared>> -> memref<80x128xf32, #tpu.memory_space<vmem_shared>>
      %dma_start3A_35 = arith.constant 0 : i32
      %dma_start3A_36 = tpu.memref_slice %arg9[%add3A_9, %dma_start3A_35] : memref<10000x128xf32, #tpu.memory_space<vmem_shared>> -> memref<80x128xf32, #tpu.memory_space<vmem_shared>>
      tpu.enqueue_dma source(%arg8 : memref<80x128xf32, #tpu.memory_space<vmem>>) target(%dma_start3A_36 : memref<80x128xf32, #tpu.memory_space<vmem_shared>>) target_semaphore(%run_scoped3A : memref<!tpu.dma_semaphore, #tpu.memory_space<semaphore_mem>>)
      %dma_wait3A = arith.constant 0 : i32
      %dma_wait3A_37 = tpu.memref_slice %arg9[%add3A_9, %dma_wait3A] : memref<10000x128xf32, #tpu.memory_space<vmem_shared>> -> memref<80x128xf32, #tpu.memory_space<vmem_shared>>
      %dma_wait3A_38 = arith.constant 0 : i32
      %dma_wait3A_39 = tpu.memref_slice %arg9[%add3A_9, %dma_wait3A_38] : memref<10000x128xf32, #tpu.memory_space<vmem_shared>> -> memref<80x128xf32, #tpu.memory_space<vmem_shared>>
      tpu.wait_dma2 semaphore(%run_scoped3A : memref<!tpu.dma_semaphore, #tpu.memory_space<semaphore_mem>>) src(%arg8 : memref<80x128xf32, #tpu.memory_space<vmem>>) dst(%dma_wait3A_39 : memref<80x128xf32, #tpu.memory_space<vmem_shared>>)
      tpu.yield
    }) : () -> ()
    %add3A_10 = arith.constant 160 : i32
    %add3A_11 = arith.addi %multiple_of3A, %add3A_10 : i32
    "tpu.region"() ({
      %run_scoped3A = tpu.sem_alloc : memref<!tpu.dma_semaphore, #tpu.memory_space<semaphore_mem>>
      %dma_start3A = arith.constant 0 : i32
      %dma_start3A_34 = tpu.memref_slice %arg9[%add3A_11, %dma_start3A] : memref<10000x128xf32, #tpu.memory_space<vmem_shared>> -> memref<80x128xf32, #tpu.memory_space<vmem_shared>>
      %dma_start3A_35 = arith.constant 0 : i32
      %dma_start3A_36 = tpu.memref_slice %arg9[%add3A_11, %dma_start3A_35] : memref<10000x128xf32, #tpu.memory_space<vmem_shared>> -> memref<80x128xf32, #tpu.memory_space<vmem_shared>>
      tpu.enqueue_dma source(%arg8 : memref<80x128xf32, #tpu.memory_space<vmem>>) target(%dma_start3A_36 : memref<80x128xf32, #tpu.memory_space<vmem_shared>>) target_semaphore(%run_scoped3A : memref<!tpu.dma_semaphore, #tpu.memory_space<semaphore_mem>>)
      %dma_wait3A = arith.constant 0 : i32
      %dma_wait3A_37 = tpu.memref_slice %arg9[%add3A_11, %dma_wait3A] : memref<10000x128xf32, #tpu.memory_space<vmem_shared>> -> memref<80x128xf32, #tpu.memory_space<vmem_shared>>
      %dma_wait3A_38 = arith.constant 0 : i32
      %dma_wait3A_39 = tpu.memref_slice %arg9[%add3A_11, %dma_wait3A_38] : memref<10000x128xf32, #tpu.memory_space<vmem_shared>> -> memref<80x128xf32, #tpu.memory_space<vmem_shared>>
      tpu.wait_dma2 semaphore(%run_scoped3A : memref<!tpu.dma_semaphore, #tpu.memory_space<semaphore_mem>>) src(%arg8 : memref<80x128xf32, #tpu.memory_space<vmem>>) dst(%dma_wait3A_39 : memref<80x128xf32, #tpu.memory_space<vmem_shared>>)
      tpu.yield
    }) : () -> ()
    %add3A_12 = arith.constant 240 : i32
    %add3A_13 = arith.addi %multiple_of3A, %add3A_12 : i32
    "tpu.region"() ({
      %run_scoped3A = tpu.sem_alloc : memref<!tpu.dma_semaphore, #tpu.memory_space<semaphore_mem>>
      %dma_start3A = arith.constant 0 : i32
      %dma_start3A_34 = tpu.memref_slice %arg9[%add3A_13, %dma_start3A] : memref<10000x128xf32, #tpu.memory_space<vmem_shared>> -> memref<80x128xf32, #tpu.memory_space<vmem_shared>>
      %dma_start3A_35 = arith.constant 0 : i32
      %dma_start3A_36 = tpu.memref_slice %arg9[%add3A_13, %dma_start3A_35] : memref<10000x128xf32, #tpu.memory_space<vmem_shared>> -> memref<80x128xf32, #tpu.memory_space<vmem_shared>>
      tpu.enqueue_dma source(%arg8 : memref<80x128xf32, #tpu.memory_space<vmem>>) target(%dma_start3A_36 : memref<80x128xf32, #tpu.memory_space<vmem_shared>>) target_semaphore(%run_scoped3A : memref<!tpu.dma_semaphore, #tpu.memory_space<semaphore_mem>>)
      %dma_wait3A = arith.constant 0 : i32
      %dma_wait3A_37 = tpu.memref_slice %arg9[%add3A_13, %dma_wait3A] : memref<10000x128xf32, #tpu.memory_space<vmem_shared>> -> memref<80x128xf32, #tpu.memory_space<vmem_shared>>
      %dma_wait3A_38 = arith.constant 0 : i32
      %dma_wait3A_39 = tpu.memref_slice %arg9[%add3A_13, %dma_wait3A_38] : memref<10000x128xf32, #tpu.memory_space<vmem_shared>> -> memref<80x128xf32, #tpu.memory_space<vmem_shared>>
      tpu.wait_dma2 semaphore(%run_scoped3A : memref<!tpu.dma_semaphore, #tpu.memory_space<semaphore_mem>>) src(%arg8 : memref<80x128xf32, #tpu.memory_space<vmem>>) dst(%dma_wait3A_39 : memref<80x128xf32, #tpu.memory_space<vmem_shared>>)
      tpu.yield
    }) : () -> ()
    %add3A_14 = arith.constant 320 : i32
    %add3A_15 = arith.addi %multiple_of3A, %add3A_14 : i32
    "tpu.region"() ({
      %run_scoped3A = tpu.sem_alloc : memref<!tpu.dma_semaphore, #tpu.memory_space<semaphore_mem>>
      %dma_start3A = arith.constant 0 : i32
      %dma_start3A_34 = tpu.memref_slice %arg9[%add3A_15, %dma_start3A] : memref<10000x128xf32, #tpu.memory_space<vmem_shared>> -> memref<80x128xf32, #tpu.memory_space<vmem_shared>>
      %dma_start3A_35 = arith.constant 0 : i32
      %dma_start3A_36 = tpu.memref_slice %arg9[%add3A_15, %dma_start3A_35] : memref<10000x128xf32, #tpu.memory_space<vmem_shared>> -> memref<80x128xf32, #tpu.memory_space<vmem_shared>>
      tpu.enqueue_dma source(%arg8 : memref<80x128xf32, #tpu.memory_space<vmem>>) target(%dma_start3A_36 : memref<80x128xf32, #tpu.memory_space<vmem_shared>>) target_semaphore(%run_scoped3A : memref<!tpu.dma_semaphore, #tpu.memory_space<semaphore_mem>>)
      %dma_wait3A = arith.constant 0 : i32
      %dma_wait3A_37 = tpu.memref_slice %arg9[%add3A_15, %dma_wait3A] : memref<10000x128xf32, #tpu.memory_space<vmem_shared>> -> memref<80x128xf32, #tpu.memory_space<vmem_shared>>
      %dma_wait3A_38 = arith.constant 0 : i32
      %dma_wait3A_39 = tpu.memref_slice %arg9[%add3A_15, %dma_wait3A_38] : memref<10000x128xf32, #tpu.memory_space<vmem_shared>> -> memref<80x128xf32, #tpu.memory_space<vmem_shared>>
      tpu.wait_dma2 semaphore(%run_scoped3A : memref<!tpu.dma_semaphore, #tpu.memory_space<semaphore_mem>>) src(%arg8 : memref<80x128xf32, #tpu.memory_space<vmem>>) dst(%dma_wait3A_39 : memref<80x128xf32, #tpu.memory_space<vmem_shared>>)
      tpu.yield
    }) : () -> ()
    %add3A_16 = arith.constant 400 : i32
    %add3A_17 = arith.addi %multiple_of3A, %add3A_16 : i32
    "tpu.region"() ({
      %run_scoped3A = tpu.sem_alloc : memref<!tpu.dma_semaphore, #tpu.memory_space<semaphore_mem>>
      %dma_start3A = arith.constant 0 : i32
      %dma_start3A_34 = tpu.memref_slice %arg9[%add3A_17, %dma_start3A] : memref<10000x128xf32, #tpu.memory_space<vmem_shared>> -> memref<80x128xf32, #tpu.memory_space<vmem_shared>>
      %dma_start3A_35 = arith.constant 0 : i32
      %dma_start3A_36 = tpu.memref_slice %arg9[%add3A_17, %dma_start3A_35] : memref<10000x128xf32, #tpu.memory_space<vmem_shared>> -> memref<80x128xf32, #tpu.memory_space<vmem_shared>>
      tpu.enqueue_dma source(%arg8 : memref<80x128xf32, #tpu.memory_space<vmem>>) target(%dma_start3A_36 : memref<80x128xf32, #tpu.memory_space<vmem_shared>>) target_semaphore(%run_scoped3A : memref<!tpu.dma_semaphore, #tpu.memory_space<semaphore_mem>>)
      %dma_wait3A = arith.constant 0 : i32
      %dma_wait3A_37 = tpu.memref_slice %arg9[%add3A_17, %dma_wait3A] : memref<10000x128xf32, #tpu.memory_space<vmem_shared>> -> memref<80x128xf32, #tpu.memory_space<vmem_shared>>
      %dma_wait3A_38 = arith.constant 0 : i32
      %dma_wait3A_39 = tpu.memref_slice %arg9[%add3A_17, %dma_wait3A_38] : memref<10000x128xf32, #tpu.memory_space<vmem_shared>> -> memref<80x128xf32, #tpu.memory_space<vmem_shared>>
      tpu.wait_dma2 semaphore(%run_scoped3A : memref<!tpu.dma_semaphore, #tpu.memory_space<semaphore_mem>>) src(%arg8 : memref<80x128xf32, #tpu.memory_space<vmem>>) dst(%dma_wait3A_39 : memref<80x128xf32, #tpu.memory_space<vmem_shared>>)
      tpu.yield
    }) : () -> ()
    %add3A_18 = arith.constant 480 : i32
    %add3A_19 = arith.addi %multiple_of3A, %add3A_18 : i32
    "tpu.region"() ({
      %run_scoped3A = tpu.sem_alloc : memref<!tpu.dma_semaphore, #tpu.memory_space<semaphore_mem>>
      %dma_start3A = arith.constant 0 : i32
      %dma_start3A_34 = tpu.memref_slice %arg9[%add3A_19, %dma_start3A] : memref<10000x128xf32, #tpu.memory_space<vmem_shared>> -> memref<80x128xf32, #tpu.memory_space<vmem_shared>>
      %dma_start3A_35 = arith.constant 0 : i32
      %dma_start3A_36 = tpu.memref_slice %arg9[%add3A_19, %dma_start3A_35] : memref<10000x128xf32, #tpu.memory_space<vmem_shared>> -> memref<80x128xf32, #tpu.memory_space<vmem_shared>>
      tpu.enqueue_dma source(%arg8 : memref<80x128xf32, #tpu.memory_space<vmem>>) target(%dma_start3A_36 : memref<80x128xf32, #tpu.memory_space<vmem_shared>>) target_semaphore(%run_scoped3A : memref<!tpu.dma_semaphore, #tpu.memory_space<semaphore_mem>>)
      %dma_wait3A = arith.constant 0 : i32
      %dma_wait3A_37 = tpu.memref_slice %arg9[%add3A_19, %dma_wait3A] : memref<10000x128xf32, #tpu.memory_space<vmem_shared>> -> memref<80x128xf32, #tpu.memory_space<vmem_shared>>
      %dma_wait3A_38 = arith.constant 0 : i32
      %dma_wait3A_39 = tpu.memref_slice %arg9[%add3A_19, %dma_wait3A_38] : memref<10000x128xf32, #tpu.memory_space<vmem_shared>> -> memref<80x128xf32, #tpu.memory_space<vmem_shared>>
      tpu.wait_dma2 semaphore(%run_scoped3A : memref<!tpu.dma_semaphore, #tpu.memory_space<semaphore_mem>>) src(%arg8 : memref<80x128xf32, #tpu.memory_space<vmem>>) dst(%dma_wait3A_39 : memref<80x128xf32, #tpu.memory_space<vmem_shared>>)
      tpu.yield
    }) : () -> ()
    %add3A_20 = arith.constant 560 : i32
    %add3A_21 = arith.addi %multiple_of3A, %add3A_20 : i32
    "tpu.region"() ({
      %run_scoped3A = tpu.sem_alloc : memref<!tpu.dma_semaphore, #tpu.memory_space<semaphore_mem>>
      %dma_start3A = arith.constant 0 : i32
      %dma_start3A_34 = tpu.memref_slice %arg9[%add3A_21, %dma_start3A] : memref<10000x128xf32, #tpu.memory_space<vmem_shared>> -> memref<80x128xf32, #tpu.memory_space<vmem_shared>>
      %dma_start3A_35 = arith.constant 0 : i32
      %dma_start3A_36 = tpu.memref_slice %arg9[%add3A_21, %dma_start3A_35] : memref<10000x128xf32, #tpu.memory_space<vmem_shared>> -> memref<80x128xf32, #tpu.memory_space<vmem_shared>>
      tpu.enqueue_dma source(%arg8 : memref<80x128xf32, #tpu.memory_space<vmem>>) target(%dma_start3A_36 : memref<80x128xf32, #tpu.memory_space<vmem_shared>>) target_semaphore(%run_scoped3A : memref<!tpu.dma_semaphore, #tpu.memory_space<semaphore_mem>>)
      %dma_wait3A = arith.constant 0 : i32
      %dma_wait3A_37 = tpu.memref_slice %arg9[%add3A_21, %dma_wait3A] : memref<10000x128xf32, #tpu.memory_space<vmem_shared>> -> memref<80x128xf32, #tpu.memory_space<vmem_shared>>
      %dma_wait3A_38 = arith.constant 0 : i32
      %dma_wait3A_39 = tpu.memref_slice %arg9[%add3A_21, %dma_wait3A_38] : memref<10000x128xf32, #tpu.memory_space<vmem_shared>> -> memref<80x128xf32, #tpu.memory_space<vmem_shared>>
      tpu.wait_dma2 semaphore(%run_scoped3A : memref<!tpu.dma_semaphore, #tpu.memory_space<semaphore_mem>>) src(%arg8 : memref<80x128xf32, #tpu.memory_space<vmem>>) dst(%dma_wait3A_39 : memref<80x128xf32, #tpu.memory_space<vmem_shared>>)
      tpu.yield
    }) : () -> ()
    "tpu.region"() ({
      %run_scoped3A = tpu.sem_alloc : memref<!tpu.dma_semaphore, #tpu.memory_space<semaphore_mem>>
      %dma_start3A = arith.constant 0 : i32
      %dma_start3A_34 = arith.constant 0 : i32
      %dma_start3A_35 = tpu.memref_slice %arg3[%arg0, %arg1, %dma_start3A, %dma_start3A_34] : memref<2x16x125x80xi32, #tpu.memory_space<hbm>> -> memref<1x1x125x80xi32, #tpu.memory_space<hbm>>
      %dma_start3A_36 = tpu.memref_squeeze %dma_start3A_35 : memref<1x1x125x80xi32, #tpu.memory_space<hbm>> -> memref<125x80xi32, #tpu.memory_space<hbm>>
      %dma_start3A_37 = arith.constant 0 : i32
      %dma_start3A_38 = arith.constant 0 : i32
      %dma_start3A_39 = tpu.memref_slice %arg3[%arg0, %arg1, %dma_start3A_37, %dma_start3A_38] : memref<2x16x125x80xi32, #tpu.memory_space<hbm>> -> memref<1x1x125x80xi32, #tpu.memory_space<hbm>>
      %dma_start3A_40 = tpu.memref_squeeze %dma_start3A_39 : memref<1x1x125x80xi32, #tpu.memory_space<hbm>> -> memref<125x80xi32, #tpu.memory_space<hbm>>
      tpu.enqueue_dma source(%dma_start3A_40 : memref<125x80xi32, #tpu.memory_space<hbm>>) target(%arg6 : memref<125x80xi32, #tpu.memory_space<vmem>>) target_semaphore(%run_scoped3A : memref<!tpu.dma_semaphore, #tpu.memory_space<semaphore_mem>>)
      %dma_wait3A = arith.constant 0 : i32
      %dma_wait3A_41 = arith.constant 0 : i32
      %dma_wait3A_42 = tpu.memref_slice %arg3[%arg0, %arg1, %dma_wait3A, %dma_wait3A_41] : memref<2x16x125x80xi32, #tpu.memory_space<hbm>> -> memref<1x1x125x80xi32, #tpu.memory_space<hbm>>
      %dma_wait3A_43 = tpu.memref_squeeze %dma_wait3A_42 : memref<1x1x125x80xi32, #tpu.memory_space<hbm>> -> memref<125x80xi32, #tpu.memory_space<hbm>>
      %dma_wait3A_44 = arith.constant 0 : i32
      %dma_wait3A_45 = arith.constant 0 : i32
      %dma_wait3A_46 = tpu.memref_slice %arg3[%arg0, %arg1, %dma_wait3A_44, %dma_wait3A_45] : memref<2x16x125x80xi32, #tpu.memory_space<hbm>> -> memref<1x1x125x80xi32, #tpu.memory_space<hbm>>
      %dma_wait3A_47 = tpu.memref_squeeze %dma_wait3A_46 : memref<1x1x125x80xi32, #tpu.memory_space<hbm>> -> memref<125x80xi32, #tpu.memory_space<hbm>>
      tpu.wait_dma2 semaphore(%run_scoped3A : memref<!tpu.dma_semaphore, #tpu.memory_space<semaphore_mem>>) src(%dma_wait3A_47 : memref<125x80xi32, #tpu.memory_space<hbm>>) dst(%arg6 : memref<125x80xi32, #tpu.memory_space<vmem>>)
      tpu.yield
    }) : () -> ()
    %barrier3A = arith.constant 0 : index
    tpu.barrier barrier_id(%barrier3A)
    %scan3A_22 = arith.constant 0 : i32
    %scan3A_23 = arith.constant 0 : i32
    %scan3A_24 = arith.constant 125 : i32
    %scan3A_25 = arith.addi %scan3A_23, %scan3A_24 : i32
    %scan3A_26 = arith.constant 1 : i32
    %scan3A_27 = scf.for %scan3A_34 = %scan3A_23 to %scan3A_25 step %scan3A_26 iter_args(%scan3A_35 = %scan3A_22) -> (i32)  : i32 {
      "tpu.region"() ({
        %run_scoped3A = tpu.sem_alloc : memref<!tpu.dma_semaphore, #tpu.memory_space<semaphore_mem>>
        %dma_start3A_47 = arith.constant 0 : i32
        %dma_start3A_48 = tpu.memref_slice %arg4[%arg1, %scan3A_34, %dma_start3A_47] : memref<16x125x80xi32, #tpu.memory_space<hbm>> -> memref<1x1x80xi32, #tpu.memory_space<hbm>>
        %dma_start3A_49 = tpu.memref_squeeze %dma_start3A_48 : memref<1x1x80xi32, #tpu.memory_space<hbm>> -> memref<80xi32, #tpu.memory_space<hbm>>
        %dma_start3A_50 = arith.constant 0 : i32
        %dma_start3A_51 = tpu.memref_slice %arg4[%arg1, %scan3A_34, %dma_start3A_50] : memref<16x125x80xi32, #tpu.memory_space<hbm>> -> memref<1x1x80xi32, #tpu.memory_space<hbm>>
        %dma_start3A_52 = tpu.memref_squeeze %dma_start3A_51 : memref<1x1x80xi32, #tpu.memory_space<hbm>> -> memref<80xi32, #tpu.memory_space<hbm>>
        tpu.enqueue_dma source(%dma_start3A_52 : memref<80xi32, #tpu.memory_space<hbm>>) target(%arg7 : memref<80xi32, #tpu.memory_space<vmem>>) target_semaphore(%run_scoped3A : memref<!tpu.dma_semaphore, #tpu.memory_space<semaphore_mem>>)
        %dma_wait3A_53 = arith.constant 0 : i32
        %dma_wait3A_54 = tpu.memref_slice %arg4[%arg1, %scan3A_34, %dma_wait3A_53] : memref<16x125x80xi32, #tpu.memory_space<hbm>> -> memref<1x1x80xi32, #tpu.memory_space<hbm>>
        %dma_wait3A_55 = tpu.memref_squeeze %dma_wait3A_54 : memref<1x1x80xi32, #tpu.memory_space<hbm>> -> memref<80xi32, #tpu.memory_space<hbm>>
        %dma_wait3A_56 = arith.constant 0 : i32
        %dma_wait3A_57 = tpu.memref_slice %arg4[%arg1, %scan3A_34, %dma_wait3A_56] : memref<16x125x80xi32, #tpu.memory_space<hbm>> -> memref<1x1x80xi32, #tpu.memory_space<hbm>>
        %dma_wait3A_58 = tpu.memref_squeeze %dma_wait3A_57 : memref<1x1x80xi32, #tpu.memory_space<hbm>> -> memref<80xi32, #tpu.memory_space<hbm>>
        tpu.wait_dma2 semaphore(%run_scoped3A : memref<!tpu.dma_semaphore, #tpu.memory_space<semaphore_mem>>) src(%dma_wait3A_58 : memref<80xi32, #tpu.memory_space<hbm>>) dst(%arg7 : memref<80xi32, #tpu.memory_space<vmem>>)
        tpu.yield
      }) : () -> ()
      %dma_start3A = arith.constant 0 : i32
      %dma_start3A_36 = tpu.memref_slice %arg6[%scan3A_34, %dma_start3A] : memref<125x80xi32, #tpu.memory_space<vmem>> -> memref<1x80xi32, #tpu.memory_space<vmem>>
      %dma_start3A_37 = tpu.memref_squeeze %dma_start3A_36 : memref<1x80xi32, #tpu.memory_space<vmem>> -> memref<80xi32, #tpu.memory_space<vmem>>
      %dma_start3A_38 = arith.constant 0 : i32
      %dma_start3A_39 = arith.constant 0 : i32
      %dma_start3A_40 = tpu.memref_slice %arg2[%dma_start3A_38, %dma_start3A_39] : memref<20000x128xf32, #tpu.memory_space<hbm>> -> memref<20000x128xf32, #tpu.memory_space<hbm>>
      tpu.enqueue_indirect_dma source(%dma_start3A_40 : memref<20000x128xf32, #tpu.memory_space<hbm>>) target(%arg8 : memref<80x128xf32, #tpu.memory_space<vmem>>) offsets(%dma_start3A_37 : memref<80xi32, #tpu.memory_space<vmem>>) semaphore(%arg10 : memref<!tpu.dma_semaphore, #tpu.memory_space<semaphore_mem>>)
      %dma_wait3A = arith.constant 0 : i32
      %dma_wait3A_41 = tpu.memref_slice %arg6[%scan3A_34, %dma_wait3A] : memref<125x80xi32, #tpu.memory_space<vmem>> -> memref<1x80xi32, #tpu.memory_space<vmem>>
      %dma_wait3A_42 = tpu.memref_squeeze %dma_wait3A_41 : memref<1x80xi32, #tpu.memory_space<vmem>> -> memref<80xi32, #tpu.memory_space<vmem>>
      %dma_wait3A_43 = arith.constant 0 : i32
      %dma_wait3A_44 = arith.constant 0 : i32
      %dma_wait3A_45 = tpu.memref_slice %arg2[%dma_wait3A_43, %dma_wait3A_44] : memref<20000x128xf32, #tpu.memory_space<hbm>> -> memref<20000x128xf32, #tpu.memory_space<hbm>>
      tpu.wait_indirect_dma semaphore(%arg10 : memref<!tpu.dma_semaphore, #tpu.memory_space<semaphore_mem>>) src(%dma_wait3A_45 : memref<20000x128xf32, #tpu.memory_space<hbm>>) dst(%arg8 : memref<80x128xf32, #tpu.memory_space<vmem>>)
      "tpu.region"() ({
        %run_scoped3A = tpu.sem_alloc : memref<!tpu.dma_semaphore, #tpu.memory_space<semaphore_mem>>
        %dma_start3A_47 = arith.constant 0 : i32
        %dma_start3A_48 = arith.constant 0 : i32
        %dma_start3A_49 = tpu.memref_slice %arg9[%dma_start3A_47, %dma_start3A_48] : memref<10000x128xf32, #tpu.memory_space<vmem_shared>> -> memref<10000x128xf32, #tpu.memory_space<vmem_shared>>
        tpu.enqueue_indirect_dma source(%arg8 : memref<80x128xf32, #tpu.memory_space<vmem>>) target(%dma_start3A_49 : memref<10000x128xf32, #tpu.memory_space<vmem_shared>>) offsets(%arg7 : memref<80xi32, #tpu.memory_space<vmem>>) semaphore(%run_scoped3A : memref<!tpu.dma_semaphore, #tpu.memory_space<semaphore_mem>>) {add = true}
        %dma_wait3A_50 = arith.constant 0 : i32
        %dma_wait3A_51 = arith.constant 0 : i32
        %dma_wait3A_52 = tpu.memref_slice %arg9[%dma_wait3A_50, %dma_wait3A_51] : memref<10000x128xf32, #tpu.memory_space<vmem_shared>> -> memref<10000x128xf32, #tpu.memory_space<vmem_shared>>
        tpu.wait_indirect_dma semaphore(%run_scoped3A : memref<!tpu.dma_semaphore, #tpu.memory_space<semaphore_mem>>) src(%arg8 : memref<80x128xf32, #tpu.memory_space<vmem>>) dst(%dma_wait3A_52 : memref<10000x128xf32, #tpu.memory_space<vmem_shared>>)
        tpu.yield
      }) : () -> ()
      %scan3A_46 = arith.constant 0 : i32
      scf.yield %scan3A_46 : i32
    }
    %scan3A_28 = arith.constant 125 : i32
    %barrier3A_29 = arith.constant 0 : index
    tpu.barrier barrier_id(%barrier3A_29)
    %mul3A_30 = arith.constant 10000 : i32
    %mul3A_31 = arith.muli %arg0, %mul3A_30 : i32
    %add3A_32 = arith.addi %mul3A_31, %multiple_of3A : i32
    %multiple_of3A_33 = tpu.assume_multiple %add3A_32, 8 : i32
    "tpu.region"() ({
      %run_scoped3A = tpu.sem_alloc : memref<!tpu.dma_semaphore, #tpu.memory_space<semaphore_mem>>
      %dma_start3A = arith.constant 0 : i32
      %dma_start3A_34 = tpu.memref_slice %arg5[%multiple_of3A_33, %dma_start3A] : memref<20000x128xf32, #tpu.memory_space<hbm>> -> memref<640x128xf32, #tpu.memory_space<hbm>>
      %dma_start3A_35 = arith.constant 0 : i32
      %dma_start3A_36 = tpu.memref_slice %arg9[%multiple_of3A, %dma_start3A_35] : memref<10000x128xf32, #tpu.memory_space<vmem_shared>> -> memref<640x128xf32, #tpu.memory_space<vmem_shared>>
      tpu.enqueue_dma source(%dma_start3A_36 : memref<640x128xf32, #tpu.memory_space<vmem_shared>>) target(%dma_start3A_34 : memref<640x128xf32, #tpu.memory_space<hbm>>) target_semaphore(%run_scoped3A : memref<!tpu.dma_semaphore, #tpu.memory_space<semaphore_mem>>)
      %dma_wait3A = arith.constant 0 : i32
      %dma_wait3A_37 = tpu.memref_slice %arg5[%multiple_of3A_33, %dma_wait3A] : memref<20000x128xf32, #tpu.memory_space<hbm>> -> memref<640x128xf32, #tpu.memory_space<hbm>>
      %dma_wait3A_38 = arith.constant 0 : i32
      %dma_wait3A_39 = tpu.memref_slice %arg9[%multiple_of3A, %dma_wait3A_38] : memref<10000x128xf32, #tpu.memory_space<vmem_shared>> -> memref<640x128xf32, #tpu.memory_space<vmem_shared>>
      tpu.wait_dma2 semaphore(%run_scoped3A : memref<!tpu.dma_semaphore, #tpu.memory_space<semaphore_mem>>) src(%dma_wait3A_39 : memref<640x128xf32, #tpu.memory_space<vmem_shared>>) dst(%dma_wait3A_37 : memref<640x128xf32, #tpu.memory_space<hbm>>)
      tpu.yield
    }) : () -> ()
    return
  }
}

module attributes {stable_mosaic.version = 14 : i64} {
  func.func @_stem_body(%arg0: i32, %arg1: memref<1000x256xf32, #tpu.memory_space<vmem>>, %arg2: memref<1x256xf32, #tpu.memory_space<vmem>>, %arg3: memref<1x256xf32, #tpu.memory_space<vmem>>, %arg4: memref<1x256xf32, #tpu.memory_space<vmem>>, %arg5: memref<1x256xf32, #tpu.memory_space<vmem>>, %arg6: memref<256x512xf32, #tpu.memory_space<vmem>>, %arg7: memref<1x512xf32, #tpu.memory_space<vmem>>, %arg8: memref<512x256xf32, #tpu.memory_space<vmem>>, %arg9: memref<1x256xf32, #tpu.memory_space<vmem>>, %arg10: memref<1000x128xf32, #tpu.memory_space<vmem>>, %arg11: memref<1000x128xf32, #tpu.memory_space<vmem>>) attributes {dimension_semantics = [#tpu.dimension_semantics<arbitrary>], iteration_bounds = array<i64: 10>, scalar_prefetch = 0 : i64, scratch_operands = 0 : i64, tpu.core_type = #tpu.core_type<tc>, window_params = [{transform_indices = @transform_0, window_bounds = array<i64: 1000, 256>}, {pipeline_mode = #tpu.pipeline_mode<synchronous>, transform_indices = @transform_1, window_bounds = array<i64: 1, 256>}, {pipeline_mode = #tpu.pipeline_mode<synchronous>, transform_indices = @transform_2, window_bounds = array<i64: 1, 256>}, {pipeline_mode = #tpu.pipeline_mode<synchronous>, transform_indices = @transform_3, window_bounds = array<i64: 1, 256>}, {pipeline_mode = #tpu.pipeline_mode<synchronous>, transform_indices = @transform_4, window_bounds = array<i64: 1, 256>}, {pipeline_mode = #tpu.pipeline_mode<synchronous>, transform_indices = @transform_5, window_bounds = array<i64: 256, 512>}, {pipeline_mode = #tpu.pipeline_mode<synchronous>, transform_indices = @transform_6, window_bounds = array<i64: 1, 512>}, {pipeline_mode = #tpu.pipeline_mode<synchronous>, transform_indices = @transform_7, window_bounds = array<i64: 512, 256>}, {pipeline_mode = #tpu.pipeline_mode<synchronous>, transform_indices = @transform_8, window_bounds = array<i64: 1, 256>}, {transform_indices = @transform_9, window_bounds = array<i64: 1000, 128>}, {transform_indices = @transform_10, window_bounds = array<i64: 1000, 128>}]} {
    %get3A = arith.constant 0 : index
    %get3A_0 = arith.constant 0 : index
    %get3A_1 = vector.load %arg1[%get3A, %get3A_0] : memref<1000x256xf32, #tpu.memory_space<vmem>>, vector<1000x256xf32>
    %get3A_2 = arith.constant 0 : index
    %get3A_3 = arith.constant 0 : index
    %get3A_4 = vector.load %arg2[%get3A_2, %get3A_3] : memref<1x256xf32, #tpu.memory_space<vmem>>, vector<1x256xf32>
    %get3A_5 = arith.constant 0 : index
    %get3A_6 = arith.constant 0 : index
    %get3A_7 = vector.load %arg3[%get3A_5, %get3A_6] : memref<1x256xf32, #tpu.memory_space<vmem>>, vector<1x256xf32>
    %reduce_sum3A = arith.constant dense<0.000000e+00> : vector<1000xf32>
    %reduce_sum3A_8 = vector.multi_reduction <add>, %get3A_1, %reduce_sum3A [1] : vector<1000x256xf32> to vector<1000xf32>
    %broadcast_in_dim3A = vector.shape_cast %reduce_sum3A_8 : vector<1000xf32> to vector<1000x1xf32>
    %div3A = arith.constant 2.560000e+02 : f32
    %div3A_9 = vector.broadcast %div3A : f32 to vector<1000x1xf32>
    %div3A_10 = arith.divf %broadcast_in_dim3A, %div3A_9 : vector<1000x1xf32>
    %sub3A = vector.broadcast %div3A_10 : vector<1000x1xf32> to vector<1000x256xf32>
    %sub3A_11 = arith.subf %get3A_1, %sub3A : vector<1000x256xf32>
    %integer_pow3A = arith.mulf %sub3A_11, %sub3A_11 : vector<1000x256xf32>
    %reduce_sum3A_12 = arith.constant dense<0.000000e+00> : vector<1000xf32>
    %reduce_sum3A_13 = vector.multi_reduction <add>, %integer_pow3A, %reduce_sum3A_12 [1] : vector<1000x256xf32> to vector<1000xf32>
    %broadcast_in_dim3A_14 = vector.shape_cast %reduce_sum3A_13 : vector<1000xf32> to vector<1000x1xf32>
    %div3A_15 = arith.constant 2.560000e+02 : f32
    %div3A_16 = vector.broadcast %div3A_15 : f32 to vector<1000x1xf32>
    %div3A_17 = arith.divf %broadcast_in_dim3A_14, %div3A_16 : vector<1000x1xf32>
    %sub3A_18 = vector.broadcast %div3A_10 : vector<1000x1xf32> to vector<1000x256xf32>
    %sub3A_19 = arith.subf %get3A_1, %sub3A_18 : vector<1000x256xf32>
    %add3A = arith.constant 9.99999974E-6 : f32
    %add3A_20 = vector.broadcast %add3A : f32 to vector<1000x1xf32>
    %add3A_21 = arith.addf %div3A_17, %add3A_20 : vector<1000x1xf32>
    %sqrt3A = math.sqrt %add3A_21 : vector<1000x1xf32>
    %div3A_22 = vector.broadcast %sqrt3A : vector<1000x1xf32> to vector<1000x256xf32>
    %div3A_23 = arith.divf %sub3A_19, %div3A_22 : vector<1000x256xf32>
    %mul3A = vector.broadcast %get3A_4 : vector<1x256xf32> to vector<1000x256xf32>
    %mul3A_24 = arith.mulf %div3A_23, %mul3A : vector<1000x256xf32>
    %add3A_25 = vector.broadcast %get3A_7 : vector<1x256xf32> to vector<1000x256xf32>
    %add3A_26 = arith.addf %mul3A_24, %add3A_25 : vector<1000x256xf32>
    %get3A_27 = arith.constant 0 : index
    %get3A_28 = arith.constant 0 : index
    %get3A_29 = vector.load %arg4[%get3A_27, %get3A_28] : memref<1x256xf32, #tpu.memory_space<vmem>>, vector<1x256xf32>
    %get3A_30 = arith.constant 0 : index
    %get3A_31 = arith.constant 0 : index
    %get3A_32 = vector.load %arg5[%get3A_30, %get3A_31] : memref<1x256xf32, #tpu.memory_space<vmem>>, vector<1x256xf32>
    %reduce_sum3A_33 = arith.constant dense<0.000000e+00> : vector<1000xf32>
    %reduce_sum3A_34 = vector.multi_reduction <add>, %add3A_26, %reduce_sum3A_33 [1] : vector<1000x256xf32> to vector<1000xf32>
    %broadcast_in_dim3A_35 = vector.shape_cast %reduce_sum3A_34 : vector<1000xf32> to vector<1000x1xf32>
    %div3A_36 = arith.constant 2.560000e+02 : f32
    %div3A_37 = vector.broadcast %div3A_36 : f32 to vector<1000x1xf32>
    %div3A_38 = arith.divf %broadcast_in_dim3A_35, %div3A_37 : vector<1000x1xf32>
    %sub3A_39 = vector.broadcast %div3A_38 : vector<1000x1xf32> to vector<1000x256xf32>
    %sub3A_40 = arith.subf %add3A_26, %sub3A_39 : vector<1000x256xf32>
    %integer_pow3A_41 = arith.mulf %sub3A_40, %sub3A_40 : vector<1000x256xf32>
    %reduce_sum3A_42 = arith.constant dense<0.000000e+00> : vector<1000xf32>
    %reduce_sum3A_43 = vector.multi_reduction <add>, %integer_pow3A_41, %reduce_sum3A_42 [1] : vector<1000x256xf32> to vector<1000xf32>
    %broadcast_in_dim3A_44 = vector.shape_cast %reduce_sum3A_43 : vector<1000xf32> to vector<1000x1xf32>
    %div3A_45 = arith.constant 2.560000e+02 : f32
    %div3A_46 = vector.broadcast %div3A_45 : f32 to vector<1000x1xf32>
    %div3A_47 = arith.divf %broadcast_in_dim3A_44, %div3A_46 : vector<1000x1xf32>
    %sub3A_48 = vector.broadcast %div3A_38 : vector<1000x1xf32> to vector<1000x256xf32>
    %sub3A_49 = arith.subf %add3A_26, %sub3A_48 : vector<1000x256xf32>
    %add3A_50 = arith.constant 9.99999974E-6 : f32
    %add3A_51 = vector.broadcast %add3A_50 : f32 to vector<1000x1xf32>
    %add3A_52 = arith.addf %div3A_47, %add3A_51 : vector<1000x1xf32>
    %sqrt3A_53 = math.sqrt %add3A_52 : vector<1000x1xf32>
    %div3A_54 = vector.broadcast %sqrt3A_53 : vector<1000x1xf32> to vector<1000x256xf32>
    %div3A_55 = arith.divf %sub3A_49, %div3A_54 : vector<1000x256xf32>
    %mul3A_56 = vector.broadcast %get3A_29 : vector<1x256xf32> to vector<1000x256xf32>
    %mul3A_57 = arith.mulf %div3A_55, %mul3A_56 : vector<1000x256xf32>
    %add3A_58 = vector.broadcast %get3A_32 : vector<1x256xf32> to vector<1000x256xf32>
    %add3A_59 = arith.addf %mul3A_57, %add3A_58 : vector<1000x256xf32>
    %get3A_60 = arith.constant 0 : index
    %get3A_61 = arith.constant 0 : index
    %get3A_62 = vector.load %arg6[%get3A_60, %get3A_61] : memref<256x512xf32, #tpu.memory_space<vmem>>, vector<256x512xf32>
    %dot_general3A = arith.constant dense<0.000000e+00> : vector<1000x512xf32>
    %dot_general3A_63 = tpu.matmul %add3A_59, %get3A_62, %dot_general3A {dimension_numbers = #tpu.dot_dimension_numbers<[1], [0], [0], [1], [0, 0, 1, 1], [], []>, transpose_lhs_hint = false} : vector<1000x256xf32>, vector<256x512xf32>, vector<1000x512xf32> -> vector<1000x512xf32>
    %get3A_64 = arith.constant 0 : index
    %get3A_65 = arith.constant 0 : index
    %get3A_66 = vector.load %arg7[%get3A_64, %get3A_65] : memref<1x512xf32, #tpu.memory_space<vmem>>, vector<1x512xf32>
    %add3A_67 = vector.broadcast %get3A_66 : vector<1x512xf32> to vector<1000x512xf32>
    %add3A_68 = arith.addf %dot_general3A_63, %add3A_67 : vector<1000x512xf32>
    %mul3A_69 = arith.constant 5.000000e-01 : f32
    %mul3A_70 = vector.broadcast %mul3A_69 : f32 to vector<1000x512xf32>
    %mul3A_71 = arith.mulf %mul3A_70, %add3A_68 : vector<1000x512xf32>
    %neg3A = arith.constant 0.000000e+00 : f32
    %neg3A_72 = vector.broadcast %neg3A : f32 to vector<1000x512xf32>
    %neg3A_73 = arith.subf %neg3A_72, %add3A_68 : vector<1000x512xf32>
    %mul3A_74 = arith.constant 0.707106769 : f32
    %mul3A_75 = vector.broadcast %mul3A_74 : f32 to vector<1000x512xf32>
    %mul3A_76 = arith.mulf %neg3A_73, %mul3A_75 : vector<1000x512xf32>
    %erf3A = math.erf %mul3A_76 : vector<1000x512xf32>
    %sub3A_77 = arith.constant 1.000000e+00 : f32
    %sub3A_78 = vector.broadcast %sub3A_77 : f32 to vector<1000x512xf32>
    %sub3A_79 = arith.subf %sub3A_78, %erf3A : vector<1000x512xf32>
    %mul3A_80 = arith.mulf %mul3A_71, %sub3A_79 : vector<1000x512xf32>
    %get3A_81 = arith.constant 0 : index
    %get3A_82 = arith.constant 0 : index
    %get3A_83 = vector.load %arg8[%get3A_81, %get3A_82] : memref<512x256xf32, #tpu.memory_space<vmem>>, vector<512x256xf32>
    %dot_general3A_84 = arith.constant dense<0.000000e+00> : vector<1000x256xf32>
    %dot_general3A_85 = tpu.matmul %mul3A_80, %get3A_83, %dot_general3A_84 {dimension_numbers = #tpu.dot_dimension_numbers<[1], [0], [0], [1], [0, 0, 1, 1], [], []>, transpose_lhs_hint = false} : vector<1000x512xf32>, vector<512x256xf32>, vector<1000x256xf32> -> vector<1000x256xf32>
    %get3A_86 = arith.constant 0 : index
    %get3A_87 = arith.constant 0 : index
    %get3A_88 = vector.load %arg9[%get3A_86, %get3A_87] : memref<1x256xf32, #tpu.memory_space<vmem>>, vector<1x256xf32>
    %add3A_89 = vector.broadcast %get3A_88 : vector<1x256xf32> to vector<1000x256xf32>
    %add3A_90 = arith.addf %dot_general3A_85, %add3A_89 : vector<1000x256xf32>
    %mul3A_91 = arith.constant 5.000000e-01 : f32
    %mul3A_92 = vector.broadcast %mul3A_91 : f32 to vector<1000x256xf32>
    %mul3A_93 = arith.mulf %mul3A_92, %add3A_90 : vector<1000x256xf32>
    %neg3A_94 = arith.constant 0.000000e+00 : f32
    %neg3A_95 = vector.broadcast %neg3A_94 : f32 to vector<1000x256xf32>
    %neg3A_96 = arith.subf %neg3A_95, %add3A_90 : vector<1000x256xf32>
    %mul3A_97 = arith.constant 0.707106769 : f32
    %mul3A_98 = vector.broadcast %mul3A_97 : f32 to vector<1000x256xf32>
    %mul3A_99 = arith.mulf %neg3A_96, %mul3A_98 : vector<1000x256xf32>
    %erf3A_100 = math.erf %mul3A_99 : vector<1000x256xf32>
    %sub3A_101 = arith.constant 1.000000e+00 : f32
    %sub3A_102 = vector.broadcast %sub3A_101 : f32 to vector<1000x256xf32>
    %sub3A_103 = arith.subf %sub3A_102, %erf3A_100 : vector<1000x256xf32>
    %mul3A_104 = arith.mulf %mul3A_93, %sub3A_103 : vector<1000x256xf32>
    %slice3A = vector.extract_strided_slice %mul3A_104 {offsets = [0, 0], sizes = [1000, 128], strides = [1, 1]} : vector<1000x256xf32> to vector<1000x128xf32>
    %swap3A = arith.constant 0 : index
    %swap3A_105 = arith.constant 0 : index
    %swap3A_106 = vector.load %arg10[%swap3A, %swap3A_105] : memref<1000x128xf32, #tpu.memory_space<vmem>>, vector<1000x128xf32>
    tpu.vector_store %arg10[%swap3A, %swap3A_105], %slice3A {strides = array<i32>} : memref<1000x128xf32, #tpu.memory_space<vmem>>, vector<1000x128xf32>,
    %slice3A_107 = vector.extract_strided_slice %mul3A_104 {offsets = [0, 128], sizes = [1000, 128], strides = [1, 1]} : vector<1000x256xf32> to vector<1000x128xf32>
    %swap3A_108 = arith.constant 0 : index
    %swap3A_109 = arith.constant 0 : index
    %swap3A_110 = vector.load %arg11[%swap3A_108, %swap3A_109] : memref<1000x128xf32, #tpu.memory_space<vmem>>, vector<1000x128xf32>
    tpu.vector_store %arg11[%swap3A_108, %swap3A_109], %slice3A_107 {strides = array<i32>} : memref<1000x128xf32, #tpu.memory_space<vmem>>, vector<1000x128xf32>,
    return
  }
  func.func @transform_0(%arg0: i32) -> (i32, i32) {
    %c0_i32 = arith.constant 0 : i32
    %c0_i32_0 = arith.constant 0 : i32
    return %arg0, %c0_i32 : i32, i32
  }
  func.func @transform_1(%arg0: i32) -> (i32, i32) {
    %c0_i32 = arith.constant 0 : i32
    %c0_i32_0 = arith.constant 0 : i32
    %c0_i32_1 = arith.constant 0 : i32
    return %c0_i32, %c0_i32_0 : i32, i32
  }
  func.func @transform_2(%arg0: i32) -> (i32, i32) {
    %c0_i32 = arith.constant 0 : i32
    %c0_i32_0 = arith.constant 0 : i32
    %c0_i32_1 = arith.constant 0 : i32
    return %c0_i32, %c0_i32_0 : i32, i32
  }
  func.func @transform_3(%arg0: i32) -> (i32, i32) {
    %c0_i32 = arith.constant 0 : i32
    %c0_i32_0 = arith.constant 0 : i32
    %c0_i32_1 = arith.constant 0 : i32
    return %c0_i32, %c0_i32_0 : i32, i32
  }
  func.func @transform_4(%arg0: i32) -> (i32, i32) {
    %c0_i32 = arith.constant 0 : i32
    %c0_i32_0 = arith.constant 0 : i32
    %c0_i32_1 = arith.constant 0 : i32
    return %c0_i32, %c0_i32_0 : i32, i32
  }
  func.func @transform_5(%arg0: i32) -> (i32, i32) {
    %c0_i32 = arith.constant 0 : i32
    %c0_i32_0 = arith.constant 0 : i32
    %c0_i32_1 = arith.constant 0 : i32
    return %c0_i32, %c0_i32_0 : i32, i32
  }
  func.func @transform_6(%arg0: i32) -> (i32, i32) {
    %c0_i32 = arith.constant 0 : i32
    %c0_i32_0 = arith.constant 0 : i32
    %c0_i32_1 = arith.constant 0 : i32
    return %c0_i32, %c0_i32_0 : i32, i32
  }
  func.func @transform_7(%arg0: i32) -> (i32, i32) {
    %c0_i32 = arith.constant 0 : i32
    %c0_i32_0 = arith.constant 0 : i32
    %c0_i32_1 = arith.constant 0 : i32
    return %c0_i32, %c0_i32_0 : i32, i32
  }
  func.func @transform_8(%arg0: i32) -> (i32, i32) {
    %c0_i32 = arith.constant 0 : i32
    %c0_i32_0 = arith.constant 0 : i32
    %c0_i32_1 = arith.constant 0 : i32
    return %c0_i32, %c0_i32_0 : i32, i32
  }
  func.func @transform_9(%arg0: i32) -> (i32, i32) {
    %c0_i32 = arith.constant 0 : i32
    %c0_i32_0 = arith.constant 0 : i32
    return %arg0, %c0_i32 : i32, i32
  }
  func.func @transform_10(%arg0: i32) -> (i32, i32) {
    %c0_i32 = arith.constant 0 : i32
    %c0_i32_0 = arith.constant 0 : i32
    return %arg0, %c0_i32 : i32, i32
  }
}

module attributes {stable_mosaic.version = 14 : i64} {
  func.func @_l1_body(%arg0: i32, %arg1: memref<1000x128xf32, #tpu.memory_space<vmem>>, %arg2: memref<1000x128xf32, #tpu.memory_space<vmem>>, %arg3: memref<1000x128xf32, #tpu.memory_space<vmem>>, %arg4: memref<1000x128xf32, #tpu.memory_space<vmem>>, %arg5: memref<1000x128xf32, #tpu.memory_space<vmem>>, %arg6: memref<1000x128xf32, #tpu.memory_space<vmem>>, %arg7: memref<1000x128xf32, #tpu.memory_space<vmem>>, %arg8: memref<1000x128xf32, #tpu.memory_space<vmem>>, %arg9: memref<256x256xf32, #tpu.memory_space<vmem>>, %arg10: memref<256x256xf32, #tpu.memory_space<vmem>>, %arg11: memref<256x256xf32, #tpu.memory_space<vmem>>, %arg12: memref<256x256xf32, #tpu.memory_space<vmem>>, %arg13: memref<1x256xf32, #tpu.memory_space<vmem>>, %arg14: memref<1x256xf32, #tpu.memory_space<vmem>>, %arg15: memref<1000x256xf32, #tpu.memory_space<vmem>>) attributes {dimension_semantics = [#tpu.dimension_semantics<arbitrary>], iteration_bounds = array<i64: 10>, scalar_prefetch = 0 : i64, scratch_operands = 0 : i64, tpu.core_type = #tpu.core_type<tc>, window_params = [{transform_indices = @transform_0, window_bounds = array<i64: 1000, 128>}, {transform_indices = @transform_1, window_bounds = array<i64: 1000, 128>}, {transform_indices = @transform_2, window_bounds = array<i64: 1000, 128>}, {transform_indices = @transform_3, window_bounds = array<i64: 1000, 128>}, {transform_indices = @transform_4, window_bounds = array<i64: 1000, 128>}, {transform_indices = @transform_5, window_bounds = array<i64: 1000, 128>}, {transform_indices = @transform_6, window_bounds = array<i64: 1000, 128>}, {transform_indices = @transform_7, window_bounds = array<i64: 1000, 128>}, {pipeline_mode = #tpu.pipeline_mode<synchronous>, transform_indices = @transform_8, window_bounds = array<i64: 256, 256>}, {pipeline_mode = #tpu.pipeline_mode<synchronous>, transform_indices = @transform_9, window_bounds = array<i64: 256, 256>}, {pipeline_mode = #tpu.pipeline_mode<synchronous>, transform_indices = @transform_10, window_bounds = array<i64: 256, 256>}, {pipeline_mode = #tpu.pipeline_mode<synchronous>, transform_indices = @transform_11, window_bounds = array<i64: 256, 256>}, {pipeline_mode = #tpu.pipeline_mode<synchronous>, transform_indices = @transform_12, window_bounds = array<i64: 1, 256>}, {pipeline_mode = #tpu.pipeline_mode<synchronous>, transform_indices = @transform_13, window_bounds = array<i64: 1, 256>}, {transform_indices = @transform_14, window_bounds = array<i64: 1000, 256>}]} {
    %get3A = arith.constant 0 : index
    %get3A_0 = arith.constant 0 : index
    %get3A_1 = vector.load %arg1[%get3A, %get3A_0] : memref<1000x128xf32, #tpu.memory_space<vmem>>, vector<1000x128xf32>
    %get3A_2 = arith.constant 0 : index
    %get3A_3 = arith.constant 0 : index
    %get3A_4 = vector.load %arg2[%get3A_2, %get3A_3] : memref<1000x128xf32, #tpu.memory_space<vmem>>, vector<1000x128xf32>
    %concatenate3A = tpu.concatenate %get3A_1, %get3A_4 in 1 : vector<1000x128xf32>, vector<1000x128xf32> -> vector<1000x256xf32>
    %get3A_5 = arith.constant 0 : index
    %get3A_6 = arith.constant 0 : index
    %get3A_7 = vector.load %arg3[%get3A_5, %get3A_6] : memref<1000x128xf32, #tpu.memory_space<vmem>>, vector<1000x128xf32>
    %get3A_8 = arith.constant 0 : index
    %get3A_9 = arith.constant 0 : index
    %get3A_10 = vector.load %arg4[%get3A_8, %get3A_9] : memref<1000x128xf32, #tpu.memory_space<vmem>>, vector<1000x128xf32>
    %concatenate3A_11 = tpu.concatenate %get3A_7, %get3A_10 in 1 : vector<1000x128xf32>, vector<1000x128xf32> -> vector<1000x256xf32>
    %get3A_12 = arith.constant 0 : index
    %get3A_13 = arith.constant 0 : index
    %get3A_14 = vector.load %arg5[%get3A_12, %get3A_13] : memref<1000x128xf32, #tpu.memory_space<vmem>>, vector<1000x128xf32>
    %get3A_15 = arith.constant 0 : index
    %get3A_16 = arith.constant 0 : index
    %get3A_17 = vector.load %arg6[%get3A_15, %get3A_16] : memref<1000x128xf32, #tpu.memory_space<vmem>>, vector<1000x128xf32>
    %concatenate3A_18 = tpu.concatenate %get3A_14, %get3A_17 in 1 : vector<1000x128xf32>, vector<1000x128xf32> -> vector<1000x256xf32>
    %get3A_19 = arith.constant 0 : index
    %get3A_20 = arith.constant 0 : index
    %get3A_21 = vector.load %arg7[%get3A_19, %get3A_20] : memref<1000x128xf32, #tpu.memory_space<vmem>>, vector<1000x128xf32>
    %slice3A = vector.extract_strided_slice %get3A_21 {offsets = [0, 0], sizes = [1000, 1], strides = [1, 1]} : vector<1000x128xf32> to vector<1000x1xf32>
    %max3A = arith.constant 1.000000e+00 : f32
    %max3A_22 = vector.broadcast %max3A : f32 to vector<1000x1xf32>
    %max3A_23 = arith.maximumf %slice3A, %max3A_22 : vector<1000x1xf32>
    %div3A = vector.broadcast %max3A_23 : vector<1000x1xf32> to vector<1000x256xf32>
    %div3A_24 = arith.divf %concatenate3A_11, %div3A : vector<1000x256xf32>
    %get3A_25 = arith.constant 0 : index
    %get3A_26 = arith.constant 0 : index
    %get3A_27 = vector.load %arg8[%get3A_25, %get3A_26] : memref<1000x128xf32, #tpu.memory_space<vmem>>, vector<1000x128xf32>
    %slice3A_28 = vector.extract_strided_slice %get3A_27 {offsets = [0, 0], sizes = [1000, 1], strides = [1, 1]} : vector<1000x128xf32> to vector<1000x1xf32>
    %max3A_29 = arith.constant 1.000000e+00 : f32
    %max3A_30 = vector.broadcast %max3A_29 : f32 to vector<1000x1xf32>
    %max3A_31 = arith.maximumf %slice3A_28, %max3A_30 : vector<1000x1xf32>
    %div3A_32 = vector.broadcast %max3A_31 : vector<1000x1xf32> to vector<1000x256xf32>
    %div3A_33 = arith.divf %concatenate3A_18, %div3A_32 : vector<1000x256xf32>
    %get3A_34 = arith.constant 0 : index
    %get3A_35 = arith.constant 0 : index
    %get3A_36 = vector.load %arg9[%get3A_34, %get3A_35] : memref<256x256xf32, #tpu.memory_space<vmem>>, vector<256x256xf32>
    %dot_general3A = arith.constant dense<0.000000e+00> : vector<1000x256xf32>
    %dot_general3A_37 = tpu.matmul %div3A_24, %get3A_36, %dot_general3A {dimension_numbers = #tpu.dot_dimension_numbers<[1], [0], [0], [1], [0, 0, 1, 1], [], []>, transpose_lhs_hint = false} : vector<1000x256xf32>, vector<256x256xf32>, vector<1000x256xf32> -> vector<1000x256xf32>
    %get3A_38 = arith.constant 0 : index
    %get3A_39 = arith.constant 0 : index
    %get3A_40 = vector.load %arg13[%get3A_38, %get3A_39] : memref<1x256xf32, #tpu.memory_space<vmem>>, vector<1x256xf32>
    %add3A = vector.broadcast %get3A_40 : vector<1x256xf32> to vector<1000x256xf32>
    %add3A_41 = arith.addf %dot_general3A_37, %add3A : vector<1000x256xf32>
    %get3A_42 = arith.constant 0 : index
    %get3A_43 = arith.constant 0 : index
    %get3A_44 = vector.load %arg11[%get3A_42, %get3A_43] : memref<256x256xf32, #tpu.memory_space<vmem>>, vector<256x256xf32>
    %dot_general3A_45 = arith.constant dense<0.000000e+00> : vector<1000x256xf32>
    %dot_general3A_46 = tpu.matmul %concatenate3A, %get3A_44, %dot_general3A_45 {dimension_numbers = #tpu.dot_dimension_numbers<[1], [0], [0], [1], [0, 0, 1, 1], [], []>, transpose_lhs_hint = false} : vector<1000x256xf32>, vector<256x256xf32>, vector<1000x256xf32> -> vector<1000x256xf32>
    %add3A_47 = arith.addf %add3A_41, %dot_general3A_46 : vector<1000x256xf32>
    %get3A_48 = arith.constant 0 : index
    %get3A_49 = arith.constant 0 : index
    %get3A_50 = vector.load %arg10[%get3A_48, %get3A_49] : memref<256x256xf32, #tpu.memory_space<vmem>>, vector<256x256xf32>
    %dot_general3A_51 = arith.constant dense<0.000000e+00> : vector<1000x256xf32>
    %dot_general3A_52 = tpu.matmul %div3A_33, %get3A_50, %dot_general3A_51 {dimension_numbers = #tpu.dot_dimension_numbers<[1], [0], [0], [1], [0, 0, 1, 1], [], []>, transpose_lhs_hint = false} : vector<1000x256xf32>, vector<256x256xf32>, vector<1000x256xf32> -> vector<1000x256xf32>
    %get3A_53 = arith.constant 0 : index
    %get3A_54 = arith.constant 0 : index
    %get3A_55 = vector.load %arg14[%get3A_53, %get3A_54] : memref<1x256xf32, #tpu.memory_space<vmem>>, vector<1x256xf32>
    %add3A_56 = vector.broadcast %get3A_55 : vector<1x256xf32> to vector<1000x256xf32>
    %add3A_57 = arith.addf %dot_general3A_52, %add3A_56 : vector<1000x256xf32>
    %get3A_58 = arith.constant 0 : index
    %get3A_59 = arith.constant 0 : index
    %get3A_60 = vector.load %arg12[%get3A_58, %get3A_59] : memref<256x256xf32, #tpu.memory_space<vmem>>, vector<256x256xf32>
    %dot_general3A_61 = arith.constant dense<0.000000e+00> : vector<1000x256xf32>
    %dot_general3A_62 = tpu.matmul %concatenate3A, %get3A_60, %dot_general3A_61 {dimension_numbers = #tpu.dot_dimension_numbers<[1], [0], [0], [1], [0, 0, 1, 1], [], []>, transpose_lhs_hint = false} : vector<1000x256xf32>, vector<256x256xf32>, vector<1000x256xf32> -> vector<1000x256xf32>
    %add3A_63 = arith.addf %add3A_57, %dot_general3A_62 : vector<1000x256xf32>
    %add3A_64 = arith.addf %add3A_47, %add3A_63 : vector<1000x256xf32>
    %div3A_65 = arith.constant 2.000000e+00 : f32
    %div3A_66 = vector.broadcast %div3A_65 : f32 to vector<1000x256xf32>
    %div3A_67 = arith.divf %add3A_64, %div3A_66 : vector<1000x256xf32>
    %mul3A = arith.constant 5.000000e-01 : f32
    %mul3A_68 = vector.broadcast %mul3A : f32 to vector<1000x256xf32>
    %mul3A_69 = arith.mulf %mul3A_68, %div3A_67 : vector<1000x256xf32>
    %neg3A = arith.constant 0.000000e+00 : f32
    %neg3A_70 = vector.broadcast %neg3A : f32 to vector<1000x256xf32>
    %neg3A_71 = arith.subf %neg3A_70, %div3A_67 : vector<1000x256xf32>
    %mul3A_72 = arith.constant 0.707106769 : f32
    %mul3A_73 = vector.broadcast %mul3A_72 : f32 to vector<1000x256xf32>
    %mul3A_74 = arith.mulf %neg3A_71, %mul3A_73 : vector<1000x256xf32>
    %erf3A = math.erf %mul3A_74 : vector<1000x256xf32>
    %sub3A = arith.constant 1.000000e+00 : f32
    %sub3A_75 = vector.broadcast %sub3A : f32 to vector<1000x256xf32>
    %sub3A_76 = arith.subf %sub3A_75, %erf3A : vector<1000x256xf32>
    %mul3A_77 = arith.mulf %mul3A_69, %sub3A_76 : vector<1000x256xf32>
    %swap3A = arith.constant 0 : index
    %swap3A_78 = arith.constant 0 : index
    %swap3A_79 = vector.load %arg15[%swap3A, %swap3A_78] : memref<1000x256xf32, #tpu.memory_space<vmem>>, vector<1000x256xf32>
    tpu.vector_store %arg15[%swap3A, %swap3A_78], %mul3A_77 {strides = array<i32>} : memref<1000x256xf32, #tpu.memory_space<vmem>>, vector<1000x256xf32>,
    return
  }
  func.func @transform_0(%arg0: i32) -> (i32, i32) {
    %c0_i32 = arith.constant 0 : i32
    %c0_i32_0 = arith.constant 0 : i32
    return %arg0, %c0_i32 : i32, i32
  }
  func.func @transform_1(%arg0: i32) -> (i32, i32) {
    %c0_i32 = arith.constant 0 : i32
    %c0_i32_0 = arith.constant 0 : i32
    return %arg0, %c0_i32 : i32, i32
  }
  func.func @transform_2(%arg0: i32) -> (i32, i32) {
    %c0_i32 = arith.constant 0 : i32
    %c0_i32_0 = arith.constant 0 : i32
    return %arg0, %c0_i32 : i32, i32
  }
  func.func @transform_3(%arg0: i32) -> (i32, i32) {
    %c0_i32 = arith.constant 0 : i32
    %c0_i32_0 = arith.constant 0 : i32
    return %arg0, %c0_i32 : i32, i32
  }
  func.func @transform_4(%arg0: i32) -> (i32, i32) {
    %c0_i32 = arith.constant 0 : i32
    %c0_i32_0 = arith.constant 0 : i32
    return %arg0, %c0_i32 : i32, i32
  }
  func.func @transform_5(%arg0: i32) -> (i32, i32) {
    %c0_i32 = arith.constant 0 : i32
    %c0_i32_0 = arith.constant 0 : i32
    return %arg0, %c0_i32 : i32, i32
  }
  func.func @transform_6(%arg0: i32) -> (i32, i32) {
    %c0_i32 = arith.constant 0 : i32
    %c0_i32_0 = arith.constant 0 : i32
    return %arg0, %c0_i32 : i32, i32
  }
  func.func @transform_7(%arg0: i32) -> (i32, i32) {
    %c0_i32 = arith.constant 0 : i32
    %c0_i32_0 = arith.constant 0 : i32
    return %arg0, %c0_i32 : i32, i32
  }
  func.func @transform_8(%arg0: i32) -> (i32, i32) {
    %c0_i32 = arith.constant 0 : i32
    %c0_i32_0 = arith.constant 0 : i32
    %c0_i32_1 = arith.constant 0 : i32
    return %c0_i32, %c0_i32_0 : i32, i32
  }
  func.func @transform_9(%arg0: i32) -> (i32, i32) {
    %c0_i32 = arith.constant 0 : i32
    %c0_i32_0 = arith.constant 0 : i32
    %c0_i32_1 = arith.constant 0 : i32
    return %c0_i32, %c0_i32_0 : i32, i32
  }
  func.func @transform_10(%arg0: i32) -> (i32, i32) {
    %c0_i32 = arith.constant 0 : i32
    %c0_i32_0 = arith.constant 0 : i32
    %c0_i32_1 = arith.constant 0 : i32
    return %c0_i32, %c0_i32_0 : i32, i32
  }
  func.func @transform_11(%arg0: i32) -> (i32, i32) {
    %c0_i32 = arith.constant 0 : i32
    %c0_i32_0 = arith.constant 0 : i32
    %c0_i32_1 = arith.constant 0 : i32
    return %c0_i32, %c0_i32_0 : i32, i32
  }
  func.func @transform_12(%arg0: i32) -> (i32, i32) {
    %c0_i32 = arith.constant 0 : i32
    %c0_i32_0 = arith.constant 0 : i32
    %c0_i32_1 = arith.constant 0 : i32
    return %c0_i32, %c0_i32_0 : i32, i32
  }
  func.func @transform_13(%arg0: i32) -> (i32, i32) {
    %c0_i32 = arith.constant 0 : i32
    %c0_i32_0 = arith.constant 0 : i32
    %c0_i32_1 = arith.constant 0 : i32
    return %c0_i32, %c0_i32_0 : i32, i32
  }
  func.func @transform_14(%arg0: i32) -> (i32, i32) {
    %c0_i32 = arith.constant 0 : i32
    %c0_i32_0 = arith.constant 0 : i32
    return %arg0, %c0_i32 : i32, i32
  }
}

module attributes {stable_mosaic.version = 14 : i64} {
  func.func @_gstats_body(%arg0: memref<10000x256xf32, #tpu.memory_space<vmem>>, %arg1: memref<1x256xf32, #tpu.memory_space<vmem>>, %arg2: memref<8x256xf32, #tpu.memory_space<vmem>>) attributes {dimension_semantics = [], scalar_prefetch = 0 : i64, scratch_operands = 0 : i64, tpu.core_type = #tpu.core_type<tc>} {
    %get3A = arith.constant 0 : index
    %get3A_0 = arith.constant 0 : index
    %get3A_1 = vector.load %arg0[%get3A, %get3A_0] : memref<10000x256xf32, #tpu.memory_space<vmem>>, vector<10000x256xf32>
    %reduce_sum3A = arith.constant dense<0.000000e+00> : vector<256xf32>
    %reduce_sum3A_2 = vector.multi_reduction <add>, %get3A_1, %reduce_sum3A [0] : vector<10000x256xf32> to vector<256xf32>
    %broadcast_in_dim3A = vector.shape_cast %reduce_sum3A_2 : vector<256xf32> to vector<1x256xf32>
    %div3A = arith.constant 1.000000e+04 : f32
    %div3A_3 = vector.broadcast %div3A : f32 to vector<1x256xf32>
    %div3A_4 = arith.divf %broadcast_in_dim3A, %div3A_3 : vector<1x256xf32>
    %get3A_5 = arith.constant 0 : index
    %get3A_6 = arith.constant 0 : index
    %get3A_7 = vector.load %arg1[%get3A_5, %get3A_6] : memref<1x256xf32, #tpu.memory_space<vmem>>, vector<1x256xf32>
    %mul3A = arith.mulf %div3A_4, %get3A_7 : vector<1x256xf32>
    %sub3A = vector.broadcast %mul3A : vector<1x256xf32> to vector<10000x256xf32>
    %sub3A_8 = arith.subf %get3A_1, %sub3A : vector<10000x256xf32>
    %integer_pow3A = arith.mulf %sub3A_8, %sub3A_8 : vector<10000x256xf32>
    %reduce_sum3A_9 = arith.constant dense<0.000000e+00> : vector<256xf32>
    %reduce_sum3A_10 = vector.multi_reduction <add>, %integer_pow3A, %reduce_sum3A_9 [0] : vector<10000x256xf32> to vector<256xf32>
    %broadcast_in_dim3A_11 = vector.shape_cast %reduce_sum3A_10 : vector<256xf32> to vector<1x256xf32>
    %div3A_12 = arith.constant 1.000000e+04 : f32
    %div3A_13 = vector.broadcast %div3A_12 : f32 to vector<1x256xf32>
    %div3A_14 = arith.divf %broadcast_in_dim3A_11, %div3A_13 : vector<1x256xf32>
    %concatenate3A = tpu.concatenate %div3A_4, %div3A_14, %div3A_4, %div3A_14, %div3A_4, %div3A_14, %div3A_4, %div3A_14 in 0 : vector<1x256xf32>, vector<1x256xf32>, vector<1x256xf32>, vector<1x256xf32>, vector<1x256xf32>, vector<1x256xf32>, vector<1x256xf32>, vector<1x256xf32> -> vector<8x256xf32>
    %swap3A = arith.constant 0 : index
    %swap3A_15 = arith.constant 0 : index
    %swap3A_16 = vector.load %arg2[%swap3A, %swap3A_15] : memref<8x256xf32, #tpu.memory_space<vmem>>, vector<8x256xf32>
    tpu.vector_store %arg2[%swap3A, %swap3A_15], %concatenate3A {strides = array<i32>} : memref<8x256xf32, #tpu.memory_space<vmem>>, vector<8x256xf32>,
    return
  }
}

module attributes {stable_mosaic.version = 14 : i64} {
  func.func @_l2_body(%arg0: i32, %arg1: memref<1000x256xf32, #tpu.memory_space<vmem>>, %arg2: memref<8x256xf32, #tpu.memory_space<vmem>>, %arg3: memref<1x256xf32, #tpu.memory_space<vmem>>, %arg4: memref<1x256xf32, #tpu.memory_space<vmem>>, %arg5: memref<1x256xf32, #tpu.memory_space<vmem>>, %arg6: memref<1000x128xf32, #tpu.memory_space<vmem>>, %arg7: memref<1000x128xf32, #tpu.memory_space<vmem>>) attributes {dimension_semantics = [#tpu.dimension_semantics<arbitrary>], iteration_bounds = array<i64: 10>, scalar_prefetch = 0 : i64, scratch_operands = 0 : i64, tpu.core_type = #tpu.core_type<tc>, window_params = [{transform_indices = @transform_0, window_bounds = array<i64: 1000, 256>}, {pipeline_mode = #tpu.pipeline_mode<synchronous>, transform_indices = @transform_1, window_bounds = array<i64: 8, 256>}, {pipeline_mode = #tpu.pipeline_mode<synchronous>, transform_indices = @transform_2, window_bounds = array<i64: 1, 256>}, {pipeline_mode = #tpu.pipeline_mode<synchronous>, transform_indices = @transform_3, window_bounds = array<i64: 1, 256>}, {pipeline_mode = #tpu.pipeline_mode<synchronous>, transform_indices = @transform_4, window_bounds = array<i64: 1, 256>}, {transform_indices = @transform_5, window_bounds = array<i64: 1000, 128>}, {transform_indices = @transform_6, window_bounds = array<i64: 1000, 128>}]} {
    %get3A = arith.constant 0 : index
    %get3A_0 = arith.constant 0 : index
    %get3A_1 = vector.load %arg1[%get3A, %get3A_0] : memref<1000x256xf32, #tpu.memory_space<vmem>>, vector<1000x256xf32>
    %get3A_2 = arith.constant 0 : index
    %get3A_3 = arith.constant 0 : index
    %get3A_4 = vector.load %arg2[%get3A_2, %get3A_3] : memref<8x256xf32, #tpu.memory_space<vmem>>, vector<8x256xf32>
    %slice3A = vector.extract_strided_slice %get3A_4 {offsets = [0, 0], sizes = [1, 256], strides = [1, 1]} : vector<8x256xf32> to vector<1x256xf32>
    %get3A_5 = arith.constant 0 : index
    %get3A_6 = arith.constant 0 : index
    %get3A_7 = vector.load %arg2[%get3A_5, %get3A_6] : memref<8x256xf32, #tpu.memory_space<vmem>>, vector<8x256xf32>
    %slice3A_8 = vector.extract_strided_slice %get3A_7 {offsets = [1, 0], sizes = [1, 256], strides = [1, 1]} : vector<8x256xf32> to vector<1x256xf32>
    %get3A_9 = arith.constant 0 : index
    %get3A_10 = arith.constant 0 : index
    %get3A_11 = vector.load %arg5[%get3A_9, %get3A_10] : memref<1x256xf32, #tpu.memory_space<vmem>>, vector<1x256xf32>
    %mul3A = arith.mulf %slice3A, %get3A_11 : vector<1x256xf32>
    %sub3A = vector.broadcast %mul3A : vector<1x256xf32> to vector<1000x256xf32>
    %sub3A_12 = arith.subf %get3A_1, %sub3A : vector<1000x256xf32>
    %get3A_13 = arith.constant 0 : index
    %get3A_14 = arith.constant 0 : index
    %get3A_15 = vector.load %arg3[%get3A_13, %get3A_14] : memref<1x256xf32, #tpu.memory_space<vmem>>, vector<1x256xf32>
    %mul3A_16 = vector.broadcast %get3A_15 : vector<1x256xf32> to vector<1000x256xf32>
    %mul3A_17 = arith.mulf %mul3A_16, %sub3A_12 : vector<1000x256xf32>
    %add3A = arith.constant 9.99999974E-6 : f32
    %add3A_18 = vector.broadcast %add3A : f32 to vector<1x256xf32>
    %add3A_19 = arith.addf %slice3A_8, %add3A_18 : vector<1x256xf32>
    %sqrt3A = math.sqrt %add3A_19 : vector<1x256xf32>
    %div3A = vector.broadcast %sqrt3A : vector<1x256xf32> to vector<1000x256xf32>
    %div3A_20 = arith.divf %mul3A_17, %div3A : vector<1000x256xf32>
    %get3A_21 = arith.constant 0 : index
    %get3A_22 = arith.constant 0 : index
    %get3A_23 = vector.load %arg4[%get3A_21, %get3A_22] : memref<1x256xf32, #tpu.memory_space<vmem>>, vector<1x256xf32>
    %add3A_24 = vector.broadcast %get3A_23 : vector<1x256xf32> to vector<1000x256xf32>
    %add3A_25 = arith.addf %div3A_20, %add3A_24 : vector<1000x256xf32>
    %slice3A_26 = vector.extract_strided_slice %add3A_25 {offsets = [0, 0], sizes = [1000, 128], strides = [1, 1]} : vector<1000x256xf32> to vector<1000x128xf32>
    %swap3A = arith.constant 0 : index
    %swap3A_27 = arith.constant 0 : index
    %swap3A_28 = vector.load %arg6[%swap3A, %swap3A_27] : memref<1000x128xf32, #tpu.memory_space<vmem>>, vector<1000x128xf32>
    tpu.vector_store %arg6[%swap3A, %swap3A_27], %slice3A_26 {strides = array<i32>} : memref<1000x128xf32, #tpu.memory_space<vmem>>, vector<1000x128xf32>,
    %slice3A_29 = vector.extract_strided_slice %add3A_25 {offsets = [0, 128], sizes = [1000, 128], strides = [1, 1]} : vector<1000x256xf32> to vector<1000x128xf32>
    %swap3A_30 = arith.constant 0 : index
    %swap3A_31 = arith.constant 0 : index
    %swap3A_32 = vector.load %arg7[%swap3A_30, %swap3A_31] : memref<1000x128xf32, #tpu.memory_space<vmem>>, vector<1000x128xf32>
    tpu.vector_store %arg7[%swap3A_30, %swap3A_31], %slice3A_29 {strides = array<i32>} : memref<1000x128xf32, #tpu.memory_space<vmem>>, vector<1000x128xf32>,
    return
  }
  func.func @transform_0(%arg0: i32) -> (i32, i32) {
    %c0_i32 = arith.constant 0 : i32
    %c0_i32_0 = arith.constant 0 : i32
    return %arg0, %c0_i32 : i32, i32
  }
  func.func @transform_1(%arg0: i32) -> (i32, i32) {
    %c0_i32 = arith.constant 0 : i32
    %c0_i32_0 = arith.constant 0 : i32
    %c0_i32_1 = arith.constant 0 : i32
    return %c0_i32, %c0_i32_0 : i32, i32
  }
  func.func @transform_2(%arg0: i32) -> (i32, i32) {
    %c0_i32 = arith.constant 0 : i32
    %c0_i32_0 = arith.constant 0 : i32
    %c0_i32_1 = arith.constant 0 : i32
    return %c0_i32, %c0_i32_0 : i32, i32
  }
  func.func @transform_3(%arg0: i32) -> (i32, i32) {
    %c0_i32 = arith.constant 0 : i32
    %c0_i32_0 = arith.constant 0 : i32
    %c0_i32_1 = arith.constant 0 : i32
    return %c0_i32, %c0_i32_0 : i32, i32
  }
  func.func @transform_4(%arg0: i32) -> (i32, i32) {
    %c0_i32 = arith.constant 0 : i32
    %c0_i32_0 = arith.constant 0 : i32
    %c0_i32_1 = arith.constant 0 : i32
    return %c0_i32, %c0_i32_0 : i32, i32
  }
  func.func @transform_5(%arg0: i32) -> (i32, i32) {
    %c0_i32 = arith.constant 0 : i32
    %c0_i32_0 = arith.constant 0 : i32
    return %arg0, %c0_i32 : i32, i32
  }
  func.func @transform_6(%arg0: i32) -> (i32, i32) {
    %c0_i32 = arith.constant 0 : i32
    %c0_i32_0 = arith.constant 0 : i32
    return %arg0, %c0_i32 : i32, i32
  }
}

module attributes {stable_mosaic.version = 14 : i64} {
  func.func @_head_body(%arg0: i32, %arg1: memref<1000x128xf32, #tpu.memory_space<vmem>>, %arg2: memref<1000x128xf32, #tpu.memory_space<vmem>>, %arg3: memref<1000x128xf32, #tpu.memory_space<vmem>>, %arg4: memref<1000x128xf32, #tpu.memory_space<vmem>>, %arg5: memref<1000x20xf32, #tpu.memory_space<vmem>>, %arg6: memref<512x100xf32, #tpu.memory_space<vmem>>, %arg7: memref<1x100xf32, #tpu.memory_space<vmem>>, %arg8: memref<100x100xf32, #tpu.memory_space<vmem>>, %arg9: memref<1x100xf32, #tpu.memory_space<vmem>>, %arg10: memref<120x100xf32, #tpu.memory_space<vmem>>, %arg11: memref<1x100xf32, #tpu.memory_space<vmem>>, %arg12: memref<100x100xf32, #tpu.memory_space<vmem>>, %arg13: memref<1x100xf32, #tpu.memory_space<vmem>>, %arg14: memref<100x32xf32, #tpu.memory_space<vmem>>, %arg15: memref<1x32xf32, #tpu.memory_space<vmem>>, %arg16: memref<64x32xf32, #tpu.memory_space<vmem>>, %arg17: memref<32x64xf32, #tpu.memory_space<vmem>>, %arg18: memref<1000x32xf32, #tpu.memory_space<vmem>>, %arg19: memref<8x128xf32, #tpu.memory_space<vmem>>) attributes {dimension_semantics = [#tpu.dimension_semantics<arbitrary>], iteration_bounds = array<i64: 10>, scalar_prefetch = 0 : i64, scratch_operands = 0 : i64, tpu.core_type = #tpu.core_type<tc>, window_params = [{transform_indices = @transform_0, window_bounds = array<i64: 1000, 128>}, {transform_indices = @transform_1, window_bounds = array<i64: 1000, 128>}, {transform_indices = @transform_2, window_bounds = array<i64: 1000, 128>}, {transform_indices = @transform_3, window_bounds = array<i64: 1000, 128>}, {transform_indices = @transform_4, window_bounds = array<i64: 1000, 20>}, {pipeline_mode = #tpu.pipeline_mode<synchronous>, transform_indices = @transform_5, window_bounds = array<i64: 512, 100>}, {pipeline_mode = #tpu.pipeline_mode<synchronous>, transform_indices = @transform_6, window_bounds = array<i64: 1, 100>}, {pipeline_mode = #tpu.pipeline_mode<synchronous>, transform_indices = @transform_7, window_bounds = array<i64: 100, 100>}, {pipeline_mode = #tpu.pipeline_mode<synchronous>, transform_indices = @transform_8, window_bounds = array<i64: 1, 100>}, {pipeline_mode = #tpu.pipeline_mode<synchronous>, transform_indices = @transform_9, window_bounds = array<i64: 120, 100>}, {pipeline_mode = #tpu.pipeline_mode<synchronous>, transform_indices = @transform_10, window_bounds = array<i64: 1, 100>}, {pipeline_mode = #tpu.pipeline_mode<synchronous>, transform_indices = @transform_11, window_bounds = array<i64: 100, 100>}, {pipeline_mode = #tpu.pipeline_mode<synchronous>, transform_indices = @transform_12, window_bounds = array<i64: 1, 100>}, {pipeline_mode = #tpu.pipeline_mode<synchronous>, transform_indices = @transform_13, window_bounds = array<i64: 100, 32>}, {pipeline_mode = #tpu.pipeline_mode<synchronous>, transform_indices = @transform_14, window_bounds = array<i64: 1, 32>}, {pipeline_mode = #tpu.pipeline_mode<synchronous>, transform_indices = @transform_15, window_bounds = array<i64: 64, 32>}, {pipeline_mode = #tpu.pipeline_mode<synchronous>, transform_indices = @transform_16, window_bounds = array<i64: 32, 64>}, {transform_indices = @transform_17, window_bounds = array<i64: 1000, 32>}, {pipeline_mode = #tpu.pipeline_mode<synchronous>, transform_indices = @transform_18, window_bounds = array<i64: 8, 128>}]} {
    %get3A = arith.constant 0 : index
    %get3A_0 = arith.constant 0 : index
    %get3A_1 = vector.load %arg1[%get3A, %get3A_0] : memref<1000x128xf32, #tpu.memory_space<vmem>>, vector<1000x128xf32>
    %get3A_2 = arith.constant 0 : index
    %get3A_3 = arith.constant 0 : index
    %get3A_4 = vector.load %arg2[%get3A_2, %get3A_3] : memref<1000x128xf32, #tpu.memory_space<vmem>>, vector<1000x128xf32>
    %get3A_5 = arith.constant 0 : index
    %get3A_6 = arith.constant 0 : index
    %get3A_7 = vector.load %arg3[%get3A_5, %get3A_6] : memref<1000x128xf32, #tpu.memory_space<vmem>>, vector<1000x128xf32>
    %get3A_8 = arith.constant 0 : index
    %get3A_9 = arith.constant 0 : index
    %get3A_10 = vector.load %arg4[%get3A_8, %get3A_9] : memref<1000x128xf32, #tpu.memory_space<vmem>>, vector<1000x128xf32>
    %concatenate3A = tpu.concatenate %get3A_1, %get3A_4, %get3A_7, %get3A_10 in 1 : vector<1000x128xf32>, vector<1000x128xf32>, vector<1000x128xf32>, vector<1000x128xf32> -> vector<1000x512xf32>
    %get3A_11 = arith.constant 0 : index
    %get3A_12 = arith.constant 0 : index
    %get3A_13 = vector.load %arg6[%get3A_11, %get3A_12] : memref<512x100xf32, #tpu.memory_space<vmem>>, vector<512x100xf32>
    %dot_general3A = arith.constant dense<0.000000e+00> : vector<1000x100xf32>
    %dot_general3A_14 = tpu.matmul %concatenate3A, %get3A_13, %dot_general3A {dimension_numbers = #tpu.dot_dimension_numbers<[1], [0], [0], [1], [0, 0, 1, 1], [], []>, transpose_lhs_hint = false} : vector<1000x512xf32>, vector<512x100xf32>, vector<1000x100xf32> -> vector<1000x100xf32>
    %get3A_15 = arith.constant 0 : index
    %get3A_16 = arith.constant 0 : index
    %get3A_17 = vector.load %arg7[%get3A_15, %get3A_16] : memref<1x100xf32, #tpu.memory_space<vmem>>, vector<1x100xf32>
    %add3A = vector.broadcast %get3A_17 : vector<1x100xf32> to vector<1000x100xf32>
    %add3A_18 = arith.addf %dot_general3A_14, %add3A : vector<1000x100xf32>
    %mul3A = arith.constant 5.000000e-01 : f32
    %mul3A_19 = vector.broadcast %mul3A : f32 to vector<1000x100xf32>
    %mul3A_20 = arith.mulf %mul3A_19, %add3A_18 : vector<1000x100xf32>
    %neg3A = arith.constant 0.000000e+00 : f32
    %neg3A_21 = vector.broadcast %neg3A : f32 to vector<1000x100xf32>
    %neg3A_22 = arith.subf %neg3A_21, %add3A_18 : vector<1000x100xf32>
    %mul3A_23 = arith.constant 0.707106769 : f32
    %mul3A_24 = vector.broadcast %mul3A_23 : f32 to vector<1000x100xf32>
    %mul3A_25 = arith.mulf %neg3A_22, %mul3A_24 : vector<1000x100xf32>
    %erf3A = math.erf %mul3A_25 : vector<1000x100xf32>
    %sub3A = arith.constant 1.000000e+00 : f32
    %sub3A_26 = vector.broadcast %sub3A : f32 to vector<1000x100xf32>
    %sub3A_27 = arith.subf %sub3A_26, %erf3A : vector<1000x100xf32>
    %mul3A_28 = arith.mulf %mul3A_20, %sub3A_27 : vector<1000x100xf32>
    %get3A_29 = arith.constant 0 : index
    %get3A_30 = arith.constant 0 : index
    %get3A_31 = vector.load %arg8[%get3A_29, %get3A_30] : memref<100x100xf32, #tpu.memory_space<vmem>>, vector<100x100xf32>
    %dot_general3A_32 = arith.constant dense<0.000000e+00> : vector<1000x100xf32>
    %dot_general3A_33 = tpu.matmul %mul3A_28, %get3A_31, %dot_general3A_32 {dimension_numbers = #tpu.dot_dimension_numbers<[1], [0], [0], [1], [0, 0, 1, 1], [], []>, transpose_lhs_hint = false} : vector<1000x100xf32>, vector<100x100xf32>, vector<1000x100xf32> -> vector<1000x100xf32>
    %get3A_34 = arith.constant 0 : index
    %get3A_35 = arith.constant 0 : index
    %get3A_36 = vector.load %arg9[%get3A_34, %get3A_35] : memref<1x100xf32, #tpu.memory_space<vmem>>, vector<1x100xf32>
    %add3A_37 = vector.broadcast %get3A_36 : vector<1x100xf32> to vector<1000x100xf32>
    %add3A_38 = arith.addf %dot_general3A_33, %add3A_37 : vector<1000x100xf32>
    %mul3A_39 = arith.constant 5.000000e-01 : f32
    %mul3A_40 = vector.broadcast %mul3A_39 : f32 to vector<1000x100xf32>
    %mul3A_41 = arith.mulf %mul3A_40, %add3A_38 : vector<1000x100xf32>
    %neg3A_42 = arith.constant 0.000000e+00 : f32
    %neg3A_43 = vector.broadcast %neg3A_42 : f32 to vector<1000x100xf32>
    %neg3A_44 = arith.subf %neg3A_43, %add3A_38 : vector<1000x100xf32>
    %mul3A_45 = arith.constant 0.707106769 : f32
    %mul3A_46 = vector.broadcast %mul3A_45 : f32 to vector<1000x100xf32>
    %mul3A_47 = arith.mulf %neg3A_44, %mul3A_46 : vector<1000x100xf32>
    %erf3A_48 = math.erf %mul3A_47 : vector<1000x100xf32>
    %sub3A_49 = arith.constant 1.000000e+00 : f32
    %sub3A_50 = vector.broadcast %sub3A_49 : f32 to vector<1000x100xf32>
    %sub3A_51 = arith.subf %sub3A_50, %erf3A_48 : vector<1000x100xf32>
    %mul3A_52 = arith.mulf %mul3A_41, %sub3A_51 : vector<1000x100xf32>
    %get3A_53 = arith.constant 0 : index
    %get3A_54 = arith.constant 0 : index
    %get3A_55 = vector.load %arg5[%get3A_53, %get3A_54] : memref<1000x20xf32, #tpu.memory_space<vmem>>, vector<1000x20xf32>
    %concatenate3A_56 = tpu.concatenate %mul3A_52, %get3A_55 in 1 : vector<1000x100xf32>, vector<1000x20xf32> -> vector<1000x120xf32>
    %get3A_57 = arith.constant 0 : index
    %get3A_58 = arith.constant 0 : index
    %get3A_59 = vector.load %arg10[%get3A_57, %get3A_58] : memref<120x100xf32, #tpu.memory_space<vmem>>, vector<120x100xf32>
    %dot_general3A_60 = arith.constant dense<0.000000e+00> : vector<1000x100xf32>
    %dot_general3A_61 = tpu.matmul %concatenate3A_56, %get3A_59, %dot_general3A_60 {dimension_numbers = #tpu.dot_dimension_numbers<[1], [0], [0], [1], [0, 0, 1, 1], [], []>, transpose_lhs_hint = false} : vector<1000x120xf32>, vector<120x100xf32>, vector<1000x100xf32> -> vector<1000x100xf32>
    %get3A_62 = arith.constant 0 : index
    %get3A_63 = arith.constant 0 : index
    %get3A_64 = vector.load %arg11[%get3A_62, %get3A_63] : memref<1x100xf32, #tpu.memory_space<vmem>>, vector<1x100xf32>
    %add3A_65 = vector.broadcast %get3A_64 : vector<1x100xf32> to vector<1000x100xf32>
    %add3A_66 = arith.addf %dot_general3A_61, %add3A_65 : vector<1000x100xf32>
    %mul3A_67 = arith.constant 5.000000e-01 : f32
    %mul3A_68 = vector.broadcast %mul3A_67 : f32 to vector<1000x100xf32>
    %mul3A_69 = arith.mulf %mul3A_68, %add3A_66 : vector<1000x100xf32>
    %neg3A_70 = arith.constant 0.000000e+00 : f32
    %neg3A_71 = vector.broadcast %neg3A_70 : f32 to vector<1000x100xf32>
    %neg3A_72 = arith.subf %neg3A_71, %add3A_66 : vector<1000x100xf32>
    %mul3A_73 = arith.constant 0.707106769 : f32
    %mul3A_74 = vector.broadcast %mul3A_73 : f32 to vector<1000x100xf32>
    %mul3A_75 = arith.mulf %neg3A_72, %mul3A_74 : vector<1000x100xf32>
    %erf3A_76 = math.erf %mul3A_75 : vector<1000x100xf32>
    %sub3A_77 = arith.constant 1.000000e+00 : f32
    %sub3A_78 = vector.broadcast %sub3A_77 : f32 to vector<1000x100xf32>
    %sub3A_79 = arith.subf %sub3A_78, %erf3A_76 : vector<1000x100xf32>
    %mul3A_80 = arith.mulf %mul3A_69, %sub3A_79 : vector<1000x100xf32>
    %get3A_81 = arith.constant 0 : index
    %get3A_82 = arith.constant 0 : index
    %get3A_83 = vector.load %arg12[%get3A_81, %get3A_82] : memref<100x100xf32, #tpu.memory_space<vmem>>, vector<100x100xf32>
    %dot_general3A_84 = arith.constant dense<0.000000e+00> : vector<1000x100xf32>
    %dot_general3A_85 = tpu.matmul %mul3A_80, %get3A_83, %dot_general3A_84 {dimension_numbers = #tpu.dot_dimension_numbers<[1], [0], [0], [1], [0, 0, 1, 1], [], []>, transpose_lhs_hint = false} : vector<1000x100xf32>, vector<100x100xf32>, vector<1000x100xf32> -> vector<1000x100xf32>
    %get3A_86 = arith.constant 0 : index
    %get3A_87 = arith.constant 0 : index
    %get3A_88 = vector.load %arg13[%get3A_86, %get3A_87] : memref<1x100xf32, #tpu.memory_space<vmem>>, vector<1x100xf32>
    %add3A_89 = vector.broadcast %get3A_88 : vector<1x100xf32> to vector<1000x100xf32>
    %add3A_90 = arith.addf %dot_general3A_85, %add3A_89 : vector<1000x100xf32>
    %mul3A_91 = arith.constant 5.000000e-01 : f32
    %mul3A_92 = vector.broadcast %mul3A_91 : f32 to vector<1000x100xf32>
    %mul3A_93 = arith.mulf %mul3A_92, %add3A_90 : vector<1000x100xf32>
    %neg3A_94 = arith.constant 0.000000e+00 : f32
    %neg3A_95 = vector.broadcast %neg3A_94 : f32 to vector<1000x100xf32>
    %neg3A_96 = arith.subf %neg3A_95, %add3A_90 : vector<1000x100xf32>
    %mul3A_97 = arith.constant 0.707106769 : f32
    %mul3A_98 = vector.broadcast %mul3A_97 : f32 to vector<1000x100xf32>
    %mul3A_99 = arith.mulf %neg3A_96, %mul3A_98 : vector<1000x100xf32>
    %erf3A_100 = math.erf %mul3A_99 : vector<1000x100xf32>
    %sub3A_101 = arith.constant 1.000000e+00 : f32
    %sub3A_102 = vector.broadcast %sub3A_101 : f32 to vector<1000x100xf32>
    %sub3A_103 = arith.subf %sub3A_102, %erf3A_100 : vector<1000x100xf32>
    %mul3A_104 = arith.mulf %mul3A_93, %sub3A_103 : vector<1000x100xf32>
    %get3A_105 = arith.constant 0 : index
    %get3A_106 = arith.constant 0 : index
    %get3A_107 = vector.load %arg14[%get3A_105, %get3A_106] : memref<100x32xf32, #tpu.memory_space<vmem>>, vector<100x32xf32>
    %dot_general3A_108 = arith.constant dense<0.000000e+00> : vector<1000x32xf32>
    %dot_general3A_109 = tpu.matmul %mul3A_104, %get3A_107, %dot_general3A_108 {dimension_numbers = #tpu.dot_dimension_numbers<[1], [0], [0], [1], [0, 0, 1, 1], [], []>, transpose_lhs_hint = false} : vector<1000x100xf32>, vector<100x32xf32>, vector<1000x32xf32> -> vector<1000x32xf32>
    %get3A_110 = arith.constant 0 : index
    %get3A_111 = arith.constant 0 : index
    %get3A_112 = vector.load %arg15[%get3A_110, %get3A_111] : memref<1x32xf32, #tpu.memory_space<vmem>>, vector<1x32xf32>
    %add3A_113 = vector.broadcast %get3A_112 : vector<1x32xf32> to vector<1000x32xf32>
    %add3A_114 = arith.addf %dot_general3A_109, %add3A_113 : vector<1000x32xf32>
    %tanh3A = math.tanh %add3A_114 : vector<1000x32xf32>
    %get3A_115 = arith.constant 0 : index
    %get3A_116 = arith.constant 0 : index
    %get3A_117 = vector.load %arg17[%get3A_115, %get3A_116] : memref<32x64xf32, #tpu.memory_space<vmem>>, vector<32x64xf32>
    %get3A_118 = arith.constant 0 : index
    %get3A_119 = arith.constant 0 : index
    %get3A_120 = vector.load %arg17[%get3A_118, %get3A_119] : memref<32x64xf32, #tpu.memory_space<vmem>>, vector<32x64xf32>
    %mul3A_121 = arith.mulf %get3A_117, %get3A_120 : vector<32x64xf32>
    %reduce_sum3A = arith.constant dense<0.000000e+00> : vector<64xf32>
    %reduce_sum3A_122 = vector.multi_reduction <add>, %mul3A_121, %reduce_sum3A [0] : vector<32x64xf32> to vector<64xf32>
    %broadcast_in_dim3A = vector.shape_cast %reduce_sum3A_122 : vector<64xf32> to vector<1x64xf32>
    %mul3A_123 = arith.mulf %tanh3A, %tanh3A : vector<1000x32xf32>
    %reduce_sum3A_124 = arith.constant dense<0.000000e+00> : vector<1000xf32>
    %reduce_sum3A_125 = vector.multi_reduction <add>, %mul3A_123, %reduce_sum3A_124 [1] : vector<1000x32xf32> to vector<1000xf32>
    %broadcast_in_dim3A_126 = vector.shape_cast %reduce_sum3A_125 : vector<1000xf32> to vector<1000x1xf32>
    %add3A_127 = vector.broadcast %broadcast_in_dim3A_126 : vector<1000x1xf32> to vector<1000x64xf32>
    %add3A_128 = vector.broadcast %broadcast_in_dim3A : vector<1x64xf32> to vector<1000x64xf32>
    %add3A_129 = arith.addf %add3A_127, %add3A_128 : vector<1000x64xf32>
    %get3A_130 = arith.constant 0 : index
    %get3A_131 = arith.constant 0 : index
    %get3A_132 = vector.load %arg17[%get3A_130, %get3A_131] : memref<32x64xf32, #tpu.memory_space<vmem>>, vector<32x64xf32>
    %dot_general3A_133 = arith.constant dense<0.000000e+00> : vector<1000x64xf32>
    %dot_general3A_134 = tpu.matmul %tanh3A, %get3A_132, %dot_general3A_133 {dimension_numbers = #tpu.dot_dimension_numbers<[1], [0], [0], [1], [0, 0, 1, 1], [], []>, transpose_lhs_hint = false} : vector<1000x32xf32>, vector<32x64xf32>, vector<1000x64xf32> -> vector<1000x64xf32>
    %mul3A_135 = arith.constant 2.000000e+00 : f32
    %mul3A_136 = vector.broadcast %mul3A_135 : f32 to vector<1000x64xf32>
    %mul3A_137 = arith.mulf %mul3A_136, %dot_general3A_134 : vector<1000x64xf32>
    %sub3A_138 = arith.subf %add3A_129, %mul3A_137 : vector<1000x64xf32>
    %reduce_min3A = arith.constant dense<0x7F800000> : vector<1000xf32>
    %reduce_min3A_139 = vector.multi_reduction <minimumf>, %sub3A_138, %reduce_min3A [1] : vector<1000x64xf32> to vector<1000xf32>
    %broadcast_in_dim3A_140 = vector.shape_cast %reduce_min3A_139 : vector<1000xf32> to vector<1000x1xf32>
    %iota3A = tpu.iota {dimensions = array<i32: 1>} : vector<1000x64xi32>
    %eq3A = vector.broadcast %broadcast_in_dim3A_140 : vector<1000x1xf32> to vector<1000x64xf32>
    %eq3A_141 = arith.cmpf oeq, %sub3A_138, %eq3A : vector<1000x64xf32>
    %jit3A = arith.constant 64 : i32
    %broadcast_in_dim3A_142 = vector.broadcast %jit3A : i32 to vector<1000x64xi32>
    %select_n3A = arith.select %eq3A_141, %iota3A, %broadcast_in_dim3A_142 : vector<1000x64xi1>, vector<1000x64xi32>
    %reduce_min3A_143 = arith.constant dense<2147483647> : vector<1000xi32>
    %reduce_min3A_144 = vector.multi_reduction <minsi>, %select_n3A, %reduce_min3A_143 [1] : vector<1000x64xi32> to vector<1000xi32>
    %broadcast_in_dim3A_145 = vector.shape_cast %reduce_min3A_144 : vector<1000xi32> to vector<1000x1xi32>
    %eq3A_146 = vector.broadcast %broadcast_in_dim3A_145 : vector<1000x1xi32> to vector<1000x64xi32>
    %eq3A_147 = arith.cmpi eq, %iota3A, %eq3A_146 : vector<1000x64xi32>
    %convert_element_type3A = arith.extui %eq3A_147 : vector<1000x64xi1> to vector<1000x64xi32>
    %convert_element_type3A_148 = arith.sitofp %convert_element_type3A : vector<1000x64xi32> to vector<1000x64xf32>
    %get3A_149 = arith.constant 0 : index
    %get3A_150 = arith.constant 0 : index
    %get3A_151 = vector.load %arg16[%get3A_149, %get3A_150] : memref<64x32xf32, #tpu.memory_space<vmem>>, vector<64x32xf32>
    %dot_general3A_152 = arith.constant dense<0.000000e+00> : vector<1000x32xf32>
    %dot_general3A_153 = tpu.matmul %convert_element_type3A_148, %get3A_151, %dot_general3A_152 {dimension_numbers = #tpu.dot_dimension_numbers<[1], [0], [0], [1], [0, 0, 1, 1], [], []>, precision = #tpu.contract_precision<fp32>, transpose_lhs_hint = false} : vector<1000x64xf32>, vector<64x32xf32>, vector<1000x32xf32> -> vector<1000x32xf32>
    %sub3A_154 = arith.subf %dot_general3A_153, %tanh3A : vector<1000x32xf32>
    %add3A_155 = arith.addf %tanh3A, %sub3A_154 : vector<1000x32xf32>
    %swap3A = arith.constant 0 : index
    %swap3A_156 = arith.constant 0 : index
    %swap3A_157 = vector.load %arg18[%swap3A, %swap3A_156] : memref<1000x32xf32, #tpu.memory_space<vmem>>, vector<1000x32xf32>
    tpu.vector_store %arg18[%swap3A, %swap3A_156], %add3A_155 {strides = array<i32>} : memref<1000x32xf32, #tpu.memory_space<vmem>>, vector<1000x32xf32>,
    %sub3A_158 = arith.subf %dot_general3A_153, %tanh3A : vector<1000x32xf32>
    %integer_pow3A = arith.mulf %sub3A_158, %sub3A_158 : vector<1000x32xf32>
    %reduce_sum3A_159 = vector.shape_cast %integer_pow3A : vector<1000x32xf32> to vector<1x1000x32xf32>
    %reduce_sum3A_160 = arith.constant dense<0.000000e+00> : vector<1xf32>
    %reduce_sum3A_161 = vector.multi_reduction <add>, %reduce_sum3A_159, %reduce_sum3A_160 [1, 2] : vector<1x1000x32xf32> to vector<1xf32>
    %reduce_sum3A_162 = vector.shape_cast %reduce_sum3A_161 : vector<1xf32> to vector<1x1x1xf32>
    %reduce_sum3A_163 = vector.extract %reduce_sum3A_162[0, 0, 0] : f32 from vector<1x1x1xf32>
    %eq3A_164 = arith.constant 0 : i32
    %eq3A_165 = arith.cmpi eq, %arg0, %eq3A_164 : i32
    %convert_element_type3A_166 = arith.extui %eq3A_165 : i1 to i32
    %cond3A = arith.constant 0 : i32
    %cond3A_167 = arith.cmpi ne, %convert_element_type3A_166, %cond3A : i32
    scf.if %cond3A_167 {
      %broadcast_in_dim3A_181 = arith.constant 0.000000e+00 : f32
      %broadcast_in_dim3A_182 = vector.broadcast %broadcast_in_dim3A_181 : f32 to vector<8x128xf32>
      %swap3A_183 = arith.constant 0 : index
      %swap3A_184 = arith.constant 0 : index
      %swap3A_185 = vector.load %arg19[%swap3A_183, %swap3A_184] : memref<8x128xf32, #tpu.memory_space<vmem>>, vector<8x128xf32>
      tpu.vector_store %arg19[%swap3A_183, %swap3A_184], %broadcast_in_dim3A_182 {strides = array<i32>} : memref<8x128xf32, #tpu.memory_space<vmem>>, vector<8x128xf32>,
    } else {
    }
    %get3A_168 = arith.constant 0 : index
    %get3A_169 = arith.constant 0 : index
    %get3A_170 = vector.load %arg19[%get3A_168, %get3A_169] : memref<8x128xf32, #tpu.memory_space<vmem>>, vector<8x128xf32>
    %broadcast_in_dim3A_171 = vector.broadcast %reduce_sum3A_163 : f32 to vector<8x128xf32>
    %add3A_172 = arith.addf %get3A_170, %broadcast_in_dim3A_171 : vector<8x128xf32>
    %swap3A_173 = arith.constant 0 : index
    %swap3A_174 = arith.constant 0 : index
    %swap3A_175 = vector.load %arg19[%swap3A_173, %swap3A_174] : memref<8x128xf32, #tpu.memory_space<vmem>>, vector<8x128xf32>
    tpu.vector_store %arg19[%swap3A_173, %swap3A_174], %add3A_172 {strides = array<i32>} : memref<8x128xf32, #tpu.memory_space<vmem>>, vector<8x128xf32>,
    %eq3A_176 = arith.constant 9 : i32
    %eq3A_177 = arith.cmpi eq, %arg0, %eq3A_176 : i32
    %convert_element_type3A_178 = arith.extui %eq3A_177 : i1 to i32
    %cond3A_179 = arith.constant 0 : i32
    %cond3A_180 = arith.cmpi ne, %convert_element_type3A_178, %cond3A_179 : i32
    scf.if %cond3A_180 {
      %get3A_181 = arith.constant 0 : index
      %get3A_182 = arith.constant 0 : index
      %get3A_183 = vector.load %arg19[%get3A_181, %get3A_182] : memref<8x128xf32, #tpu.memory_space<vmem>>, vector<8x128xf32>
      %mul3A_184 = arith.constant 3.125000e-06 : f32
      %mul3A_185 = vector.broadcast %mul3A_184 : f32 to vector<8x128xf32>
      %mul3A_186 = arith.mulf %get3A_183, %mul3A_185 : vector<8x128xf32>
      %mul3A_187 = arith.constant 2.500000e-01 : f32
      %mul3A_188 = vector.broadcast %mul3A_187 : f32 to vector<8x128xf32>
      %mul3A_189 = arith.mulf %mul3A_188, %mul3A_186 : vector<8x128xf32>
      %add3A_190 = arith.addf %mul3A_186, %mul3A_189 : vector<8x128xf32>
      %swap3A_191 = arith.constant 0 : index
      %swap3A_192 = arith.constant 0 : index
      %swap3A_193 = vector.load %arg19[%swap3A_191, %swap3A_192] : memref<8x128xf32, #tpu.memory_space<vmem>>, vector<8x128xf32>
      tpu.vector_store %arg19[%swap3A_191, %swap3A_192], %add3A_190 {strides = array<i32>} : memref<8x128xf32, #tpu.memory_space<vmem>>, vector<8x128xf32>,
    } else {
    }
    return
  }
  func.func @transform_0(%arg0: i32) -> (i32, i32) {
    %c0_i32 = arith.constant 0 : i32
    %c0_i32_0 = arith.constant 0 : i32
    return %arg0, %c0_i32 : i32, i32
  }
  func.func @transform_1(%arg0: i32) -> (i32, i32) {
    %c0_i32 = arith.constant 0 : i32
    %c0_i32_0 = arith.constant 0 : i32
    return %arg0, %c0_i32 : i32, i32
  }
  func.func @transform_2(%arg0: i32) -> (i32, i32) {
    %c0_i32 = arith.constant 0 : i32
    %c0_i32_0 = arith.constant 0 : i32
    return %arg0, %c0_i32 : i32, i32
  }
  func.func @transform_3(%arg0: i32) -> (i32, i32) {
    %c0_i32 = arith.constant 0 : i32
    %c0_i32_0 = arith.constant 0 : i32
    return %arg0, %c0_i32 : i32, i32
  }
  func.func @transform_4(%arg0: i32) -> (i32, i32) {
    %c0_i32 = arith.constant 0 : i32
    %c0_i32_0 = arith.constant 0 : i32
    return %arg0, %c0_i32 : i32, i32
  }
  func.func @transform_5(%arg0: i32) -> (i32, i32) {
    %c0_i32 = arith.constant 0 : i32
    %c0_i32_0 = arith.constant 0 : i32
    %c0_i32_1 = arith.constant 0 : i32
    return %c0_i32, %c0_i32_0 : i32, i32
  }
  func.func @transform_6(%arg0: i32) -> (i32, i32) {
    %c0_i32 = arith.constant 0 : i32
    %c0_i32_0 = arith.constant 0 : i32
    %c0_i32_1 = arith.constant 0 : i32
    return %c0_i32, %c0_i32_0 : i32, i32
  }
  func.func @transform_7(%arg0: i32) -> (i32, i32) {
    %c0_i32 = arith.constant 0 : i32
    %c0_i32_0 = arith.constant 0 : i32
    %c0_i32_1 = arith.constant 0 : i32
    return %c0_i32, %c0_i32_0 : i32, i32
  }
  func.func @transform_8(%arg0: i32) -> (i32, i32) {
    %c0_i32 = arith.constant 0 : i32
    %c0_i32_0 = arith.constant 0 : i32
    %c0_i32_1 = arith.constant 0 : i32
    return %c0_i32, %c0_i32_0 : i32, i32
  }
  func.func @transform_9(%arg0: i32) -> (i32, i32) {
    %c0_i32 = arith.constant 0 : i32
    %c0_i32_0 = arith.constant 0 : i32
    %c0_i32_1 = arith.constant 0 : i32
    return %c0_i32, %c0_i32_0 : i32, i32
  }
  func.func @transform_10(%arg0: i32) -> (i32, i32) {
    %c0_i32 = arith.constant 0 : i32
    %c0_i32_0 = arith.constant 0 : i32
    %c0_i32_1 = arith.constant 0 : i32
    return %c0_i32, %c0_i32_0 : i32, i32
  }
  func.func @transform_11(%arg0: i32) -> (i32, i32) {
    %c0_i32 = arith.constant 0 : i32
    %c0_i32_0 = arith.constant 0 : i32
    %c0_i32_1 = arith.constant 0 : i32
    return %c0_i32, %c0_i32_0 : i32, i32
  }
  func.func @transform_12(%arg0: i32) -> (i32, i32) {
    %c0_i32 = arith.constant 0 : i32
    %c0_i32_0 = arith.constant 0 : i32
    %c0_i32_1 = arith.constant 0 : i32
    return %c0_i32, %c0_i32_0 : i32, i32
  }
  func.func @transform_13(%arg0: i32) -> (i32, i32) {
    %c0_i32 = arith.constant 0 : i32
    %c0_i32_0 = arith.constant 0 : i32
    %c0_i32_1 = arith.constant 0 : i32
    return %c0_i32, %c0_i32_0 : i32, i32
  }
  func.func @transform_14(%arg0: i32) -> (i32, i32) {
    %c0_i32 = arith.constant 0 : i32
    %c0_i32_0 = arith.constant 0 : i32
    %c0_i32_1 = arith.constant 0 : i32
    return %c0_i32, %c0_i32_0 : i32, i32
  }
  func.func @transform_15(%arg0: i32) -> (i32, i32) {
    %c0_i32 = arith.constant 0 : i32
    %c0_i32_0 = arith.constant 0 : i32
    %c0_i32_1 = arith.constant 0 : i32
    return %c0_i32, %c0_i32_0 : i32, i32
  }
  func.func @transform_16(%arg0: i32) -> (i32, i32) {
    %c0_i32 = arith.constant 0 : i32
    %c0_i32_0 = arith.constant 0 : i32
    %c0_i32_1 = arith.constant 0 : i32
    return %c0_i32, %c0_i32_0 : i32, i32
  }
  func.func @transform_17(%arg0: i32) -> (i32, i32) {
    %c0_i32 = arith.constant 0 : i32
    %c0_i32_0 = arith.constant 0 : i32
    return %arg0, %c0_i32 : i32, i32
  }
  func.func @transform_18(%arg0: i32) -> (i32, i32) {
    %c0_i32 = arith.constant 0 : i32
    %c0_i32_0 = arith.constant 0 : i32
    %c0_i32_1 = arith.constant 0 : i32
    return %c0_i32, %c0_i32_0 : i32, i32
  }
}

</mosaic_0001>

<sc_bundles>
// kernel: kernel.15.cloned.1.call-start
scs
__scs_entry_jumppad:
0x0: {  	(pc) =	sbr.rel $0x88, $3  }
0x1: {  	(tag) =	ssettag $0x0;
	lr =	simm.s32 $0x1  }
0x2: {  	[smem:$0x3F78] =	sst lr;
	_ =	strace $0xD0000000  }
0x3: {  	_ = 	snop  }
0x4: {  	_ = 	snop  }
0x5: {  	_ = 	snop  }
0x6: {  	_ = 	snop  }
0x7: {  	_ = 	snop  }
__scs_overlays_trampoline_lowered:
0x8: {  	[smem:$0x3F87] =	sst s0  }
0x9: {  	[smem:$0x3F88] =	sst s1  }
0xa: {  	[smem:$0x3F89] =	sst s2  }
0xb: {  	[smem:$0x3F8A] =	sst s3  }
0xc: {  	[smem:$0x3F8B] =	sst s4  }
0xd: {  	[smem:$0x3F8C] =	sst s5  }
0xe: {  	[smem:$0x3F8D] =	sst s6  }
0xf: {  	[smem:$0x3F8E] =	sst s7  }
0x10: {  	[smem:$0x3F8F] =	sst s8  }
0x11: {  	[smem:$0x3F90] =	sst s9;
	s0 =	simm.s32 @!p0 $0x0  }
0x12: {  	s1 =	sld [smem:$0x3F76];
	s0 =	simm.s32 @p0 $0x1  }
0x13: {  	[smem:$0x3F91] =	sst s0;
	s0 =	simm.s32 @!p1 $0x0  }
0x14: {  	s2 =	sld [smem:$0x3F75];
	s0 =	simm.s32 @p1 $0x1  }
0x15: {  	[smem:$0x3F92] =	sst s0;
	s0 =	simm.s32 @!p2 $0x0  }
0x16: {  	s3 =	sld [smem:$0x3FDB];
	s0 =	simm.s32 @p2 $0x1  }
0x17: {  	s4 =	simm.s32 $0x1BF5;
	[smem:$0x3F94] =	sst s0  }
0x18: {  	s0 =	sld [smem:$0x3F77];
	_ =	swait.ge [sflag:s4], $0x0  }
0x19: {  	s7 =	sld [smem:$0x3F78]  }
0x1a: {  	s8 =	sadd.s32 $0xFFFFE003, lr  }
0x1b: {  	s9 =	sadd.s32 $0xFFFFFEF7, lr;
	s5 =	simm.s32 $0xFFFFFFFF;
	p2 =	slt.u32 s8, $0xFFFFF086  }
0x1c: {  	p1 =	slt.u32 s9, $0xF7A;
	s5 =	simm.s32 @!p2 $0x0  }
0x1d: {  	s5 =	simm.s32 @p1 $0x1;
	p0 =	seq.s32 s7, s2  }
0x1e: {  	s7 =	smul.u32 @!p0 $0xF7A, s2;
	p2 =	seq.s32 @!p0 s5, $0x0  }
0x1f: {  	s9 =	smul.u32 $0xF7A, s1;
	s8 =	simm.s32 @!p0 $0x1BF5;
	p2 =	por !p2, p0  }
0x20: {  	[sflag:s8] =	ssyncset.s32 @!p0 $0xFFFFF086;
	s6 =	sadd.s32 @!p0 s3, s7;
	s7 =	simm.s32 @!p0 $0x108  }
0x21: {  	s3 =	sadd.s32 s3, s9;
	s6 =	sadd.s32 @!p0 $0x88, s6;
	s7 =	simm.s32 @p2 $0x1082  }
0x22: {  	[simem:s7], [sflag:s8] =	dma.local @!p0 [hbm:s6], $0xF7A  }
0x23: {  	s9 =	sor.u32 $0xD0000000, s2;
	s6 =	simm.s32 $0x108;
	_ =	swait.ge @!p0 [sflag:s8], $0x0  }
0x24: {  	s3 =	sadd.s32 $0x88, s3;
	s6 =	simm.s32 @!p1 $0x1082;
	[sflag:s4] =	ssyncset.s32 $0xFFFFF086  }
0x25: {  	[simem:s6], [sflag:s4] =	dma.local [hbm:s3], $0xF7A  }
0x26: {  	[smem:$0x3F78] =	sst s1;
	(tag) =	ssettag s2;
	_ =	strace s9  }
0x27: {  	s1 =	sld [smem:$0x3F88]  }
0x28: {  	s2 =	sld [smem:$0x3F89]  }
0x29: {  	s4 =	sld [smem:$0x3F8B]  }
0x2a: {  	p0 =	seq.s32 s5, $0x0;
	s5 =	sld [smem:$0x3F8C]  }
0x2b: {  	s6 =	sld [smem:$0x3F8D]  }
0x2c: {  	s7 =	sld [smem:$0x3F8E]  }
0x2d: {  	s3 =	simm.s32 $0x108;
	s8 =	sld [smem:$0x3F8F]  }
0x2e: {  	s3 =	simm.s32 @!p0 $0x1082;
	s9 =	sld [smem:$0x3F90]  }
0x2f: {  	lr =	sadd.s32 s0, s3;
	s0 =	sld [smem:$0x3F87]  }
0x30: {  	s3 =	sld [smem:$0x3F8A]  }
0x31: {  	[smem:$0x3F93] =	sst s10  }
0x32: {  	s10 =	sld [smem:$0x3F91];
	_ =	sdelay $0x3  }
0x33: {  	p0 =	seq.s32 s10, $0x1;
	s10 =	sld [smem:$0x3F93];
	_ =	sdelay $0x3  }
0x34: {  	[smem:$0x3F93] =	sst s10  }
0x35: {  	s10 =	sld [smem:$0x3F92];
	_ =	sdelay $0x3  }
0x36: {  	p1 =	seq.s32 s10, $0x1;
	s10 =	sld [smem:$0x3F93];
	_ =	sdelay $0x3  }
0x37: {  	[smem:$0x3F93] =	sst s10  }
0x38: {  	s10 =	sld [smem:$0x3F94]  }
0x39: {  	_ = 	snop;
	(pc) =	sbr.ind lr, $3  }
0x3a: {  	_ = 	snop  }
0x3b: {  	_ = 	snop  }
0x3c: {  	p2 =	seq.s32 s10, $0x1;
	s10 =	sld [smem:$0x3F93]  }
0x3d: {  	_ =	shalt  }
0x3e: {  	_ =	shalt  }
0x3f: {  	_ =	shalt  }
0x40: {  	_ =	shalt  }
0x41: {  	_ =	shalt  }
0x42: {  	_ =	shalt  }
0x43: {  	_ =	shalt  }
0x44: {  	_ =	shalt  }
0x45: {  	_ =	shalt  }
0x46: {  	_ =	shalt  }
0x47: {  	_ =	shalt  }
0x48: {  	_ =	shalt  }
0x49: {  	_ =	shalt  }
0x4a: {  	_ =	shalt  }
0x4b: {  	_ =	shalt  }
0x4c: {  	_ =	shalt  }
0x4d: {  	_ =	shalt  }
0x4e: {  	_ =	shalt  }
0x4f: {  	_ =	shalt  }
0x50: {  	_ =	shalt  }
0x51: {  	_ =	shalt  }
0x52: {  	_ =	shalt  }
0x53: {  	_ =	shalt  }
0x54: {  	_ =	shalt  }
0x55: {  	_ =	shalt  }
0x56: {  	_ =	shalt  }
0x57: {  	_ =	shalt  }
0x58: {  	_ =	shalt  }
0x59: {  	_ =	shalt  }
0x5a: {  	_ =	shalt  }
0x5b: {  	_ =	shalt  }
0x5c: {  	_ =	shalt  }
0x5d: {  	_ =	shalt  }
0x5e: {  	_ =	shalt  }
0x5f: {  	_ =	shalt  }
0x60: {  	_ =	shalt  }
0x61: {  	_ =	shalt  }
0x62: {  	_ =	shalt  }
0x63: {  	_ =	shalt  }
0x64: {  	_ =	shalt  }
0x65: {  	_ =	shalt  }
0x66: {  	_ =	shalt  }
0x67: {  	_ =	shalt  }
0x68: {  	_ =	shalt  }
0x69: {  	_ =	shalt  }
0x6a: {  	_ =	shalt  }
0x6b: {  	_ =	shalt  }
0x6c: {  	_ =	shalt  }
0x6d: {  	_ =	shalt  }
0x6e: {  	_ =	shalt  }
0x6f: {  	_ =	shalt  }
0x70: {  	_ =	shalt  }
0x71: {  	_ =	shalt  }
0x72: {  	_ =	shalt  }
0x73: {  	_ =	shalt  }
0x74: {  	_ =	shalt  }
0x75: {  	_ =	shalt  }
0x76: {  	_ =	shalt  }
0x77: {  	_ =	shalt  }
0x78: {  	_ =	shalt  }
0x79: {  	_ =	shalt  }
0x7a: {  	_ =	shalt  }
0x7b: {  	_ =	shalt  }
0x7c: {  	_ =	shalt  }
0x7d: {  	_ =	shalt  }
0x7e: {  	_ =	shalt  }
0x7f: {  	_ =	shalt  }
0x80: {  	_ =	shalt  }
0x81: {  	_ =	shalt  }
0x82: {  	_ =	shalt  }
0x83: {  	_ =	shalt  }
0x84: {  	_ =	shalt  }
0x85: {  	_ =	shalt  }
0x86: {  	_ =	shalt  }
0x87: {  	_ =	shalt  }
.Lfunc_end0:
.L_simem_size_0:
called_computation_lowered:
.L_overlay_start_0:
0x88: {  	s2 =	sld [smem:$0x3FD9]  }
0x89: {  	s3 =	sld [smem:$0x3FFE];
	_ =	sdelay $0x1  }
0x8a: {  	s1 =	srdreg.scid  }
0x8b: {  	s0 =	sand.u32 $0x1, s1  }
0x8c: {  	s17 =	sshll.u32 s0, $0xA;
	s2 =	sadd.s32 s3, s2  }
0x8d: {  	s2 =	sadd.s32 s2, s17  }
0x8e: {  	[smem:$0x3F9F] =	sst s2  }
0x8f: {  	_ = 	snop  }
0x90: {  	(tm) =	ssettm $0x1  }
0x91: {  	s18 =	sld [smem:$0x3FFB];
	_ =	sdelay $0x3  }
0x92: {  	_ =	strace s18  }
0x93: {  	s2 =	sld [smem:$0x3FFC];
	_ =	sdelay $0x3  }
0x94: {  	_ =	strace s2  }
0x95: {  	s2 =	sld [smem:$0x3FFD];
	_ =	sdelay $0x3  }
0x96: {  	_ =	strace s2  }
0x97: {  	_ =	strace $0x8FFFFFFF  }
0x98: {  	s19 =	sld [smem:$0x3FDB];
	_ =	sdelay $0x1  }
0x99: {  	s20 =	simm.s32 $_scs_section_size  }
0x9a: {  	s4 =	simm.s32 $_size__tile_overlayer_lowered;
	s5 =	simm.s32 $_tile_overlayer_lowered  }
0x9b: {  	s6 =	simm.s32 $0x1BFF;
	s21 =	sshll.u32 s5, $0x1;
	s3 =	sadd.s32 s20, s19  }
0x9c: {  	s22 =	simm.s32 $0x0;
	s4 =	sshll.u32 s4, $0x1;
	s5 =	sadd.s32 s21, s3  }
0x9d: {  	[timem:s22], [sflag:s6] =	dma.local [hbm:s5], s4  }
0x9e: {  	_ =	swait.ge [sflag:s6], s4  }
0x9f: {  	s4 =	ssub.s32 $0x0, s4;
	[sflag:s6] =	ssyncset.done $0x0  }
0xa0: {  	[sflag:s6] =	ssyncadd.s32 s4;
	_ =	sdelay $0x1  }
0xa1: {  	s23 =	simm.s32 $0x1B8B  }
0xa2: {  	_ =	swait.ge [sflag:s23], $0x1  }
0xa3: {  	[sflag:s23] =	ssyncset.done $0x0  }
0xa4: {  	[sflag:s23] =	ssyncadd.s32 $0xFFFFFFFF  }
0xa5: {  	s4 =	sld [smem:$0x0]  }
0xa6: {  	s5 =	sand.u32 $0xFFFFFFFE, s1  }
0xa7: {  	p0 =	sne.s32 s1, s5  }
0xa8: {  	s5 =	sshll.u32 @p0 s5, $0xE  }
0xa9: {  	s5 =	sadd.s32 @p0 $0x11B8D, s5;
	s6 =	sshll.u32 @p0 s4, $0x11  }
0xaa: {  	s5 =	sor.u32 @p0 s6, s5  }
0xab: {  	[sflag:s5] =	ssyncadd.remote.s32 @p0 $0x1;
	_ =	sdelay $0x1  }
0xac: {  	s5 =	simm.s32 @p0 $0x1B8D  }
0xad: {  	_ =	swait.eq @p0 [sflag:s5], $0x1  }
0xae: {  	[sflag:s5] =	ssyncadd.s32 @p0 $0xFFFFFFFF  }
0xaf: {  	s6 =	sshll.u32 @!p0 s1, $0xE  }
0xb0: {  	s6 =	sor.u32 @!p0 $0x4000, s6;
	s5 =	simm.s32 @!p0 $0x1B8D  }
0xb1: {  	s4 =	sshll.u32 @!p0 s4, $0x11;
	s6 =	sadd.s32 @!p0 $0x11B8D, s6;
	_ =	swait.eq @!p0 [sflag:s5], $0x1  }
0xb2: {  	s4 =	sor.u32 @!p0 s4, s6;
	[sflag:s5] =	ssyncadd.s32 @!p0 $0xFFFFFFFF  }
0xb3: {  	s25 =	simm.s32 $0x1B8E;
	s24 =	sld [smem:$0x3FFE];
	[sflag:s4] =	ssyncadd.remote.s32 @!p0 $0x1  }
0xb4: {  	s26 =	simm.s32 $execute0_lowered;
	[smem:$0x3FD2] =	sst s25  }
0xb5: {  	s5 =	sshll.u32 s26, $0x1;
	_ =	strace $0x8000004C;
	[dreg:$0x1] =	wrdreg $0xFFFFFFFF  }
0xb6: {  	s28 =	simm.s32 $_size_execute0_lowered;
	s3 =	sadd.s32 s3, s5;
	[dreg:$0x0] =	wrdreg $0x0  }
0xb7: {  	s5 =	sshll.u32 s28, $0x1;
	[dreg:$0x2] =	wrdreg s3  }
0xb8: {  	[dreg:$0x3] =	wrdreg s5  }
0xb9: {  	[dreg:$0x4] =	wrdreg $0xC0  }
0xba: {  	_ =	task [dreg:s22], $0x5FFFF  }
0xbb: {  	[dreg:$0x1] =	wrdreg $0xFFFFFFFF  }
0xbc: {  	[dreg:$0x0] =	wrdreg $0x60  }
0xbd: {  	[dreg:$0x2] =	wrdreg s24  }
0xbe: {  	[dreg:$0x3] =	wrdreg $0x28800  }
0xbf: {  	[dreg:$0x4] =	wrdreg $0x9  }
0xc0: {  	_ =	task.clear_ibuf [dreg:s22], $0x5FFFF;
	_ =	strace $0x9000004C  }
0xc1: {  	s29 =	simm.s32 $0x9;
	_ =	strace $0x8000004E  }
0xc2: {  	_ =	swait.ge [sflag:s29], $0x1  }
0xc3: {  	[sflag:s29] =	ssyncadd.s32 $0xFFFFFFFF  }
0xc4: {  	_ =	strace $0x9000004E  }
0xc5: {  	_ =	sfence  }
0xc6: {  	s30 =	sld [smem:$0x0];
	_ =	sdelay $0x2  }
0xc7: {  	s31 =	sshll.u32 s1, $0xD;
	s1 =	sshrl.u32 s1, $0x2  }
0xc8: {  	s4 =	sand.u32 $0x4000, s31;
	s1 =	sadd.s32 s1, s30  }
0xc9: {  	s0 =	sor.u32 s4, s0;
	s1 =	sshll.u32 s1, $0x11  }
0xca: {  	s0 =	sor.u32 s1, s0  }
0xcb: {  	s0 =	sadd.s32 $0x8F2B, s0  }
0xcc: {  	[sflag:s0] =	ssyncadd.remote.s32 $0x1  }
0xcd: {  	_ =	sfence.sel $0xFFFF  }
0xce: {  	[dreg:$0x0] =	wrdreg $0xFFFFFFFF;
	(pc) =	sbr.abs _section_cstart, $3  }
0xcf: {  	[dreg:$0x1] =	wrdreg $0xFFFFFFFF  }
0xd0: {  	_ =	task.clear_ibuf [dreg:s22], $0x2FFFF;
	_ =	strace $0x9FFFFFFF  }
0xd1: {  	(tm) =	ssettm $0x7FFFFFFF  }
tec
execute0_lowered:
.L_overlay_start_1:
0x0: {  	(tag) =	ssettag $0x1  }
0x1: {  	s5 =	rddreg [dreg:$0x0]  }
0x2: {  	s2 =	rddreg [dreg:$0x1]  }
0x3: {  	s0 =	rddreg [dreg:$0x2];
	s1 =	stileid.u32  }
0x4: {  	s3 =	simm.s32 $0x0;
	s4 =	srdreg.scid;
	s16 =	simm.s32 $0x1  }
0x5: {  	s17 =	simm.s32 $0x50;
	s20 =	simm.s32 $0x0;
	s6 =	smul.u32 $0x2700, s1  }
0x6: {  	[smem:$0x7FF] =	sst s3;
	s4 =	sand.u32 $0x1, s4;
	s7 =	smul.u32 $0x4E000, s1  }
0x7: {  	s15 =	sshll.u32 s1, $0xB;
	s18 =	sshll.u32 s1, $0x6;
	_ =	strace $0x8000004D  }
0x8: {  	s8 =	sshll.u32 s4, $0xF;
	s9 =	smul.u32 $0x27100, s4;
	s29 =	ssub.s32 $0x2, s4  }
0x9: {  	s18 =	sor.u32 $0x1C01, s18;
	s13 =	sadd.s32 s8, s5;
	s30 =	sshrl.u32 s7, $0x2  }
0xa: {  	s31 =	sshrl.u32 s29, $0x1;
	s6 =	sadd.s32 s6, s9;
	s4 =	sadd.s32 s30, s2  }
0xb: {  	s14 =	ssub.s32 s29, s31;
	s15 =	sadd.s32 s15, s13;
	s12 =	sadd.s32 s6, s5  }
0xc: {  	s5 =	sadd.s32 $0x2800, s4;
	s6 =	sadd.s32 $0x5000, s4;
	s7 =	sadd.s32 $0x7800, s4  }
0xd: {  	s8 =	sadd.s32 $0xA000, s4;
	s9 =	sadd.s32 $0xC800, s4;
	s10 =	sadd.s32 $0xF000, s4  }
0xe: {  	s11 =	sadd.s32 $0x11800, s4;
	s13 =	smax.u32 s14, $0x1;
	s14 =	sadd.s32 $0x119400, s15  }
0xf: {  	v0 =	vimm.f32 $0.0e+00;
	v1 =	vimm.f32 $1.000000000e+00;
	s15 =	simm.s32 $0x80;
	s19 =	sshrl.u32 s4, $0x3;
	s12 =	sadd.s32 $0x129400, s12  }
.LBB2_1:
0x10: {  	s21 =	simm.s32 $0x0;
	s22 =	simm.s32 $0x200  }
.LBB2_2:
0x11: {  	p0 =	sne.s32 s22, $0x9E00;
	[tilespmem:s21+$0xF0] =	vst v0  }
0x12: {  	[tilespmem:s21+$0x80] =	vst v0  }
0x13: {  	[tilespmem:s21+$0x90] =	vst v0  }
.Ltmp0:
0x14: {  	[tilespmem:s21+$0xA0] =	vst v0;
	(pc) =	sbr.rel @p0 .LBB2_2-.Ltmp0, $4  }
0x15: {  	[tilespmem:s21+$0xB0] =	vst v0  }
0x16: {  	[tilespmem:s21+$0xC0] =	vst v0  }
0x17: {  	[tilespmem:s21+$0xD0] =	vst v0  }
0x18: {  	[tilespmem:s21+$0xE0] =	vst v0;
	s21 =	sshra.s32 s22, $0x2;
	s22 =	sadd.s32 $0x200, s22  }
0x19: {  	[tilespmem:s21+$0xF0] =	vst v0  }
0x1a: {  	[tilespmem:s21+$0x80] =	vst v0  }
0x1b: {  	[tilespmem:s21+$0x90] =	vst v0  }
0x1c: {  	[tilespmem:s21+$0xA0] =	vst v0  }
0x1d: {  	[tilespmem:s21+$0xB0] =	vst v0  }
0x1e: {  	[tilespmem:s21+$0xC0] =	vst v0  }
0x1f: {  	[tilespmem:s21+$0xD0] =	vst v0  }
0x20: {  	[tilespmem:s21+$0xE0] =	vst v0  }
0x21: {  	[spmem:s4] =	stream.linear.scatter [tilespmem:s15], [sflag:$0x1], $0x2800, $0x38;
	[tilespmem:$0x16100] =	vst v63  }
0x22: {  	_ =	swait.ge [sflag:s16], $0x2800  }
0x23: {  	[sflag:s16] =	ssyncset.done $0x0  }
0x24: {  	[sflag:s16] =	ssyncadd.s32 $0xFFFFD800  }
0x25: {  	[spmem:s5] =	stream.linear.scatter [tilespmem:s15], [sflag:$0x1], $0x2800, $0x38;
	[tilespmem:$0x16100] =	vst v63  }
0x26: {  	_ =	swait.ge [sflag:s16], $0x2800  }
0x27: {  	[sflag:s16] =	ssyncset.done $0x0  }
0x28: {  	[sflag:s16] =	ssyncadd.s32 $0xFFFFD800  }
0x29: {  	[spmem:s6] =	stream.linear.scatter [tilespmem:s15], [sflag:$0x1], $0x2800, $0x38;
	[tilespmem:$0x16100] =	vst v63  }
0x2a: {  	_ =	swait.ge [sflag:s16], $0x2800  }
0x2b: {  	[sflag:s16] =	ssyncset.done $0x0  }
0x2c: {  	[sflag:s16] =	ssyncadd.s32 $0xFFFFD800  }
0x2d: {  	[spmem:s7] =	stream.linear.scatter [tilespmem:s15], [sflag:$0x1], $0x2800, $0x38;
	[tilespmem:$0x16100] =	vst v63  }
0x2e: {  	_ =	swait.ge [sflag:s16], $0x2800  }
0x2f: {  	[sflag:s16] =	ssyncset.done $0x0  }
0x30: {  	[sflag:s16] =	ssyncadd.s32 $0xFFFFD800  }
0x31: {  	[spmem:s8] =	stream.linear.scatter [tilespmem:s15], [sflag:$0x1], $0x2800, $0x38;
	[tilespmem:$0x16100] =	vst v63  }
0x32: {  	_ =	swait.ge [sflag:s16], $0x2800  }
0x33: {  	[sflag:s16] =	ssyncset.done $0x0  }
0x34: {  	[sflag:s16] =	ssyncadd.s32 $0xFFFFD800  }
0x35: {  	[spmem:s9] =	stream.linear.scatter [tilespmem:s15], [sflag:$0x1], $0x2800, $0x38;
	[tilespmem:$0x16100] =	vst v63  }
0x36: {  	_ =	swait.ge [sflag:s16], $0x2800  }
0x37: {  	[sflag:s16] =	ssyncset.done $0x0  }
0x38: {  	[sflag:s16] =	ssyncadd.s32 $0xFFFFD800  }
0x39: {  	[spmem:s10] =	stream.linear.scatter [tilespmem:s15], [sflag:$0x1], $0x2800, $0x38;
	[tilespmem:$0x16100] =	vst v63  }
0x3a: {  	_ =	swait.ge [sflag:s16], $0x2800  }
0x3b: {  	[sflag:s16] =	ssyncset.done $0x0  }
0x3c: {  	[sflag:s16] =	ssyncadd.s32 $0xFFFFD800  }
0x3d: {  	[spmem:s11] =	stream.linear.scatter [tilespmem:s15], [sflag:$0x1], $0x2800, $0x38;
	[tilespmem:$0x16100] =	vst v63  }
0x3e: {  	_ =	swait.ge [sflag:s16], $0x2800  }
0x3f: {  	[sflag:s16] =	ssyncset.done $0x0  }
0x40: {  	s21 =	simm.s32 $0x0;
	s22 =	simm.s32 $0x200;
	[sflag:s16] =	ssyncadd.s32 $0xFFFFD800  }
.LBB2_4:
0x41: {  	p0 =	sne.s32 s22, $0x9E00;
	[tilespmem:s21+$0xF0] =	vst v1  }
0x42: {  	[tilespmem:s21+$0x80] =	vst v1  }
0x43: {  	[tilespmem:s21+$0x90] =	vst v1  }
.Ltmp1:
0x44: {  	[tilespmem:s21+$0xA0] =	vst v1;
	(pc) =	sbr.rel @p0 .LBB2_4-.Ltmp1, $4  }
0x45: {  	[tilespmem:s21+$0xB0] =	vst v1  }
0x46: {  	[tilespmem:s21+$0xC0] =	vst v1  }
0x47: {  	[tilespmem:s21+$0xD0] =	vst v1  }
0x48: {  	[tilespmem:s21+$0xE0] =	vst v1;
	s21 =	sshra.s32 s22, $0x2;
	s22 =	sadd.s32 $0x200, s22  }
0x49: {  	[tilespmem:s21+$0xF0] =	vst v1  }
0x4a: {  	[tilespmem:s21+$0x80] =	vst v1  }
0x4b: {  	[tilespmem:s21+$0x90] =	vst v1  }
0x4c: {  	[tilespmem:s21+$0xA0] =	vst v1  }
0x4d: {  	[tilespmem:s21+$0xB0] =	vst v1  }
0x4e: {  	[tilespmem:s21+$0xC0] =	vst v1  }
0x4f: {  	[tilespmem:s21+$0xD0] =	vst v1  }
0x50: {  	[tilespmem:s21+$0xE0] =	vst v1  }
0x51: {  	s31 =	sadd.s32 $0x0, s14;
	[bflag:$0x0] =	sbarrier.arrive $0xFFFF  }
0x52: {  	[tilespmem:s3], [sflag:$0x1] =	stream.linear.gather [hbm4b:s31+s3], $0x80, $0x38;
	[tilespmem:$0x16100] =	vst v63  }
0x53: {  	_ =	swait.ge [sflag:s16], $0x80  }
0x54: {  	[sflag:s16] =	ssyncset.done $0x0  }
0x55: {  	[sflag:s16] =	ssyncadd.s32 $0xFFFFFF80  }
0x56: {  	[spmem:s2] =	stream.indirect.scatter.add.f32 [tilespmem:s15], [sflag:$0x1], $0x80, s3, s17, $0xb8;
	[tilespmem:$0x16100] =	vst v63  }
0x57: {  	_ =	swait.ge [sflag:s16], $0x2800  }
0x58: {  	s21 =	simm.s32 $0x10;
	s22 =	simm.s32 $0x20;
	[sflag:s16] =	ssyncset.done $0x0  }
.LBB2_6:
0x59: {  	s23 =	sadd.s32 s21, s14  }
0x5a: {  	[sflag:s16] =	ssyncadd.s32 $0xFFFFD800;
	s21 =	smov.u32 s22;
	s24 =	sadd.s32 $0x10, s22  }
0x5b: {  	[tilespmem:s3], [sflag:$0x1] =	stream.linear.gather [hbm4b:s23+s3], $0x80, $0x38;
	[tilespmem:$0x16100] =	vst v63  }
0x5c: {  	p0 =	sne.s32 s22, $0x7C0;
	_ =	swait.ge [sflag:s16], $0x80  }
.Ltmp2:
0x5d: {  	[sflag:s16] =	ssyncset.done $0x0;
	(pc) =	sbr.rel @p0 .LBB2_6-.Ltmp2, $4  }
0x5e: {  	[sflag:s16] =	ssyncadd.s32 $0xFFFFFF80  }
0x5f: {  	[spmem:s2] =	stream.indirect.scatter.add.f32 [tilespmem:s15], [sflag:$0x1], $0x80, s3, s17, $0xb8;
	[tilespmem:$0x16100] =	vst v63  }
0x60: {  	_ =	swait.ge [sflag:s16], $0x2800  }
0x61: {  	s22 =	smov.u32 s24;
	[sflag:s16] =	ssyncset.done $0x0  }
0x62: {  	s21 =	sadd.s32 s21, s14;
	[sflag:s16] =	ssyncadd.s32 $0xFFFFD800  }
0x63: {  	[tilespmem:s3], [sflag:$0x1] =	stream.linear.gather [hbm4b:s21+s3], $0x80, $0x38;
	[tilespmem:$0x16100] =	vst v63  }
0x64: {  	_ =	swait.ge [sflag:s16], $0x80  }
0x65: {  	[sflag:s16] =	ssyncset.done $0x0  }
0x66: {  	[sflag:s16] =	ssyncadd.s32 $0xFFFFFF80  }
0x67: {  	[spmem:s2] =	stream.indirect.scatter.add.f32 [tilespmem:s15], [sflag:$0x1], $0x80, s3, s17, $0xb8;
	[tilespmem:$0x16100] =	vst v63  }
0x68: {  	_ =	swait.ge [sflag:s16], $0x2800  }
0x69: {  	s20 =	sadd.s32 $0x1, s20;
	[sflag:s16] =	ssyncset.done $0x0  }
0x6a: {  	p0 =	sne.s32 s20, s13;
	[sflag:s16] =	ssyncadd.s32 $0xFFFFD800  }
.Ltmp3:
0x6b: {  	[bflag:$0x0] =	sbarrier.arrive $0xFFFF;
	(pc) =	sbr.rel @p0 .LBB2_1-.Ltmp3, $4  }
0x6c: {  	[hbm:s12], [sflag:s18] =	dma.local [spmem:s19], $0x2800  }
0x6d: {  	_ =	swait.ge [sflag:s16], $0x2800  }
0x6e: {  	[sflag:s16] =	ssyncset.done $0x0  }
0x6f: {  	[sflag:s16] =	ssyncadd.s32 $0xFFFFD800  }
0x70: {  	_ =	sfence.sel $0x180000  }
0x71: {  	[bflag:$0x0] =	sbarrier.arrive $0xFFFF  }
0x72: {  	p0 =	sne.s32 s1, $0x0;
	_ =	strace $0x9000004D  }
0x73: {  	s0 =	sadd.s32 @!p0 $0x100000, s0;
	[bflag:$0x2] =	sbarrier.arrive $0xFFFF  }
0x74: {  	[sflag:s0] =	ssyncadd.tile.s32 @!p0 $0x1;
	_ =	shalt  }
.Lfunc_end2:
_tile_overlayer_lowered:
.L_overlay_start_2:
0x75: {  	(tag) =	ssettag $0x2  }
0x76: {  	s0 =	rddreg [dreg:$0x0];
	s2 =	stileid.u32  }
0x77: {  	s1 =	rddreg [dreg:$0x1];
	p0 =	sne.s32 s2, $0x0  }
0x78: {  	s3 =	rddreg [dreg:$0x2];
	[bflag:$0x3] =	sbarrier.arrive $0xFFFF;
	s2 =	simm.s32 @!p0 $0x1C01  }
0x79: {  	[timem:s3], [sflag:s2] =	dma.local @!p0 [hbm:s0], s1  }
0x7a: {  	s0 =	simm.s32 @!p0 $0x1  }
0x7b: {  	_ =	swait.ge @!p0 [sflag:s0], s1  }
0x7c: {  	s1 =	ssub.s32 @!p0 $0x0, s1;
	[sflag:s0] =	ssyncset.done @!p0 $0x0  }
0x7d: {  	[sflag:s0] =	ssyncadd.s32 @!p0 s1  }
0x7e: {  	[bflag:$0x3] =	sbarrier.arrive $0xFFFF  }
0x7f: {  	_ =	shalt  }

// kernel: kernel.18.cloned.1.call-start
scs
__scs_entry_jumppad:
0x0: {  	(pc) =	sbr.rel $0x88, $3  }
0x1: {  	(tag) =	ssettag $0x0;
	lr =	simm.s32 $0x1  }
0x2: {  	[smem:$0x3F78] =	sst lr;
	_ =	strace $0xD0000000  }
0x3: {  	_ = 	snop  }
0x4: {  	_ = 	snop  }
0x5: {  	_ = 	snop  }
0x6: {  	_ = 	snop  }
0x7: {  	_ = 	snop  }
__scs_overlays_trampoline_lowered:
0x8: {  	[smem:$0x3F87] =	sst s0  }
0x9: {  	[smem:$0x3F88] =	sst s1  }
0xa: {  	[smem:$0x3F89] =	sst s2  }
0xb: {  	[smem:$0x3F8A] =	sst s3  }
0xc: {  	[smem:$0x3F8B] =	sst s4  }
0xd: {  	[smem:$0x3F8C] =	sst s5  }
0xe: {  	[smem:$0x3F8D] =	sst s6  }
0xf: {  	[smem:$0x3F8E] =	sst s7  }
0x10: {  	[smem:$0x3F8F] =	sst s8  }
0x11: {  	[smem:$0x3F90] =	sst s9;
	s0 =	simm.s32 @!p0 $0x0  }
0x12: {  	s1 =	sld [smem:$0x3F76];
	s0 =	simm.s32 @p0 $0x1  }
0x13: {  	[smem:$0x3F91] =	sst s0;
	s0 =	simm.s32 @!p1 $0x0  }
0x14: {  	s2 =	sld [smem:$0x3F75];
	s0 =	simm.s32 @p1 $0x1  }
0x15: {  	[smem:$0x3F92] =	sst s0;
	s0 =	simm.s32 @!p2 $0x0  }
0x16: {  	s3 =	sld [smem:$0x3FDB];
	s0 =	simm.s32 @p2 $0x1  }
0x17: {  	s4 =	simm.s32 $0x1BF5;
	[smem:$0x3F94] =	sst s0  }
0x18: {  	s0 =	sld [smem:$0x3F77];
	_ =	swait.ge [sflag:s4], $0x0  }
0x19: {  	s7 =	sld [smem:$0x3F78]  }
0x1a: {  	s8 =	sadd.s32 $0xFFFFE003, lr  }
0x1b: {  	s9 =	sadd.s32 $0xFFFFFEF7, lr;
	s5 =	simm.s32 $0xFFFFFFFF;
	p2 =	slt.u32 s8, $0xFFFFF086  }
0x1c: {  	p1 =	slt.u32 s9, $0xF7A;
	s5 =	simm.s32 @!p2 $0x0  }
0x1d: {  	s5 =	simm.s32 @p1 $0x1;
	p0 =	seq.s32 s7, s2  }
0x1e: {  	s7 =	smul.u32 @!p0 $0xF7A, s2;
	p2 =	seq.s32 @!p0 s5, $0x0  }
0x1f: {  	s9 =	smul.u32 $0xF7A, s1;
	s8 =	simm.s32 @!p0 $0x1BF5;
	p2 =	por !p2, p0  }
0x20: {  	[sflag:s8] =	ssyncset.s32 @!p0 $0xFFFFF086;
	s6 =	sadd.s32 @!p0 s3, s7;
	s7 =	simm.s32 @!p0 $0x108  }
0x21: {  	s3 =	sadd.s32 s3, s9;
	s6 =	sadd.s32 @!p0 $0x88, s6;
	s7 =	simm.s32 @p2 $0x1082  }
0x22: {  	[simem:s7], [sflag:s8] =	dma.local @!p0 [hbm:s6], $0xF7A  }
0x23: {  	s9 =	sor.u32 $0xD0000000, s2;
	s6 =	simm.s32 $0x108;
	_ =	swait.ge @!p0 [sflag:s8], $0x0  }
0x24: {  	s3 =	sadd.s32 $0x88, s3;
	s6 =	simm.s32 @!p1 $0x1082;
	[sflag:s4] =	ssyncset.s32 $0xFFFFF086  }
0x25: {  	[simem:s6], [sflag:s4] =	dma.local [hbm:s3], $0xF7A  }
0x26: {  	[smem:$0x3F78] =	sst s1;
	(tag) =	ssettag s2;
	_ =	strace s9  }
0x27: {  	s1 =	sld [smem:$0x3F88]  }
0x28: {  	s2 =	sld [smem:$0x3F89]  }
0x29: {  	s4 =	sld [smem:$0x3F8B]  }
0x2a: {  	p0 =	seq.s32 s5, $0x0;
	s5 =	sld [smem:$0x3F8C]  }
0x2b: {  	s6 =	sld [smem:$0x3F8D]  }
0x2c: {  	s7 =	sld [smem:$0x3F8E]  }
0x2d: {  	s3 =	simm.s32 $0x108;
	s8 =	sld [smem:$0x3F8F]  }
0x2e: {  	s3 =	simm.s32 @!p0 $0x1082;
	s9 =	sld [smem:$0x3F90]  }
0x2f: {  	lr =	sadd.s32 s0, s3;
	s0 =	sld [smem:$0x3F87]  }
0x30: {  	s3 =	sld [smem:$0x3F8A]  }
0x31: {  	[smem:$0x3F93] =	sst s10  }
0x32: {  	s10 =	sld [smem:$0x3F91];
	_ =	sdelay $0x3  }
0x33: {  	p0 =	seq.s32 s10, $0x1;
	s10 =	sld [smem:$0x3F93];
	_ =	sdelay $0x3  }
0x34: {  	[smem:$0x3F93] =	sst s10  }
0x35: {  	s10 =	sld [smem:$0x3F92];
	_ =	sdelay $0x3  }
0x36: {  	p1 =	seq.s32 s10, $0x1;
	s10 =	sld [smem:$0x3F93];
	_ =	sdelay $0x3  }
0x37: {  	[smem:$0x3F93] =	sst s10  }
0x38: {  	s10 =	sld [smem:$0x3F94]  }
0x39: {  	_ = 	snop;
	(pc) =	sbr.ind lr, $3  }
0x3a: {  	_ = 	snop  }
0x3b: {  	_ = 	snop  }
0x3c: {  	p2 =	seq.s32 s10, $0x1;
	s10 =	sld [smem:$0x3F93]  }
0x3d: {  	_ =	shalt  }
0x3e: {  	_ =	shalt  }
0x3f: {  	_ =	shalt  }
0x40: {  	_ =	shalt  }
0x41: {  	_ =	shalt  }
0x42: {  	_ =	shalt  }
0x43: {  	_ =	shalt  }
0x44: {  	_ =	shalt  }
0x45: {  	_ =	shalt  }
0x46: {  	_ =	shalt  }
0x47: {  	_ =	shalt  }
0x48: {  	_ =	shalt  }
0x49: {  	_ =	shalt  }
0x4a: {  	_ =	shalt  }
0x4b: {  	_ =	shalt  }
0x4c: {  	_ =	shalt  }
0x4d: {  	_ =	shalt  }
0x4e: {  	_ =	shalt  }
0x4f: {  	_ =	shalt  }
0x50: {  	_ =	shalt  }
0x51: {  	_ =	shalt  }
0x52: {  	_ =	shalt  }
0x53: {  	_ =	shalt  }
0x54: {  	_ =	shalt  }
0x55: {  	_ =	shalt  }
0x56: {  	_ =	shalt  }
0x57: {  	_ =	shalt  }
0x58: {  	_ =	shalt  }
0x59: {  	_ =	shalt  }
0x5a: {  	_ =	shalt  }
0x5b: {  	_ =	shalt  }
0x5c: {  	_ =	shalt  }
0x5d: {  	_ =	shalt  }
0x5e: {  	_ =	shalt  }
0x5f: {  	_ =	shalt  }
0x60: {  	_ =	shalt  }
0x61: {  	_ =	shalt  }
0x62: {  	_ =	shalt  }
0x63: {  	_ =	shalt  }
0x64: {  	_ =	shalt  }
0x65: {  	_ =	shalt  }
0x66: {  	_ =	shalt  }
0x67: {  	_ =	shalt  }
0x68: {  	_ =	shalt  }
0x69: {  	_ =	shalt  }
0x6a: {  	_ =	shalt  }
0x6b: {  	_ =	shalt  }
0x6c: {  	_ =	shalt  }
0x6d: {  	_ =	shalt  }
0x6e: {  	_ =	shalt  }
0x6f: {  	_ =	shalt  }
0x70: {  	_ =	shalt  }
0x71: {  	_ =	shalt  }
0x72: {  	_ =	shalt  }
0x73: {  	_ =	shalt  }
0x74: {  	_ =	shalt  }
0x75: {  	_ =	shalt  }
0x76: {  	_ =	shalt  }
0x77: {  	_ =	shalt  }
0x78: {  	_ =	shalt  }
0x79: {  	_ =	shalt  }
0x7a: {  	_ =	shalt  }
0x7b: {  	_ =	shalt  }
0x7c: {  	_ =	shalt  }
0x7d: {  	_ =	shalt  }
0x7e: {  	_ =	shalt  }
0x7f: {  	_ =	shalt  }
0x80: {  	_ =	shalt  }
0x81: {  	_ =	shalt  }
0x82: {  	_ =	shalt  }
0x83: {  	_ =	shalt  }
0x84: {  	_ =	shalt  }
0x85: {  	_ =	shalt  }
0x86: {  	_ =	shalt  }
0x87: {  	_ =	shalt  }
.Lfunc_end0:
.L_simem_size_0:
called_computation.1_lowered:
.L_overlay_start_0:
0x88: {  	s2 =	sld [smem:$0x3FD9]  }
0x89: {  	s3 =	sld [smem:$0x3FFE];
	_ =	sdelay $0x1  }
0x8a: {  	s1 =	srdreg.scid  }
0x8b: {  	s0 =	sand.u32 $0x1, s1  }
0x8c: {  	s14 =	sshll.u32 s0, $0xA;
	s2 =	sadd.s32 s3, s2  }
0x8d: {  	s2 =	sadd.s32 s2, s14  }
0x8e: {  	[smem:$0x3F9F] =	sst s2  }
0x8f: {  	_ = 	snop  }
0x90: {  	s2 =	sld [smem:$0x3FD0];
	_ =	sdelay $0x2  }
0x91: {  	s15 =	simm.s32 $0xC;
	s4 =	simm.s32 $0x10  }
0x92: {  	[smem:s4], [sflag:s15] =	dma.local [hbm:s2], $0x1  }
0x93: {  	_ =	swait.eq [sflag:s15], $0x1  }
0x94: {  	[sflag:s15] =	ssyncset.done $0x0  }
0x95: {  	[sflag:s15] =	ssyncadd.s32 $0xFFFFFFFF  }
0x96: {  	s16 =	sld [smem:$0x10];
	(tm) =	ssettm $0x1  }
0x97: {  	s17 =	sld [smem:$0x3FFB];
	_ =	sdelay $0x3  }
0x98: {  	_ =	strace s17  }
0x99: {  	s3 =	sld [smem:$0x3FFC];
	_ =	sdelay $0x3  }
0x9a: {  	_ =	strace s3  }
0x9b: {  	s3 =	sld [smem:$0x3FFD];
	_ =	sdelay $0x3  }
0x9c: {  	_ =	strace s3  }
0x9d: {  	_ =	strace $0x8FFFFFFF  }
0x9e: {  	s18 =	sld [smem:$0x3FDB];
	_ =	sdelay $0x1  }
0x9f: {  	s19 =	simm.s32 $_scs_section_size  }
0xa0: {  	s5 =	simm.s32 $_size__tile_overlayer_lowered;
	s6 =	simm.s32 $_tile_overlayer_lowered  }
0xa1: {  	s22 =	simm.s32 $0x1BFF;
	s21 =	sshll.u32 s6, $0x1;
	s3 =	sadd.s32 s19, s18  }
0xa2: {  	s7 =	simm.s32 $0x0;
	s20 =	sshll.u32 s5, $0x1;
	s5 =	sadd.s32 s21, s3  }
0xa3: {  	[timem:s7], [sflag:s22] =	dma.local [hbm:s5], s20  }
0xa4: {  	_ =	swait.ge [sflag:s22], s20  }
0xa5: {  	s4 =	ssub.s32 $0x0, s20;
	[sflag:s22] =	ssyncset.done $0x0  }
0xa6: {  	[sflag:s22] =	ssyncadd.s32 s4;
	_ =	sdelay $0x1  }
0xa7: {  	s23 =	simm.s32 $0x1B8B  }
0xa8: {  	_ =	swait.ge [sflag:s23], $0x1  }
0xa9: {  	[sflag:s23] =	ssyncset.done $0x0  }
0xaa: {  	s25 =	simm.s32 $0x1B8E;
	s24 =	sld [smem:$0x3FFE];
	[sflag:s23] =	ssyncadd.s32 $0xFFFFFFFF  }
0xab: {  	s26 =	simm.s32 $execute0_lowered;
	[smem:$0x3FD2] =	sst s25  }
0xac: {  	s5 =	sshll.u32 s26, $0x1;
	_ =	strace $0x80000046;
	[dreg:$0x1] =	wrdreg $0xFFFFFFFF  }
0xad: {  	s28 =	simm.s32 $_size_execute0_lowered;
	s3 =	sadd.s32 s3, s5;
	[dreg:$0x0] =	wrdreg $0x0  }
0xae: {  	s5 =	sshll.u32 s28, $0x1;
	[dreg:$0x2] =	wrdreg s3  }
0xaf: {  	[dreg:$0x3] =	wrdreg s5  }
0xb0: {  	[dreg:$0x4] =	wrdreg $0xC0  }
0xb1: {  	_ =	task [dreg:s7], $0x5FFFF  }
0xb2: {  	[dreg:$0x1] =	wrdreg $0xFFFFFFFF  }
0xb3: {  	[dreg:$0x0] =	wrdreg $0x60  }
0xb4: {  	[dreg:$0x2] =	wrdreg s24  }
0xb5: {  	[dreg:$0x3] =	wrdreg s16  }
0xb6: {  	[dreg:$0x4] =	wrdreg $0x68800  }
0xb7: {  	[dreg:$0x5] =	wrdreg $0xA  }
0xb8: {  	_ =	task.clear_ibuf [dreg:s7], $0x6FFFF;
	_ =	strace $0x90000046  }
0xb9: {  	s29 =	simm.s32 $0xA;
	_ =	strace $0x80000048  }
0xba: {  	_ =	swait.ge [sflag:s29], $0x1  }
0xbb: {  	[sflag:s29] =	ssyncadd.s32 $0xFFFFFFFF  }
0xbc: {  	_ =	strace $0x90000048  }
0xbd: {  	_ =	sfence  }
0xbe: {  	s30 =	sld [smem:$0x0];
	_ =	sdelay $0x2  }
0xbf: {  	s31 =	sshll.u32 s1, $0xD;
	s1 =	sshrl.u32 s1, $0x2  }
0xc0: {  	s3 =	sand.u32 $0x4000, s31;
	s1 =	sadd.s32 s1, s30  }
0xc1: {  	s0 =	sor.u32 s3, s0;
	s1 =	sshll.u32 s1, $0x11  }
0xc2: {  	s0 =	sor.u32 s1, s0  }
0xc3: {  	s0 =	sadd.s32 $0x8F2B, s0  }
0xc4: {  	[sflag:s0] =	ssyncadd.remote.s32 $0x1  }
0xc5: {  	_ =	sfence.sel $0xFFFF  }
0xc6: {  	[dreg:$0x0] =	wrdreg $0xFFFFFFFF;
	(pc) =	sbr.abs _section_cstart, $3  }
0xc7: {  	[dreg:$0x1] =	wrdreg $0xFFFFFFFF  }
0xc8: {  	_ =	task.clear_ibuf [dreg:s7], $0x2FFFF;
	_ =	strace $0x9FFFFFFF  }
0xc9: {  	(tm) =	ssettm $0x7FFFFFFF  }
tec
execute0_lowered:
.L_overlay_start_1:
0x0: {  	(tag) =	ssettag $0x1  }
0x1: {  	s5 =	rddreg [dreg:$0x0]  }
0x2: {  	s16 =	rddreg [dreg:$0x1]  }
0x3: {  	s2 =	rddreg [dreg:$0x2];
	s3 =	srdreg.scid  }
0x4: {  	s0 =	rddreg [dreg:$0x3];
	s1 =	stileid.u32;
	s18 =	simm.s32 $0x2  }
0x5: {  	s19 =	simm.s32 $0x4000;
	s20 =	simm.s32 $0x50;
	s21 =	simm.s32 $0x1  }
0x6: {  	s23 =	simm.s32 $0x0;
	s6 =	sand.u32 $0x1, s3;
	s8 =	smul.u32 $0x2700, s1  }
0x7: {  	s4 =	sshll.u32 s1, $0xE;
	s3 =	simm.s32 $0x0;
	s10 =	smul.u32 $0x4E000, s1  }
0x8: {  	s17 =	sshll.u32 s1, $0xB;
	s22 =	sshll.u32 s1, $0x6;
	s7 =	sshll.u32 s6, $0x12  }
0x9: {  	s29 =	smul.u32 $0x27100, s6;
	[smem:$0x7FF] =	sst s3;
	s6 =	ssub.s32 $0x2, s6  }
0xa: {  	s16 =	sadd.s32 s17, s16;
	s17 =	simm.s32 $0x4080;
	s22 =	sor.u32 $0x1C02, s22  }
0xb: {  	s4 =	sor.u32 s4, s7;
	_ =	strace $0x80000047;
	s30 =	sshrl.u32 s10, $0x2  }
0xc: {  	s31 =	sshrl.u32 s6, $0x1;
	s9 =	sshrl.u32 s4, $0x3;
	s4 =	sadd.s32 $0x6E00, s5  }
0xd: {  	s7 =	sadd.s32 s8, s29;
	s15 =	ssub.s32 s6, s31;
	s13 =	sadd.s32 s9, s5  }
0xe: {  	s14 =	sadd.s32 s7, s5;
	s5 =	sadd.s32 s30, s2;
	s15 =	smax.u32 s15, $0x1  }
0xf: {  	s6 =	sadd.s32 $0x2800, s5;
	s7 =	sadd.s32 $0x5000, s5;
	s8 =	sadd.s32 $0x7800, s5  }
0x10: {  	s9 =	sadd.s32 $0xA000, s5;
	s10 =	sadd.s32 $0xC800, s5;
	s11 =	sadd.s32 $0xF000, s5  }
0x11: {  	v0 =	vimm.f32 $0.0e+00;
	s12 =	sadd.s32 $0x11800, s5;
	s13 =	sadd.s32 $0x55000, s13;
	s14 =	sadd.s32 $0x65000, s14  }
.LBB2_1:
0x12: {  	s24 =	simm.s32 $0x0;
	s25 =	simm.s32 $0x200  }
.LBB2_2:
0x13: {  	p0 =	sne.s32 s25, $0x9E00;
	[tilespmem:s24+$0x40F0] =	vst v0  }
0x14: {  	[tilespmem:s24+$0x4080] =	vst v0  }
0x15: {  	[tilespmem:s24+$0x4090] =	vst v0  }
.Ltmp0:
0x16: {  	[tilespmem:s24+$0x40A0] =	vst v0;
	(pc) =	sbr.rel @p0 .LBB2_2-.Ltmp0, $4  }
0x17: {  	[tilespmem:s24+$0x40B0] =	vst v0  }
0x18: {  	[tilespmem:s24+$0x40C0] =	vst v0  }
0x19: {  	[tilespmem:s24+$0x40D0] =	vst v0  }
0x1a: {  	[tilespmem:s24+$0x40E0] =	vst v0;
	s24 =	sshra.s32 s25, $0x2;
	s25 =	sadd.s32 $0x200, s25  }
0x1b: {  	[tilespmem:s24+$0x40F0] =	vst v0  }
0x1c: {  	[tilespmem:s24+$0x4080] =	vst v0  }
0x1d: {  	[tilespmem:s24+$0x4090] =	vst v0  }
0x1e: {  	[tilespmem:s24+$0x40A0] =	vst v0  }
0x1f: {  	[tilespmem:s24+$0x40B0] =	vst v0  }
0x20: {  	[tilespmem:s24+$0x40C0] =	vst v0  }
0x21: {  	[tilespmem:s24+$0x40D0] =	vst v0  }
0x22: {  	[tilespmem:s24+$0x40E0] =	vst v0  }
0x23: {  	[spmem:s5] =	stream.linear.scatter [tilespmem:s17], [sflag:$0x2], $0x2800, $0x38;
	[tilespmem:$0x1A100] =	vst v63  }
0x24: {  	_ =	swait.ge [sflag:s18], $0x2800  }
0x25: {  	[sflag:s18] =	ssyncset.done $0x0  }
0x26: {  	[sflag:s18] =	ssyncadd.s32 $0xFFFFD800  }
0x27: {  	[spmem:s6] =	stream.linear.scatter [tilespmem:s17], [sflag:$0x2], $0x2800, $0x38;
	[tilespmem:$0x1A100] =	vst v63  }
0x28: {  	_ =	swait.ge [sflag:s18], $0x2800  }
0x29: {  	[sflag:s18] =	ssyncset.done $0x0  }
0x2a: {  	[sflag:s18] =	ssyncadd.s32 $0xFFFFD800  }
0x2b: {  	[spmem:s7] =	stream.linear.scatter [tilespmem:s17], [sflag:$0x2], $0x2800, $0x38;
	[tilespmem:$0x1A100] =	vst v63  }
0x2c: {  	_ =	swait.ge [sflag:s18], $0x2800  }
0x2d: {  	[sflag:s18] =	ssyncset.done $0x0  }
0x2e: {  	[sflag:s18] =	ssyncadd.s32 $0xFFFFD800  }
0x2f: {  	[spmem:s8] =	stream.linear.scatter [tilespmem:s17], [sflag:$0x2], $0x2800, $0x38;
	[tilespmem:$0x1A100] =	vst v63  }
0x30: {  	_ =	swait.ge [sflag:s18], $0x2800  }
0x31: {  	[sflag:s18] =	ssyncset.done $0x0  }
0x32: {  	[sflag:s18] =	ssyncadd.s32 $0xFFFFD800  }
0x33: {  	[spmem:s9] =	stream.linear.scatter [tilespmem:s17], [sflag:$0x2], $0x2800, $0x38;
	[tilespmem:$0x1A100] =	vst v63  }
0x34: {  	_ =	swait.ge [sflag:s18], $0x2800  }
0x35: {  	[sflag:s18] =	ssyncset.done $0x0  }
0x36: {  	[sflag:s18] =	ssyncadd.s32 $0xFFFFD800  }
0x37: {  	[spmem:s10] =	stream.linear.scatter [tilespmem:s17], [sflag:$0x2], $0x2800, $0x38;
	[tilespmem:$0x1A100] =	vst v63  }
0x38: {  	_ =	swait.ge [sflag:s18], $0x2800  }
0x39: {  	[sflag:s18] =	ssyncset.done $0x0  }
0x3a: {  	[sflag:s18] =	ssyncadd.s32 $0xFFFFD800  }
0x3b: {  	[spmem:s11] =	stream.linear.scatter [tilespmem:s17], [sflag:$0x2], $0x2800, $0x38;
	[tilespmem:$0x1A100] =	vst v63  }
0x3c: {  	_ =	swait.ge [sflag:s18], $0x2800  }
0x3d: {  	[sflag:s18] =	ssyncset.done $0x0  }
0x3e: {  	[sflag:s18] =	ssyncadd.s32 $0xFFFFD800  }
0x3f: {  	[spmem:s12] =	stream.linear.scatter [tilespmem:s17], [sflag:$0x2], $0x2800, $0x38;
	[tilespmem:$0x1A100] =	vst v63  }
0x40: {  	_ =	swait.ge [sflag:s18], $0x2800  }
0x41: {  	[sflag:s18] =	ssyncset.done $0x0  }
0x42: {  	s31 =	simm.s32 $0x0;
	[sflag:s18] =	ssyncadd.s32 $0xFFFFD800  }
0x43: {  	[tilespmem:s31], [sflag:$0x2] =	stream.linear.gather [hbm4b:s13+s31], $0x3E80, $0x38;
	[tilespmem:$0x1A100] =	vst v63  }
0x44: {  	_ =	swait.ge [sflag:s18], $0x3E80  }
0x45: {  	[sflag:s18] =	ssyncset.done $0x0  }
0x46: {  	[sflag:s18] =	ssyncadd.s32 $0xFFFFC180  }
0x47: {  	s25 =	sadd.s32 $0x0, s16;
	[bflag:$0x0] =	sbarrier.arrive $0xFFFF  }
0x48: {  	[tilespmem:s19], [sflag:$0x2] =	stream.linear.gather [hbm4b:s25+s3], $0x80, $0x38;
	[tilespmem:$0x1A100] =	vst v63  }
0x49: {  	_ =	swait.ge [sflag:s18], $0x80  }
0x4a: {  	[sflag:s18] =	ssyncset.done $0x0  }
0x4b: {  	[sflag:s18] =	ssyncadd.s32 $0xFFFFFF80  }
0x4c: {  	[tilespmem:s17], [sflag:$0x1] =	stream.indirect.gather [hbm4b:s4+s20], $0x80, s31, s20, $0xb8;
	[tilespmem:$0x1A100] =	vst v63  }
0x4d: {  	_ =	swait.ge [sflag:s21], $0x2800  }
0x4e: {  	[sflag:s21] =	ssyncset.done $0x0  }
0x4f: {  	[sflag:s21] =	ssyncadd.s32 $0xFFFFD800  }
0x50: {  	[spmem:s2] =	stream.indirect.scatter.add.f32 [tilespmem:s17], [sflag:$0x2], $0x80, s19, s20, $0xb8;
	[tilespmem:$0x1A100] =	vst v63  }
0x51: {  	s26 =	simm.s32 $0x20;
	_ =	swait.ge [sflag:s18], $0x2800  }
0x52: {  	s24 =	simm.s32 $0x80;
	s25 =	simm.s32 $0x10;
	[sflag:s18] =	ssyncset.done $0x0  }
.LBB2_4:
0x53: {  	s28 =	sadd.s32 s25, s16  }
0x54: {  	[sflag:s18] =	ssyncadd.s32 $0xFFFFD800;
	s25 =	smov.u32 s26;
	s29 =	sadd.s32 $0x10, s26  }
0x55: {  	[tilespmem:s19], [sflag:$0x2] =	stream.linear.gather [hbm4b:s28+s3], $0x80, $0x38;
	[tilespmem:$0x1A100] =	vst v63  }
0x56: {  	p0 =	sne.s32 s26, $0x7C0;
	_ =	swait.ge [sflag:s18], $0x80  }
0x57: {  	[sflag:s18] =	ssyncset.done $0x0  }
0x58: {  	[sflag:s18] =	ssyncadd.s32 $0xFFFFFF80  }
0x59: {  	[tilespmem:s17], [sflag:$0x1] =	stream.indirect.gather [hbm4b:s4+s20], $0x80, s24, s20, $0xb8;
	[tilespmem:$0x1A100] =	vst v63  }
0x5a: {  	_ =	swait.ge [sflag:s21], $0x2800  }
.Ltmp1:
0x5b: {  	[sflag:s21] =	ssyncset.done $0x0;
	(pc) =	sbr.rel @p0 .LBB2_4-.Ltmp1, $4  }
0x5c: {  	[sflag:s21] =	ssyncadd.s32 $0xFFFFD800  }
0x5d: {  	[spmem:s2] =	stream.indirect.scatter.add.f32 [tilespmem:s17], [sflag:$0x2], $0x80, s19, s20, $0xb8;
	[tilespmem:$0x1A100] =	vst v63  }
0x5e: {  	_ =	swait.ge [sflag:s18], $0x2800  }
0x5f: {  	s26 =	smov.u32 s29;
	s24 =	sadd.s32 $0x80, s24;
	[sflag:s18] =	ssyncset.done $0x0  }
0x60: {  	s25 =	sadd.s32 s25, s16;
	[sflag:s18] =	ssyncadd.s32 $0xFFFFD800  }
0x61: {  	[tilespmem:s19], [sflag:$0x2] =	stream.linear.gather [hbm4b:s25+s3], $0x80, $0x38;
	[tilespmem:$0x1A100] =	vst v63  }
0x62: {  	_ =	swait.ge [sflag:s18], $0x80  }
0x63: {  	[sflag:s18] =	ssyncset.done $0x0  }
0x64: {  	[sflag:s18] =	ssyncadd.s32 $0xFFFFFF80  }
0x65: {  	[tilespmem:s17], [sflag:$0x1] =	stream.indirect.gather [hbm4b:s4+s20], $0x80, s24, s20, $0xb8;
	[tilespmem:$0x1A100] =	vst v63  }
0x66: {  	_ =	swait.ge [sflag:s21], $0x2800  }
0x67: {  	[sflag:s21] =	ssyncset.done $0x0  }
0x68: {  	[sflag:s21] =	ssyncadd.s32 $0xFFFFD800  }
0x69: {  	[spmem:s2] =	stream.indirect.scatter.add.f32 [tilespmem:s17], [sflag:$0x2], $0x80, s19, s20, $0xb8;
	[tilespmem:$0x1A100] =	vst v63  }
0x6a: {  	_ =	swait.ge [sflag:s18], $0x2800  }
0x6b: {  	s23 =	sadd.s32 $0x1, s23;
	[sflag:s18] =	ssyncset.done $0x0  }
0x6c: {  	p0 =	sne.s32 s23, s15;
	[sflag:s18] =	ssyncadd.s32 $0xFFFFD800  }
.Ltmp2:
0x6d: {  	s31 =	sshrl.u32 s5, $0x3;
	[bflag:$0x0] =	sbarrier.arrive $0xFFFF;
	(pc) =	sbr.rel @p0 .LBB2_1-.Ltmp2, $4  }
0x6e: {  	[hbm:s14], [sflag:s22] =	dma.local [spmem:s31], $0x2800  }
0x6f: {  	_ =	swait.ge [sflag:s18], $0x2800  }
0x70: {  	[sflag:s18] =	ssyncset.done $0x0  }
0x71: {  	[sflag:s18] =	ssyncadd.s32 $0xFFFFD800  }
0x72: {  	_ =	sfence.sel $0x180000  }
0x73: {  	[bflag:$0x0] =	sbarrier.arrive $0xFFFF  }
0x74: {  	p0 =	sne.s32 s1, $0x0;
	_ =	strace $0x90000047  }
0x75: {  	s0 =	sadd.s32 @!p0 $0x100000, s0;
	[bflag:$0x2] =	sbarrier.arrive $0xFFFF  }
0x76: {  	[sflag:s0] =	ssyncadd.tile.s32 @!p0 $0x1;
	_ =	shalt  }
.Lfunc_end2:
_tile_overlayer_lowered:
.L_overlay_start_2:
0x77: {  	(tag) =	ssettag $0x2  }
0x78: {  	s0 =	rddreg [dreg:$0x0];
	s2 =	stileid.u32  }
0x79: {  	s1 =	rddreg [dreg:$0x1];
	p0 =	sne.s32 s2, $0x0  }
0x7a: {  	s3 =	rddreg [dreg:$0x2];
	[bflag:$0x3] =	sbarrier.arrive $0xFFFF;
	s2 =	simm.s32 @!p0 $0x1C02  }
0x7b: {  	[timem:s3], [sflag:s2] =	dma.local @!p0 [hbm:s0], s1  }
0x7c: {  	s0 =	simm.s32 @!p0 $0x2  }
0x7d: {  	_ =	swait.ge @!p0 [sflag:s0], s1  }
0x7e: {  	s1 =	ssub.s32 @!p0 $0x0, s1;
	[sflag:s0] =	ssyncset.done @!p0 $0x0  }
0x7f: {  	[sflag:s0] =	ssyncadd.s32 @!p0 s1  }
0x80: {  	[bflag:$0x3] =	sbarrier.arrive $0xFFFF  }
0x81: {  	_ =	shalt  }

// kernel: kernel.21.cloned.1.call-start
scs
__scs_entry_jumppad:
0x0: {  	(pc) =	sbr.rel $0x88, $3  }
0x1: {  	(tag) =	ssettag $0x0;
	lr =	simm.s32 $0x1  }
0x2: {  	[smem:$0x3F78] =	sst lr;
	_ =	strace $0xD0000000  }
0x3: {  	_ = 	snop  }
0x4: {  	_ = 	snop  }
0x5: {  	_ = 	snop  }
0x6: {  	_ = 	snop  }
0x7: {  	_ = 	snop  }
__scs_overlays_trampoline_lowered:
0x8: {  	[smem:$0x3F87] =	sst s0  }
0x9: {  	[smem:$0x3F88] =	sst s1  }
0xa: {  	[smem:$0x3F89] =	sst s2  }
0xb: {  	[smem:$0x3F8A] =	sst s3  }
0xc: {  	[smem:$0x3F8B] =	sst s4  }
0xd: {  	[smem:$0x3F8C] =	sst s5  }
0xe: {  	[smem:$0x3F8D] =	sst s6  }
0xf: {  	[smem:$0x3F8E] =	sst s7  }
0x10: {  	[smem:$0x3F8F] =	sst s8  }
0x11: {  	[smem:$0x3F90] =	sst s9;
	s0 =	simm.s32 @!p0 $0x0  }
0x12: {  	s1 =	sld [smem:$0x3F76];
	s0 =	simm.s32 @p0 $0x1  }
0x13: {  	[smem:$0x3F91] =	sst s0;
	s0 =	simm.s32 @!p1 $0x0  }
0x14: {  	s2 =	sld [smem:$0x3F75];
	s0 =	simm.s32 @p1 $0x1  }
0x15: {  	[smem:$0x3F92] =	sst s0;
	s0 =	simm.s32 @!p2 $0x0  }
0x16: {  	s3 =	sld [smem:$0x3FDB];
	s0 =	simm.s32 @p2 $0x1  }
0x17: {  	s4 =	simm.s32 $0x1BF5;
	[smem:$0x3F94] =	sst s0  }
0x18: {  	s0 =	sld [smem:$0x3F77];
	_ =	swait.ge [sflag:s4], $0x0  }
0x19: {  	s7 =	sld [smem:$0x3F78]  }
0x1a: {  	s8 =	sadd.s32 $0xFFFFE003, lr  }
0x1b: {  	s9 =	sadd.s32 $0xFFFFFEF7, lr;
	s5 =	simm.s32 $0xFFFFFFFF;
	p2 =	slt.u32 s8, $0xFFFFF086  }
0x1c: {  	p1 =	slt.u32 s9, $0xF7A;
	s5 =	simm.s32 @!p2 $0x0  }
0x1d: {  	s5 =	simm.s32 @p1 $0x1;
	p0 =	seq.s32 s7, s2  }
0x1e: {  	s7 =	smul.u32 @!p0 $0xF7A, s2;
	p2 =	seq.s32 @!p0 s5, $0x0  }
0x1f: {  	s9 =	smul.u32 $0xF7A, s1;
	s8 =	simm.s32 @!p0 $0x1BF5;
	p2 =	por !p2, p0  }
0x20: {  	[sflag:s8] =	ssyncset.s32 @!p0 $0xFFFFF086;
	s6 =	sadd.s32 @!p0 s3, s7;
	s7 =	simm.s32 @!p0 $0x108  }
0x21: {  	s3 =	sadd.s32 s3, s9;
	s6 =	sadd.s32 @!p0 $0x88, s6;
	s7 =	simm.s32 @p2 $0x1082  }
0x22: {  	[simem:s7], [sflag:s8] =	dma.local @!p0 [hbm:s6], $0xF7A  }
0x23: {  	s9 =	sor.u32 $0xD0000000, s2;
	s6 =	simm.s32 $0x108;
	_ =	swait.ge @!p0 [sflag:s8], $0x0  }
0x24: {  	s3 =	sadd.s32 $0x88, s3;
	s6 =	simm.s32 @!p1 $0x1082;
	[sflag:s4] =	ssyncset.s32 $0xFFFFF086  }
0x25: {  	[simem:s6], [sflag:s4] =	dma.local [hbm:s3], $0xF7A  }
0x26: {  	[smem:$0x3F78] =	sst s1;
	(tag) =	ssettag s2;
	_ =	strace s9  }
0x27: {  	s1 =	sld [smem:$0x3F88]  }
0x28: {  	s2 =	sld [smem:$0x3F89]  }
0x29: {  	s4 =	sld [smem:$0x3F8B]  }
0x2a: {  	p0 =	seq.s32 s5, $0x0;
	s5 =	sld [smem:$0x3F8C]  }
0x2b: {  	s6 =	sld [smem:$0x3F8D]  }
0x2c: {  	s7 =	sld [smem:$0x3F8E]  }
0x2d: {  	s3 =	simm.s32 $0x108;
	s8 =	sld [smem:$0x3F8F]  }
0x2e: {  	s3 =	simm.s32 @!p0 $0x1082;
	s9 =	sld [smem:$0x3F90]  }
0x2f: {  	lr =	sadd.s32 s0, s3;
	s0 =	sld [smem:$0x3F87]  }
0x30: {  	s3 =	sld [smem:$0x3F8A]  }
0x31: {  	[smem:$0x3F93] =	sst s10  }
0x32: {  	s10 =	sld [smem:$0x3F91];
	_ =	sdelay $0x3  }
0x33: {  	p0 =	seq.s32 s10, $0x1;
	s10 =	sld [smem:$0x3F93];
	_ =	sdelay $0x3  }
0x34: {  	[smem:$0x3F93] =	sst s10  }
0x35: {  	s10 =	sld [smem:$0x3F92];
	_ =	sdelay $0x3  }
0x36: {  	p1 =	seq.s32 s10, $0x1;
	s10 =	sld [smem:$0x3F93];
	_ =	sdelay $0x3  }
0x37: {  	[smem:$0x3F93] =	sst s10  }
0x38: {  	s10 =	sld [smem:$0x3F94]  }
0x39: {  	_ = 	snop;
	(pc) =	sbr.ind lr, $3  }
0x3a: {  	_ = 	snop  }
0x3b: {  	_ = 	snop  }
0x3c: {  	p2 =	seq.s32 s10, $0x1;
	s10 =	sld [smem:$0x3F93]  }
0x3d: {  	_ =	shalt  }
0x3e: {  	_ =	shalt  }
0x3f: {  	_ =	shalt  }
0x40: {  	_ =	shalt  }
0x41: {  	_ =	shalt  }
0x42: {  	_ =	shalt  }
0x43: {  	_ =	shalt  }
0x44: {  	_ =	shalt  }
0x45: {  	_ =	shalt  }
0x46: {  	_ =	shalt  }
0x47: {  	_ =	shalt  }
0x48: {  	_ =	shalt  }
0x49: {  	_ =	shalt  }
0x4a: {  	_ =	shalt  }
0x4b: {  	_ =	shalt  }
0x4c: {  	_ =	shalt  }
0x4d: {  	_ =	shalt  }
0x4e: {  	_ =	shalt  }
0x4f: {  	_ =	shalt  }
0x50: {  	_ =	shalt  }
0x51: {  	_ =	shalt  }
0x52: {  	_ =	shalt  }
0x53: {  	_ =	shalt  }
0x54: {  	_ =	shalt  }
0x55: {  	_ =	shalt  }
0x56: {  	_ =	shalt  }
0x57: {  	_ =	shalt  }
0x58: {  	_ =	shalt  }
0x59: {  	_ =	shalt  }
0x5a: {  	_ =	shalt  }
0x5b: {  	_ =	shalt  }
0x5c: {  	_ =	shalt  }
0x5d: {  	_ =	shalt  }
0x5e: {  	_ =	shalt  }
0x5f: {  	_ =	shalt  }
0x60: {  	_ =	shalt  }
0x61: {  	_ =	shalt  }
0x62: {  	_ =	shalt  }
0x63: {  	_ =	shalt  }
0x64: {  	_ =	shalt  }
0x65: {  	_ =	shalt  }
0x66: {  	_ =	shalt  }
0x67: {  	_ =	shalt  }
0x68: {  	_ =	shalt  }
0x69: {  	_ =	shalt  }
0x6a: {  	_ =	shalt  }
0x6b: {  	_ =	shalt  }
0x6c: {  	_ =	shalt  }
0x6d: {  	_ =	shalt  }
0x6e: {  	_ =	shalt  }
0x6f: {  	_ =	shalt  }
0x70: {  	_ =	shalt  }
0x71: {  	_ =	shalt  }
0x72: {  	_ =	shalt  }
0x73: {  	_ =	shalt  }
0x74: {  	_ =	shalt  }
0x75: {  	_ =	shalt  }
0x76: {  	_ =	shalt  }
0x77: {  	_ =	shalt  }
0x78: {  	_ =	shalt  }
0x79: {  	_ =	shalt  }
0x7a: {  	_ =	shalt  }
0x7b: {  	_ =	shalt  }
0x7c: {  	_ =	shalt  }
0x7d: {  	_ =	shalt  }
0x7e: {  	_ =	shalt  }
0x7f: {  	_ =	shalt  }
0x80: {  	_ =	shalt  }
0x81: {  	_ =	shalt  }
0x82: {  	_ =	shalt  }
0x83: {  	_ =	shalt  }
0x84: {  	_ =	shalt  }
0x85: {  	_ =	shalt  }
0x86: {  	_ =	shalt  }
0x87: {  	_ =	shalt  }
.Lfunc_end0:
.L_simem_size_0:
called_computation.2_lowered:
.L_overlay_start_0:
0x88: {  	s2 =	sld [smem:$0x3FD9]  }
0x89: {  	s3 =	sld [smem:$0x3FFE];
	_ =	sdelay $0x1  }
0x8a: {  	s1 =	srdreg.scid  }
0x8b: {  	s0 =	sand.u32 $0x1, s1  }
0x8c: {  	s17 =	sshll.u32 s0, $0xA;
	s2 =	sadd.s32 s3, s2  }
0x8d: {  	s2 =	sadd.s32 s2, s17  }
0x8e: {  	[smem:$0x3F9F] =	sst s2  }
0x8f: {  	_ = 	snop  }
0x90: {  	(tm) =	ssettm $0x1  }
0x91: {  	s18 =	sld [smem:$0x3FFB];
	_ =	sdelay $0x3  }
0x92: {  	_ =	strace s18  }
0x93: {  	s2 =	sld [smem:$0x3FFC];
	_ =	sdelay $0x3  }
0x94: {  	_ =	strace s2  }
0x95: {  	s2 =	sld [smem:$0x3FFD];
	_ =	sdelay $0x3  }
0x96: {  	_ =	strace s2  }
0x97: {  	_ =	strace $0x8FFFFFFF  }
0x98: {  	s19 =	sld [smem:$0x3FDB];
	_ =	sdelay $0x1  }
0x99: {  	s20 =	simm.s32 $_scs_section_size  }
0x9a: {  	s4 =	simm.s32 $_size__tile_overlayer_lowered;
	s5 =	simm.s32 $_tile_overlayer_lowered  }
0x9b: {  	s6 =	simm.s32 $0x1BFF;
	s21 =	sshll.u32 s5, $0x1;
	s3 =	sadd.s32 s20, s19  }
0x9c: {  	s22 =	simm.s32 $0x0;
	s4 =	sshll.u32 s4, $0x1;
	s5 =	sadd.s32 s21, s3  }
0x9d: {  	[timem:s22], [sflag:s6] =	dma.local [hbm:s5], s4  }
0x9e: {  	_ =	swait.ge [sflag:s6], s4  }
0x9f: {  	s4 =	ssub.s32 $0x0, s4;
	[sflag:s6] =	ssyncset.done $0x0  }
0xa0: {  	[sflag:s6] =	ssyncadd.s32 s4;
	_ =	sdelay $0x1  }
0xa1: {  	s23 =	simm.s32 $0x1B8B  }
0xa2: {  	_ =	swait.ge [sflag:s23], $0x1  }
0xa3: {  	[sflag:s23] =	ssyncset.done $0x0  }
0xa4: {  	[sflag:s23] =	ssyncadd.s32 $0xFFFFFFFF  }
0xa5: {  	s4 =	sld [smem:$0x0]  }
0xa6: {  	s5 =	sand.u32 $0xFFFFFFFE, s1  }
0xa7: {  	p0 =	sne.s32 s1, s5  }
0xa8: {  	s5 =	sshll.u32 @p0 s5, $0xE  }
0xa9: {  	s5 =	sadd.s32 @p0 $0x11B8D, s5;
	s6 =	sshll.u32 @p0 s4, $0x11  }
0xaa: {  	s5 =	sor.u32 @p0 s6, s5  }
0xab: {  	[sflag:s5] =	ssyncadd.remote.s32 @p0 $0x1;
	_ =	sdelay $0x1  }
0xac: {  	s5 =	simm.s32 @p0 $0x1B8D  }
0xad: {  	_ =	swait.eq @p0 [sflag:s5], $0x1  }
0xae: {  	[sflag:s5] =	ssyncadd.s32 @p0 $0xFFFFFFFF  }
0xaf: {  	s6 =	sshll.u32 @!p0 s1, $0xE  }
0xb0: {  	s6 =	sor.u32 @!p0 $0x4000, s6;
	s5 =	simm.s32 @!p0 $0x1B8D  }
0xb1: {  	s4 =	sshll.u32 @!p0 s4, $0x11;
	s6 =	sadd.s32 @!p0 $0x11B8D, s6;
	_ =	swait.eq @!p0 [sflag:s5], $0x1  }
0xb2: {  	s4 =	sor.u32 @!p0 s4, s6;
	[sflag:s5] =	ssyncadd.s32 @!p0 $0xFFFFFFFF  }
0xb3: {  	s25 =	simm.s32 $0x1B8E;
	s24 =	sld [smem:$0x3FFE];
	[sflag:s4] =	ssyncadd.remote.s32 @!p0 $0x1  }
0xb4: {  	s26 =	simm.s32 $execute0_lowered;
	[smem:$0x3FD2] =	sst s25  }
0xb5: {  	s5 =	sshll.u32 s26, $0x1;
	_ =	strace $0x80000049;
	[dreg:$0x1] =	wrdreg $0xFFFFFFFF  }
0xb6: {  	s28 =	simm.s32 $_size_execute0_lowered;
	s3 =	sadd.s32 s3, s5;
	[dreg:$0x0] =	wrdreg $0x0  }
0xb7: {  	s5 =	sshll.u32 s28, $0x1;
	[dreg:$0x2] =	wrdreg s3  }
0xb8: {  	[dreg:$0x3] =	wrdreg s5  }
0xb9: {  	[dreg:$0x4] =	wrdreg $0xC0  }
0xba: {  	_ =	task [dreg:s22], $0x5FFFF  }
0xbb: {  	[dreg:$0x1] =	wrdreg $0xFFFFFFFF  }
0xbc: {  	[dreg:$0x0] =	wrdreg $0x60  }
0xbd: {  	[dreg:$0x2] =	wrdreg s24  }
0xbe: {  	[dreg:$0x3] =	wrdreg $0x68800  }
0xbf: {  	[dreg:$0x4] =	wrdreg $0xB  }
0xc0: {  	_ =	task.clear_ibuf [dreg:s22], $0x5FFFF;
	_ =	strace $0x90000049  }
0xc1: {  	s29 =	simm.s32 $0xB;
	_ =	strace $0x8000004B  }
0xc2: {  	_ =	swait.ge [sflag:s29], $0x1  }
0xc3: {  	[sflag:s29] =	ssyncadd.s32 $0xFFFFFFFF  }
0xc4: {  	_ =	strace $0x9000004B  }
0xc5: {  	_ =	sfence  }
0xc6: {  	s30 =	sld [smem:$0x0];
	_ =	sdelay $0x2  }
0xc7: {  	s31 =	sshll.u32 s1, $0xD;
	s1 =	sshrl.u32 s1, $0x2  }
0xc8: {  	s4 =	sand.u32 $0x4000, s31;
	s1 =	sadd.s32 s1, s30  }
0xc9: {  	s0 =	sor.u32 s4, s0;
	s1 =	sshll.u32 s1, $0x11  }
0xca: {  	s0 =	sor.u32 s1, s0  }
0xcb: {  	s0 =	sadd.s32 $0x8F2B, s0  }
0xcc: {  	[sflag:s0] =	ssyncadd.remote.s32 $0x1  }
0xcd: {  	_ =	sfence.sel $0xFFFF  }
0xce: {  	[dreg:$0x0] =	wrdreg $0xFFFFFFFF;
	(pc) =	sbr.abs _section_cstart, $3  }
0xcf: {  	[dreg:$0x1] =	wrdreg $0xFFFFFFFF  }
0xd0: {  	_ =	task.clear_ibuf [dreg:s22], $0x2FFFF;
	_ =	strace $0x9FFFFFFF  }
0xd1: {  	(tm) =	ssettm $0x7FFFFFFF  }
tec
execute0_lowered:
.L_overlay_start_1:
0x0: {  	(tag) =	ssettag $0x1  }
0x1: {  	s6 =	rddreg [dreg:$0x0]  }
0x2: {  	s2 =	rddreg [dreg:$0x1]  }
0x3: {  	s0 =	rddreg [dreg:$0x2];
	s4 =	srdreg.scid  }
0x4: {  	s3 =	simm.s32 $0x0;
	s1 =	stileid.u32;
	s17 =	simm.s32 $0x4080  }
0x5: {  	s18 =	simm.s32 $0x2;
	s19 =	simm.s32 $0x4000;
	s20 =	simm.s32 $0x50  }
0x6: {  	s21 =	simm.s32 $0x1;
	s23 =	simm.s32 $0x0;
	s5 =	sand.u32 $0x1, s4  }
0x7: {  	[smem:$0x7FF] =	sst s3;
	s26 =	sshll.u32 s1, $0xE;
	s8 =	smul.u32 $0x2700, s1  }
0x8: {  	s4 =	sadd.s32 $0x6E00, s6;
	s9 =	smul.u32 $0x4E000, s1;
	s28 =	sshll.u32 s1, $0xB  }
0x9: {  	s22 =	sshll.u32 s1, $0x6;
	s7 =	sshll.u32 s5, $0x12;
	_ =	strace $0x8000004A  }
0xa: {  	s10 =	smul.u32 $0x27100, s5;
	s16 =	sadd.s32 s28, s6;
	s29 =	ssub.s32 $0x2, s5  }
0xb: {  	s22 =	sor.u32 $0x1C02, s22;
	s7 =	sor.u32 s26, s7;
	s30 =	sshrl.u32 s9, $0x2  }
0xc: {  	s31 =	sshrl.u32 s29, $0x1;
	s16 =	sadd.s32 $0xB3200, s16;
	s7 =	sshrl.u32 s7, $0x3  }
0xd: {  	s8 =	sadd.s32 s8, s10;
	s5 =	sadd.s32 s30, s2;
	s15 =	ssub.s32 s29, s31  }
0xe: {  	s13 =	sadd.s32 s7, s6;
	s14 =	sadd.s32 s8, s6;
	s6 =	sadd.s32 $0x2800, s5  }
0xf: {  	s7 =	sadd.s32 $0x5000, s5;
	s8 =	sadd.s32 $0x7800, s5;
	s9 =	sadd.s32 $0xA000, s5  }
0x10: {  	s10 =	sadd.s32 $0xC800, s5;
	s11 =	sadd.s32 $0xF000, s5;
	s12 =	sadd.s32 $0x11800, s5  }
0x11: {  	v0 =	vimm.f32 $0.0e+00;
	s15 =	smax.u32 s15, $0x1;
	s13 =	sadd.s32 $0xBB200, s13;
	s14 =	sadd.s32 $0xCB200, s14  }
.LBB2_1:
0x12: {  	s24 =	simm.s32 $0x0;
	s25 =	simm.s32 $0x200  }
.LBB2_2:
0x13: {  	p0 =	sne.s32 s25, $0x9E00;
	[tilespmem:s24+$0x40F0] =	vst v0  }
0x14: {  	[tilespmem:s24+$0x4080] =	vst v0  }
0x15: {  	[tilespmem:s24+$0x4090] =	vst v0  }
.Ltmp0:
0x16: {  	[tilespmem:s24+$0x40A0] =	vst v0;
	(pc) =	sbr.rel @p0 .LBB2_2-.Ltmp0, $4  }
0x17: {  	[tilespmem:s24+$0x40B0] =	vst v0  }
0x18: {  	[tilespmem:s24+$0x40C0] =	vst v0  }
0x19: {  	[tilespmem:s24+$0x40D0] =	vst v0  }
0x1a: {  	[tilespmem:s24+$0x40E0] =	vst v0;
	s24 =	sshra.s32 s25, $0x2;
	s25 =	sadd.s32 $0x200, s25  }
0x1b: {  	[tilespmem:s24+$0x40F0] =	vst v0  }
0x1c: {  	[tilespmem:s24+$0x4080] =	vst v0  }
0x1d: {  	[tilespmem:s24+$0x4090] =	vst v0  }
0x1e: {  	[tilespmem:s24+$0x40A0] =	vst v0  }
0x1f: {  	[tilespmem:s24+$0x40B0] =	vst v0  }
0x20: {  	[tilespmem:s24+$0x40C0] =	vst v0  }
0x21: {  	[tilespmem:s24+$0x40D0] =	vst v0  }
0x22: {  	[tilespmem:s24+$0x40E0] =	vst v0  }
0x23: {  	[spmem:s5] =	stream.linear.scatter [tilespmem:s17], [sflag:$0x2], $0x2800, $0x38;
	[tilespmem:$0x1A100] =	vst v63  }
0x24: {  	_ =	swait.ge [sflag:s18], $0x2800  }
0x25: {  	[sflag:s18] =	ssyncset.done $0x0  }
0x26: {  	[sflag:s18] =	ssyncadd.s32 $0xFFFFD800  }
0x27: {  	[spmem:s6] =	stream.linear.scatter [tilespmem:s17], [sflag:$0x2], $0x2800, $0x38;
	[tilespmem:$0x1A100] =	vst v63  }
0x28: {  	_ =	swait.ge [sflag:s18], $0x2800  }
0x29: {  	[sflag:s18] =	ssyncset.done $0x0  }
0x2a: {  	[sflag:s18] =	ssyncadd.s32 $0xFFFFD800  }
0x2b: {  	[spmem:s7] =	stream.linear.scatter [tilespmem:s17], [sflag:$0x2], $0x2800, $0x38;
	[tilespmem:$0x1A100] =	vst v63  }
0x2c: {  	_ =	swait.ge [sflag:s18], $0x2800  }
0x2d: {  	[sflag:s18] =	ssyncset.done $0x0  }
0x2e: {  	[sflag:s18] =	ssyncadd.s32 $0xFFFFD800  }
0x2f: {  	[spmem:s8] =	stream.linear.scatter [tilespmem:s17], [sflag:$0x2], $0x2800, $0x38;
	[tilespmem:$0x1A100] =	vst v63  }
0x30: {  	_ =	swait.ge [sflag:s18], $0x2800  }
0x31: {  	[sflag:s18] =	ssyncset.done $0x0  }
0x32: {  	[sflag:s18] =	ssyncadd.s32 $0xFFFFD800  }
0x33: {  	[spmem:s9] =	stream.linear.scatter [tilespmem:s17], [sflag:$0x2], $0x2800, $0x38;
	[tilespmem:$0x1A100] =	vst v63  }
0x34: {  	_ =	swait.ge [sflag:s18], $0x2800  }
0x35: {  	[sflag:s18] =	ssyncset.done $0x0  }
0x36: {  	[sflag:s18] =	ssyncadd.s32 $0xFFFFD800  }
0x37: {  	[spmem:s10] =	stream.linear.scatter [tilespmem:s17], [sflag:$0x2], $0x2800, $0x38;
	[tilespmem:$0x1A100] =	vst v63  }
0x38: {  	_ =	swait.ge [sflag:s18], $0x2800  }
0x39: {  	[sflag:s18] =	ssyncset.done $0x0  }
0x3a: {  	[sflag:s18] =	ssyncadd.s32 $0xFFFFD800  }
0x3b: {  	[spmem:s11] =	stream.linear.scatter [tilespmem:s17], [sflag:$0x2], $0x2800, $0x38;
	[tilespmem:$0x1A100] =	vst v63  }
0x3c: {  	_ =	swait.ge [sflag:s18], $0x2800  }
0x3d: {  	[sflag:s18] =	ssyncset.done $0x0  }
0x3e: {  	[sflag:s18] =	ssyncadd.s32 $0xFFFFD800  }
0x3f: {  	[spmem:s12] =	stream.linear.scatter [tilespmem:s17], [sflag:$0x2], $0x2800, $0x38;
	[tilespmem:$0x1A100] =	vst v63  }
0x40: {  	_ =	swait.ge [sflag:s18], $0x2800  }
0x41: {  	[sflag:s18] =	ssyncset.done $0x0  }
0x42: {  	s31 =	simm.s32 $0x0;
	[sflag:s18] =	ssyncadd.s32 $0xFFFFD800  }
0x43: {  	[tilespmem:s31], [sflag:$0x2] =	stream.linear.gather [hbm4b:s13+s31], $0x3E80, $0x38;
	[tilespmem:$0x1A100] =	vst v63  }
0x44: {  	_ =	swait.ge [sflag:s18], $0x3E80  }
0x45: {  	[sflag:s18] =	ssyncset.done $0x0  }
0x46: {  	[sflag:s18] =	ssyncadd.s32 $0xFFFFC180  }
0x47: {  	s25 =	sadd.s32 $0x0, s16;
	[bflag:$0x0] =	sbarrier.arrive $0xFFFF  }
0x48: {  	[tilespmem:s19], [sflag:$0x2] =	stream.linear.gather [hbm4b:s25+s3], $0x80, $0x38;
	[tilespmem:$0x1A100] =	vst v63  }
0x49: {  	_ =	swait.ge [sflag:s18], $0x80  }
0x4a: {  	[sflag:s18] =	ssyncset.done $0x0  }
0x4b: {  	[sflag:s18] =	ssyncadd.s32 $0xFFFFFF80  }
0x4c: {  	[tilespmem:s17], [sflag:$0x1] =	stream.indirect.gather [hbm4b:s4+s20], $0x80, s31, s20, $0xb8;
	[tilespmem:$0x1A100] =	vst v63  }
0x4d: {  	_ =	swait.ge [sflag:s21], $0x2800  }
0x4e: {  	[sflag:s21] =	ssyncset.done $0x0  }
0x4f: {  	[sflag:s21] =	ssyncadd.s32 $0xFFFFD800  }
0x50: {  	[spmem:s2] =	stream.indirect.scatter.add.f32 [tilespmem:s17], [sflag:$0x2], $0x80, s19, s20, $0xb8;
	[tilespmem:$0x1A100] =	vst v63  }
0x51: {  	s26 =	simm.s32 $0x20;
	_ =	swait.ge [sflag:s18], $0x2800  }
0x52: {  	s24 =	simm.s32 $0x80;
	s25 =	simm.s32 $0x10;
	[sflag:s18] =	ssyncset.done $0x0  }
.LBB2_4:
0x53: {  	s28 =	sadd.s32 s25, s16  }
0x54: {  	[sflag:s18] =	ssyncadd.s32 $0xFFFFD800;
	s25 =	smov.u32 s26;
	s29 =	sadd.s32 $0x10, s26  }
0x55: {  	[tilespmem:s19], [sflag:$0x2] =	stream.linear.gather [hbm4b:s28+s3], $0x80, $0x38;
	[tilespmem:$0x1A100] =	vst v63  }
0x56: {  	p0 =	sne.s32 s26, $0x7C0;
	_ =	swait.ge [sflag:s18], $0x80  }
0x57: {  	[sflag:s18] =	ssyncset.done $0x0  }
0x58: {  	[sflag:s18] =	ssyncadd.s32 $0xFFFFFF80  }
0x59: {  	[tilespmem:s17], [sflag:$0x1] =	stream.indirect.gather [hbm4b:s4+s20], $0x80, s24, s20, $0xb8;
	[tilespmem:$0x1A100] =	vst v63  }
0x5a: {  	_ =	swait.ge [sflag:s21], $0x2800  }
.Ltmp1:
0x5b: {  	[sflag:s21] =	ssyncset.done $0x0;
	(pc) =	sbr.rel @p0 .LBB2_4-.Ltmp1, $4  }
0x5c: {  	[sflag:s21] =	ssyncadd.s32 $0xFFFFD800  }
0x5d: {  	[spmem:s2] =	stream.indirect.scatter.add.f32 [tilespmem:s17], [sflag:$0x2], $0x80, s19, s20, $0xb8;
	[tilespmem:$0x1A100] =	vst v63  }
0x5e: {  	_ =	swait.ge [sflag:s18], $0x2800  }
0x5f: {  	s26 =	smov.u32 s29;
	s24 =	sadd.s32 $0x80, s24;
	[sflag:s18] =	ssyncset.done $0x0  }
0x60: {  	s25 =	sadd.s32 s25, s16;
	[sflag:s18] =	ssyncadd.s32 $0xFFFFD800  }
0x61: {  	[tilespmem:s19], [sflag:$0x2] =	stream.linear.gather [hbm4b:s25+s3], $0x80, $0x38;
	[tilespmem:$0x1A100] =	vst v63  }
0x62: {  	_ =	swait.ge [sflag:s18], $0x80  }
0x63: {  	[sflag:s18] =	ssyncset.done $0x0  }
0x64: {  	[sflag:s18] =	ssyncadd.s32 $0xFFFFFF80  }
0x65: {  	[tilespmem:s17], [sflag:$0x1] =	stream.indirect.gather [hbm4b:s4+s20], $0x80, s24, s20, $0xb8;
	[tilespmem:$0x1A100] =	vst v63  }
0x66: {  	_ =	swait.ge [sflag:s21], $0x2800  }
0x67: {  	[sflag:s21] =	ssyncset.done $0x0  }
0x68: {  	[sflag:s21] =	ssyncadd.s32 $0xFFFFD800  }
0x69: {  	[spmem:s2] =	stream.indirect.scatter.add.f32 [tilespmem:s17], [sflag:$0x2], $0x80, s19, s20, $0xb8;
	[tilespmem:$0x1A100] =	vst v63  }
0x6a: {  	_ =	swait.ge [sflag:s18], $0x2800  }
0x6b: {  	s23 =	sadd.s32 $0x1, s23;
	[sflag:s18] =	ssyncset.done $0x0  }
0x6c: {  	p0 =	sne.s32 s23, s15;
	[sflag:s18] =	ssyncadd.s32 $0xFFFFD800  }
.Ltmp2:
0x6d: {  	s31 =	sshrl.u32 s5, $0x3;
	[bflag:$0x0] =	sbarrier.arrive $0xFFFF;
	(pc) =	sbr.rel @p0 .LBB2_1-.Ltmp2, $4  }
0x6e: {  	[hbm:s14], [sflag:s22] =	dma.local [spmem:s31], $0x2800  }
0x6f: {  	_ =	swait.ge [sflag:s18], $0x2800  }
0x70: {  	[sflag:s18] =	ssyncset.done $0x0  }
0x71: {  	[sflag:s18] =	ssyncadd.s32 $0xFFFFD800  }
0x72: {  	_ =	sfence.sel $0x180000  }
0x73: {  	[bflag:$0x0] =	sbarrier.arrive $0xFFFF  }
0x74: {  	p0 =	sne.s32 s1, $0x0;
	_ =	strace $0x9000004A  }
0x75: {  	s0 =	sadd.s32 @!p0 $0x100000, s0;
	[bflag:$0x2] =	sbarrier.arrive $0xFFFF  }
0x76: {  	[sflag:s0] =	ssyncadd.tile.s32 @!p0 $0x1;
	_ =	shalt  }
.Lfunc_end2:
_tile_overlayer_lowered:
.L_overlay_start_2:
0x77: {  	(tag) =	ssettag $0x2  }
0x78: {  	s0 =	rddreg [dreg:$0x0];
	s2 =	stileid.u32  }
0x79: {  	s1 =	rddreg [dreg:$0x1];
	p0 =	sne.s32 s2, $0x0  }
0x7a: {  	s3 =	rddreg [dreg:$0x2];
	[bflag:$0x3] =	sbarrier.arrive $0xFFFF;
	s2 =	simm.s32 @!p0 $0x1C02  }
0x7b: {  	[timem:s3], [sflag:s2] =	dma.local @!p0 [hbm:s0], s1  }
0x7c: {  	s0 =	simm.s32 @!p0 $0x2  }
0x7d: {  	_ =	swait.ge @!p0 [sflag:s0], s1  }
0x7e: {  	s1 =	ssub.s32 @!p0 $0x0, s1;
	[sflag:s0] =	ssyncset.done @!p0 $0x0  }
0x7f: {  	[sflag:s0] =	ssyncadd.s32 @!p0 s1  }
0x80: {  	[bflag:$0x3] =	sbarrier.arrive $0xFFFF  }
0x81: {  	_ =	shalt  }

// kernel: kernel.24.cloned.1.call-start
scs
__scs_entry_jumppad:
0x0: {  	(pc) =	sbr.rel $0x88, $3  }
0x1: {  	(tag) =	ssettag $0x0;
	lr =	simm.s32 $0x1  }
0x2: {  	[smem:$0x3F78] =	sst lr;
	_ =	strace $0xD0000000  }
0x3: {  	_ = 	snop  }
0x4: {  	_ = 	snop  }
0x5: {  	_ = 	snop  }
0x6: {  	_ = 	snop  }
0x7: {  	_ = 	snop  }
__scs_overlays_trampoline_lowered:
0x8: {  	[smem:$0x3F87] =	sst s0  }
0x9: {  	[smem:$0x3F88] =	sst s1  }
0xa: {  	[smem:$0x3F89] =	sst s2  }
0xb: {  	[smem:$0x3F8A] =	sst s3  }
0xc: {  	[smem:$0x3F8B] =	sst s4  }
0xd: {  	[smem:$0x3F8C] =	sst s5  }
0xe: {  	[smem:$0x3F8D] =	sst s6  }
0xf: {  	[smem:$0x3F8E] =	sst s7  }
0x10: {  	[smem:$0x3F8F] =	sst s8  }
0x11: {  	[smem:$0x3F90] =	sst s9;
	s0 =	simm.s32 @!p0 $0x0  }
0x12: {  	s1 =	sld [smem:$0x3F76];
	s0 =	simm.s32 @p0 $0x1  }
0x13: {  	[smem:$0x3F91] =	sst s0;
	s0 =	simm.s32 @!p1 $0x0  }
0x14: {  	s2 =	sld [smem:$0x3F75];
	s0 =	simm.s32 @p1 $0x1  }
0x15: {  	[smem:$0x3F92] =	sst s0;
	s0 =	simm.s32 @!p2 $0x0  }
0x16: {  	s3 =	sld [smem:$0x3FDB];
	s0 =	simm.s32 @p2 $0x1  }
0x17: {  	s4 =	simm.s32 $0x1BF5;
	[smem:$0x3F94] =	sst s0  }
0x18: {  	s0 =	sld [smem:$0x3F77];
	_ =	swait.ge [sflag:s4], $0x0  }
0x19: {  	s7 =	sld [smem:$0x3F78]  }
0x1a: {  	s8 =	sadd.s32 $0xFFFFE003, lr  }
0x1b: {  	s9 =	sadd.s32 $0xFFFFFEF7, lr;
	s5 =	simm.s32 $0xFFFFFFFF;
	p2 =	slt.u32 s8, $0xFFFFF086  }
0x1c: {  	p1 =	slt.u32 s9, $0xF7A;
	s5 =	simm.s32 @!p2 $0x0  }
0x1d: {  	s5 =	simm.s32 @p1 $0x1;
	p0 =	seq.s32 s7, s2  }
0x1e: {  	s7 =	smul.u32 @!p0 $0xF7A, s2;
	p2 =	seq.s32 @!p0 s5, $0x0  }
0x1f: {  	s9 =	smul.u32 $0xF7A, s1;
	s8 =	simm.s32 @!p0 $0x1BF5;
	p2 =	por !p2, p0  }
0x20: {  	[sflag:s8] =	ssyncset.s32 @!p0 $0xFFFFF086;
	s6 =	sadd.s32 @!p0 s3, s7;
	s7 =	simm.s32 @!p0 $0x108  }
0x21: {  	s3 =	sadd.s32 s3, s9;
	s6 =	sadd.s32 @!p0 $0x88, s6;
	s7 =	simm.s32 @p2 $0x1082  }
0x22: {  	[simem:s7], [sflag:s8] =	dma.local @!p0 [hbm:s6], $0xF7A  }
0x23: {  	s9 =	sor.u32 $0xD0000000, s2;
	s6 =	simm.s32 $0x108;
	_ =	swait.ge @!p0 [sflag:s8], $0x0  }
0x24: {  	s3 =	sadd.s32 $0x88, s3;
	s6 =	simm.s32 @!p1 $0x1082;
	[sflag:s4] =	ssyncset.s32 $0xFFFFF086  }
0x25: {  	[simem:s6], [sflag:s4] =	dma.local [hbm:s3], $0xF7A  }
0x26: {  	[smem:$0x3F78] =	sst s1;
	(tag) =	ssettag s2;
	_ =	strace s9  }
0x27: {  	s1 =	sld [smem:$0x3F88]  }
0x28: {  	s2 =	sld [smem:$0x3F89]  }
0x29: {  	s4 =	sld [smem:$0x3F8B]  }
0x2a: {  	p0 =	seq.s32 s5, $0x0;
	s5 =	sld [smem:$0x3F8C]  }
0x2b: {  	s6 =	sld [smem:$0x3F8D]  }
0x2c: {  	s7 =	sld [smem:$0x3F8E]  }
0x2d: {  	s3 =	simm.s32 $0x108;
	s8 =	sld [smem:$0x3F8F]  }
0x2e: {  	s3 =	simm.s32 @!p0 $0x1082;
	s9 =	sld [smem:$0x3F90]  }
0x2f: {  	lr =	sadd.s32 s0, s3;
	s0 =	sld [smem:$0x3F87]  }
0x30: {  	s3 =	sld [smem:$0x3F8A]  }
0x31: {  	[smem:$0x3F93] =	sst s10  }
0x32: {  	s10 =	sld [smem:$0x3F91];
	_ =	sdelay $0x3  }
0x33: {  	p0 =	seq.s32 s10, $0x1;
	s10 =	sld [smem:$0x3F93];
	_ =	sdelay $0x3  }
0x34: {  	[smem:$0x3F93] =	sst s10  }
0x35: {  	s10 =	sld [smem:$0x3F92];
	_ =	sdelay $0x3  }
0x36: {  	p1 =	seq.s32 s10, $0x1;
	s10 =	sld [smem:$0x3F93];
	_ =	sdelay $0x3  }
0x37: {  	[smem:$0x3F93] =	sst s10  }
0x38: {  	s10 =	sld [smem:$0x3F94]  }
0x39: {  	_ = 	snop;
	(pc) =	sbr.ind lr, $3  }
0x3a: {  	_ = 	snop  }
0x3b: {  	_ = 	snop  }
0x3c: {  	p2 =	seq.s32 s10, $0x1;
	s10 =	sld [smem:$0x3F93]  }
0x3d: {  	_ =	shalt  }
0x3e: {  	_ =	shalt  }
0x3f: {  	_ =	shalt  }
0x40: {  	_ =	shalt  }
0x41: {  	_ =	shalt  }
0x42: {  	_ =	shalt  }
0x43: {  	_ =	shalt  }
0x44: {  	_ =	shalt  }
0x45: {  	_ =	shalt  }
0x46: {  	_ =	shalt  }
0x47: {  	_ =	shalt  }
0x48: {  	_ =	shalt  }
0x49: {  	_ =	shalt  }
0x4a: {  	_ =	shalt  }
0x4b: {  	_ =	shalt  }
0x4c: {  	_ =	shalt  }
0x4d: {  	_ =	shalt  }
0x4e: {  	_ =	shalt  }
0x4f: {  	_ =	shalt  }
0x50: {  	_ =	shalt  }
0x51: {  	_ =	shalt  }
0x52: {  	_ =	shalt  }
0x53: {  	_ =	shalt  }
0x54: {  	_ =	shalt  }
0x55: {  	_ =	shalt  }
0x56: {  	_ =	shalt  }
0x57: {  	_ =	shalt  }
0x58: {  	_ =	shalt  }
0x59: {  	_ =	shalt  }
0x5a: {  	_ =	shalt  }
0x5b: {  	_ =	shalt  }
0x5c: {  	_ =	shalt  }
0x5d: {  	_ =	shalt  }
0x5e: {  	_ =	shalt  }
0x5f: {  	_ =	shalt  }
0x60: {  	_ =	shalt  }
0x61: {  	_ =	shalt  }
0x62: {  	_ =	shalt  }
0x63: {  	_ =	shalt  }
0x64: {  	_ =	shalt  }
0x65: {  	_ =	shalt  }
0x66: {  	_ =	shalt  }
0x67: {  	_ =	shalt  }
0x68: {  	_ =	shalt  }
0x69: {  	_ =	shalt  }
0x6a: {  	_ =	shalt  }
0x6b: {  	_ =	shalt  }
0x6c: {  	_ =	shalt  }
0x6d: {  	_ =	shalt  }
0x6e: {  	_ =	shalt  }
0x6f: {  	_ =	shalt  }
0x70: {  	_ =	shalt  }
0x71: {  	_ =	shalt  }
0x72: {  	_ =	shalt  }
0x73: {  	_ =	shalt  }
0x74: {  	_ =	shalt  }
0x75: {  	_ =	shalt  }
0x76: {  	_ =	shalt  }
0x77: {  	_ =	shalt  }
0x78: {  	_ =	shalt  }
0x79: {  	_ =	shalt  }
0x7a: {  	_ =	shalt  }
0x7b: {  	_ =	shalt  }
0x7c: {  	_ =	shalt  }
0x7d: {  	_ =	shalt  }
0x7e: {  	_ =	shalt  }
0x7f: {  	_ =	shalt  }
0x80: {  	_ =	shalt  }
0x81: {  	_ =	shalt  }
0x82: {  	_ =	shalt  }
0x83: {  	_ =	shalt  }
0x84: {  	_ =	shalt  }
0x85: {  	_ =	shalt  }
0x86: {  	_ =	shalt  }
0x87: {  	_ =	shalt  }
.Lfunc_end0:
.L_simem_size_0:
called_computation.3_lowered:
.L_overlay_start_0:
0x88: {  	s2 =	sld [smem:$0x3FD9]  }
0x89: {  	s3 =	sld [smem:$0x3FFE];
	_ =	sdelay $0x1  }
0x8a: {  	s1 =	srdreg.scid  }
0x8b: {  	s0 =	sand.u32 $0x1, s1  }
0x8c: {  	s15 =	sshll.u32 s0, $0xA;
	s2 =	sadd.s32 s3, s2  }
0x8d: {  	s2 =	sadd.s32 s2, s15  }
0x8e: {  	[smem:$0x3F9F] =	sst s2  }
0x8f: {  	_ = 	snop  }
0x90: {  	s2 =	sld [smem:$0x3FD0];
	_ =	sdelay $0x2  }
0x91: {  	s16 =	simm.s32 $0xC;
	s4 =	simm.s32 $0x10  }
0x92: {  	[smem:s4], [sflag:s16] =	dma.local [hbm:s2], $0x1  }
0x93: {  	_ =	swait.eq [sflag:s16], $0x1  }
0x94: {  	[sflag:s16] =	ssyncset.done $0x0  }
0x95: {  	[sflag:s16] =	ssyncadd.s32 $0xFFFFFFFF  }
0x96: {  	s17 =	sld [smem:$0x10];
	(tm) =	ssettm $0x1  }
0x97: {  	s18 =	sld [smem:$0x3FFB];
	_ =	sdelay $0x3  }
0x98: {  	_ =	strace s18  }
0x99: {  	s2 =	sld [smem:$0x3FFC];
	_ =	sdelay $0x3  }
0x9a: {  	_ =	strace s2  }
0x9b: {  	s2 =	sld [smem:$0x3FFD];
	_ =	sdelay $0x3  }
0x9c: {  	_ =	strace s2  }
0x9d: {  	_ =	strace $0x8FFFFFFF  }
0x9e: {  	s19 =	sld [smem:$0x3FDB];
	_ =	sdelay $0x1  }
0x9f: {  	s20 =	simm.s32 $_scs_section_size  }
0xa0: {  	s5 =	simm.s32 $_size__tile_overlayer_lowered;
	s6 =	simm.s32 $_tile_overlayer_lowered  }
0xa1: {  	s7 =	simm.s32 $0x1BFF;
	s21 =	sshll.u32 s6, $0x1;
	s4 =	sadd.s32 s20, s19  }
0xa2: {  	s22 =	simm.s32 $0x0;
	s5 =	sshll.u32 s5, $0x1;
	s6 =	sadd.s32 s21, s4  }
0xa3: {  	[timem:s22], [sflag:s7] =	dma.local [hbm:s6], s5  }
0xa4: {  	_ =	swait.ge [sflag:s7], s5  }
0xa5: {  	s5 =	ssub.s32 $0x0, s5;
	[sflag:s7] =	ssyncset.done $0x0  }
0xa6: {  	[sflag:s7] =	ssyncadd.s32 s5;
	_ =	sdelay $0x1  }
0xa7: {  	s23 =	simm.s32 $0x1B8B  }
0xa8: {  	_ =	swait.ge [sflag:s23], $0x1  }
0xa9: {  	[sflag:s23] =	ssyncset.done $0x0  }
0xaa: {  	[sflag:s23] =	ssyncadd.s32 $0xFFFFFFFF  }
0xab: {  	s5 =	sld [smem:$0x0]  }
0xac: {  	s6 =	sand.u32 $0xFFFFFFFE, s1  }
0xad: {  	p0 =	sne.s32 s1, s6  }
0xae: {  	s6 =	sshll.u32 @p0 s6, $0xE  }
0xaf: {  	s6 =	sadd.s32 @p0 $0x11B8D, s6;
	s7 =	sshll.u32 @p0 s5, $0x11  }
0xb0: {  	s6 =	sor.u32 @p0 s7, s6  }
0xb1: {  	[sflag:s6] =	ssyncadd.remote.s32 @p0 $0x1;
	_ =	sdelay $0x1  }
0xb2: {  	s6 =	simm.s32 @p0 $0x1B8D  }
0xb3: {  	_ =	swait.eq @p0 [sflag:s6], $0x1  }
0xb4: {  	[sflag:s6] =	ssyncadd.s32 @p0 $0xFFFFFFFF  }
0xb5: {  	s7 =	sshll.u32 @!p0 s1, $0xE  }
0xb6: {  	s7 =	sor.u32 @!p0 $0x4000, s7;
	s6 =	simm.s32 @!p0 $0x1B8D  }
0xb7: {  	s5 =	sshll.u32 @!p0 s5, $0x11;
	s7 =	sadd.s32 @!p0 $0x11B8D, s7;
	_ =	swait.eq @!p0 [sflag:s6], $0x1  }
0xb8: {  	s5 =	sor.u32 @!p0 s5, s7;
	[sflag:s6] =	ssyncadd.s32 @!p0 $0xFFFFFFFF  }
0xb9: {  	s25 =	simm.s32 $0x1B8E;
	s24 =	sld [smem:$0x3FFE];
	[sflag:s5] =	ssyncadd.remote.s32 @!p0 $0x1  }
0xba: {  	s26 =	simm.s32 $execute0_lowered;
	[smem:$0x3FD2] =	sst s25  }
0xbb: {  	s6 =	sshll.u32 s26, $0x1;
	_ =	strace $0x80000052;
	[dreg:$0x1] =	wrdreg $0xFFFFFFFF  }
0xbc: {  	s28 =	simm.s32 $_size_execute0_lowered;
	s4 =	sadd.s32 s4, s6;
	[dreg:$0x0] =	wrdreg $0x0  }
0xbd: {  	s6 =	sshll.u32 s28, $0x1;
	[dreg:$0x2] =	wrdreg s4  }
0xbe: {  	[dreg:$0x3] =	wrdreg s6  }
0xbf: {  	[dreg:$0x4] =	wrdreg $0xC0  }
0xc0: {  	_ =	task [dreg:s22], $0x5FFFF  }
0xc1: {  	[dreg:$0x1] =	wrdreg $0xFFFFFFFF  }
0xc2: {  	[dreg:$0x0] =	wrdreg $0x60  }
0xc3: {  	[dreg:$0x2] =	wrdreg s24  }
0xc4: {  	[dreg:$0x3] =	wrdreg s17  }
0xc5: {  	[dreg:$0x4] =	wrdreg $0x68800  }
0xc6: {  	[dreg:$0x5] =	wrdreg $0x9  }
0xc7: {  	_ =	task.clear_ibuf [dreg:s22], $0x6FFFF;
	_ =	strace $0x90000052  }
0xc8: {  	s29 =	simm.s32 $0x9;
	_ =	strace $0x80000054  }
0xc9: {  	_ =	swait.ge [sflag:s29], $0x1  }
0xca: {  	[sflag:s29] =	ssyncadd.s32 $0xFFFFFFFF  }
0xcb: {  	_ =	strace $0x90000054  }
0xcc: {  	_ =	sfence  }
0xcd: {  	s30 =	sld [smem:$0x0];
	_ =	sdelay $0x2  }
0xce: {  	s31 =	sshll.u32 s1, $0xD;
	s1 =	sshrl.u32 s1, $0x2  }
0xcf: {  	s4 =	sand.u32 $0x4000, s31;
	s1 =	sadd.s32 s1, s30  }
0xd0: {  	s0 =	sor.u32 s4, s0;
	s1 =	sshll.u32 s1, $0x11  }
0xd1: {  	s0 =	sor.u32 s1, s0  }
0xd2: {  	s0 =	sadd.s32 $0x8F2B, s0  }
0xd3: {  	[sflag:s0] =	ssyncadd.remote.s32 $0x1  }
0xd4: {  	_ =	sfence.sel $0xFFFF  }
0xd5: {  	[dreg:$0x0] =	wrdreg $0xFFFFFFFF;
	(pc) =	sbr.abs _section_cstart, $3  }
0xd6: {  	[dreg:$0x1] =	wrdreg $0xFFFFFFFF  }
0xd7: {  	_ =	task.clear_ibuf [dreg:s22], $0x2FFFF;
	_ =	strace $0x9FFFFFFF  }
0xd8: {  	(tm) =	ssettm $0x7FFFFFFF  }
0xd9: {  	_ =	shalt  }
tec
execute0_lowered:
.L_overlay_start_1:
0x0: {  	(tag) =	ssettag $0x1  }
0x1: {  	s5 =	rddreg [dreg:$0x0]  }
0x2: {  	s16 =	rddreg [dreg:$0x1]  }
0x3: {  	s2 =	rddreg [dreg:$0x2];
	s3 =	srdreg.scid  }
0x4: {  	s0 =	rddreg [dreg:$0x3];
	s1 =	stileid.u32;
	s18 =	simm.s32 $0x2  }
0x5: {  	s19 =	simm.s32 $0x4000;
	s20 =	simm.s32 $0x50;
	s21 =	simm.s32 $0x1  }
0x6: {  	s23 =	simm.s32 $0x0;
	s6 =	sand.u32 $0x1, s3;
	s8 =	smul.u32 $0x2700, s1  }
0x7: {  	s4 =	sshll.u32 s1, $0xE;
	s3 =	simm.s32 $0x0;
	s10 =	smul.u32 $0x4E000, s1  }
0x8: {  	s17 =	sshll.u32 s1, $0xB;
	s22 =	sshll.u32 s1, $0x6;
	s7 =	sshll.u32 s6, $0x12  }
0x9: {  	s29 =	smul.u32 $0x27100, s6;
	[smem:$0x7FF] =	sst s3;
	s6 =	ssub.s32 $0x2, s6  }
0xa: {  	s16 =	sadd.s32 s17, s16;
	s17 =	simm.s32 $0x4080;
	s22 =	sor.u32 $0x1C02, s22  }
0xb: {  	s4 =	sor.u32 s4, s7;
	_ =	strace $0x80000053;
	s30 =	sshrl.u32 s10, $0x2  }
0xc: {  	s31 =	sshrl.u32 s6, $0x1;
	s9 =	sshrl.u32 s4, $0x3;
	s4 =	sadd.s32 $0x6E00, s5  }
0xd: {  	s7 =	sadd.s32 s8, s29;
	s15 =	ssub.s32 s6, s31;
	s13 =	sadd.s32 s9, s5  }
0xe: {  	s14 =	sadd.s32 s7, s5;
	s5 =	sadd.s32 s30, s2;
	s15 =	smax.u32 s15, $0x1  }
0xf: {  	s6 =	sadd.s32 $0x2800, s5;
	s7 =	sadd.s32 $0x5000, s5;
	s8 =	sadd.s32 $0x7800, s5  }
0x10: {  	s9 =	sadd.s32 $0xA000, s5;
	s10 =	sadd.s32 $0xC800, s5;
	s11 =	sadd.s32 $0xF000, s5  }
0x11: {  	v0 =	vimm.f32 $0.0e+00;
	s12 =	sadd.s32 $0x11800, s5;
	s13 =	sadd.s32 $0x55000, s13;
	s14 =	sadd.s32 $0xCB200, s14  }
.LBB2_1:
0x12: {  	s24 =	simm.s32 $0x0;
	s25 =	simm.s32 $0x200  }
.LBB2_2:
0x13: {  	p0 =	sne.s32 s25, $0x9E00;
	[tilespmem:s24+$0x40F0] =	vst v0  }
0x14: {  	[tilespmem:s24+$0x4080] =	vst v0  }
0x15: {  	[tilespmem:s24+$0x4090] =	vst v0  }
.Ltmp0:
0x16: {  	[tilespmem:s24+$0x40A0] =	vst v0;
	(pc) =	sbr.rel @p0 .LBB2_2-.Ltmp0, $4  }
0x17: {  	[tilespmem:s24+$0x40B0] =	vst v0  }
0x18: {  	[tilespmem:s24+$0x40C0] =	vst v0  }
0x19: {  	[tilespmem:s24+$0x40D0] =	vst v0  }
0x1a: {  	[tilespmem:s24+$0x40E0] =	vst v0;
	s24 =	sshra.s32 s25, $0x2;
	s25 =	sadd.s32 $0x200, s25  }
0x1b: {  	[tilespmem:s24+$0x40F0] =	vst v0  }
0x1c: {  	[tilespmem:s24+$0x4080] =	vst v0  }
0x1d: {  	[tilespmem:s24+$0x4090] =	vst v0  }
0x1e: {  	[tilespmem:s24+$0x40A0] =	vst v0  }
0x1f: {  	[tilespmem:s24+$0x40B0] =	vst v0  }
0x20: {  	[tilespmem:s24+$0x40C0] =	vst v0  }
0x21: {  	[tilespmem:s24+$0x40D0] =	vst v0  }
0x22: {  	[tilespmem:s24+$0x40E0] =	vst v0  }
0x23: {  	[spmem:s5] =	stream.linear.scatter [tilespmem:s17], [sflag:$0x2], $0x2800, $0x38;
	[tilespmem:$0x1A100] =	vst v63  }
0x24: {  	_ =	swait.ge [sflag:s18], $0x2800  }
0x25: {  	[sflag:s18] =	ssyncset.done $0x0  }
0x26: {  	[sflag:s18] =	ssyncadd.s32 $0xFFFFD800  }
0x27: {  	[spmem:s6] =	stream.linear.scatter [tilespmem:s17], [sflag:$0x2], $0x2800, $0x38;
	[tilespmem:$0x1A100] =	vst v63  }
0x28: {  	_ =	swait.ge [sflag:s18], $0x2800  }
0x29: {  	[sflag:s18] =	ssyncset.done $0x0  }
0x2a: {  	[sflag:s18] =	ssyncadd.s32 $0xFFFFD800  }
0x2b: {  	[spmem:s7] =	stream.linear.scatter [tilespmem:s17], [sflag:$0x2], $0x2800, $0x38;
	[tilespmem:$0x1A100] =	vst v63  }
0x2c: {  	_ =	swait.ge [sflag:s18], $0x2800  }
0x2d: {  	[sflag:s18] =	ssyncset.done $0x0  }
0x2e: {  	[sflag:s18] =	ssyncadd.s32 $0xFFFFD800  }
0x2f: {  	[spmem:s8] =	stream.linear.scatter [tilespmem:s17], [sflag:$0x2], $0x2800, $0x38;
	[tilespmem:$0x1A100] =	vst v63  }
0x30: {  	_ =	swait.ge [sflag:s18], $0x2800  }
0x31: {  	[sflag:s18] =	ssyncset.done $0x0  }
0x32: {  	[sflag:s18] =	ssyncadd.s32 $0xFFFFD800  }
0x33: {  	[spmem:s9] =	stream.linear.scatter [tilespmem:s17], [sflag:$0x2], $0x2800, $0x38;
	[tilespmem:$0x1A100] =	vst v63  }
0x34: {  	_ =	swait.ge [sflag:s18], $0x2800  }
0x35: {  	[sflag:s18] =	ssyncset.done $0x0  }
0x36: {  	[sflag:s18] =	ssyncadd.s32 $0xFFFFD800  }
0x37: {  	[spmem:s10] =	stream.linear.scatter [tilespmem:s17], [sflag:$0x2], $0x2800, $0x38;
	[tilespmem:$0x1A100] =	vst v63  }
0x38: {  	_ =	swait.ge [sflag:s18], $0x2800  }
0x39: {  	[sflag:s18] =	ssyncset.done $0x0  }
0x3a: {  	[sflag:s18] =	ssyncadd.s32 $0xFFFFD800  }
0x3b: {  	[spmem:s11] =	stream.linear.scatter [tilespmem:s17], [sflag:$0x2], $0x2800, $0x38;
	[tilespmem:$0x1A100] =	vst v63  }
0x3c: {  	_ =	swait.ge [sflag:s18], $0x2800  }
0x3d: {  	[sflag:s18] =	ssyncset.done $0x0  }
0x3e: {  	[sflag:s18] =	ssyncadd.s32 $0xFFFFD800  }
0x3f: {  	[spmem:s12] =	stream.linear.scatter [tilespmem:s17], [sflag:$0x2], $0x2800, $0x38;
	[tilespmem:$0x1A100] =	vst v63  }
0x40: {  	_ =	swait.ge [sflag:s18], $0x2800  }
0x41: {  	[sflag:s18] =	ssyncset.done $0x0  }
0x42: {  	s31 =	simm.s32 $0x0;
	[sflag:s18] =	ssyncadd.s32 $0xFFFFD800  }
0x43: {  	[tilespmem:s31], [sflag:$0x2] =	stream.linear.gather [hbm4b:s13+s31], $0x3E80, $0x38;
	[tilespmem:$0x1A100] =	vst v63  }
0x44: {  	_ =	swait.ge [sflag:s18], $0x3E80  }
0x45: {  	[sflag:s18] =	ssyncset.done $0x0  }
0x46: {  	[sflag:s18] =	ssyncadd.s32 $0xFFFFC180  }
0x47: {  	s25 =	sadd.s32 $0x0, s16;
	[bflag:$0x0] =	sbarrier.arrive $0xFFFF  }
0x48: {  	[tilespmem:s19], [sflag:$0x2] =	stream.linear.gather [hbm4b:s25+s3], $0x80, $0x38;
	[tilespmem:$0x1A100] =	vst v63  }
0x49: {  	_ =	swait.ge [sflag:s18], $0x80  }
0x4a: {  	[sflag:s18] =	ssyncset.done $0x0  }
0x4b: {  	[sflag:s18] =	ssyncadd.s32 $0xFFFFFF80  }
0x4c: {  	[tilespmem:s17], [sflag:$0x1] =	stream.indirect.gather [hbm4b:s4+s20], $0x80, s31, s20, $0xb8;
	[tilespmem:$0x1A100] =	vst v63  }
0x4d: {  	_ =	swait.ge [sflag:s21], $0x2800  }
0x4e: {  	[sflag:s21] =	ssyncset.done $0x0  }
0x4f: {  	[sflag:s21] =	ssyncadd.s32 $0xFFFFD800  }
0x50: {  	[spmem:s2] =	stream.indirect.scatter.add.f32 [tilespmem:s17], [sflag:$0x2], $0x80, s19, s20, $0xb8;
	[tilespmem:$0x1A100] =	vst v63  }
0x51: {  	s26 =	simm.s32 $0x20;
	_ =	swait.ge [sflag:s18], $0x2800  }
0x52: {  	s24 =	simm.s32 $0x80;
	s25 =	simm.s32 $0x10;
	[sflag:s18] =	ssyncset.done $0x0  }
.LBB2_4:
0x53: {  	s28 =	sadd.s32 s25, s16  }
0x54: {  	[sflag:s18] =	ssyncadd.s32 $0xFFFFD800;
	s25 =	smov.u32 s26;
	s29 =	sadd.s32 $0x10, s26  }
0x55: {  	[tilespmem:s19], [sflag:$0x2] =	stream.linear.gather [hbm4b:s28+s3], $0x80, $0x38;
	[tilespmem:$0x1A100] =	vst v63  }
0x56: {  	p0 =	sne.s32 s26, $0x7C0;
	_ =	swait.ge [sflag:s18], $0x80  }
0x57: {  	[sflag:s18] =	ssyncset.done $0x0  }
0x58: {  	[sflag:s18] =	ssyncadd.s32 $0xFFFFFF80  }
0x59: {  	[tilespmem:s17], [sflag:$0x1] =	stream.indirect.gather [hbm4b:s4+s20], $0x80, s24, s20, $0xb8;
	[tilespmem:$0x1A100] =	vst v63  }
0x5a: {  	_ =	swait.ge [sflag:s21], $0x2800  }
.Ltmp1:
0x5b: {  	[sflag:s21] =	ssyncset.done $0x0;
	(pc) =	sbr.rel @p0 .LBB2_4-.Ltmp1, $4  }
0x5c: {  	[sflag:s21] =	ssyncadd.s32 $0xFFFFD800  }
0x5d: {  	[spmem:s2] =	stream.indirect.scatter.add.f32 [tilespmem:s17], [sflag:$0x2], $0x80, s19, s20, $0xb8;
	[tilespmem:$0x1A100] =	vst v63  }
0x5e: {  	_ =	swait.ge [sflag:s18], $0x2800  }
0x5f: {  	s26 =	smov.u32 s29;
	s24 =	sadd.s32 $0x80, s24;
	[sflag:s18] =	ssyncset.done $0x0  }
0x60: {  	s25 =	sadd.s32 s25, s16;
	[sflag:s18] =	ssyncadd.s32 $0xFFFFD800  }
0x61: {  	[tilespmem:s19], [sflag:$0x2] =	stream.linear.gather [hbm4b:s25+s3], $0x80, $0x38;
	[tilespmem:$0x1A100] =	vst v63  }
0x62: {  	_ =	swait.ge [sflag:s18], $0x80  }
0x63: {  	[sflag:s18] =	ssyncset.done $0x0  }
0x64: {  	[sflag:s18] =	ssyncadd.s32 $0xFFFFFF80  }
0x65: {  	[tilespmem:s17], [sflag:$0x1] =	stream.indirect.gather [hbm4b:s4+s20], $0x80, s24, s20, $0xb8;
	[tilespmem:$0x1A100] =	vst v63  }
0x66: {  	_ =	swait.ge [sflag:s21], $0x2800  }
0x67: {  	[sflag:s21] =	ssyncset.done $0x0  }
0x68: {  	[sflag:s21] =	ssyncadd.s32 $0xFFFFD800  }
0x69: {  	[spmem:s2] =	stream.indirect.scatter.add.f32 [tilespmem:s17], [sflag:$0x2], $0x80, s19, s20, $0xb8;
	[tilespmem:$0x1A100] =	vst v63  }
0x6a: {  	_ =	swait.ge [sflag:s18], $0x2800  }
0x6b: {  	s23 =	sadd.s32 $0x1, s23;
	[sflag:s18] =	ssyncset.done $0x0  }
0x6c: {  	p0 =	sne.s32 s23, s15;
	[sflag:s18] =	ssyncadd.s32 $0xFFFFD800  }
.Ltmp2:
0x6d: {  	s31 =	sshrl.u32 s5, $0x3;
	[bflag:$0x0] =	sbarrier.arrive $0xFFFF;
	(pc) =	sbr.rel @p0 .LBB2_1-.Ltmp2, $4  }
0x6e: {  	[hbm:s14], [sflag:s22] =	dma.local [spmem:s31], $0x2800  }
0x6f: {  	_ =	swait.ge [sflag:s18], $0x2800  }
0x70: {  	[sflag:s18] =	ssyncset.done $0x0  }
0x71: {  	[sflag:s18] =	ssyncadd.s32 $0xFFFFD800  }
0x72: {  	_ =	sfence.sel $0x180000  }
0x73: {  	[bflag:$0x0] =	sbarrier.arrive $0xFFFF  }
0x74: {  	p0 =	sne.s32 s1, $0x0;
	_ =	strace $0x90000053  }
0x75: {  	s0 =	sadd.s32 @!p0 $0x100000, s0;
	[bflag:$0x2] =	sbarrier.arrive $0xFFFF  }
0x76: {  	[sflag:s0] =	ssyncadd.tile.s32 @!p0 $0x1;
	_ =	shalt  }
.Lfunc_end2:
_tile_overlayer_lowered:
.L_overlay_start_2:
0x77: {  	(tag) =	ssettag $0x2  }
0x78: {  	s0 =	rddreg [dreg:$0x0];
	s2 =	stileid.u32  }
0x79: {  	s1 =	rddreg [dreg:$0x1];
	p0 =	sne.s32 s2, $0x0  }
0x7a: {  	s3 =	rddreg [dreg:$0x2];
	[bflag:$0x3] =	sbarrier.arrive $0xFFFF;
	s2 =	simm.s32 @!p0 $0x1C02  }
0x7b: {  	[timem:s3], [sflag:s2] =	dma.local @!p0 [hbm:s0], s1  }
0x7c: {  	s0 =	simm.s32 @!p0 $0x2  }
0x7d: {  	_ =	swait.ge @!p0 [sflag:s0], s1  }
0x7e: {  	s1 =	ssub.s32 @!p0 $0x0, s1;
	[sflag:s0] =	ssyncset.done @!p0 $0x0  }
0x7f: {  	[sflag:s0] =	ssyncadd.s32 @!p0 s1  }
0x80: {  	[bflag:$0x3] =	sbarrier.arrive $0xFFFF  }
0x81: {  	_ =	shalt  }

// kernel: kernel.27.cloned.1.call-start
scs
__scs_entry_jumppad:
0x0: {  	(pc) =	sbr.rel $0x88, $3  }
0x1: {  	(tag) =	ssettag $0x0;
	lr =	simm.s32 $0x1  }
0x2: {  	[smem:$0x3F78] =	sst lr;
	_ =	strace $0xD0000000  }
0x3: {  	_ = 	snop  }
0x4: {  	_ = 	snop  }
0x5: {  	_ = 	snop  }
0x6: {  	_ = 	snop  }
0x7: {  	_ = 	snop  }
__scs_overlays_trampoline_lowered:
0x8: {  	[smem:$0x3F87] =	sst s0  }
0x9: {  	[smem:$0x3F88] =	sst s1  }
0xa: {  	[smem:$0x3F89] =	sst s2  }
0xb: {  	[smem:$0x3F8A] =	sst s3  }
0xc: {  	[smem:$0x3F8B] =	sst s4  }
0xd: {  	[smem:$0x3F8C] =	sst s5  }
0xe: {  	[smem:$0x3F8D] =	sst s6  }
0xf: {  	[smem:$0x3F8E] =	sst s7  }
0x10: {  	[smem:$0x3F8F] =	sst s8  }
0x11: {  	[smem:$0x3F90] =	sst s9;
	s0 =	simm.s32 @!p0 $0x0  }
0x12: {  	s1 =	sld [smem:$0x3F76];
	s0 =	simm.s32 @p0 $0x1  }
0x13: {  	[smem:$0x3F91] =	sst s0;
	s0 =	simm.s32 @!p1 $0x0  }
0x14: {  	s2 =	sld [smem:$0x3F75];
	s0 =	simm.s32 @p1 $0x1  }
0x15: {  	[smem:$0x3F92] =	sst s0;
	s0 =	simm.s32 @!p2 $0x0  }
0x16: {  	s3 =	sld [smem:$0x3FDB];
	s0 =	simm.s32 @p2 $0x1  }
0x17: {  	s4 =	simm.s32 $0x1BF5;
	[smem:$0x3F94] =	sst s0  }
0x18: {  	s0 =	sld [smem:$0x3F77];
	_ =	swait.ge [sflag:s4], $0x0  }
0x19: {  	s7 =	sld [smem:$0x3F78]  }
0x1a: {  	s8 =	sadd.s32 $0xFFFFE003, lr  }
0x1b: {  	s9 =	sadd.s32 $0xFFFFFEF7, lr;
	s5 =	simm.s32 $0xFFFFFFFF;
	p2 =	slt.u32 s8, $0xFFFFF086  }
0x1c: {  	p1 =	slt.u32 s9, $0xF7A;
	s5 =	simm.s32 @!p2 $0x0  }
0x1d: {  	s5 =	simm.s32 @p1 $0x1;
	p0 =	seq.s32 s7, s2  }
0x1e: {  	s7 =	smul.u32 @!p0 $0xF7A, s2;
	p2 =	seq.s32 @!p0 s5, $0x0  }
0x1f: {  	s9 =	smul.u32 $0xF7A, s1;
	s8 =	simm.s32 @!p0 $0x1BF5;
	p2 =	por !p2, p0  }
0x20: {  	[sflag:s8] =	ssyncset.s32 @!p0 $0xFFFFF086;
	s6 =	sadd.s32 @!p0 s3, s7;
	s7 =	simm.s32 @!p0 $0x108  }
0x21: {  	s3 =	sadd.s32 s3, s9;
	s6 =	sadd.s32 @!p0 $0x88, s6;
	s7 =	simm.s32 @p2 $0x1082  }
0x22: {  	[simem:s7], [sflag:s8] =	dma.local @!p0 [hbm:s6], $0xF7A  }
0x23: {  	s9 =	sor.u32 $0xD0000000, s2;
	s6 =	simm.s32 $0x108;
	_ =	swait.ge @!p0 [sflag:s8], $0x0  }
0x24: {  	s3 =	sadd.s32 $0x88, s3;
	s6 =	simm.s32 @!p1 $0x1082;
	[sflag:s4] =	ssyncset.s32 $0xFFFFF086  }
0x25: {  	[simem:s6], [sflag:s4] =	dma.local [hbm:s3], $0xF7A  }
0x26: {  	[smem:$0x3F78] =	sst s1;
	(tag) =	ssettag s2;
	_ =	strace s9  }
0x27: {  	s1 =	sld [smem:$0x3F88]  }
0x28: {  	s2 =	sld [smem:$0x3F89]  }
0x29: {  	s4 =	sld [smem:$0x3F8B]  }
0x2a: {  	p0 =	seq.s32 s5, $0x0;
	s5 =	sld [smem:$0x3F8C]  }
0x2b: {  	s6 =	sld [smem:$0x3F8D]  }
0x2c: {  	s7 =	sld [smem:$0x3F8E]  }
0x2d: {  	s3 =	simm.s32 $0x108;
	s8 =	sld [smem:$0x3F8F]  }
0x2e: {  	s3 =	simm.s32 @!p0 $0x1082;
	s9 =	sld [smem:$0x3F90]  }
0x2f: {  	lr =	sadd.s32 s0, s3;
	s0 =	sld [smem:$0x3F87]  }
0x30: {  	s3 =	sld [smem:$0x3F8A]  }
0x31: {  	[smem:$0x3F93] =	sst s10  }
0x32: {  	s10 =	sld [smem:$0x3F91];
	_ =	sdelay $0x3  }
0x33: {  	p0 =	seq.s32 s10, $0x1;
	s10 =	sld [smem:$0x3F93];
	_ =	sdelay $0x3  }
0x34: {  	[smem:$0x3F93] =	sst s10  }
0x35: {  	s10 =	sld [smem:$0x3F92];
	_ =	sdelay $0x3  }
0x36: {  	p1 =	seq.s32 s10, $0x1;
	s10 =	sld [smem:$0x3F93];
	_ =	sdelay $0x3  }
0x37: {  	[smem:$0x3F93] =	sst s10  }
0x38: {  	s10 =	sld [smem:$0x3F94]  }
0x39: {  	_ = 	snop;
	(pc) =	sbr.ind lr, $3  }
0x3a: {  	_ = 	snop  }
0x3b: {  	_ = 	snop  }
0x3c: {  	p2 =	seq.s32 s10, $0x1;
	s10 =	sld [smem:$0x3F93]  }
0x3d: {  	_ =	shalt  }
0x3e: {  	_ =	shalt  }
0x3f: {  	_ =	shalt  }
0x40: {  	_ =	shalt  }
0x41: {  	_ =	shalt  }
0x42: {  	_ =	shalt  }
0x43: {  	_ =	shalt  }
0x44: {  	_ =	shalt  }
0x45: {  	_ =	shalt  }
0x46: {  	_ =	shalt  }
0x47: {  	_ =	shalt  }
0x48: {  	_ =	shalt  }
0x49: {  	_ =	shalt  }
0x4a: {  	_ =	shalt  }
0x4b: {  	_ =	shalt  }
0x4c: {  	_ =	shalt  }
0x4d: {  	_ =	shalt  }
0x4e: {  	_ =	shalt  }
0x4f: {  	_ =	shalt  }
0x50: {  	_ =	shalt  }
0x51: {  	_ =	shalt  }
0x52: {  	_ =	shalt  }
0x53: {  	_ =	shalt  }
0x54: {  	_ =	shalt  }
0x55: {  	_ =	shalt  }
0x56: {  	_ =	shalt  }
0x57: {  	_ =	shalt  }
0x58: {  	_ =	shalt  }
0x59: {  	_ =	shalt  }
0x5a: {  	_ =	shalt  }
0x5b: {  	_ =	shalt  }
0x5c: {  	_ =	shalt  }
0x5d: {  	_ =	shalt  }
0x5e: {  	_ =	shalt  }
0x5f: {  	_ =	shalt  }
0x60: {  	_ =	shalt  }
0x61: {  	_ =	shalt  }
0x62: {  	_ =	shalt  }
0x63: {  	_ =	shalt  }
0x64: {  	_ =	shalt  }
0x65: {  	_ =	shalt  }
0x66: {  	_ =	shalt  }
0x67: {  	_ =	shalt  }
0x68: {  	_ =	shalt  }
0x69: {  	_ =	shalt  }
0x6a: {  	_ =	shalt  }
0x6b: {  	_ =	shalt  }
0x6c: {  	_ =	shalt  }
0x6d: {  	_ =	shalt  }
0x6e: {  	_ =	shalt  }
0x6f: {  	_ =	shalt  }
0x70: {  	_ =	shalt  }
0x71: {  	_ =	shalt  }
0x72: {  	_ =	shalt  }
0x73: {  	_ =	shalt  }
0x74: {  	_ =	shalt  }
0x75: {  	_ =	shalt  }
0x76: {  	_ =	shalt  }
0x77: {  	_ =	shalt  }
0x78: {  	_ =	shalt  }
0x79: {  	_ =	shalt  }
0x7a: {  	_ =	shalt  }
0x7b: {  	_ =	shalt  }
0x7c: {  	_ =	shalt  }
0x7d: {  	_ =	shalt  }
0x7e: {  	_ =	shalt  }
0x7f: {  	_ =	shalt  }
0x80: {  	_ =	shalt  }
0x81: {  	_ =	shalt  }
0x82: {  	_ =	shalt  }
0x83: {  	_ =	shalt  }
0x84: {  	_ =	shalt  }
0x85: {  	_ =	shalt  }
0x86: {  	_ =	shalt  }
0x87: {  	_ =	shalt  }
.Lfunc_end0:
.L_simem_size_0:
called_computation.4_lowered:
.L_overlay_start_0:
0x88: {  	s2 =	sld [smem:$0x3FD9]  }
0x89: {  	s3 =	sld [smem:$0x3FFE];
	_ =	sdelay $0x1  }
0x8a: {  	s1 =	srdreg.scid  }
0x8b: {  	s0 =	sand.u32 $0x1, s1  }
0x8c: {  	s16 =	sshll.u32 s0, $0xA;
	s2 =	sadd.s32 s3, s2  }
0x8d: {  	s2 =	sadd.s32 s2, s16  }
0x8e: {  	[smem:$0x3F9F] =	sst s2  }
0x8f: {  	_ = 	snop  }
0x90: {  	(tm) =	ssettm $0x1  }
0x91: {  	s17 =	sld [smem:$0x3FFB];
	_ =	sdelay $0x3  }
0x92: {  	_ =	strace s17  }
0x93: {  	s2 =	sld [smem:$0x3FFC];
	_ =	sdelay $0x3  }
0x94: {  	_ =	strace s2  }
0x95: {  	s2 =	sld [smem:$0x3FFD];
	_ =	sdelay $0x3  }
0x96: {  	_ =	strace s2  }
0x97: {  	_ =	strace $0x8FFFFFFF  }
0x98: {  	s18 =	sld [smem:$0x3FDB];
	_ =	sdelay $0x1  }
0x99: {  	s19 =	simm.s32 $_scs_section_size  }
0x9a: {  	s4 =	simm.s32 $_size__tile_overlayer_lowered;
	s5 =	simm.s32 $_tile_overlayer_lowered  }
0x9b: {  	s22 =	simm.s32 $0x1BFF;
	s21 =	sshll.u32 s5, $0x1;
	s2 =	sadd.s32 s19, s18  }
0x9c: {  	s6 =	simm.s32 $0x0;
	s20 =	sshll.u32 s4, $0x1;
	s4 =	sadd.s32 s21, s2  }
0x9d: {  	[timem:s6], [sflag:s22] =	dma.local [hbm:s4], s20  }
0x9e: {  	_ =	swait.ge [sflag:s22], s20  }
0x9f: {  	s3 =	ssub.s32 $0x0, s20;
	[sflag:s22] =	ssyncset.done $0x0  }
0xa0: {  	[sflag:s22] =	ssyncadd.s32 s3;
	_ =	sdelay $0x1  }
0xa1: {  	s23 =	simm.s32 $0x1B8B  }
0xa2: {  	_ =	swait.ge [sflag:s23], $0x1  }
0xa3: {  	[sflag:s23] =	ssyncset.done $0x0  }
0xa4: {  	s25 =	simm.s32 $0x1B8E;
	s24 =	sld [smem:$0x3FFE];
	[sflag:s23] =	ssyncadd.s32 $0xFFFFFFFF  }
0xa5: {  	s26 =	simm.s32 $execute0_lowered;
	[smem:$0x3FD2] =	sst s25  }
0xa6: {  	s4 =	sshll.u32 s26, $0x1;
	_ =	strace $0x8000004F;
	[dreg:$0x1] =	wrdreg $0xFFFFFFFF  }
0xa7: {  	s28 =	simm.s32 $_size_execute0_lowered;
	s2 =	sadd.s32 s2, s4;
	[dreg:$0x0] =	wrdreg $0x0  }
0xa8: {  	s4 =	sshll.u32 s28, $0x1;
	[dreg:$0x2] =	wrdreg s2  }
0xa9: {  	[dreg:$0x3] =	wrdreg s4  }
0xaa: {  	[dreg:$0x4] =	wrdreg $0xC0  }
0xab: {  	_ =	task [dreg:s6], $0x5FFFF  }
0xac: {  	[dreg:$0x1] =	wrdreg $0xFFFFFFFF  }
0xad: {  	[dreg:$0x0] =	wrdreg $0x60  }
0xae: {  	[dreg:$0x2] =	wrdreg s24  }
0xaf: {  	[dreg:$0x3] =	wrdreg $0x68800  }
0xb0: {  	[dreg:$0x4] =	wrdreg $0xA  }
0xb1: {  	_ =	task.clear_ibuf [dreg:s6], $0x5FFFF;
	_ =	strace $0x9000004F  }
0xb2: {  	s29 =	simm.s32 $0xA;
	_ =	strace $0x80000051  }
0xb3: {  	_ =	swait.ge [sflag:s29], $0x1  }
0xb4: {  	[sflag:s29] =	ssyncadd.s32 $0xFFFFFFFF  }
0xb5: {  	_ =	strace $0x90000051  }
0xb6: {  	_ =	sfence  }
0xb7: {  	s30 =	sld [smem:$0x0];
	_ =	sdelay $0x2  }
0xb8: {  	s31 =	sshll.u32 s1, $0xD;
	s1 =	sshrl.u32 s1, $0x2  }
0xb9: {  	s3 =	sand.u32 $0x4000, s31;
	s1 =	sadd.s32 s1, s30  }
0xba: {  	s0 =	sor.u32 s3, s0;
	s1 =	sshll.u32 s1, $0x11  }
0xbb: {  	s0 =	sor.u32 s1, s0  }
0xbc: {  	s0 =	sadd.s32 $0x8F2B, s0  }
0xbd: {  	[sflag:s0] =	ssyncadd.remote.s32 $0x1  }
0xbe: {  	_ =	sfence.sel $0xFFFF  }
0xbf: {  	[dreg:$0x0] =	wrdreg $0xFFFFFFFF;
	(pc) =	sbr.abs _section_cstart, $3  }
0xc0: {  	[dreg:$0x1] =	wrdreg $0xFFFFFFFF  }
0xc1: {  	_ =	task.clear_ibuf [dreg:s6], $0x2FFFF;
	_ =	strace $0x9FFFFFFF  }
0xc2: {  	(tm) =	ssettm $0x7FFFFFFF  }
0xc3: {  	_ =	shalt  }
tec
execute0_lowered:
.L_overlay_start_1:
0x0: {  	(tag) =	ssettag $0x1  }
0x1: {  	s6 =	rddreg [dreg:$0x0]  }
0x2: {  	s2 =	rddreg [dreg:$0x1]  }
0x3: {  	s0 =	rddreg [dreg:$0x2];
	s4 =	srdreg.scid  }
0x4: {  	s3 =	simm.s32 $0x0;
	s1 =	stileid.u32;
	s17 =	simm.s32 $0x4080  }
0x5: {  	s18 =	simm.s32 $0x2;
	s19 =	simm.s32 $0x4000;
	s20 =	simm.s32 $0x50  }
0x6: {  	s21 =	simm.s32 $0x1;
	s23 =	simm.s32 $0x0;
	s5 =	sand.u32 $0x1, s4  }
0x7: {  	[smem:$0x7FF] =	sst s3;
	s26 =	sshll.u32 s1, $0xE;
	s8 =	smul.u32 $0x2700, s1  }
0x8: {  	s4 =	sadd.s32 $0x6E00, s6;
	s9 =	smul.u32 $0x4E000, s1;
	s28 =	sshll.u32 s1, $0xB  }
0x9: {  	s22 =	sshll.u32 s1, $0x6;
	s7 =	sshll.u32 s5, $0x12;
	_ =	strace $0x80000050  }
0xa: {  	s10 =	smul.u32 $0x27100, s5;
	s16 =	sadd.s32 s28, s6;
	s29 =	ssub.s32 $0x2, s5  }
0xb: {  	s22 =	sor.u32 $0x1C02, s22;
	s7 =	sor.u32 s26, s7;
	s30 =	sshrl.u32 s9, $0x2  }
0xc: {  	s31 =	sshrl.u32 s29, $0x1;
	s16 =	sadd.s32 $0xB3200, s16;
	s7 =	sshrl.u32 s7, $0x3  }
0xd: {  	s8 =	sadd.s32 s8, s10;
	s5 =	sadd.s32 s30, s2;
	s15 =	ssub.s32 s29, s31  }
0xe: {  	s13 =	sadd.s32 s7, s6;
	s14 =	sadd.s32 s8, s6;
	s6 =	sadd.s32 $0x2800, s5  }
0xf: {  	s7 =	sadd.s32 $0x5000, s5;
	s8 =	sadd.s32 $0x7800, s5;
	s9 =	sadd.s32 $0xA000, s5  }
0x10: {  	s10 =	sadd.s32 $0xC800, s5;
	s11 =	sadd.s32 $0xF000, s5;
	s12 =	sadd.s32 $0x11800, s5  }
0x11: {  	v0 =	vimm.f32 $0.0e+00;
	s15 =	smax.u32 s15, $0x1;
	s13 =	sadd.s32 $0xBB200, s13;
	s14 =	sadd.s32 $0x65000, s14  }
.LBB2_1:
0x12: {  	s24 =	simm.s32 $0x0;
	s25 =	simm.s32 $0x200  }
.LBB2_2:
0x13: {  	p0 =	sne.s32 s25, $0x9E00;
	[tilespmem:s24+$0x40F0] =	vst v0  }
0x14: {  	[tilespmem:s24+$0x4080] =	vst v0  }
0x15: {  	[tilespmem:s24+$0x4090] =	vst v0  }
.Ltmp0:
0x16: {  	[tilespmem:s24+$0x40A0] =	vst v0;
	(pc) =	sbr.rel @p0 .LBB2_2-.Ltmp0, $4  }
0x17: {  	[tilespmem:s24+$0x40B0] =	vst v0  }
0x18: {  	[tilespmem:s24+$0x40C0] =	vst v0  }
0x19: {  	[tilespmem:s24+$0x40D0] =	vst v0  }
0x1a: {  	[tilespmem:s24+$0x40E0] =	vst v0;
	s24 =	sshra.s32 s25, $0x2;
	s25 =	sadd.s32 $0x200, s25  }
0x1b: {  	[tilespmem:s24+$0x40F0] =	vst v0  }
0x1c: {  	[tilespmem:s24+$0x4080] =	vst v0  }
0x1d: {  	[tilespmem:s24+$0x4090] =	vst v0  }
0x1e: {  	[tilespmem:s24+$0x40A0] =	vst v0  }
0x1f: {  	[tilespmem:s24+$0x40B0] =	vst v0  }
0x20: {  	[tilespmem:s24+$0x40C0] =	vst v0  }
0x21: {  	[tilespmem:s24+$0x40D0] =	vst v0  }
0x22: {  	[tilespmem:s24+$0x40E0] =	vst v0  }
0x23: {  	[spmem:s5] =	stream.linear.scatter [tilespmem:s17], [sflag:$0x2], $0x2800, $0x38;
	[tilespmem:$0x1A100] =	vst v63  }
0x24: {  	_ =	swait.ge [sflag:s18], $0x2800  }
0x25: {  	[sflag:s18] =	ssyncset.done $0x0  }
0x26: {  	[sflag:s18] =	ssyncadd.s32 $0xFFFFD800  }
0x27: {  	[spmem:s6] =	stream.linear.scatter [tilespmem:s17], [sflag:$0x2], $0x2800, $0x38;
	[tilespmem:$0x1A100] =	vst v63  }
0x28: {  	_ =	swait.ge [sflag:s18], $0x2800  }
0x29: {  	[sflag:s18] =	ssyncset.done $0x0  }
0x2a: {  	[sflag:s18] =	ssyncadd.s32 $0xFFFFD800  }
0x2b: {  	[spmem:s7] =	stream.linear.scatter [tilespmem:s17], [sflag:$0x2], $0x2800, $0x38;
	[tilespmem:$0x1A100] =	vst v63  }
0x2c: {  	_ =	swait.ge [sflag:s18], $0x2800  }
0x2d: {  	[sflag:s18] =	ssyncset.done $0x0  }
0x2e: {  	[sflag:s18] =	ssyncadd.s32 $0xFFFFD800  }
0x2f: {  	[spmem:s8] =	stream.linear.scatter [tilespmem:s17], [sflag:$0x2], $0x2800, $0x38;
	[tilespmem:$0x1A100] =	vst v63  }
0x30: {  	_ =	swait.ge [sflag:s18], $0x2800  }
0x31: {  	[sflag:s18] =	ssyncset.done $0x0  }
0x32: {  	[sflag:s18] =	ssyncadd.s32 $0xFFFFD800  }
0x33: {  	[spmem:s9] =	stream.linear.scatter [tilespmem:s17], [sflag:$0x2], $0x2800, $0x38;
	[tilespmem:$0x1A100] =	vst v63  }
0x34: {  	_ =	swait.ge [sflag:s18], $0x2800  }
0x35: {  	[sflag:s18] =	ssyncset.done $0x0  }
0x36: {  	[sflag:s18] =	ssyncadd.s32 $0xFFFFD800  }
0x37: {  	[spmem:s10] =	stream.linear.scatter [tilespmem:s17], [sflag:$0x2], $0x2800, $0x38;
	[tilespmem:$0x1A100] =	vst v63  }
0x38: {  	_ =	swait.ge [sflag:s18], $0x2800  }
0x39: {  	[sflag:s18] =	ssyncset.done $0x0  }
0x3a: {  	[sflag:s18] =	ssyncadd.s32 $0xFFFFD800  }
0x3b: {  	[spmem:s11] =	stream.linear.scatter [tilespmem:s17], [sflag:$0x2], $0x2800, $0x38;
	[tilespmem:$0x1A100] =	vst v63  }
0x3c: {  	_ =	swait.ge [sflag:s18], $0x2800  }
0x3d: {  	[sflag:s18] =	ssyncset.done $0x0  }
0x3e: {  	[sflag:s18] =	ssyncadd.s32 $0xFFFFD800  }
0x3f: {  	[spmem:s12] =	stream.linear.scatter [tilespmem:s17], [sflag:$0x2], $0x2800, $0x38;
	[tilespmem:$0x1A100] =	vst v63  }
0x40: {  	_ =	swait.ge [sflag:s18], $0x2800  }
0x41: {  	[sflag:s18] =	ssyncset.done $0x0  }
0x42: {  	s31 =	simm.s32 $0x0;
	[sflag:s18] =	ssyncadd.s32 $0xFFFFD800  }
0x43: {  	[tilespmem:s31], [sflag:$0x2] =	stream.linear.gather [hbm4b:s13+s31], $0x3E80, $0x38;
	[tilespmem:$0x1A100] =	vst v63  }
0x44: {  	_ =	swait.ge [sflag:s18], $0x3E80  }
0x45: {  	[sflag:s18] =	ssyncset.done $0x0  }
0x46: {  	[sflag:s18] =	ssyncadd.s32 $0xFFFFC180  }
0x47: {  	s25 =	sadd.s32 $0x0, s16;
	[bflag:$0x0] =	sbarrier.arrive $0xFFFF  }
0x48: {  	[tilespmem:s19], [sflag:$0x2] =	stream.linear.gather [hbm4b:s25+s3], $0x80, $0x38;
	[tilespmem:$0x1A100] =	vst v63  }
0x49: {  	_ =	swait.ge [sflag:s18], $0x80  }
0x4a: {  	[sflag:s18] =	ssyncset.done $0x0  }
0x4b: {  	[sflag:s18] =	ssyncadd.s32 $0xFFFFFF80  }
0x4c: {  	[tilespmem:s17], [sflag:$0x1] =	stream.indirect.gather [hbm4b:s4+s20], $0x80, s31, s20, $0xb8;
	[tilespmem:$0x1A100] =	vst v63  }
0x4d: {  	_ =	swait.ge [sflag:s21], $0x2800  }
0x4e: {  	[sflag:s21] =	ssyncset.done $0x0  }
0x4f: {  	[sflag:s21] =	ssyncadd.s32 $0xFFFFD800  }
0x50: {  	[spmem:s2] =	stream.indirect.scatter.add.f32 [tilespmem:s17], [sflag:$0x2], $0x80, s19, s20, $0xb8;
	[tilespmem:$0x1A100] =	vst v63  }
0x51: {  	s26 =	simm.s32 $0x20;
	_ =	swait.ge [sflag:s18], $0x2800  }
0x52: {  	s24 =	simm.s32 $0x80;
	s25 =	simm.s32 $0x10;
	[sflag:s18] =	ssyncset.done $0x0  }
.LBB2_4:
0x53: {  	s28 =	sadd.s32 s25, s16  }
0x54: {  	[sflag:s18] =	ssyncadd.s32 $0xFFFFD800;
	s25 =	smov.u32 s26;
	s29 =	sadd.s32 $0x10, s26  }
0x55: {  	[tilespmem:s19], [sflag:$0x2] =	stream.linear.gather [hbm4b:s28+s3], $0x80, $0x38;
	[tilespmem:$0x1A100] =	vst v63  }
0x56: {  	p0 =	sne.s32 s26, $0x7C0;
	_ =	swait.ge [sflag:s18], $0x80  }
0x57: {  	[sflag:s18] =	ssyncset.done $0x0  }
0x58: {  	[sflag:s18] =	ssyncadd.s32 $0xFFFFFF80  }
0x59: {  	[tilespmem:s17], [sflag:$0x1] =	stream.indirect.gather [hbm4b:s4+s20], $0x80, s24, s20, $0xb8;
	[tilespmem:$0x1A100] =	vst v63  }
0x5a: {  	_ =	swait.ge [sflag:s21], $0x2800  }
.Ltmp1:
0x5b: {  	[sflag:s21] =	ssyncset.done $0x0;
	(pc) =	sbr.rel @p0 .LBB2_4-.Ltmp1, $4  }
0x5c: {  	[sflag:s21] =	ssyncadd.s32 $0xFFFFD800  }
0x5d: {  	[spmem:s2] =	stream.indirect.scatter.add.f32 [tilespmem:s17], [sflag:$0x2], $0x80, s19, s20, $0xb8;
	[tilespmem:$0x1A100] =	vst v63  }
0x5e: {  	_ =	swait.ge [sflag:s18], $0x2800  }
0x5f: {  	s26 =	smov.u32 s29;
	s24 =	sadd.s32 $0x80, s24;
	[sflag:s18] =	ssyncset.done $0x0  }
0x60: {  	s25 =	sadd.s32 s25, s16;
	[sflag:s18] =	ssyncadd.s32 $0xFFFFD800  }
0x61: {  	[tilespmem:s19], [sflag:$0x2] =	stream.linear.gather [hbm4b:s25+s3], $0x80, $0x38;
	[tilespmem:$0x1A100] =	vst v63  }
0x62: {  	_ =	swait.ge [sflag:s18], $0x80  }
0x63: {  	[sflag:s18] =	ssyncset.done $0x0  }
0x64: {  	[sflag:s18] =	ssyncadd.s32 $0xFFFFFF80  }
0x65: {  	[tilespmem:s17], [sflag:$0x1] =	stream.indirect.gather [hbm4b:s4+s20], $0x80, s24, s20, $0xb8;
	[tilespmem:$0x1A100] =	vst v63  }
0x66: {  	_ =	swait.ge [sflag:s21], $0x2800  }
0x67: {  	[sflag:s21] =	ssyncset.done $0x0  }
0x68: {  	[sflag:s21] =	ssyncadd.s32 $0xFFFFD800  }
0x69: {  	[spmem:s2] =	stream.indirect.scatter.add.f32 [tilespmem:s17], [sflag:$0x2], $0x80, s19, s20, $0xb8;
	[tilespmem:$0x1A100] =	vst v63  }
0x6a: {  	_ =	swait.ge [sflag:s18], $0x2800  }
0x6b: {  	s23 =	sadd.s32 $0x1, s23;
	[sflag:s18] =	ssyncset.done $0x0  }
0x6c: {  	p0 =	sne.s32 s23, s15;
	[sflag:s18] =	ssyncadd.s32 $0xFFFFD800  }
.Ltmp2:
0x6d: {  	s31 =	sshrl.u32 s5, $0x3;
	[bflag:$0x0] =	sbarrier.arrive $0xFFFF;
	(pc) =	sbr.rel @p0 .LBB2_1-.Ltmp2, $4  }
0x6e: {  	[hbm:s14], [sflag:s22] =	dma.local [spmem:s31], $0x2800  }
0x6f: {  	_ =	swait.ge [sflag:s18], $0x2800  }
0x70: {  	[sflag:s18] =	ssyncset.done $0x0  }
0x71: {  	[sflag:s18] =	ssyncadd.s32 $0xFFFFD800  }
0x72: {  	_ =	sfence.sel $0x180000  }
0x73: {  	[bflag:$0x0] =	sbarrier.arrive $0xFFFF  }
0x74: {  	p0 =	sne.s32 s1, $0x0;
	_ =	strace $0x90000050  }
0x75: {  	s0 =	sadd.s32 @!p0 $0x100000, s0;
	[bflag:$0x2] =	sbarrier.arrive $0xFFFF  }
0x76: {  	[sflag:s0] =	ssyncadd.tile.s32 @!p0 $0x1;
	_ =	shalt  }
.Lfunc_end2:
_tile_overlayer_lowered:
.L_overlay_start_2:
0x77: {  	(tag) =	ssettag $0x2  }
0x78: {  	s0 =	rddreg [dreg:$0x0];
	s2 =	stileid.u32  }
0x79: {  	s1 =	rddreg [dreg:$0x1];
	p0 =	sne.s32 s2, $0x0  }
0x7a: {  	s3 =	rddreg [dreg:$0x2];
	[bflag:$0x3] =	sbarrier.arrive $0xFFFF;
	s2 =	simm.s32 @!p0 $0x1C02  }
0x7b: {  	[timem:s3], [sflag:s2] =	dma.local @!p0 [hbm:s0], s1  }
0x7c: {  	s0 =	simm.s32 @!p0 $0x2  }
0x7d: {  	_ =	swait.ge @!p0 [sflag:s0], s1  }
0x7e: {  	s1 =	ssub.s32 @!p0 $0x0, s1;
	[sflag:s0] =	ssyncset.done @!p0 $0x0  }
0x7f: {  	[sflag:s0] =	ssyncadd.s32 @!p0 s1  }
0x80: {  	[bflag:$0x3] =	sbarrier.arrive $0xFFFF  }
0x81: {  	_ =	shalt  }

</sc_bundles>
